<compile_context>
chip_gen: v7x
topology: tpu7x:2x2x1
jax: 0.10.2.dev20260603
libtpu: 0.0.44.dev20260713+nightly
codegen_flags: <defaults>
</compile_context>

<pallas_src>
import functools

import jax
import jax.numpy as jnp
from jax import lax
from jax.experimental import pallas as pl
from jax.experimental.pallas import tpu as pltpu
from jax.experimental.pallas import tpu_sc as plsc

D, H, W = 96, 512, 512
P = H * W
K = 1024
NC, NS, L = 2, 16, 16
NT = NC * NS
CPT = D // NT
SR = 8
CHUNK = SR * W
NCHUNK = H // SR
VPR = W // L
KROWS = K // L

_mesh = plsc.VectorSubcoreMesh(core_axis_name="c", subcore_axis_name="s")


@functools.partial(
    pl.kernel,
    out_type=jax.ShapeDtypeStruct((NT, L), jnp.float32),
    mesh=_mesh,
    compiler_params=pltpu.CompilerParams(needs_layout_passes=False,
                                         use_tc_tiling_on_sc=True),
    scratch_types=[
        pltpu.VMEM((2 * SR, W), jnp.int32),
        pltpu.VMEM((2 * CPT * SR, W), jnp.float32),
        pltpu.VMEM((CPT * K,), jnp.float32),
        pltpu.VMEM((K,), jnp.float32),
        pltpu.VMEM((NS, K), jnp.float32),
        pltpu.VMEM((L,), jnp.float32),
        pltpu.VMEM_SHARED((NS, K), jnp.float32),
        pltpu.SemaphoreType.DMA,
        pltpu.SemaphoreType.DMA,
    ],
)
def _penalty_kernel(emb, seg, out, seg2, x2, bucket, counts1d, cbuf,
                    res_v, shared_cnt, semA, semB):
    cid = lax.axis_index("c")
    sid = lax.axis_index("s")
    wid = cid * NS + sid

    zeros = jnp.zeros((L,), jnp.float32)
    ones = jnp.ones((L,), jnp.float32)

    for r in range(KROWS):
        counts1d[pl.ds(r * L, L)] = zeros
    for r in range(CPT * K // L):
        bucket[pl.ds(r * L, L)] = zeros

    d0 = wid * CPT
    sems = (semA, semB)

    def issue(b, j):
        sem = sems[b]
        pltpu.async_copy(seg.at[pl.ds(j * SR, SR), :],
                         seg2.at[pl.ds(b * SR, SR), :], sem)
        for dd in range(CPT):
            pltpu.async_copy(emb.at[d0 + dd, pl.ds(j * SR, SR), :],
                             x2.at[pl.ds((b * CPT + dd) * SR, SR), :], sem)

    def drain(b, j):
        sem = sems[b]
        pltpu.make_async_copy(seg.at[pl.ds(j * SR, SR), :],
                              seg2.at[pl.ds(b * SR, SR), :], sem).wait()
        for dd in range(CPT):
            pltpu.make_async_copy(emb.at[d0 + dd, pl.ds(j * SR, SR), :],
                                  x2.at[pl.ds((b * CPT + dd) * SR, SR), :],
                                  sem).wait()

    UNR = 1

    def process(b, j, sq):
        @pl.when(lax.rem(j, NS) == sid)
        def _():
            @plsc.parallel_loop(0, VPR, unroll=4)
            def _(i):
                for r in range(SR):
                    idx = seg2[b * SR + r, pl.ds(i * L, L)]
                    plsc.addupdate_scatter(counts1d, [idx], ones)

        @plsc.parallel_loop(0, VPR, unroll=UNR, carry=tuple(sq))
        def accs(i, accs):
            accs = list(accs)
            for r in range(SR):
                idx = seg2[b * SR + r, pl.ds(i * L, L)]
                for dd in range(CPT):
                    x = x2[(b * CPT + dd) * SR + r, pl.ds(i * L, L)]
                    plsc.addupdate_scatter(
                        bucket.at[pl.ds(dd * K, K)], [idx], x)
                    accs[dd] = accs[dd] + x * x
            return tuple(accs)

        return accs

    issue(0, jnp.int32(0))
    issue(1, jnp.int32(1))

    def pair(t, sq):
        for b in range(2):
            j = 2 * t + b
            drain(b, j)
            sq = process(b, j, sq)

            @pl.when(j + 2 < NCHUNK)
            def _():
                issue(b, j + 2)
        return sq

    accs = lax.fori_loop(0, NCHUNK // 2, pair,
                         tuple(zeros for _ in range(CPT)))
    sq = accs[0]
    for a in accs[1:]:
        sq = sq + a

    pltpu.sync_copy(counts1d, shared_cnt.at[sid])
    plsc.subcore_barrier()
    pltpu.sync_copy(shared_cnt, cbuf)

    def sum_row(r, _):
        acc = zeros
        for s in range(NS):
            acc = acc + cbuf[s, pl.ds(r * L, L)]
        counts1d[pl.ds(r * L, L)] = acc
        return 0

    lax.fori_loop(0, KROWS, sum_row, 0)

    def term_row(r, acc):
        c = counts1d[pl.ds(r * L, L)]
        inv = 1.0 / jnp.maximum(c, 1.0)
        for dd in range(CPT):
            s = bucket[pl.ds(dd * K + r * L, L)]
            acc = acc + s * s * inv
        return acc

    acc = lax.fori_loop(0, KROWS, term_row, zeros)

    res_v[...] = sq - acc
    pltpu.sync_copy(res_v, out.at[wid])


def kernel(embedding, superpixel):
    parts = _penalty_kernel(embedding, superpixel.astype(jnp.int32))
    return jnp.sum(parts)

# --- scband reference (transcript-rebuilt; emitter-appended) ---
"""Pipeline reference for scband-smoothness-penalty-85469849190579 (READ-ONLY COPY).

The authoritative reference and input builder live on the scoring server;
editing this copy changes nothing except your own understanding.
"""

import jax, jax.numpy as jnp
import numpy as np

D, H, W = 96, 512, 512
K = 1024  # number of superpixel segments


def setup_inputs(seed: int = 0) -> dict:
    key = jax.random.key(seed)
    k1, k2 = jax.random.split(key)
    embedding = jax.random.normal(k1, (D, H, W), dtype=jnp.float32)
    superpixel = jax.random.randint(k2, (H, W), 0, K)
    return {"embedding": embedding, "superpixel": superpixel}


def reference(embedding, superpixel):
    # Original torch code loops over unique superpixel ids i, gathers
    # scores = embedding[:, superpixel == i]  (D x N_i), subtracts the
    # per-channel mean over the segment's pixels, squares, and sums.
    # Vectorized with segment reductions: identical math.
    seg = superpixel.reshape(-1)                       # [P]
    flat = embedding.reshape(embedding.shape[0], -1).T  # [P, D]
    ones = jnp.ones((seg.shape[0],), dtype=flat.dtype)
    counts = jax.ops.segment_sum(ones, seg, num_segments=K)       # [K]
    sums = jax.ops.segment_sum(flat, seg, num_segments=K)         # [K, D]
    means = sums / jnp.maximum(counts, 1.0)[:, None]               # [K, D]
    diff = flat - means[seg]                                       # gather means back per pixel
    # SmoothSquare.forward is plain square; sum over all segments/channels/pixels
    return jnp.sum(diff ** 2)

if __name__ == "__main__":
    import jax
    _d = setup_inputs()
    print(jax.jit(kernel)(*tuple(_d.values())))

</pallas_src>

<mosaic_0001>
#map = affine_map<(d0, d1) -> (0, 0, 0)>
#map1 = affine_map<(d0, d1) -> (0, 0)>
module attributes {stable_mosaic.version = 14 : i64} {
  func.func @_penalty_kernel(%arg0: i32, %arg1: i32, %arg2: memref<96x512x512xf32, #tpu.memory_space<hbm>>, %arg3: memref<512x512xi32, #tpu.memory_space<hbm>>, %arg4: memref<32x16xf32, #tpu.memory_space<hbm>>, %arg5: memref<16x512xi32, #tpu.memory_space<vmem>>, %arg6: memref<48x512xf32, #tpu.memory_space<vmem>>, %arg7: memref<3072xf32, #tpu.memory_space<vmem>>, %arg8: memref<1024xf32, #tpu.memory_space<vmem>>, %arg9: memref<16x1024xf32, #tpu.memory_space<vmem>>, %arg10: memref<16xf32, #tpu.memory_space<vmem>>, %arg11: memref<16x1024xf32, #tpu.memory_space<vmem_shared>>, %arg12: memref<!tpu.dma_semaphore, #tpu.memory_space<semaphore_mem>>, %arg13: memref<!tpu.dma_semaphore, #tpu.memory_space<semaphore_mem>>) attributes {dimension_semantics = [#tpu.dimension_semantics<core_parallel>, #tpu.dimension_semantics<subcore_parallel>], iteration_bounds = array<i64: 2, 16>, scalar_prefetch = 0 : i64, scratch_operands = 9 : i64, tpu.core_type = #tpu.core_type<sc_vector_subcore>, window_params = [{transform_indices = #map}, {transform_indices = #map1}, {transform_indices = #map1}]} {
    %mul3A = arith.constant 16 : i32
    %mul3A_0 = arith.muli %arg0, %mul3A : i32
    %add3A = arith.addi %mul3A_0, %arg1 : i32
    %broadcast_in_dim3A = arith.constant 0.000000e+00 : f32
    %broadcast_in_dim3A_1 = vector.broadcast %broadcast_in_dim3A : f32 to vector<16xf32>
    %broadcast_in_dim3A_2 = arith.constant 1.000000e+00 : f32
    %broadcast_in_dim3A_3 = vector.broadcast %broadcast_in_dim3A_2 : f32 to vector<16xf32>
    %swap3A = arith.constant 0 : index
    %swap3A_4 = tpu.vector_load %arg8[%swap3A] {strides = array<i32>} : memref<1024xf32, #tpu.memory_space<vmem>>, vector<16xf32>,
    tpu.vector_store %arg8[%swap3A], %broadcast_in_dim3A_1 {strides = array<i32>} : memref<1024xf32, #tpu.memory_space<vmem>>, vector<16xf32>,
    %swap3A_5 = arith.constant 16 : index
    %swap3A_6 = tpu.vector_load %arg8[%swap3A_5] {strides = array<i32>} : memref<1024xf32, #tpu.memory_space<vmem>>, vector<16xf32>,
    tpu.vector_store %arg8[%swap3A_5], %broadcast_in_dim3A_1 {strides = array<i32>} : memref<1024xf32, #tpu.memory_space<vmem>>, vector<16xf32>,
    %swap3A_7 = arith.constant 32 : index
    %swap3A_8 = tpu.vector_load %arg8[%swap3A_7] {strides = array<i32>} : memref<1024xf32, #tpu.memory_space<vmem>>, vector<16xf32>,
    tpu.vector_store %arg8[%swap3A_7], %broadcast_in_dim3A_1 {strides = array<i32>} : memref<1024xf32, #tpu.memory_space<vmem>>, vector<16xf32>,
    %swap3A_9 = arith.constant 48 : index
    %swap3A_10 = tpu.vector_load %arg8[%swap3A_9] {strides = array<i32>} : memref<1024xf32, #tpu.memory_space<vmem>>, vector<16xf32>,
    tpu.vector_store %arg8[%swap3A_9], %broadcast_in_dim3A_1 {strides = array<i32>} : memref<1024xf32, #tpu.memory_space<vmem>>, vector<16xf32>,
    %swap3A_11 = arith.constant 64 : index
    %swap3A_12 = tpu.vector_load %arg8[%swap3A_11] {strides = array<i32>} : memref<1024xf32, #tpu.memory_space<vmem>>, vector<16xf32>,
    tpu.vector_store %arg8[%swap3A_11], %broadcast_in_dim3A_1 {strides = array<i32>} : memref<1024xf32, #tpu.memory_space<vmem>>, vector<16xf32>,
    %swap3A_13 = arith.constant 80 : index
    %swap3A_14 = tpu.vector_load %arg8[%swap3A_13] {strides = array<i32>} : memref<1024xf32, #tpu.memory_space<vmem>>, vector<16xf32>,
    tpu.vector_store %arg8[%swap3A_13], %broadcast_in_dim3A_1 {strides = array<i32>} : memref<1024xf32, #tpu.memory_space<vmem>>, vector<16xf32>,
    %swap3A_15 = arith.constant 96 : index
    %swap3A_16 = tpu.vector_load %arg8[%swap3A_15] {strides = array<i32>} : memref<1024xf32, #tpu.memory_space<vmem>>, vector<16xf32>,
    tpu.vector_store %arg8[%swap3A_15], %broadcast_in_dim3A_1 {strides = array<i32>} : memref<1024xf32, #tpu.memory_space<vmem>>, vector<16xf32>,
    %swap3A_17 = arith.constant 112 : index
    %swap3A_18 = tpu.vector_load %arg8[%swap3A_17] {strides = array<i32>} : memref<1024xf32, #tpu.memory_space<vmem>>, vector<16xf32>,
    tpu.vector_store %arg8[%swap3A_17], %broadcast_in_dim3A_1 {strides = array<i32>} : memref<1024xf32, #tpu.memory_space<vmem>>, vector<16xf32>,
    %swap3A_19 = arith.constant 128 : index
    %swap3A_20 = tpu.vector_load %arg8[%swap3A_19] {strides = array<i32>} : memref<1024xf32, #tpu.memory_space<vmem>>, vector<16xf32>,
    tpu.vector_store %arg8[%swap3A_19], %broadcast_in_dim3A_1 {strides = array<i32>} : memref<1024xf32, #tpu.memory_space<vmem>>, vector<16xf32>,
    %swap3A_21 = arith.constant 144 : index
    %swap3A_22 = tpu.vector_load %arg8[%swap3A_21] {strides = array<i32>} : memref<1024xf32, #tpu.memory_space<vmem>>, vector<16xf32>,
    tpu.vector_store %arg8[%swap3A_21], %broadcast_in_dim3A_1 {strides = array<i32>} : memref<1024xf32, #tpu.memory_space<vmem>>, vector<16xf32>,
    %swap3A_23 = arith.constant 160 : index
    %swap3A_24 = tpu.vector_load %arg8[%swap3A_23] {strides = array<i32>} : memref<1024xf32, #tpu.memory_space<vmem>>, vector<16xf32>,
    tpu.vector_store %arg8[%swap3A_23], %broadcast_in_dim3A_1 {strides = array<i32>} : memref<1024xf32, #tpu.memory_space<vmem>>, vector<16xf32>,
    %swap3A_25 = arith.constant 176 : index
    %swap3A_26 = tpu.vector_load %arg8[%swap3A_25] {strides = array<i32>} : memref<1024xf32, #tpu.memory_space<vmem>>, vector<16xf32>,
    tpu.vector_store %arg8[%swap3A_25], %broadcast_in_dim3A_1 {strides = array<i32>} : memref<1024xf32, #tpu.memory_space<vmem>>, vector<16xf32>,
    %swap3A_27 = arith.constant 192 : index
    %swap3A_28 = tpu.vector_load %arg8[%swap3A_27] {strides = array<i32>} : memref<1024xf32, #tpu.memory_space<vmem>>, vector<16xf32>,
    tpu.vector_store %arg8[%swap3A_27], %broadcast_in_dim3A_1 {strides = array<i32>} : memref<1024xf32, #tpu.memory_space<vmem>>, vector<16xf32>,
    %swap3A_29 = arith.constant 208 : index
    %swap3A_30 = tpu.vector_load %arg8[%swap3A_29] {strides = array<i32>} : memref<1024xf32, #tpu.memory_space<vmem>>, vector<16xf32>,
    tpu.vector_store %arg8[%swap3A_29], %broadcast_in_dim3A_1 {strides = array<i32>} : memref<1024xf32, #tpu.memory_space<vmem>>, vector<16xf32>,
    %swap3A_31 = arith.constant 224 : index
    %swap3A_32 = tpu.vector_load %arg8[%swap3A_31] {strides = array<i32>} : memref<1024xf32, #tpu.memory_space<vmem>>, vector<16xf32>,
    tpu.vector_store %arg8[%swap3A_31], %broadcast_in_dim3A_1 {strides = array<i32>} : memref<1024xf32, #tpu.memory_space<vmem>>, vector<16xf32>,
    %swap3A_33 = arith.constant 240 : index
    %swap3A_34 = tpu.vector_load %arg8[%swap3A_33] {strides = array<i32>} : memref<1024xf32, #tpu.memory_space<vmem>>, vector<16xf32>,
    tpu.vector_store %arg8[%swap3A_33], %broadcast_in_dim3A_1 {strides = array<i32>} : memref<1024xf32, #tpu.memory_space<vmem>>, vector<16xf32>,
    %swap3A_35 = arith.constant 256 : index
    %swap3A_36 = tpu.vector_load %arg8[%swap3A_35] {strides = array<i32>} : memref<1024xf32, #tpu.memory_space<vmem>>, vector<16xf32>,
    tpu.vector_store %arg8[%swap3A_35], %broadcast_in_dim3A_1 {strides = array<i32>} : memref<1024xf32, #tpu.memory_space<vmem>>, vector<16xf32>,
    %swap3A_37 = arith.constant 272 : index
    %swap3A_38 = tpu.vector_load %arg8[%swap3A_37] {strides = array<i32>} : memref<1024xf32, #tpu.memory_space<vmem>>, vector<16xf32>,
    tpu.vector_store %arg8[%swap3A_37], %broadcast_in_dim3A_1 {strides = array<i32>} : memref<1024xf32, #tpu.memory_space<vmem>>, vector<16xf32>,
    %swap3A_39 = arith.constant 288 : index
    %swap3A_40 = tpu.vector_load %arg8[%swap3A_39] {strides = array<i32>} : memref<1024xf32, #tpu.memory_space<vmem>>, vector<16xf32>,
    tpu.vector_store %arg8[%swap3A_39], %broadcast_in_dim3A_1 {strides = array<i32>} : memref<1024xf32, #tpu.memory_space<vmem>>, vector<16xf32>,
    %swap3A_41 = arith.constant 304 : index
    %swap3A_42 = tpu.vector_load %arg8[%swap3A_41] {strides = array<i32>} : memref<1024xf32, #tpu.memory_space<vmem>>, vector<16xf32>,
    tpu.vector_store %arg8[%swap3A_41], %broadcast_in_dim3A_1 {strides = array<i32>} : memref<1024xf32, #tpu.memory_space<vmem>>, vector<16xf32>,
    %swap3A_43 = arith.constant 320 : index
    %swap3A_44 = tpu.vector_load %arg8[%swap3A_43] {strides = array<i32>} : memref<1024xf32, #tpu.memory_space<vmem>>, vector<16xf32>,
    tpu.vector_store %arg8[%swap3A_43], %broadcast_in_dim3A_1 {strides = array<i32>} : memref<1024xf32, #tpu.memory_space<vmem>>, vector<16xf32>,
    %swap3A_45 = arith.constant 336 : index
    %swap3A_46 = tpu.vector_load %arg8[%swap3A_45] {strides = array<i32>} : memref<1024xf32, #tpu.memory_space<vmem>>, vector<16xf32>,
    tpu.vector_store %arg8[%swap3A_45], %broadcast_in_dim3A_1 {strides = array<i32>} : memref<1024xf32, #tpu.memory_space<vmem>>, vector<16xf32>,
    %swap3A_47 = arith.constant 352 : index
    %swap3A_48 = tpu.vector_load %arg8[%swap3A_47] {strides = array<i32>} : memref<1024xf32, #tpu.memory_space<vmem>>, vector<16xf32>,
    tpu.vector_store %arg8[%swap3A_47], %broadcast_in_dim3A_1 {strides = array<i32>} : memref<1024xf32, #tpu.memory_space<vmem>>, vector<16xf32>,
    %swap3A_49 = arith.constant 368 : index
    %swap3A_50 = tpu.vector_load %arg8[%swap3A_49] {strides = array<i32>} : memref<1024xf32, #tpu.memory_space<vmem>>, vector<16xf32>,
    tpu.vector_store %arg8[%swap3A_49], %broadcast_in_dim3A_1 {strides = array<i32>} : memref<1024xf32, #tpu.memory_space<vmem>>, vector<16xf32>,
    %swap3A_51 = arith.constant 384 : index
    %swap3A_52 = tpu.vector_load %arg8[%swap3A_51] {strides = array<i32>} : memref<1024xf32, #tpu.memory_space<vmem>>, vector<16xf32>,
    tpu.vector_store %arg8[%swap3A_51], %broadcast_in_dim3A_1 {strides = array<i32>} : memref<1024xf32, #tpu.memory_space<vmem>>, vector<16xf32>,
    %swap3A_53 = arith.constant 400 : index
    %swap3A_54 = tpu.vector_load %arg8[%swap3A_53] {strides = array<i32>} : memref<1024xf32, #tpu.memory_space<vmem>>, vector<16xf32>,
    tpu.vector_store %arg8[%swap3A_53], %broadcast_in_dim3A_1 {strides = array<i32>} : memref<1024xf32, #tpu.memory_space<vmem>>, vector<16xf32>,
    %swap3A_55 = arith.constant 416 : index
    %swap3A_56 = tpu.vector_load %arg8[%swap3A_55] {strides = array<i32>} : memref<1024xf32, #tpu.memory_space<vmem>>, vector<16xf32>,
    tpu.vector_store %arg8[%swap3A_55], %broadcast_in_dim3A_1 {strides = array<i32>} : memref<1024xf32, #tpu.memory_space<vmem>>, vector<16xf32>,
    %swap3A_57 = arith.constant 432 : index
    %swap3A_58 = tpu.vector_load %arg8[%swap3A_57] {strides = array<i32>} : memref<1024xf32, #tpu.memory_space<vmem>>, vector<16xf32>,
    tpu.vector_store %arg8[%swap3A_57], %broadcast_in_dim3A_1 {strides = array<i32>} : memref<1024xf32, #tpu.memory_space<vmem>>, vector<16xf32>,
    %swap3A_59 = arith.constant 448 : index
    %swap3A_60 = tpu.vector_load %arg8[%swap3A_59] {strides = array<i32>} : memref<1024xf32, #tpu.memory_space<vmem>>, vector<16xf32>,
    tpu.vector_store %arg8[%swap3A_59], %broadcast_in_dim3A_1 {strides = array<i32>} : memref<1024xf32, #tpu.memory_space<vmem>>, vector<16xf32>,
    %swap3A_61 = arith.constant 464 : index
    %swap3A_62 = tpu.vector_load %arg8[%swap3A_61] {strides = array<i32>} : memref<1024xf32, #tpu.memory_space<vmem>>, vector<16xf32>,
    tpu.vector_store %arg8[%swap3A_61], %broadcast_in_dim3A_1 {strides = array<i32>} : memref<1024xf32, #tpu.memory_space<vmem>>, vector<16xf32>,
    %swap3A_63 = arith.constant 480 : index
    %swap3A_64 = tpu.vector_load %arg8[%swap3A_63] {strides = array<i32>} : memref<1024xf32, #tpu.memory_space<vmem>>, vector<16xf32>,
    tpu.vector_store %arg8[%swap3A_63], %broadcast_in_dim3A_1 {strides = array<i32>} : memref<1024xf32, #tpu.memory_space<vmem>>, vector<16xf32>,
    %swap3A_65 = arith.constant 496 : index
    %swap3A_66 = tpu.vector_load %arg8[%swap3A_65] {strides = array<i32>} : memref<1024xf32, #tpu.memory_space<vmem>>, vector<16xf32>,
    tpu.vector_store %arg8[%swap3A_65], %broadcast_in_dim3A_1 {strides = array<i32>} : memref<1024xf32, #tpu.memory_space<vmem>>, vector<16xf32>,
    %swap3A_67 = arith.constant 512 : index
    %swap3A_68 = tpu.vector_load %arg8[%swap3A_67] {strides = array<i32>} : memref<1024xf32, #tpu.memory_space<vmem>>, vector<16xf32>,
    tpu.vector_store %arg8[%swap3A_67], %broadcast_in_dim3A_1 {strides = array<i32>} : memref<1024xf32, #tpu.memory_space<vmem>>, vector<16xf32>,
    %swap3A_69 = arith.constant 528 : index
    %swap3A_70 = tpu.vector_load %arg8[%swap3A_69] {strides = array<i32>} : memref<1024xf32, #tpu.memory_space<vmem>>, vector<16xf32>,
    tpu.vector_store %arg8[%swap3A_69], %broadcast_in_dim3A_1 {strides = array<i32>} : memref<1024xf32, #tpu.memory_space<vmem>>, vector<16xf32>,
    %swap3A_71 = arith.constant 544 : index
    %swap3A_72 = tpu.vector_load %arg8[%swap3A_71] {strides = array<i32>} : memref<1024xf32, #tpu.memory_space<vmem>>, vector<16xf32>,
    tpu.vector_store %arg8[%swap3A_71], %broadcast_in_dim3A_1 {strides = array<i32>} : memref<1024xf32, #tpu.memory_space<vmem>>, vector<16xf32>,
    %swap3A_73 = arith.constant 560 : index
    %swap3A_74 = tpu.vector_load %arg8[%swap3A_73] {strides = array<i32>} : memref<1024xf32, #tpu.memory_space<vmem>>, vector<16xf32>,
    tpu.vector_store %arg8[%swap3A_73], %broadcast_in_dim3A_1 {strides = array<i32>} : memref<1024xf32, #tpu.memory_space<vmem>>, vector<16xf32>,
    %swap3A_75 = arith.constant 576 : index
    %swap3A_76 = tpu.vector_load %arg8[%swap3A_75] {strides = array<i32>} : memref<1024xf32, #tpu.memory_space<vmem>>, vector<16xf32>,
    tpu.vector_store %arg8[%swap3A_75], %broadcast_in_dim3A_1 {strides = array<i32>} : memref<1024xf32, #tpu.memory_space<vmem>>, vector<16xf32>,
    %swap3A_77 = arith.constant 592 : index
    %swap3A_78 = tpu.vector_load %arg8[%swap3A_77] {strides = array<i32>} : memref<1024xf32, #tpu.memory_space<vmem>>, vector<16xf32>,
    tpu.vector_store %arg8[%swap3A_77], %broadcast_in_dim3A_1 {strides = array<i32>} : memref<1024xf32, #tpu.memory_space<vmem>>, vector<16xf32>,
    %swap3A_79 = arith.constant 608 : index
    %swap3A_80 = tpu.vector_load %arg8[%swap3A_79] {strides = array<i32>} : memref<1024xf32, #tpu.memory_space<vmem>>, vector<16xf32>,
    tpu.vector_store %arg8[%swap3A_79], %broadcast_in_dim3A_1 {strides = array<i32>} : memref<1024xf32, #tpu.memory_space<vmem>>, vector<16xf32>,
    %swap3A_81 = arith.constant 624 : index
    %swap3A_82 = tpu.vector_load %arg8[%swap3A_81] {strides = array<i32>} : memref<1024xf32, #tpu.memory_space<vmem>>, vector<16xf32>,
    tpu.vector_store %arg8[%swap3A_81], %broadcast_in_dim3A_1 {strides = array<i32>} : memref<1024xf32, #tpu.memory_space<vmem>>, vector<16xf32>,
    %swap3A_83 = arith.constant 640 : index
    %swap3A_84 = tpu.vector_load %arg8[%swap3A_83] {strides = array<i32>} : memref<1024xf32, #tpu.memory_space<vmem>>, vector<16xf32>,
    tpu.vector_store %arg8[%swap3A_83], %broadcast_in_dim3A_1 {strides = array<i32>} : memref<1024xf32, #tpu.memory_space<vmem>>, vector<16xf32>,
    %swap3A_85 = arith.constant 656 : index
    %swap3A_86 = tpu.vector_load %arg8[%swap3A_85] {strides = array<i32>} : memref<1024xf32, #tpu.memory_space<vmem>>, vector<16xf32>,
    tpu.vector_store %arg8[%swap3A_85], %broadcast_in_dim3A_1 {strides = array<i32>} : memref<1024xf32, #tpu.memory_space<vmem>>, vector<16xf32>,
    %swap3A_87 = arith.constant 672 : index
    %swap3A_88 = tpu.vector_load %arg8[%swap3A_87] {strides = array<i32>} : memref<1024xf32, #tpu.memory_space<vmem>>, vector<16xf32>,
    tpu.vector_store %arg8[%swap3A_87], %broadcast_in_dim3A_1 {strides = array<i32>} : memref<1024xf32, #tpu.memory_space<vmem>>, vector<16xf32>,
    %swap3A_89 = arith.constant 688 : index
    %swap3A_90 = tpu.vector_load %arg8[%swap3A_89] {strides = array<i32>} : memref<1024xf32, #tpu.memory_space<vmem>>, vector<16xf32>,
    tpu.vector_store %arg8[%swap3A_89], %broadcast_in_dim3A_1 {strides = array<i32>} : memref<1024xf32, #tpu.memory_space<vmem>>, vector<16xf32>,
    %swap3A_91 = arith.constant 704 : index
    %swap3A_92 = tpu.vector_load %arg8[%swap3A_91] {strides = array<i32>} : memref<1024xf32, #tpu.memory_space<vmem>>, vector<16xf32>,
    tpu.vector_store %arg8[%swap3A_91], %broadcast_in_dim3A_1 {strides = array<i32>} : memref<1024xf32, #tpu.memory_space<vmem>>, vector<16xf32>,
    %swap3A_93 = arith.constant 720 : index
    %swap3A_94 = tpu.vector_load %arg8[%swap3A_93] {strides = array<i32>} : memref<1024xf32, #tpu.memory_space<vmem>>, vector<16xf32>,
    tpu.vector_store %arg8[%swap3A_93], %broadcast_in_dim3A_1 {strides = array<i32>} : memref<1024xf32, #tpu.memory_space<vmem>>, vector<16xf32>,
    %swap3A_95 = arith.constant 736 : index
    %swap3A_96 = tpu.vector_load %arg8[%swap3A_95] {strides = array<i32>} : memref<1024xf32, #tpu.memory_space<vmem>>, vector<16xf32>,
    tpu.vector_store %arg8[%swap3A_95], %broadcast_in_dim3A_1 {strides = array<i32>} : memref<1024xf32, #tpu.memory_space<vmem>>, vector<16xf32>,
    %swap3A_97 = arith.constant 752 : index
    %swap3A_98 = tpu.vector_load %arg8[%swap3A_97] {strides = array<i32>} : memref<1024xf32, #tpu.memory_space<vmem>>, vector<16xf32>,
    tpu.vector_store %arg8[%swap3A_97], %broadcast_in_dim3A_1 {strides = array<i32>} : memref<1024xf32, #tpu.memory_space<vmem>>, vector<16xf32>,
    %swap3A_99 = arith.constant 768 : index
    %swap3A_100 = tpu.vector_load %arg8[%swap3A_99] {strides = array<i32>} : memref<1024xf32, #tpu.memory_space<vmem>>, vector<16xf32>,
    tpu.vector_store %arg8[%swap3A_99], %broadcast_in_dim3A_1 {strides = array<i32>} : memref<1024xf32, #tpu.memory_space<vmem>>, vector<16xf32>,
    %swap3A_101 = arith.constant 784 : index
    %swap3A_102 = tpu.vector_load %arg8[%swap3A_101] {strides = array<i32>} : memref<1024xf32, #tpu.memory_space<vmem>>, vector<16xf32>,
    tpu.vector_store %arg8[%swap3A_101], %broadcast_in_dim3A_1 {strides = array<i32>} : memref<1024xf32, #tpu.memory_space<vmem>>, vector<16xf32>,
    %swap3A_103 = arith.constant 800 : index
    %swap3A_104 = tpu.vector_load %arg8[%swap3A_103] {strides = array<i32>} : memref<1024xf32, #tpu.memory_space<vmem>>, vector<16xf32>,
    tpu.vector_store %arg8[%swap3A_103], %broadcast_in_dim3A_1 {strides = array<i32>} : memref<1024xf32, #tpu.memory_space<vmem>>, vector<16xf32>,
    %swap3A_105 = arith.constant 816 : index
    %swap3A_106 = tpu.vector_load %arg8[%swap3A_105] {strides = array<i32>} : memref<1024xf32, #tpu.memory_space<vmem>>, vector<16xf32>,
    tpu.vector_store %arg8[%swap3A_105], %broadcast_in_dim3A_1 {strides = array<i32>} : memref<1024xf32, #tpu.memory_space<vmem>>, vector<16xf32>,
    %swap3A_107 = arith.constant 832 : index
    %swap3A_108 = tpu.vector_load %arg8[%swap3A_107] {strides = array<i32>} : memref<1024xf32, #tpu.memory_space<vmem>>, vector<16xf32>,
    tpu.vector_store %arg8[%swap3A_107], %broadcast_in_dim3A_1 {strides = array<i32>} : memref<1024xf32, #tpu.memory_space<vmem>>, vector<16xf32>,
    %swap3A_109 = arith.constant 848 : index
    %swap3A_110 = tpu.vector_load %arg8[%swap3A_109] {strides = array<i32>} : memref<1024xf32, #tpu.memory_space<vmem>>, vector<16xf32>,
    tpu.vector_store %arg8[%swap3A_109], %broadcast_in_dim3A_1 {strides = array<i32>} : memref<1024xf32, #tpu.memory_space<vmem>>, vector<16xf32>,
    %swap3A_111 = arith.constant 864 : index
    %swap3A_112 = tpu.vector_load %arg8[%swap3A_111] {strides = array<i32>} : memref<1024xf32, #tpu.memory_space<vmem>>, vector<16xf32>,
    tpu.vector_store %arg8[%swap3A_111], %broadcast_in_dim3A_1 {strides = array<i32>} : memref<1024xf32, #tpu.memory_space<vmem>>, vector<16xf32>,
    %swap3A_113 = arith.constant 880 : index
    %swap3A_114 = tpu.vector_load %arg8[%swap3A_113] {strides = array<i32>} : memref<1024xf32, #tpu.memory_space<vmem>>, vector<16xf32>,
    tpu.vector_store %arg8[%swap3A_113], %broadcast_in_dim3A_1 {strides = array<i32>} : memref<1024xf32, #tpu.memory_space<vmem>>, vector<16xf32>,
    %swap3A_115 = arith.constant 896 : index
    %swap3A_116 = tpu.vector_load %arg8[%swap3A_115] {strides = array<i32>} : memref<1024xf32, #tpu.memory_space<vmem>>, vector<16xf32>,
    tpu.vector_store %arg8[%swap3A_115], %broadcast_in_dim3A_1 {strides = array<i32>} : memref<1024xf32, #tpu.memory_space<vmem>>, vector<16xf32>,
    %swap3A_117 = arith.constant 912 : index
    %swap3A_118 = tpu.vector_load %arg8[%swap3A_117] {strides = array<i32>} : memref<1024xf32, #tpu.memory_space<vmem>>, vector<16xf32>,
    tpu.vector_store %arg8[%swap3A_117], %broadcast_in_dim3A_1 {strides = array<i32>} : memref<1024xf32, #tpu.memory_space<vmem>>, vector<16xf32>,
    %swap3A_119 = arith.constant 928 : index
    %swap3A_120 = tpu.vector_load %arg8[%swap3A_119] {strides = array<i32>} : memref<1024xf32, #tpu.memory_space<vmem>>, vector<16xf32>,
    tpu.vector_store %arg8[%swap3A_119], %broadcast_in_dim3A_1 {strides = array<i32>} : memref<1024xf32, #tpu.memory_space<vmem>>, vector<16xf32>,
    %swap3A_121 = arith.constant 944 : index
    %swap3A_122 = tpu.vector_load %arg8[%swap3A_121] {strides = array<i32>} : memref<1024xf32, #tpu.memory_space<vmem>>, vector<16xf32>,
    tpu.vector_store %arg8[%swap3A_121], %broadcast_in_dim3A_1 {strides = array<i32>} : memref<1024xf32, #tpu.memory_space<vmem>>, vector<16xf32>,
    %swap3A_123 = arith.constant 960 : index
    %swap3A_124 = tpu.vector_load %arg8[%swap3A_123] {strides = array<i32>} : memref<1024xf32, #tpu.memory_space<vmem>>, vector<16xf32>,
    tpu.vector_store %arg8[%swap3A_123], %broadcast_in_dim3A_1 {strides = array<i32>} : memref<1024xf32, #tpu.memory_space<vmem>>, vector<16xf32>,
    %swap3A_125 = arith.constant 976 : index
    %swap3A_126 = tpu.vector_load %arg8[%swap3A_125] {strides = array<i32>} : memref<1024xf32, #tpu.memory_space<vmem>>, vector<16xf32>,
    tpu.vector_store %arg8[%swap3A_125], %broadcast_in_dim3A_1 {strides = array<i32>} : memref<1024xf32, #tpu.memory_space<vmem>>, vector<16xf32>,
    %swap3A_127 = arith.constant 992 : index
    %swap3A_128 = tpu.vector_load %arg8[%swap3A_127] {strides = array<i32>} : memref<1024xf32, #tpu.memory_space<vmem>>, vector<16xf32>,
    tpu.vector_store %arg8[%swap3A_127], %broadcast_in_dim3A_1 {strides = array<i32>} : memref<1024xf32, #tpu.memory_space<vmem>>, vector<16xf32>,
    %swap3A_129 = arith.constant 1008 : index
    %swap3A_130 = tpu.vector_load %arg8[%swap3A_129] {strides = array<i32>} : memref<1024xf32, #tpu.memory_space<vmem>>, vector<16xf32>,
    tpu.vector_store %arg8[%swap3A_129], %broadcast_in_dim3A_1 {strides = array<i32>} : memref<1024xf32, #tpu.memory_space<vmem>>, vector<16xf32>,
    %swap3A_131 = arith.constant 0 : index
    %swap3A_132 = tpu.vector_load %arg7[%swap3A_131] {strides = array<i32>} : memref<3072xf32, #tpu.memory_space<vmem>>, vector<16xf32>,
    tpu.vector_store %arg7[%swap3A_131], %broadcast_in_dim3A_1 {strides = array<i32>} : memref<3072xf32, #tpu.memory_space<vmem>>, vector<16xf32>,
    %swap3A_133 = arith.constant 16 : index
    %swap3A_134 = tpu.vector_load %arg7[%swap3A_133] {strides = array<i32>} : memref<3072xf32, #tpu.memory_space<vmem>>, vector<16xf32>,
    tpu.vector_store %arg7[%swap3A_133], %broadcast_in_dim3A_1 {strides = array<i32>} : memref<3072xf32, #tpu.memory_space<vmem>>, vector<16xf32>,
    %swap3A_135 = arith.constant 32 : index
    %swap3A_136 = tpu.vector_load %arg7[%swap3A_135] {strides = array<i32>} : memref<3072xf32, #tpu.memory_space<vmem>>, vector<16xf32>,
    tpu.vector_store %arg7[%swap3A_135], %broadcast_in_dim3A_1 {strides = array<i32>} : memref<3072xf32, #tpu.memory_space<vmem>>, vector<16xf32>,
    %swap3A_137 = arith.constant 48 : index
    %swap3A_138 = tpu.vector_load %arg7[%swap3A_137] {strides = array<i32>} : memref<3072xf32, #tpu.memory_space<vmem>>, vector<16xf32>,
    tpu.vector_store %arg7[%swap3A_137], %broadcast_in_dim3A_1 {strides = array<i32>} : memref<3072xf32, #tpu.memory_space<vmem>>, vector<16xf32>,
    %swap3A_139 = arith.constant 64 : index
    %swap3A_140 = tpu.vector_load %arg7[%swap3A_139] {strides = array<i32>} : memref<3072xf32, #tpu.memory_space<vmem>>, vector<16xf32>,
    tpu.vector_store %arg7[%swap3A_139], %broadcast_in_dim3A_1 {strides = array<i32>} : memref<3072xf32, #tpu.memory_space<vmem>>, vector<16xf32>,
    %swap3A_141 = arith.constant 80 : index
    %swap3A_142 = tpu.vector_load %arg7[%swap3A_141] {strides = array<i32>} : memref<3072xf32, #tpu.memory_space<vmem>>, vector<16xf32>,
    tpu.vector_store %arg7[%swap3A_141], %broadcast_in_dim3A_1 {strides = array<i32>} : memref<3072xf32, #tpu.memory_space<vmem>>, vector<16xf32>,
    %swap3A_143 = arith.constant 96 : index
    %swap3A_144 = tpu.vector_load %arg7[%swap3A_143] {strides = array<i32>} : memref<3072xf32, #tpu.memory_space<vmem>>, vector<16xf32>,
    tpu.vector_store %arg7[%swap3A_143], %broadcast_in_dim3A_1 {strides = array<i32>} : memref<3072xf32, #tpu.memory_space<vmem>>, vector<16xf32>,
    %swap3A_145 = arith.constant 112 : index
    %swap3A_146 = tpu.vector_load %arg7[%swap3A_145] {strides = array<i32>} : memref<3072xf32, #tpu.memory_space<vmem>>, vector<16xf32>,
    tpu.vector_store %arg7[%swap3A_145], %broadcast_in_dim3A_1 {strides = array<i32>} : memref<3072xf32, #tpu.memory_space<vmem>>, vector<16xf32>,
    %swap3A_147 = arith.constant 128 : index
    %swap3A_148 = tpu.vector_load %arg7[%swap3A_147] {strides = array<i32>} : memref<3072xf32, #tpu.memory_space<vmem>>, vector<16xf32>,
    tpu.vector_store %arg7[%swap3A_147], %broadcast_in_dim3A_1 {strides = array<i32>} : memref<3072xf32, #tpu.memory_space<vmem>>, vector<16xf32>,
    %swap3A_149 = arith.constant 144 : index
    %swap3A_150 = tpu.vector_load %arg7[%swap3A_149] {strides = array<i32>} : memref<3072xf32, #tpu.memory_space<vmem>>, vector<16xf32>,
    tpu.vector_store %arg7[%swap3A_149], %broadcast_in_dim3A_1 {strides = array<i32>} : memref<3072xf32, #tpu.memory_space<vmem>>, vector<16xf32>,
    %swap3A_151 = arith.constant 160 : index
    %swap3A_152 = tpu.vector_load %arg7[%swap3A_151] {strides = array<i32>} : memref<3072xf32, #tpu.memory_space<vmem>>, vector<16xf32>,
    tpu.vector_store %arg7[%swap3A_151], %broadcast_in_dim3A_1 {strides = array<i32>} : memref<3072xf32, #tpu.memory_space<vmem>>, vector<16xf32>,
    %swap3A_153 = arith.constant 176 : index
    %swap3A_154 = tpu.vector_load %arg7[%swap3A_153] {strides = array<i32>} : memref<3072xf32, #tpu.memory_space<vmem>>, vector<16xf32>,
    tpu.vector_store %arg7[%swap3A_153], %broadcast_in_dim3A_1 {strides = array<i32>} : memref<3072xf32, #tpu.memory_space<vmem>>, vector<16xf32>,
    %swap3A_155 = arith.constant 192 : index
    %swap3A_156 = tpu.vector_load %arg7[%swap3A_155] {strides = array<i32>} : memref<3072xf32, #tpu.memory_space<vmem>>, vector<16xf32>,
    tpu.vector_store %arg7[%swap3A_155], %broadcast_in_dim3A_1 {strides = array<i32>} : memref<3072xf32, #tpu.memory_space<vmem>>, vector<16xf32>,
    %swap3A_157 = arith.constant 208 : index
    %swap3A_158 = tpu.vector_load %arg7[%swap3A_157] {strides = array<i32>} : memref<3072xf32, #tpu.memory_space<vmem>>, vector<16xf32>,
    tpu.vector_store %arg7[%swap3A_157], %broadcast_in_dim3A_1 {strides = array<i32>} : memref<3072xf32, #tpu.memory_space<vmem>>, vector<16xf32>,
    %swap3A_159 = arith.constant 224 : index
    %swap3A_160 = tpu.vector_load %arg7[%swap3A_159] {strides = array<i32>} : memref<3072xf32, #tpu.memory_space<vmem>>, vector<16xf32>,
    tpu.vector_store %arg7[%swap3A_159], %broadcast_in_dim3A_1 {strides = array<i32>} : memref<3072xf32, #tpu.memory_space<vmem>>, vector<16xf32>,
    %swap3A_161 = arith.constant 240 : index
    %swap3A_162 = tpu.vector_load %arg7[%swap3A_161] {strides = array<i32>} : memref<3072xf32, #tpu.memory_space<vmem>>, vector<16xf32>,
    tpu.vector_store %arg7[%swap3A_161], %broadcast_in_dim3A_1 {strides = array<i32>} : memref<3072xf32, #tpu.memory_space<vmem>>, vector<16xf32>,
    %swap3A_163 = arith.constant 256 : index
    %swap3A_164 = tpu.vector_load %arg7[%swap3A_163] {strides = array<i32>} : memref<3072xf32, #tpu.memory_space<vmem>>, vector<16xf32>,
    tpu.vector_store %arg7[%swap3A_163], %broadcast_in_dim3A_1 {strides = array<i32>} : memref<3072xf32, #tpu.memory_space<vmem>>, vector<16xf32>,
    %swap3A_165 = arith.constant 272 : index
    %swap3A_166 = tpu.vector_load %arg7[%swap3A_165] {strides = array<i32>} : memref<3072xf32, #tpu.memory_space<vmem>>, vector<16xf32>,
    tpu.vector_store %arg7[%swap3A_165], %broadcast_in_dim3A_1 {strides = array<i32>} : memref<3072xf32, #tpu.memory_space<vmem>>, vector<16xf32>,
    %swap3A_167 = arith.constant 288 : index
    %swap3A_168 = tpu.vector_load %arg7[%swap3A_167] {strides = array<i32>} : memref<3072xf32, #tpu.memory_space<vmem>>, vector<16xf32>,
    tpu.vector_store %arg7[%swap3A_167], %broadcast_in_dim3A_1 {strides = array<i32>} : memref<3072xf32, #tpu.memory_space<vmem>>, vector<16xf32>,
    %swap3A_169 = arith.constant 304 : index
    %swap3A_170 = tpu.vector_load %arg7[%swap3A_169] {strides = array<i32>} : memref<3072xf32, #tpu.memory_space<vmem>>, vector<16xf32>,
    tpu.vector_store %arg7[%swap3A_169], %broadcast_in_dim3A_1 {strides = array<i32>} : memref<3072xf32, #tpu.memory_space<vmem>>, vector<16xf32>,
    %swap3A_171 = arith.constant 320 : index
    %swap3A_172 = tpu.vector_load %arg7[%swap3A_171] {strides = array<i32>} : memref<3072xf32, #tpu.memory_space<vmem>>, vector<16xf32>,
    tpu.vector_store %arg7[%swap3A_171], %broadcast_in_dim3A_1 {strides = array<i32>} : memref<3072xf32, #tpu.memory_space<vmem>>, vector<16xf32>,
    %swap3A_173 = arith.constant 336 : index
    %swap3A_174 = tpu.vector_load %arg7[%swap3A_173] {strides = array<i32>} : memref<3072xf32, #tpu.memory_space<vmem>>, vector<16xf32>,
    tpu.vector_store %arg7[%swap3A_173], %broadcast_in_dim3A_1 {strides = array<i32>} : memref<3072xf32, #tpu.memory_space<vmem>>, vector<16xf32>,
    %swap3A_175 = arith.constant 352 : index
    %swap3A_176 = tpu.vector_load %arg7[%swap3A_175] {strides = array<i32>} : memref<3072xf32, #tpu.memory_space<vmem>>, vector<16xf32>,
    tpu.vector_store %arg7[%swap3A_175], %broadcast_in_dim3A_1 {strides = array<i32>} : memref<3072xf32, #tpu.memory_space<vmem>>, vector<16xf32>,
    %swap3A_177 = arith.constant 368 : index
    %swap3A_178 = tpu.vector_load %arg7[%swap3A_177] {strides = array<i32>} : memref<3072xf32, #tpu.memory_space<vmem>>, vector<16xf32>,
    tpu.vector_store %arg7[%swap3A_177], %broadcast_in_dim3A_1 {strides = array<i32>} : memref<3072xf32, #tpu.memory_space<vmem>>, vector<16xf32>,
    %swap3A_179 = arith.constant 384 : index
    %swap3A_180 = tpu.vector_load %arg7[%swap3A_179] {strides = array<i32>} : memref<3072xf32, #tpu.memory_space<vmem>>, vector<16xf32>,
    tpu.vector_store %arg7[%swap3A_179], %broadcast_in_dim3A_1 {strides = array<i32>} : memref<3072xf32, #tpu.memory_space<vmem>>, vector<16xf32>,
    %swap3A_181 = arith.constant 400 : index
    %swap3A_182 = tpu.vector_load %arg7[%swap3A_181] {strides = array<i32>} : memref<3072xf32, #tpu.memory_space<vmem>>, vector<16xf32>,
    tpu.vector_store %arg7[%swap3A_181], %broadcast_in_dim3A_1 {strides = array<i32>} : memref<3072xf32, #tpu.memory_space<vmem>>, vector<16xf32>,
    %swap3A_183 = arith.constant 416 : index
    %swap3A_184 = tpu.vector_load %arg7[%swap3A_183] {strides = array<i32>} : memref<3072xf32, #tpu.memory_space<vmem>>, vector<16xf32>,
    tpu.vector_store %arg7[%swap3A_183], %broadcast_in_dim3A_1 {strides = array<i32>} : memref<3072xf32, #tpu.memory_space<vmem>>, vector<16xf32>,
    %swap3A_185 = arith.constant 432 : index
    %swap3A_186 = tpu.vector_load %arg7[%swap3A_185] {strides = array<i32>} : memref<3072xf32, #tpu.memory_space<vmem>>, vector<16xf32>,
    tpu.vector_store %arg7[%swap3A_185], %broadcast_in_dim3A_1 {strides = array<i32>} : memref<3072xf32, #tpu.memory_space<vmem>>, vector<16xf32>,
    %swap3A_187 = arith.constant 448 : index
    %swap3A_188 = tpu.vector_load %arg7[%swap3A_187] {strides = array<i32>} : memref<3072xf32, #tpu.memory_space<vmem>>, vector<16xf32>,
    tpu.vector_store %arg7[%swap3A_187], %broadcast_in_dim3A_1 {strides = array<i32>} : memref<3072xf32, #tpu.memory_space<vmem>>, vector<16xf32>,
    %swap3A_189 = arith.constant 464 : index
    %swap3A_190 = tpu.vector_load %arg7[%swap3A_189] {strides = array<i32>} : memref<3072xf32, #tpu.memory_space<vmem>>, vector<16xf32>,
    tpu.vector_store %arg7[%swap3A_189], %broadcast_in_dim3A_1 {strides = array<i32>} : memref<3072xf32, #tpu.memory_space<vmem>>, vector<16xf32>,
    %swap3A_191 = arith.constant 480 : index
    %swap3A_192 = tpu.vector_load %arg7[%swap3A_191] {strides = array<i32>} : memref<3072xf32, #tpu.memory_space<vmem>>, vector<16xf32>,
    tpu.vector_store %arg7[%swap3A_191], %broadcast_in_dim3A_1 {strides = array<i32>} : memref<3072xf32, #tpu.memory_space<vmem>>, vector<16xf32>,
    %swap3A_193 = arith.constant 496 : index
    %swap3A_194 = tpu.vector_load %arg7[%swap3A_193] {strides = array<i32>} : memref<3072xf32, #tpu.memory_space<vmem>>, vector<16xf32>,
    tpu.vector_store %arg7[%swap3A_193], %broadcast_in_dim3A_1 {strides = array<i32>} : memref<3072xf32, #tpu.memory_space<vmem>>, vector<16xf32>,
    %swap3A_195 = arith.constant 512 : index
    %swap3A_196 = tpu.vector_load %arg7[%swap3A_195] {strides = array<i32>} : memref<3072xf32, #tpu.memory_space<vmem>>, vector<16xf32>,
    tpu.vector_store %arg7[%swap3A_195], %broadcast_in_dim3A_1 {strides = array<i32>} : memref<3072xf32, #tpu.memory_space<vmem>>, vector<16xf32>,
    %swap3A_197 = arith.constant 528 : index
    %swap3A_198 = tpu.vector_load %arg7[%swap3A_197] {strides = array<i32>} : memref<3072xf32, #tpu.memory_space<vmem>>, vector<16xf32>,
    tpu.vector_store %arg7[%swap3A_197], %broadcast_in_dim3A_1 {strides = array<i32>} : memref<3072xf32, #tpu.memory_space<vmem>>, vector<16xf32>,
    %swap3A_199 = arith.constant 544 : index
    %swap3A_200 = tpu.vector_load %arg7[%swap3A_199] {strides = array<i32>} : memref<3072xf32, #tpu.memory_space<vmem>>, vector<16xf32>,
    tpu.vector_store %arg7[%swap3A_199], %broadcast_in_dim3A_1 {strides = array<i32>} : memref<3072xf32, #tpu.memory_space<vmem>>, vector<16xf32>,
    %swap3A_201 = arith.constant 560 : index
    %swap3A_202 = tpu.vector_load %arg7[%swap3A_201] {strides = array<i32>} : memref<3072xf32, #tpu.memory_space<vmem>>, vector<16xf32>,
    tpu.vector_store %arg7[%swap3A_201], %broadcast_in_dim3A_1 {strides = array<i32>} : memref<3072xf32, #tpu.memory_space<vmem>>, vector<16xf32>,
    %swap3A_203 = arith.constant 576 : index
    %swap3A_204 = tpu.vector_load %arg7[%swap3A_203] {strides = array<i32>} : memref<3072xf32, #tpu.memory_space<vmem>>, vector<16xf32>,
    tpu.vector_store %arg7[%swap3A_203], %broadcast_in_dim3A_1 {strides = array<i32>} : memref<3072xf32, #tpu.memory_space<vmem>>, vector<16xf32>,
    %swap3A_205 = arith.constant 592 : index
    %swap3A_206 = tpu.vector_load %arg7[%swap3A_205] {strides = array<i32>} : memref<3072xf32, #tpu.memory_space<vmem>>, vector<16xf32>,
    tpu.vector_store %arg7[%swap3A_205], %broadcast_in_dim3A_1 {strides = array<i32>} : memref<3072xf32, #tpu.memory_space<vmem>>, vector<16xf32>,
    %swap3A_207 = arith.constant 608 : index
    %swap3A_208 = tpu.vector_load %arg7[%swap3A_207] {strides = array<i32>} : memref<3072xf32, #tpu.memory_space<vmem>>, vector<16xf32>,
    tpu.vector_store %arg7[%swap3A_207], %broadcast_in_dim3A_1 {strides = array<i32>} : memref<3072xf32, #tpu.memory_space<vmem>>, vector<16xf32>,
    %swap3A_209 = arith.constant 624 : index
    %swap3A_210 = tpu.vector_load %arg7[%swap3A_209] {strides = array<i32>} : memref<3072xf32, #tpu.memory_space<vmem>>, vector<16xf32>,
    tpu.vector_store %arg7[%swap3A_209], %broadcast_in_dim3A_1 {strides = array<i32>} : memref<3072xf32, #tpu.memory_space<vmem>>, vector<16xf32>,
    %swap3A_211 = arith.constant 640 : index
    %swap3A_212 = tpu.vector_load %arg7[%swap3A_211] {strides = array<i32>} : memref<3072xf32, #tpu.memory_space<vmem>>, vector<16xf32>,
    tpu.vector_store %arg7[%swap3A_211], %broadcast_in_dim3A_1 {strides = array<i32>} : memref<3072xf32, #tpu.memory_space<vmem>>, vector<16xf32>,
    %swap3A_213 = arith.constant 656 : index
    %swap3A_214 = tpu.vector_load %arg7[%swap3A_213] {strides = array<i32>} : memref<3072xf32, #tpu.memory_space<vmem>>, vector<16xf32>,
    tpu.vector_store %arg7[%swap3A_213], %broadcast_in_dim3A_1 {strides = array<i32>} : memref<3072xf32, #tpu.memory_space<vmem>>, vector<16xf32>,
    %swap3A_215 = arith.constant 672 : index
    %swap3A_216 = tpu.vector_load %arg7[%swap3A_215] {strides = array<i32>} : memref<3072xf32, #tpu.memory_space<vmem>>, vector<16xf32>,
    tpu.vector_store %arg7[%swap3A_215], %broadcast_in_dim3A_1 {strides = array<i32>} : memref<3072xf32, #tpu.memory_space<vmem>>, vector<16xf32>,
    %swap3A_217 = arith.constant 688 : index
    %swap3A_218 = tpu.vector_load %arg7[%swap3A_217] {strides = array<i32>} : memref<3072xf32, #tpu.memory_space<vmem>>, vector<16xf32>,
    tpu.vector_store %arg7[%swap3A_217], %broadcast_in_dim3A_1 {strides = array<i32>} : memref<3072xf32, #tpu.memory_space<vmem>>, vector<16xf32>,
    %swap3A_219 = arith.constant 704 : index
    %swap3A_220 = tpu.vector_load %arg7[%swap3A_219] {strides = array<i32>} : memref<3072xf32, #tpu.memory_space<vmem>>, vector<16xf32>,
    tpu.vector_store %arg7[%swap3A_219], %broadcast_in_dim3A_1 {strides = array<i32>} : memref<3072xf32, #tpu.memory_space<vmem>>, vector<16xf32>,
    %swap3A_221 = arith.constant 720 : index
    %swap3A_222 = tpu.vector_load %arg7[%swap3A_221] {strides = array<i32>} : memref<3072xf32, #tpu.memory_space<vmem>>, vector<16xf32>,
    tpu.vector_store %arg7[%swap3A_221], %broadcast_in_dim3A_1 {strides = array<i32>} : memref<3072xf32, #tpu.memory_space<vmem>>, vector<16xf32>,
    %swap3A_223 = arith.constant 736 : index
    %swap3A_224 = tpu.vector_load %arg7[%swap3A_223] {strides = array<i32>} : memref<3072xf32, #tpu.memory_space<vmem>>, vector<16xf32>,
    tpu.vector_store %arg7[%swap3A_223], %broadcast_in_dim3A_1 {strides = array<i32>} : memref<3072xf32, #tpu.memory_space<vmem>>, vector<16xf32>,
    %swap3A_225 = arith.constant 752 : index
    %swap3A_226 = tpu.vector_load %arg7[%swap3A_225] {strides = array<i32>} : memref<3072xf32, #tpu.memory_space<vmem>>, vector<16xf32>,
    tpu.vector_store %arg7[%swap3A_225], %broadcast_in_dim3A_1 {strides = array<i32>} : memref<3072xf32, #tpu.memory_space<vmem>>, vector<16xf32>,
    %swap3A_227 = arith.constant 768 : index
    %swap3A_228 = tpu.vector_load %arg7[%swap3A_227] {strides = array<i32>} : memref<3072xf32, #tpu.memory_space<vmem>>, vector<16xf32>,
    tpu.vector_store %arg7[%swap3A_227], %broadcast_in_dim3A_1 {strides = array<i32>} : memref<3072xf32, #tpu.memory_space<vmem>>, vector<16xf32>,
    %swap3A_229 = arith.constant 784 : index
    %swap3A_230 = tpu.vector_load %arg7[%swap3A_229] {strides = array<i32>} : memref<3072xf32, #tpu.memory_space<vmem>>, vector<16xf32>,
    tpu.vector_store %arg7[%swap3A_229], %broadcast_in_dim3A_1 {strides = array<i32>} : memref<3072xf32, #tpu.memory_space<vmem>>, vector<16xf32>,
    %swap3A_231 = arith.constant 800 : index
    %swap3A_232 = tpu.vector_load %arg7[%swap3A_231] {strides = array<i32>} : memref<3072xf32, #tpu.memory_space<vmem>>, vector<16xf32>,
    tpu.vector_store %arg7[%swap3A_231], %broadcast_in_dim3A_1 {strides = array<i32>} : memref<3072xf32, #tpu.memory_space<vmem>>, vector<16xf32>,
    %swap3A_233 = arith.constant 816 : index
    %swap3A_234 = tpu.vector_load %arg7[%swap3A_233] {strides = array<i32>} : memref<3072xf32, #tpu.memory_space<vmem>>, vector<16xf32>,
    tpu.vector_store %arg7[%swap3A_233], %broadcast_in_dim3A_1 {strides = array<i32>} : memref<3072xf32, #tpu.memory_space<vmem>>, vector<16xf32>,
    %swap3A_235 = arith.constant 832 : index
    %swap3A_236 = tpu.vector_load %arg7[%swap3A_235] {strides = array<i32>} : memref<3072xf32, #tpu.memory_space<vmem>>, vector<16xf32>,
    tpu.vector_store %arg7[%swap3A_235], %broadcast_in_dim3A_1 {strides = array<i32>} : memref<3072xf32, #tpu.memory_space<vmem>>, vector<16xf32>,
    %swap3A_237 = arith.constant 848 : index
    %swap3A_238 = tpu.vector_load %arg7[%swap3A_237] {strides = array<i32>} : memref<3072xf32, #tpu.memory_space<vmem>>, vector<16xf32>,
    tpu.vector_store %arg7[%swap3A_237], %broadcast_in_dim3A_1 {strides = array<i32>} : memref<3072xf32, #tpu.memory_space<vmem>>, vector<16xf32>,
    %swap3A_239 = arith.constant 864 : index
    %swap3A_240 = tpu.vector_load %arg7[%swap3A_239] {strides = array<i32>} : memref<3072xf32, #tpu.memory_space<vmem>>, vector<16xf32>,
    tpu.vector_store %arg7[%swap3A_239], %broadcast_in_dim3A_1 {strides = array<i32>} : memref<3072xf32, #tpu.memory_space<vmem>>, vector<16xf32>,
    %swap3A_241 = arith.constant 880 : index
    %swap3A_242 = tpu.vector_load %arg7[%swap3A_241] {strides = array<i32>} : memref<3072xf32, #tpu.memory_space<vmem>>, vector<16xf32>,
    tpu.vector_store %arg7[%swap3A_241], %broadcast_in_dim3A_1 {strides = array<i32>} : memref<3072xf32, #tpu.memory_space<vmem>>, vector<16xf32>,
    %swap3A_243 = arith.constant 896 : index
    %swap3A_244 = tpu.vector_load %arg7[%swap3A_243] {strides = array<i32>} : memref<3072xf32, #tpu.memory_space<vmem>>, vector<16xf32>,
    tpu.vector_store %arg7[%swap3A_243], %broadcast_in_dim3A_1 {strides = array<i32>} : memref<3072xf32, #tpu.memory_space<vmem>>, vector<16xf32>,
    %swap3A_245 = arith.constant 912 : index
    %swap3A_246 = tpu.vector_load %arg7[%swap3A_245] {strides = array<i32>} : memref<3072xf32, #tpu.memory_space<vmem>>, vector<16xf32>,
    tpu.vector_store %arg7[%swap3A_245], %broadcast_in_dim3A_1 {strides = array<i32>} : memref<3072xf32, #tpu.memory_space<vmem>>, vector<16xf32>,
    %swap3A_247 = arith.constant 928 : index
    %swap3A_248 = tpu.vector_load %arg7[%swap3A_247] {strides = array<i32>} : memref<3072xf32, #tpu.memory_space<vmem>>, vector<16xf32>,
    tpu.vector_store %arg7[%swap3A_247], %broadcast_in_dim3A_1 {strides = array<i32>} : memref<3072xf32, #tpu.memory_space<vmem>>, vector<16xf32>,
    %swap3A_249 = arith.constant 944 : index
    %swap3A_250 = tpu.vector_load %arg7[%swap3A_249] {strides = array<i32>} : memref<3072xf32, #tpu.memory_space<vmem>>, vector<16xf32>,
    tpu.vector_store %arg7[%swap3A_249], %broadcast_in_dim3A_1 {strides = array<i32>} : memref<3072xf32, #tpu.memory_space<vmem>>, vector<16xf32>,
    %swap3A_251 = arith.constant 960 : index
    %swap3A_252 = tpu.vector_load %arg7[%swap3A_251] {strides = array<i32>} : memref<3072xf32, #tpu.memory_space<vmem>>, vector<16xf32>,
    tpu.vector_store %arg7[%swap3A_251], %broadcast_in_dim3A_1 {strides = array<i32>} : memref<3072xf32, #tpu.memory_space<vmem>>, vector<16xf32>,
    %swap3A_253 = arith.constant 976 : index
    %swap3A_254 = tpu.vector_load %arg7[%swap3A_253] {strides = array<i32>} : memref<3072xf32, #tpu.memory_space<vmem>>, vector<16xf32>,
    tpu.vector_store %arg7[%swap3A_253], %broadcast_in_dim3A_1 {strides = array<i32>} : memref<3072xf32, #tpu.memory_space<vmem>>, vector<16xf32>,
    %swap3A_255 = arith.constant 992 : index
    %swap3A_256 = tpu.vector_load %arg7[%swap3A_255] {strides = array<i32>} : memref<3072xf32, #tpu.memory_space<vmem>>, vector<16xf32>,
    tpu.vector_store %arg7[%swap3A_255], %broadcast_in_dim3A_1 {strides = array<i32>} : memref<3072xf32, #tpu.memory_space<vmem>>, vector<16xf32>,
    %swap3A_257 = arith.constant 1008 : index
    %swap3A_258 = tpu.vector_load %arg7[%swap3A_257] {strides = array<i32>} : memref<3072xf32, #tpu.memory_space<vmem>>, vector<16xf32>,
    tpu.vector_store %arg7[%swap3A_257], %broadcast_in_dim3A_1 {strides = array<i32>} : memref<3072xf32, #tpu.memory_space<vmem>>, vector<16xf32>,
    %swap3A_259 = arith.constant 1024 : index
    %swap3A_260 = tpu.vector_load %arg7[%swap3A_259] {strides = array<i32>} : memref<3072xf32, #tpu.memory_space<vmem>>, vector<16xf32>,
    tpu.vector_store %arg7[%swap3A_259], %broadcast_in_dim3A_1 {strides = array<i32>} : memref<3072xf32, #tpu.memory_space<vmem>>, vector<16xf32>,
    %swap3A_261 = arith.constant 1040 : index
    %swap3A_262 = tpu.vector_load %arg7[%swap3A_261] {strides = array<i32>} : memref<3072xf32, #tpu.memory_space<vmem>>, vector<16xf32>,
    tpu.vector_store %arg7[%swap3A_261], %broadcast_in_dim3A_1 {strides = array<i32>} : memref<3072xf32, #tpu.memory_space<vmem>>, vector<16xf32>,
    %swap3A_263 = arith.constant 1056 : index
    %swap3A_264 = tpu.vector_load %arg7[%swap3A_263] {strides = array<i32>} : memref<3072xf32, #tpu.memory_space<vmem>>, vector<16xf32>,
    tpu.vector_store %arg7[%swap3A_263], %broadcast_in_dim3A_1 {strides = array<i32>} : memref<3072xf32, #tpu.memory_space<vmem>>, vector<16xf32>,
    %swap3A_265 = arith.constant 1072 : index
    %swap3A_266 = tpu.vector_load %arg7[%swap3A_265] {strides = array<i32>} : memref<3072xf32, #tpu.memory_space<vmem>>, vector<16xf32>,
    tpu.vector_store %arg7[%swap3A_265], %broadcast_in_dim3A_1 {strides = array<i32>} : memref<3072xf32, #tpu.memory_space<vmem>>, vector<16xf32>,
    %swap3A_267 = arith.constant 1088 : index
    %swap3A_268 = tpu.vector_load %arg7[%swap3A_267] {strides = array<i32>} : memref<3072xf32, #tpu.memory_space<vmem>>, vector<16xf32>,
    tpu.vector_store %arg7[%swap3A_267], %broadcast_in_dim3A_1 {strides = array<i32>} : memref<3072xf32, #tpu.memory_space<vmem>>, vector<16xf32>,
    %swap3A_269 = arith.constant 1104 : index
    %swap3A_270 = tpu.vector_load %arg7[%swap3A_269] {strides = array<i32>} : memref<3072xf32, #tpu.memory_space<vmem>>, vector<16xf32>,
    tpu.vector_store %arg7[%swap3A_269], %broadcast_in_dim3A_1 {strides = array<i32>} : memref<3072xf32, #tpu.memory_space<vmem>>, vector<16xf32>,
    %swap3A_271 = arith.constant 1120 : index
    %swap3A_272 = tpu.vector_load %arg7[%swap3A_271] {strides = array<i32>} : memref<3072xf32, #tpu.memory_space<vmem>>, vector<16xf32>,
    tpu.vector_store %arg7[%swap3A_271], %broadcast_in_dim3A_1 {strides = array<i32>} : memref<3072xf32, #tpu.memory_space<vmem>>, vector<16xf32>,
    %swap3A_273 = arith.constant 1136 : index
    %swap3A_274 = tpu.vector_load %arg7[%swap3A_273] {strides = array<i32>} : memref<3072xf32, #tpu.memory_space<vmem>>, vector<16xf32>,
    tpu.vector_store %arg7[%swap3A_273], %broadcast_in_dim3A_1 {strides = array<i32>} : memref<3072xf32, #tpu.memory_space<vmem>>, vector<16xf32>,
    %swap3A_275 = arith.constant 1152 : index
    %swap3A_276 = tpu.vector_load %arg7[%swap3A_275] {strides = array<i32>} : memref<3072xf32, #tpu.memory_space<vmem>>, vector<16xf32>,
    tpu.vector_store %arg7[%swap3A_275], %broadcast_in_dim3A_1 {strides = array<i32>} : memref<3072xf32, #tpu.memory_space<vmem>>, vector<16xf32>,
    %swap3A_277 = arith.constant 1168 : index
    %swap3A_278 = tpu.vector_load %arg7[%swap3A_277] {strides = array<i32>} : memref<3072xf32, #tpu.memory_space<vmem>>, vector<16xf32>,
    tpu.vector_store %arg7[%swap3A_277], %broadcast_in_dim3A_1 {strides = array<i32>} : memref<3072xf32, #tpu.memory_space<vmem>>, vector<16xf32>,
    %swap3A_279 = arith.constant 1184 : index
    %swap3A_280 = tpu.vector_load %arg7[%swap3A_279] {strides = array<i32>} : memref<3072xf32, #tpu.memory_space<vmem>>, vector<16xf32>,
    tpu.vector_store %arg7[%swap3A_279], %broadcast_in_dim3A_1 {strides = array<i32>} : memref<3072xf32, #tpu.memory_space<vmem>>, vector<16xf32>,
    %swap3A_281 = arith.constant 1200 : index
    %swap3A_282 = tpu.vector_load %arg7[%swap3A_281] {strides = array<i32>} : memref<3072xf32, #tpu.memory_space<vmem>>, vector<16xf32>,
    tpu.vector_store %arg7[%swap3A_281], %broadcast_in_dim3A_1 {strides = array<i32>} : memref<3072xf32, #tpu.memory_space<vmem>>, vector<16xf32>,
    %swap3A_283 = arith.constant 1216 : index
    %swap3A_284 = tpu.vector_load %arg7[%swap3A_283] {strides = array<i32>} : memref<3072xf32, #tpu.memory_space<vmem>>, vector<16xf32>,
    tpu.vector_store %arg7[%swap3A_283], %broadcast_in_dim3A_1 {strides = array<i32>} : memref<3072xf32, #tpu.memory_space<vmem>>, vector<16xf32>,
    %swap3A_285 = arith.constant 1232 : index
    %swap3A_286 = tpu.vector_load %arg7[%swap3A_285] {strides = array<i32>} : memref<3072xf32, #tpu.memory_space<vmem>>, vector<16xf32>,
    tpu.vector_store %arg7[%swap3A_285], %broadcast_in_dim3A_1 {strides = array<i32>} : memref<3072xf32, #tpu.memory_space<vmem>>, vector<16xf32>,
    %swap3A_287 = arith.constant 1248 : index
    %swap3A_288 = tpu.vector_load %arg7[%swap3A_287] {strides = array<i32>} : memref<3072xf32, #tpu.memory_space<vmem>>, vector<16xf32>,
    tpu.vector_store %arg7[%swap3A_287], %broadcast_in_dim3A_1 {strides = array<i32>} : memref<3072xf32, #tpu.memory_space<vmem>>, vector<16xf32>,
    %swap3A_289 = arith.constant 1264 : index
    %swap3A_290 = tpu.vector_load %arg7[%swap3A_289] {strides = array<i32>} : memref<3072xf32, #tpu.memory_space<vmem>>, vector<16xf32>,
    tpu.vector_store %arg7[%swap3A_289], %broadcast_in_dim3A_1 {strides = array<i32>} : memref<3072xf32, #tpu.memory_space<vmem>>, vector<16xf32>,
    %swap3A_291 = arith.constant 1280 : index
    %swap3A_292 = tpu.vector_load %arg7[%swap3A_291] {strides = array<i32>} : memref<3072xf32, #tpu.memory_space<vmem>>, vector<16xf32>,
    tpu.vector_store %arg7[%swap3A_291], %broadcast_in_dim3A_1 {strides = array<i32>} : memref<3072xf32, #tpu.memory_space<vmem>>, vector<16xf32>,
    %swap3A_293 = arith.constant 1296 : index
    %swap3A_294 = tpu.vector_load %arg7[%swap3A_293] {strides = array<i32>} : memref<3072xf32, #tpu.memory_space<vmem>>, vector<16xf32>,
    tpu.vector_store %arg7[%swap3A_293], %broadcast_in_dim3A_1 {strides = array<i32>} : memref<3072xf32, #tpu.memory_space<vmem>>, vector<16xf32>,
    %swap3A_295 = arith.constant 1312 : index
    %swap3A_296 = tpu.vector_load %arg7[%swap3A_295] {strides = array<i32>} : memref<3072xf32, #tpu.memory_space<vmem>>, vector<16xf32>,
    tpu.vector_store %arg7[%swap3A_295], %broadcast_in_dim3A_1 {strides = array<i32>} : memref<3072xf32, #tpu.memory_space<vmem>>, vector<16xf32>,
    %swap3A_297 = arith.constant 1328 : index
    %swap3A_298 = tpu.vector_load %arg7[%swap3A_297] {strides = array<i32>} : memref<3072xf32, #tpu.memory_space<vmem>>, vector<16xf32>,
    tpu.vector_store %arg7[%swap3A_297], %broadcast_in_dim3A_1 {strides = array<i32>} : memref<3072xf32, #tpu.memory_space<vmem>>, vector<16xf32>,
    %swap3A_299 = arith.constant 1344 : index
    %swap3A_300 = tpu.vector_load %arg7[%swap3A_299] {strides = array<i32>} : memref<3072xf32, #tpu.memory_space<vmem>>, vector<16xf32>,
    tpu.vector_store %arg7[%swap3A_299], %broadcast_in_dim3A_1 {strides = array<i32>} : memref<3072xf32, #tpu.memory_space<vmem>>, vector<16xf32>,
    %swap3A_301 = arith.constant 1360 : index
    %swap3A_302 = tpu.vector_load %arg7[%swap3A_301] {strides = array<i32>} : memref<3072xf32, #tpu.memory_space<vmem>>, vector<16xf32>,
    tpu.vector_store %arg7[%swap3A_301], %broadcast_in_dim3A_1 {strides = array<i32>} : memref<3072xf32, #tpu.memory_space<vmem>>, vector<16xf32>,
    %swap3A_303 = arith.constant 1376 : index
    %swap3A_304 = tpu.vector_load %arg7[%swap3A_303] {strides = array<i32>} : memref<3072xf32, #tpu.memory_space<vmem>>, vector<16xf32>,
    tpu.vector_store %arg7[%swap3A_303], %broadcast_in_dim3A_1 {strides = array<i32>} : memref<3072xf32, #tpu.memory_space<vmem>>, vector<16xf32>,
    %swap3A_305 = arith.constant 1392 : index
    %swap3A_306 = tpu.vector_load %arg7[%swap3A_305] {strides = array<i32>} : memref<3072xf32, #tpu.memory_space<vmem>>, vector<16xf32>,
    tpu.vector_store %arg7[%swap3A_305], %broadcast_in_dim3A_1 {strides = array<i32>} : memref<3072xf32, #tpu.memory_space<vmem>>, vector<16xf32>,
    %swap3A_307 = arith.constant 1408 : index
    %swap3A_308 = tpu.vector_load %arg7[%swap3A_307] {strides = array<i32>} : memref<3072xf32, #tpu.memory_space<vmem>>, vector<16xf32>,
    tpu.vector_store %arg7[%swap3A_307], %broadcast_in_dim3A_1 {strides = array<i32>} : memref<3072xf32, #tpu.memory_space<vmem>>, vector<16xf32>,
    %swap3A_309 = arith.constant 1424 : index
    %swap3A_310 = tpu.vector_load %arg7[%swap3A_309] {strides = array<i32>} : memref<3072xf32, #tpu.memory_space<vmem>>, vector<16xf32>,
    tpu.vector_store %arg7[%swap3A_309], %broadcast_in_dim3A_1 {strides = array<i32>} : memref<3072xf32, #tpu.memory_space<vmem>>, vector<16xf32>,
    %swap3A_311 = arith.constant 1440 : index
    %swap3A_312 = tpu.vector_load %arg7[%swap3A_311] {strides = array<i32>} : memref<3072xf32, #tpu.memory_space<vmem>>, vector<16xf32>,
    tpu.vector_store %arg7[%swap3A_311], %broadcast_in_dim3A_1 {strides = array<i32>} : memref<3072xf32, #tpu.memory_space<vmem>>, vector<16xf32>,
    %swap3A_313 = arith.constant 1456 : index
    %swap3A_314 = tpu.vector_load %arg7[%swap3A_313] {strides = array<i32>} : memref<3072xf32, #tpu.memory_space<vmem>>, vector<16xf32>,
    tpu.vector_store %arg7[%swap3A_313], %broadcast_in_dim3A_1 {strides = array<i32>} : memref<3072xf32, #tpu.memory_space<vmem>>, vector<16xf32>,
    %swap3A_315 = arith.constant 1472 : index
    %swap3A_316 = tpu.vector_load %arg7[%swap3A_315] {strides = array<i32>} : memref<3072xf32, #tpu.memory_space<vmem>>, vector<16xf32>,
    tpu.vector_store %arg7[%swap3A_315], %broadcast_in_dim3A_1 {strides = array<i32>} : memref<3072xf32, #tpu.memory_space<vmem>>, vector<16xf32>,
    %swap3A_317 = arith.constant 1488 : index
    %swap3A_318 = tpu.vector_load %arg7[%swap3A_317] {strides = array<i32>} : memref<3072xf32, #tpu.memory_space<vmem>>, vector<16xf32>,
    tpu.vector_store %arg7[%swap3A_317], %broadcast_in_dim3A_1 {strides = array<i32>} : memref<3072xf32, #tpu.memory_space<vmem>>, vector<16xf32>,
    %swap3A_319 = arith.constant 1504 : index
    %swap3A_320 = tpu.vector_load %arg7[%swap3A_319] {strides = array<i32>} : memref<3072xf32, #tpu.memory_space<vmem>>, vector<16xf32>,
    tpu.vector_store %arg7[%swap3A_319], %broadcast_in_dim3A_1 {strides = array<i32>} : memref<3072xf32, #tpu.memory_space<vmem>>, vector<16xf32>,
    %swap3A_321 = arith.constant 1520 : index
    %swap3A_322 = tpu.vector_load %arg7[%swap3A_321] {strides = array<i32>} : memref<3072xf32, #tpu.memory_space<vmem>>, vector<16xf32>,
    tpu.vector_store %arg7[%swap3A_321], %broadcast_in_dim3A_1 {strides = array<i32>} : memref<3072xf32, #tpu.memory_space<vmem>>, vector<16xf32>,
    %swap3A_323 = arith.constant 1536 : index
    %swap3A_324 = tpu.vector_load %arg7[%swap3A_323] {strides = array<i32>} : memref<3072xf32, #tpu.memory_space<vmem>>, vector<16xf32>,
    tpu.vector_store %arg7[%swap3A_323], %broadcast_in_dim3A_1 {strides = array<i32>} : memref<3072xf32, #tpu.memory_space<vmem>>, vector<16xf32>,
    %swap3A_325 = arith.constant 1552 : index
    %swap3A_326 = tpu.vector_load %arg7[%swap3A_325] {strides = array<i32>} : memref<3072xf32, #tpu.memory_space<vmem>>, vector<16xf32>,
    tpu.vector_store %arg7[%swap3A_325], %broadcast_in_dim3A_1 {strides = array<i32>} : memref<3072xf32, #tpu.memory_space<vmem>>, vector<16xf32>,
    %swap3A_327 = arith.constant 1568 : index
    %swap3A_328 = tpu.vector_load %arg7[%swap3A_327] {strides = array<i32>} : memref<3072xf32, #tpu.memory_space<vmem>>, vector<16xf32>,
    tpu.vector_store %arg7[%swap3A_327], %broadcast_in_dim3A_1 {strides = array<i32>} : memref<3072xf32, #tpu.memory_space<vmem>>, vector<16xf32>,
    %swap3A_329 = arith.constant 1584 : index
    %swap3A_330 = tpu.vector_load %arg7[%swap3A_329] {strides = array<i32>} : memref<3072xf32, #tpu.memory_space<vmem>>, vector<16xf32>,
    tpu.vector_store %arg7[%swap3A_329], %broadcast_in_dim3A_1 {strides = array<i32>} : memref<3072xf32, #tpu.memory_space<vmem>>, vector<16xf32>,
    %swap3A_331 = arith.constant 1600 : index
    %swap3A_332 = tpu.vector_load %arg7[%swap3A_331] {strides = array<i32>} : memref<3072xf32, #tpu.memory_space<vmem>>, vector<16xf32>,
    tpu.vector_store %arg7[%swap3A_331], %broadcast_in_dim3A_1 {strides = array<i32>} : memref<3072xf32, #tpu.memory_space<vmem>>, vector<16xf32>,
    %swap3A_333 = arith.constant 1616 : index
    %swap3A_334 = tpu.vector_load %arg7[%swap3A_333] {strides = array<i32>} : memref<3072xf32, #tpu.memory_space<vmem>>, vector<16xf32>,
    tpu.vector_store %arg7[%swap3A_333], %broadcast_in_dim3A_1 {strides = array<i32>} : memref<3072xf32, #tpu.memory_space<vmem>>, vector<16xf32>,
    %swap3A_335 = arith.constant 1632 : index
    %swap3A_336 = tpu.vector_load %arg7[%swap3A_335] {strides = array<i32>} : memref<3072xf32, #tpu.memory_space<vmem>>, vector<16xf32>,
    tpu.vector_store %arg7[%swap3A_335], %broadcast_in_dim3A_1 {strides = array<i32>} : memref<3072xf32, #tpu.memory_space<vmem>>, vector<16xf32>,
    %swap3A_337 = arith.constant 1648 : index
    %swap3A_338 = tpu.vector_load %arg7[%swap3A_337] {strides = array<i32>} : memref<3072xf32, #tpu.memory_space<vmem>>, vector<16xf32>,
    tpu.vector_store %arg7[%swap3A_337], %broadcast_in_dim3A_1 {strides = array<i32>} : memref<3072xf32, #tpu.memory_space<vmem>>, vector<16xf32>,
    %swap3A_339 = arith.constant 1664 : index
    %swap3A_340 = tpu.vector_load %arg7[%swap3A_339] {strides = array<i32>} : memref<3072xf32, #tpu.memory_space<vmem>>, vector<16xf32>,
    tpu.vector_store %arg7[%swap3A_339], %broadcast_in_dim3A_1 {strides = array<i32>} : memref<3072xf32, #tpu.memory_space<vmem>>, vector<16xf32>,
    %swap3A_341 = arith.constant 1680 : index
    %swap3A_342 = tpu.vector_load %arg7[%swap3A_341] {strides = array<i32>} : memref<3072xf32, #tpu.memory_space<vmem>>, vector<16xf32>,
    tpu.vector_store %arg7[%swap3A_341], %broadcast_in_dim3A_1 {strides = array<i32>} : memref<3072xf32, #tpu.memory_space<vmem>>, vector<16xf32>,
    %swap3A_343 = arith.constant 1696 : index
    %swap3A_344 = tpu.vector_load %arg7[%swap3A_343] {strides = array<i32>} : memref<3072xf32, #tpu.memory_space<vmem>>, vector<16xf32>,
    tpu.vector_store %arg7[%swap3A_343], %broadcast_in_dim3A_1 {strides = array<i32>} : memref<3072xf32, #tpu.memory_space<vmem>>, vector<16xf32>,
    %swap3A_345 = arith.constant 1712 : index
    %swap3A_346 = tpu.vector_load %arg7[%swap3A_345] {strides = array<i32>} : memref<3072xf32, #tpu.memory_space<vmem>>, vector<16xf32>,
    tpu.vector_store %arg7[%swap3A_345], %broadcast_in_dim3A_1 {strides = array<i32>} : memref<3072xf32, #tpu.memory_space<vmem>>, vector<16xf32>,
    %swap3A_347 = arith.constant 1728 : index
    %swap3A_348 = tpu.vector_load %arg7[%swap3A_347] {strides = array<i32>} : memref<3072xf32, #tpu.memory_space<vmem>>, vector<16xf32>,
    tpu.vector_store %arg7[%swap3A_347], %broadcast_in_dim3A_1 {strides = array<i32>} : memref<3072xf32, #tpu.memory_space<vmem>>, vector<16xf32>,
    %swap3A_349 = arith.constant 1744 : index
    %swap3A_350 = tpu.vector_load %arg7[%swap3A_349] {strides = array<i32>} : memref<3072xf32, #tpu.memory_space<vmem>>, vector<16xf32>,
    tpu.vector_store %arg7[%swap3A_349], %broadcast_in_dim3A_1 {strides = array<i32>} : memref<3072xf32, #tpu.memory_space<vmem>>, vector<16xf32>,
    %swap3A_351 = arith.constant 1760 : index
    %swap3A_352 = tpu.vector_load %arg7[%swap3A_351] {strides = array<i32>} : memref<3072xf32, #tpu.memory_space<vmem>>, vector<16xf32>,
    tpu.vector_store %arg7[%swap3A_351], %broadcast_in_dim3A_1 {strides = array<i32>} : memref<3072xf32, #tpu.memory_space<vmem>>, vector<16xf32>,
    %swap3A_353 = arith.constant 1776 : index
    %swap3A_354 = tpu.vector_load %arg7[%swap3A_353] {strides = array<i32>} : memref<3072xf32, #tpu.memory_space<vmem>>, vector<16xf32>,
    tpu.vector_store %arg7[%swap3A_353], %broadcast_in_dim3A_1 {strides = array<i32>} : memref<3072xf32, #tpu.memory_space<vmem>>, vector<16xf32>,
    %swap3A_355 = arith.constant 1792 : index
    %swap3A_356 = tpu.vector_load %arg7[%swap3A_355] {strides = array<i32>} : memref<3072xf32, #tpu.memory_space<vmem>>, vector<16xf32>,
    tpu.vector_store %arg7[%swap3A_355], %broadcast_in_dim3A_1 {strides = array<i32>} : memref<3072xf32, #tpu.memory_space<vmem>>, vector<16xf32>,
    %swap3A_357 = arith.constant 1808 : index
    %swap3A_358 = tpu.vector_load %arg7[%swap3A_357] {strides = array<i32>} : memref<3072xf32, #tpu.memory_space<vmem>>, vector<16xf32>,
    tpu.vector_store %arg7[%swap3A_357], %broadcast_in_dim3A_1 {strides = array<i32>} : memref<3072xf32, #tpu.memory_space<vmem>>, vector<16xf32>,
    %swap3A_359 = arith.constant 1824 : index
    %swap3A_360 = tpu.vector_load %arg7[%swap3A_359] {strides = array<i32>} : memref<3072xf32, #tpu.memory_space<vmem>>, vector<16xf32>,
    tpu.vector_store %arg7[%swap3A_359], %broadcast_in_dim3A_1 {strides = array<i32>} : memref<3072xf32, #tpu.memory_space<vmem>>, vector<16xf32>,
    %swap3A_361 = arith.constant 1840 : index
    %swap3A_362 = tpu.vector_load %arg7[%swap3A_361] {strides = array<i32>} : memref<3072xf32, #tpu.memory_space<vmem>>, vector<16xf32>,
    tpu.vector_store %arg7[%swap3A_361], %broadcast_in_dim3A_1 {strides = array<i32>} : memref<3072xf32, #tpu.memory_space<vmem>>, vector<16xf32>,
    %swap3A_363 = arith.constant 1856 : index
    %swap3A_364 = tpu.vector_load %arg7[%swap3A_363] {strides = array<i32>} : memref<3072xf32, #tpu.memory_space<vmem>>, vector<16xf32>,
    tpu.vector_store %arg7[%swap3A_363], %broadcast_in_dim3A_1 {strides = array<i32>} : memref<3072xf32, #tpu.memory_space<vmem>>, vector<16xf32>,
    %swap3A_365 = arith.constant 1872 : index
    %swap3A_366 = tpu.vector_load %arg7[%swap3A_365] {strides = array<i32>} : memref<3072xf32, #tpu.memory_space<vmem>>, vector<16xf32>,
    tpu.vector_store %arg7[%swap3A_365], %broadcast_in_dim3A_1 {strides = array<i32>} : memref<3072xf32, #tpu.memory_space<vmem>>, vector<16xf32>,
    %swap3A_367 = arith.constant 1888 : index
    %swap3A_368 = tpu.vector_load %arg7[%swap3A_367] {strides = array<i32>} : memref<3072xf32, #tpu.memory_space<vmem>>, vector<16xf32>,
    tpu.vector_store %arg7[%swap3A_367], %broadcast_in_dim3A_1 {strides = array<i32>} : memref<3072xf32, #tpu.memory_space<vmem>>, vector<16xf32>,
    %swap3A_369 = arith.constant 1904 : index
    %swap3A_370 = tpu.vector_load %arg7[%swap3A_369] {strides = array<i32>} : memref<3072xf32, #tpu.memory_space<vmem>>, vector<16xf32>,
    tpu.vector_store %arg7[%swap3A_369], %broadcast_in_dim3A_1 {strides = array<i32>} : memref<3072xf32, #tpu.memory_space<vmem>>, vector<16xf32>,
    %swap3A_371 = arith.constant 1920 : index
    %swap3A_372 = tpu.vector_load %arg7[%swap3A_371] {strides = array<i32>} : memref<3072xf32, #tpu.memory_space<vmem>>, vector<16xf32>,
    tpu.vector_store %arg7[%swap3A_371], %broadcast_in_dim3A_1 {strides = array<i32>} : memref<3072xf32, #tpu.memory_space<vmem>>, vector<16xf32>,
    %swap3A_373 = arith.constant 1936 : index
    %swap3A_374 = tpu.vector_load %arg7[%swap3A_373] {strides = array<i32>} : memref<3072xf32, #tpu.memory_space<vmem>>, vector<16xf32>,
    tpu.vector_store %arg7[%swap3A_373], %broadcast_in_dim3A_1 {strides = array<i32>} : memref<3072xf32, #tpu.memory_space<vmem>>, vector<16xf32>,
    %swap3A_375 = arith.constant 1952 : index
    %swap3A_376 = tpu.vector_load %arg7[%swap3A_375] {strides = array<i32>} : memref<3072xf32, #tpu.memory_space<vmem>>, vector<16xf32>,
    tpu.vector_store %arg7[%swap3A_375], %broadcast_in_dim3A_1 {strides = array<i32>} : memref<3072xf32, #tpu.memory_space<vmem>>, vector<16xf32>,
    %swap3A_377 = arith.constant 1968 : index
    %swap3A_378 = tpu.vector_load %arg7[%swap3A_377] {strides = array<i32>} : memref<3072xf32, #tpu.memory_space<vmem>>, vector<16xf32>,
    tpu.vector_store %arg7[%swap3A_377], %broadcast_in_dim3A_1 {strides = array<i32>} : memref<3072xf32, #tpu.memory_space<vmem>>, vector<16xf32>,
    %swap3A_379 = arith.constant 1984 : index
    %swap3A_380 = tpu.vector_load %arg7[%swap3A_379] {strides = array<i32>} : memref<3072xf32, #tpu.memory_space<vmem>>, vector<16xf32>,
    tpu.vector_store %arg7[%swap3A_379], %broadcast_in_dim3A_1 {strides = array<i32>} : memref<3072xf32, #tpu.memory_space<vmem>>, vector<16xf32>,
    %swap3A_381 = arith.constant 2000 : index
    %swap3A_382 = tpu.vector_load %arg7[%swap3A_381] {strides = array<i32>} : memref<3072xf32, #tpu.memory_space<vmem>>, vector<16xf32>,
    tpu.vector_store %arg7[%swap3A_381], %broadcast_in_dim3A_1 {strides = array<i32>} : memref<3072xf32, #tpu.memory_space<vmem>>, vector<16xf32>,
    %swap3A_383 = arith.constant 2016 : index
    %swap3A_384 = tpu.vector_load %arg7[%swap3A_383] {strides = array<i32>} : memref<3072xf32, #tpu.memory_space<vmem>>, vector<16xf32>,
    tpu.vector_store %arg7[%swap3A_383], %broadcast_in_dim3A_1 {strides = array<i32>} : memref<3072xf32, #tpu.memory_space<vmem>>, vector<16xf32>,
    %swap3A_385 = arith.constant 2032 : index
    %swap3A_386 = tpu.vector_load %arg7[%swap3A_385] {strides = array<i32>} : memref<3072xf32, #tpu.memory_space<vmem>>, vector<16xf32>,
    tpu.vector_store %arg7[%swap3A_385], %broadcast_in_dim3A_1 {strides = array<i32>} : memref<3072xf32, #tpu.memory_space<vmem>>, vector<16xf32>,
    %swap3A_387 = arith.constant 2048 : index
    %swap3A_388 = tpu.vector_load %arg7[%swap3A_387] {strides = array<i32>} : memref<3072xf32, #tpu.memory_space<vmem>>, vector<16xf32>,
    tpu.vector_store %arg7[%swap3A_387], %broadcast_in_dim3A_1 {strides = array<i32>} : memref<3072xf32, #tpu.memory_space<vmem>>, vector<16xf32>,
    %swap3A_389 = arith.constant 2064 : index
    %swap3A_390 = tpu.vector_load %arg7[%swap3A_389] {strides = array<i32>} : memref<3072xf32, #tpu.memory_space<vmem>>, vector<16xf32>,
    tpu.vector_store %arg7[%swap3A_389], %broadcast_in_dim3A_1 {strides = array<i32>} : memref<3072xf32, #tpu.memory_space<vmem>>, vector<16xf32>,
    %swap3A_391 = arith.constant 2080 : index
    %swap3A_392 = tpu.vector_load %arg7[%swap3A_391] {strides = array<i32>} : memref<3072xf32, #tpu.memory_space<vmem>>, vector<16xf32>,
    tpu.vector_store %arg7[%swap3A_391], %broadcast_in_dim3A_1 {strides = array<i32>} : memref<3072xf32, #tpu.memory_space<vmem>>, vector<16xf32>,
    %swap3A_393 = arith.constant 2096 : index
    %swap3A_394 = tpu.vector_load %arg7[%swap3A_393] {strides = array<i32>} : memref<3072xf32, #tpu.memory_space<vmem>>, vector<16xf32>,
    tpu.vector_store %arg7[%swap3A_393], %broadcast_in_dim3A_1 {strides = array<i32>} : memref<3072xf32, #tpu.memory_space<vmem>>, vector<16xf32>,
    %swap3A_395 = arith.constant 2112 : index
    %swap3A_396 = tpu.vector_load %arg7[%swap3A_395] {strides = array<i32>} : memref<3072xf32, #tpu.memory_space<vmem>>, vector<16xf32>,
    tpu.vector_store %arg7[%swap3A_395], %broadcast_in_dim3A_1 {strides = array<i32>} : memref<3072xf32, #tpu.memory_space<vmem>>, vector<16xf32>,
    %swap3A_397 = arith.constant 2128 : index
    %swap3A_398 = tpu.vector_load %arg7[%swap3A_397] {strides = array<i32>} : memref<3072xf32, #tpu.memory_space<vmem>>, vector<16xf32>,
    tpu.vector_store %arg7[%swap3A_397], %broadcast_in_dim3A_1 {strides = array<i32>} : memref<3072xf32, #tpu.memory_space<vmem>>, vector<16xf32>,
    %swap3A_399 = arith.constant 2144 : index
    %swap3A_400 = tpu.vector_load %arg7[%swap3A_399] {strides = array<i32>} : memref<3072xf32, #tpu.memory_space<vmem>>, vector<16xf32>,
    tpu.vector_store %arg7[%swap3A_399], %broadcast_in_dim3A_1 {strides = array<i32>} : memref<3072xf32, #tpu.memory_space<vmem>>, vector<16xf32>,
    %swap3A_401 = arith.constant 2160 : index
    %swap3A_402 = tpu.vector_load %arg7[%swap3A_401] {strides = array<i32>} : memref<3072xf32, #tpu.memory_space<vmem>>, vector<16xf32>,
    tpu.vector_store %arg7[%swap3A_401], %broadcast_in_dim3A_1 {strides = array<i32>} : memref<3072xf32, #tpu.memory_space<vmem>>, vector<16xf32>,
    %swap3A_403 = arith.constant 2176 : index
    %swap3A_404 = tpu.vector_load %arg7[%swap3A_403] {strides = array<i32>} : memref<3072xf32, #tpu.memory_space<vmem>>, vector<16xf32>,
    tpu.vector_store %arg7[%swap3A_403], %broadcast_in_dim3A_1 {strides = array<i32>} : memref<3072xf32, #tpu.memory_space<vmem>>, vector<16xf32>,
    %swap3A_405 = arith.constant 2192 : index
    %swap3A_406 = tpu.vector_load %arg7[%swap3A_405] {strides = array<i32>} : memref<3072xf32, #tpu.memory_space<vmem>>, vector<16xf32>,
    tpu.vector_store %arg7[%swap3A_405], %broadcast_in_dim3A_1 {strides = array<i32>} : memref<3072xf32, #tpu.memory_space<vmem>>, vector<16xf32>,
    %swap3A_407 = arith.constant 2208 : index
    %swap3A_408 = tpu.vector_load %arg7[%swap3A_407] {strides = array<i32>} : memref<3072xf32, #tpu.memory_space<vmem>>, vector<16xf32>,
    tpu.vector_store %arg7[%swap3A_407], %broadcast_in_dim3A_1 {strides = array<i32>} : memref<3072xf32, #tpu.memory_space<vmem>>, vector<16xf32>,
    %swap3A_409 = arith.constant 2224 : index
    %swap3A_410 = tpu.vector_load %arg7[%swap3A_409] {strides = array<i32>} : memref<3072xf32, #tpu.memory_space<vmem>>, vector<16xf32>,
    tpu.vector_store %arg7[%swap3A_409], %broadcast_in_dim3A_1 {strides = array<i32>} : memref<3072xf32, #tpu.memory_space<vmem>>, vector<16xf32>,
    %swap3A_411 = arith.constant 2240 : index
    %swap3A_412 = tpu.vector_load %arg7[%swap3A_411] {strides = array<i32>} : memref<3072xf32, #tpu.memory_space<vmem>>, vector<16xf32>,
    tpu.vector_store %arg7[%swap3A_411], %broadcast_in_dim3A_1 {strides = array<i32>} : memref<3072xf32, #tpu.memory_space<vmem>>, vector<16xf32>,
    %swap3A_413 = arith.constant 2256 : index
    %swap3A_414 = tpu.vector_load %arg7[%swap3A_413] {strides = array<i32>} : memref<3072xf32, #tpu.memory_space<vmem>>, vector<16xf32>,
    tpu.vector_store %arg7[%swap3A_413], %broadcast_in_dim3A_1 {strides = array<i32>} : memref<3072xf32, #tpu.memory_space<vmem>>, vector<16xf32>,
    %swap3A_415 = arith.constant 2272 : index
    %swap3A_416 = tpu.vector_load %arg7[%swap3A_415] {strides = array<i32>} : memref<3072xf32, #tpu.memory_space<vmem>>, vector<16xf32>,
    tpu.vector_store %arg7[%swap3A_415], %broadcast_in_dim3A_1 {strides = array<i32>} : memref<3072xf32, #tpu.memory_space<vmem>>, vector<16xf32>,
    %swap3A_417 = arith.constant 2288 : index
    %swap3A_418 = tpu.vector_load %arg7[%swap3A_417] {strides = array<i32>} : memref<3072xf32, #tpu.memory_space<vmem>>, vector<16xf32>,
    tpu.vector_store %arg7[%swap3A_417], %broadcast_in_dim3A_1 {strides = array<i32>} : memref<3072xf32, #tpu.memory_space<vmem>>, vector<16xf32>,
    %swap3A_419 = arith.constant 2304 : index
    %swap3A_420 = tpu.vector_load %arg7[%swap3A_419] {strides = array<i32>} : memref<3072xf32, #tpu.memory_space<vmem>>, vector<16xf32>,
    tpu.vector_store %arg7[%swap3A_419], %broadcast_in_dim3A_1 {strides = array<i32>} : memref<3072xf32, #tpu.memory_space<vmem>>, vector<16xf32>,
    %swap3A_421 = arith.constant 2320 : index
    %swap3A_422 = tpu.vector_load %arg7[%swap3A_421] {strides = array<i32>} : memref<3072xf32, #tpu.memory_space<vmem>>, vector<16xf32>,
    tpu.vector_store %arg7[%swap3A_421], %broadcast_in_dim3A_1 {strides = array<i32>} : memref<3072xf32, #tpu.memory_space<vmem>>, vector<16xf32>,
    %swap3A_423 = arith.constant 2336 : index
    %swap3A_424 = tpu.vector_load %arg7[%swap3A_423] {strides = array<i32>} : memref<3072xf32, #tpu.memory_space<vmem>>, vector<16xf32>,
    tpu.vector_store %arg7[%swap3A_423], %broadcast_in_dim3A_1 {strides = array<i32>} : memref<3072xf32, #tpu.memory_space<vmem>>, vector<16xf32>,
    %swap3A_425 = arith.constant 2352 : index
    %swap3A_426 = tpu.vector_load %arg7[%swap3A_425] {strides = array<i32>} : memref<3072xf32, #tpu.memory_space<vmem>>, vector<16xf32>,
    tpu.vector_store %arg7[%swap3A_425], %broadcast_in_dim3A_1 {strides = array<i32>} : memref<3072xf32, #tpu.memory_space<vmem>>, vector<16xf32>,
    %swap3A_427 = arith.constant 2368 : index
    %swap3A_428 = tpu.vector_load %arg7[%swap3A_427] {strides = array<i32>} : memref<3072xf32, #tpu.memory_space<vmem>>, vector<16xf32>,
    tpu.vector_store %arg7[%swap3A_427], %broadcast_in_dim3A_1 {strides = array<i32>} : memref<3072xf32, #tpu.memory_space<vmem>>, vector<16xf32>,
    %swap3A_429 = arith.constant 2384 : index
    %swap3A_430 = tpu.vector_load %arg7[%swap3A_429] {strides = array<i32>} : memref<3072xf32, #tpu.memory_space<vmem>>, vector<16xf32>,
    tpu.vector_store %arg7[%swap3A_429], %broadcast_in_dim3A_1 {strides = array<i32>} : memref<3072xf32, #tpu.memory_space<vmem>>, vector<16xf32>,
    %swap3A_431 = arith.constant 2400 : index
    %swap3A_432 = tpu.vector_load %arg7[%swap3A_431] {strides = array<i32>} : memref<3072xf32, #tpu.memory_space<vmem>>, vector<16xf32>,
    tpu.vector_store %arg7[%swap3A_431], %broadcast_in_dim3A_1 {strides = array<i32>} : memref<3072xf32, #tpu.memory_space<vmem>>, vector<16xf32>,
    %swap3A_433 = arith.constant 2416 : index
    %swap3A_434 = tpu.vector_load %arg7[%swap3A_433] {strides = array<i32>} : memref<3072xf32, #tpu.memory_space<vmem>>, vector<16xf32>,
    tpu.vector_store %arg7[%swap3A_433], %broadcast_in_dim3A_1 {strides = array<i32>} : memref<3072xf32, #tpu.memory_space<vmem>>, vector<16xf32>,
    %swap3A_435 = arith.constant 2432 : index
    %swap3A_436 = tpu.vector_load %arg7[%swap3A_435] {strides = array<i32>} : memref<3072xf32, #tpu.memory_space<vmem>>, vector<16xf32>,
    tpu.vector_store %arg7[%swap3A_435], %broadcast_in_dim3A_1 {strides = array<i32>} : memref<3072xf32, #tpu.memory_space<vmem>>, vector<16xf32>,
    %swap3A_437 = arith.constant 2448 : index
    %swap3A_438 = tpu.vector_load %arg7[%swap3A_437] {strides = array<i32>} : memref<3072xf32, #tpu.memory_space<vmem>>, vector<16xf32>,
    tpu.vector_store %arg7[%swap3A_437], %broadcast_in_dim3A_1 {strides = array<i32>} : memref<3072xf32, #tpu.memory_space<vmem>>, vector<16xf32>,
    %swap3A_439 = arith.constant 2464 : index
    %swap3A_440 = tpu.vector_load %arg7[%swap3A_439] {strides = array<i32>} : memref<3072xf32, #tpu.memory_space<vmem>>, vector<16xf32>,
    tpu.vector_store %arg7[%swap3A_439], %broadcast_in_dim3A_1 {strides = array<i32>} : memref<3072xf32, #tpu.memory_space<vmem>>, vector<16xf32>,
    %swap3A_441 = arith.constant 2480 : index
    %swap3A_442 = tpu.vector_load %arg7[%swap3A_441] {strides = array<i32>} : memref<3072xf32, #tpu.memory_space<vmem>>, vector<16xf32>,
    tpu.vector_store %arg7[%swap3A_441], %broadcast_in_dim3A_1 {strides = array<i32>} : memref<3072xf32, #tpu.memory_space<vmem>>, vector<16xf32>,
    %swap3A_443 = arith.constant 2496 : index
    %swap3A_444 = tpu.vector_load %arg7[%swap3A_443] {strides = array<i32>} : memref<3072xf32, #tpu.memory_space<vmem>>, vector<16xf32>,
    tpu.vector_store %arg7[%swap3A_443], %broadcast_in_dim3A_1 {strides = array<i32>} : memref<3072xf32, #tpu.memory_space<vmem>>, vector<16xf32>,
    %swap3A_445 = arith.constant 2512 : index
    %swap3A_446 = tpu.vector_load %arg7[%swap3A_445] {strides = array<i32>} : memref<3072xf32, #tpu.memory_space<vmem>>, vector<16xf32>,
    tpu.vector_store %arg7[%swap3A_445], %broadcast_in_dim3A_1 {strides = array<i32>} : memref<3072xf32, #tpu.memory_space<vmem>>, vector<16xf32>,
    %swap3A_447 = arith.constant 2528 : index
    %swap3A_448 = tpu.vector_load %arg7[%swap3A_447] {strides = array<i32>} : memref<3072xf32, #tpu.memory_space<vmem>>, vector<16xf32>,
    tpu.vector_store %arg7[%swap3A_447], %broadcast_in_dim3A_1 {strides = array<i32>} : memref<3072xf32, #tpu.memory_space<vmem>>, vector<16xf32>,
    %swap3A_449 = arith.constant 2544 : index
    %swap3A_450 = tpu.vector_load %arg7[%swap3A_449] {strides = array<i32>} : memref<3072xf32, #tpu.memory_space<vmem>>, vector<16xf32>,
    tpu.vector_store %arg7[%swap3A_449], %broadcast_in_dim3A_1 {strides = array<i32>} : memref<3072xf32, #tpu.memory_space<vmem>>, vector<16xf32>,
    %swap3A_451 = arith.constant 2560 : index
    %swap3A_452 = tpu.vector_load %arg7[%swap3A_451] {strides = array<i32>} : memref<3072xf32, #tpu.memory_space<vmem>>, vector<16xf32>,
    tpu.vector_store %arg7[%swap3A_451], %broadcast_in_dim3A_1 {strides = array<i32>} : memref<3072xf32, #tpu.memory_space<vmem>>, vector<16xf32>,
    %swap3A_453 = arith.constant 2576 : index
    %swap3A_454 = tpu.vector_load %arg7[%swap3A_453] {strides = array<i32>} : memref<3072xf32, #tpu.memory_space<vmem>>, vector<16xf32>,
    tpu.vector_store %arg7[%swap3A_453], %broadcast_in_dim3A_1 {strides = array<i32>} : memref<3072xf32, #tpu.memory_space<vmem>>, vector<16xf32>,
    %swap3A_455 = arith.constant 2592 : index
    %swap3A_456 = tpu.vector_load %arg7[%swap3A_455] {strides = array<i32>} : memref<3072xf32, #tpu.memory_space<vmem>>, vector<16xf32>,
    tpu.vector_store %arg7[%swap3A_455], %broadcast_in_dim3A_1 {strides = array<i32>} : memref<3072xf32, #tpu.memory_space<vmem>>, vector<16xf32>,
    %swap3A_457 = arith.constant 2608 : index
    %swap3A_458 = tpu.vector_load %arg7[%swap3A_457] {strides = array<i32>} : memref<3072xf32, #tpu.memory_space<vmem>>, vector<16xf32>,
    tpu.vector_store %arg7[%swap3A_457], %broadcast_in_dim3A_1 {strides = array<i32>} : memref<3072xf32, #tpu.memory_space<vmem>>, vector<16xf32>,
    %swap3A_459 = arith.constant 2624 : index
    %swap3A_460 = tpu.vector_load %arg7[%swap3A_459] {strides = array<i32>} : memref<3072xf32, #tpu.memory_space<vmem>>, vector<16xf32>,
    tpu.vector_store %arg7[%swap3A_459], %broadcast_in_dim3A_1 {strides = array<i32>} : memref<3072xf32, #tpu.memory_space<vmem>>, vector<16xf32>,
    %swap3A_461 = arith.constant 2640 : index
    %swap3A_462 = tpu.vector_load %arg7[%swap3A_461] {strides = array<i32>} : memref<3072xf32, #tpu.memory_space<vmem>>, vector<16xf32>,
    tpu.vector_store %arg7[%swap3A_461], %broadcast_in_dim3A_1 {strides = array<i32>} : memref<3072xf32, #tpu.memory_space<vmem>>, vector<16xf32>,
    %swap3A_463 = arith.constant 2656 : index
    %swap3A_464 = tpu.vector_load %arg7[%swap3A_463] {strides = array<i32>} : memref<3072xf32, #tpu.memory_space<vmem>>, vector<16xf32>,
    tpu.vector_store %arg7[%swap3A_463], %broadcast_in_dim3A_1 {strides = array<i32>} : memref<3072xf32, #tpu.memory_space<vmem>>, vector<16xf32>,
    %swap3A_465 = arith.constant 2672 : index
    %swap3A_466 = tpu.vector_load %arg7[%swap3A_465] {strides = array<i32>} : memref<3072xf32, #tpu.memory_space<vmem>>, vector<16xf32>,
    tpu.vector_store %arg7[%swap3A_465], %broadcast_in_dim3A_1 {strides = array<i32>} : memref<3072xf32, #tpu.memory_space<vmem>>, vector<16xf32>,
    %swap3A_467 = arith.constant 2688 : index
    %swap3A_468 = tpu.vector_load %arg7[%swap3A_467] {strides = array<i32>} : memref<3072xf32, #tpu.memory_space<vmem>>, vector<16xf32>,
    tpu.vector_store %arg7[%swap3A_467], %broadcast_in_dim3A_1 {strides = array<i32>} : memref<3072xf32, #tpu.memory_space<vmem>>, vector<16xf32>,
    %swap3A_469 = arith.constant 2704 : index
    %swap3A_470 = tpu.vector_load %arg7[%swap3A_469] {strides = array<i32>} : memref<3072xf32, #tpu.memory_space<vmem>>, vector<16xf32>,
    tpu.vector_store %arg7[%swap3A_469], %broadcast_in_dim3A_1 {strides = array<i32>} : memref<3072xf32, #tpu.memory_space<vmem>>, vector<16xf32>,
    %swap3A_471 = arith.constant 2720 : index
    %swap3A_472 = tpu.vector_load %arg7[%swap3A_471] {strides = array<i32>} : memref<3072xf32, #tpu.memory_space<vmem>>, vector<16xf32>,
    tpu.vector_store %arg7[%swap3A_471], %broadcast_in_dim3A_1 {strides = array<i32>} : memref<3072xf32, #tpu.memory_space<vmem>>, vector<16xf32>,
    %swap3A_473 = arith.constant 2736 : index
    %swap3A_474 = tpu.vector_load %arg7[%swap3A_473] {strides = array<i32>} : memref<3072xf32, #tpu.memory_space<vmem>>, vector<16xf32>,
    tpu.vector_store %arg7[%swap3A_473], %broadcast_in_dim3A_1 {strides = array<i32>} : memref<3072xf32, #tpu.memory_space<vmem>>, vector<16xf32>,
    %swap3A_475 = arith.constant 2752 : index
    %swap3A_476 = tpu.vector_load %arg7[%swap3A_475] {strides = array<i32>} : memref<3072xf32, #tpu.memory_space<vmem>>, vector<16xf32>,
    tpu.vector_store %arg7[%swap3A_475], %broadcast_in_dim3A_1 {strides = array<i32>} : memref<3072xf32, #tpu.memory_space<vmem>>, vector<16xf32>,
    %swap3A_477 = arith.constant 2768 : index
    %swap3A_478 = tpu.vector_load %arg7[%swap3A_477] {strides = array<i32>} : memref<3072xf32, #tpu.memory_space<vmem>>, vector<16xf32>,
    tpu.vector_store %arg7[%swap3A_477], %broadcast_in_dim3A_1 {strides = array<i32>} : memref<3072xf32, #tpu.memory_space<vmem>>, vector<16xf32>,
    %swap3A_479 = arith.constant 2784 : index
    %swap3A_480 = tpu.vector_load %arg7[%swap3A_479] {strides = array<i32>} : memref<3072xf32, #tpu.memory_space<vmem>>, vector<16xf32>,
    tpu.vector_store %arg7[%swap3A_479], %broadcast_in_dim3A_1 {strides = array<i32>} : memref<3072xf32, #tpu.memory_space<vmem>>, vector<16xf32>,
    %swap3A_481 = arith.constant 2800 : index
    %swap3A_482 = tpu.vector_load %arg7[%swap3A_481] {strides = array<i32>} : memref<3072xf32, #tpu.memory_space<vmem>>, vector<16xf32>,
    tpu.vector_store %arg7[%swap3A_481], %broadcast_in_dim3A_1 {strides = array<i32>} : memref<3072xf32, #tpu.memory_space<vmem>>, vector<16xf32>,
    %swap3A_483 = arith.constant 2816 : index
    %swap3A_484 = tpu.vector_load %arg7[%swap3A_483] {strides = array<i32>} : memref<3072xf32, #tpu.memory_space<vmem>>, vector<16xf32>,
    tpu.vector_store %arg7[%swap3A_483], %broadcast_in_dim3A_1 {strides = array<i32>} : memref<3072xf32, #tpu.memory_space<vmem>>, vector<16xf32>,
    %swap3A_485 = arith.constant 2832 : index
    %swap3A_486 = tpu.vector_load %arg7[%swap3A_485] {strides = array<i32>} : memref<3072xf32, #tpu.memory_space<vmem>>, vector<16xf32>,
    tpu.vector_store %arg7[%swap3A_485], %broadcast_in_dim3A_1 {strides = array<i32>} : memref<3072xf32, #tpu.memory_space<vmem>>, vector<16xf32>,
    %swap3A_487 = arith.constant 2848 : index
    %swap3A_488 = tpu.vector_load %arg7[%swap3A_487] {strides = array<i32>} : memref<3072xf32, #tpu.memory_space<vmem>>, vector<16xf32>,
    tpu.vector_store %arg7[%swap3A_487], %broadcast_in_dim3A_1 {strides = array<i32>} : memref<3072xf32, #tpu.memory_space<vmem>>, vector<16xf32>,
    %swap3A_489 = arith.constant 2864 : index
    %swap3A_490 = tpu.vector_load %arg7[%swap3A_489] {strides = array<i32>} : memref<3072xf32, #tpu.memory_space<vmem>>, vector<16xf32>,
    tpu.vector_store %arg7[%swap3A_489], %broadcast_in_dim3A_1 {strides = array<i32>} : memref<3072xf32, #tpu.memory_space<vmem>>, vector<16xf32>,
    %swap3A_491 = arith.constant 2880 : index
    %swap3A_492 = tpu.vector_load %arg7[%swap3A_491] {strides = array<i32>} : memref<3072xf32, #tpu.memory_space<vmem>>, vector<16xf32>,
    tpu.vector_store %arg7[%swap3A_491], %broadcast_in_dim3A_1 {strides = array<i32>} : memref<3072xf32, #tpu.memory_space<vmem>>, vector<16xf32>,
    %swap3A_493 = arith.constant 2896 : index
    %swap3A_494 = tpu.vector_load %arg7[%swap3A_493] {strides = array<i32>} : memref<3072xf32, #tpu.memory_space<vmem>>, vector<16xf32>,
    tpu.vector_store %arg7[%swap3A_493], %broadcast_in_dim3A_1 {strides = array<i32>} : memref<3072xf32, #tpu.memory_space<vmem>>, vector<16xf32>,
    %swap3A_495 = arith.constant 2912 : index
    %swap3A_496 = tpu.vector_load %arg7[%swap3A_495] {strides = array<i32>} : memref<3072xf32, #tpu.memory_space<vmem>>, vector<16xf32>,
    tpu.vector_store %arg7[%swap3A_495], %broadcast_in_dim3A_1 {strides = array<i32>} : memref<3072xf32, #tpu.memory_space<vmem>>, vector<16xf32>,
    %swap3A_497 = arith.constant 2928 : index
    %swap3A_498 = tpu.vector_load %arg7[%swap3A_497] {strides = array<i32>} : memref<3072xf32, #tpu.memory_space<vmem>>, vector<16xf32>,
    tpu.vector_store %arg7[%swap3A_497], %broadcast_in_dim3A_1 {strides = array<i32>} : memref<3072xf32, #tpu.memory_space<vmem>>, vector<16xf32>,
    %swap3A_499 = arith.constant 2944 : index
    %swap3A_500 = tpu.vector_load %arg7[%swap3A_499] {strides = array<i32>} : memref<3072xf32, #tpu.memory_space<vmem>>, vector<16xf32>,
    tpu.vector_store %arg7[%swap3A_499], %broadcast_in_dim3A_1 {strides = array<i32>} : memref<3072xf32, #tpu.memory_space<vmem>>, vector<16xf32>,
    %swap3A_501 = arith.constant 2960 : index
    %swap3A_502 = tpu.vector_load %arg7[%swap3A_501] {strides = array<i32>} : memref<3072xf32, #tpu.memory_space<vmem>>, vector<16xf32>,
    tpu.vector_store %arg7[%swap3A_501], %broadcast_in_dim3A_1 {strides = array<i32>} : memref<3072xf32, #tpu.memory_space<vmem>>, vector<16xf32>,
    %swap3A_503 = arith.constant 2976 : index
    %swap3A_504 = tpu.vector_load %arg7[%swap3A_503] {strides = array<i32>} : memref<3072xf32, #tpu.memory_space<vmem>>, vector<16xf32>,
    tpu.vector_store %arg7[%swap3A_503], %broadcast_in_dim3A_1 {strides = array<i32>} : memref<3072xf32, #tpu.memory_space<vmem>>, vector<16xf32>,
    %swap3A_505 = arith.constant 2992 : index
    %swap3A_506 = tpu.vector_load %arg7[%swap3A_505] {strides = array<i32>} : memref<3072xf32, #tpu.memory_space<vmem>>, vector<16xf32>,
    tpu.vector_store %arg7[%swap3A_505], %broadcast_in_dim3A_1 {strides = array<i32>} : memref<3072xf32, #tpu.memory_space<vmem>>, vector<16xf32>,
    %swap3A_507 = arith.constant 3008 : index
    %swap3A_508 = tpu.vector_load %arg7[%swap3A_507] {strides = array<i32>} : memref<3072xf32, #tpu.memory_space<vmem>>, vector<16xf32>,
    tpu.vector_store %arg7[%swap3A_507], %broadcast_in_dim3A_1 {strides = array<i32>} : memref<3072xf32, #tpu.memory_space<vmem>>, vector<16xf32>,
    %swap3A_509 = arith.constant 3024 : index
    %swap3A_510 = tpu.vector_load %arg7[%swap3A_509] {strides = array<i32>} : memref<3072xf32, #tpu.memory_space<vmem>>, vector<16xf32>,
    tpu.vector_store %arg7[%swap3A_509], %broadcast_in_dim3A_1 {strides = array<i32>} : memref<3072xf32, #tpu.memory_space<vmem>>, vector<16xf32>,
    %swap3A_511 = arith.constant 3040 : index
    %swap3A_512 = tpu.vector_load %arg7[%swap3A_511] {strides = array<i32>} : memref<3072xf32, #tpu.memory_space<vmem>>, vector<16xf32>,
    tpu.vector_store %arg7[%swap3A_511], %broadcast_in_dim3A_1 {strides = array<i32>} : memref<3072xf32, #tpu.memory_space<vmem>>, vector<16xf32>,
    %swap3A_513 = arith.constant 3056 : index
    %swap3A_514 = tpu.vector_load %arg7[%swap3A_513] {strides = array<i32>} : memref<3072xf32, #tpu.memory_space<vmem>>, vector<16xf32>,
    tpu.vector_store %arg7[%swap3A_513], %broadcast_in_dim3A_1 {strides = array<i32>} : memref<3072xf32, #tpu.memory_space<vmem>>, vector<16xf32>,
    %mul3A_515 = arith.constant 3 : i32
    %mul3A_516 = arith.muli %add3A, %mul3A_515 : i32
    %mul3A_517 = arith.constant 0 : i32
    %mul3A_518 = arith.constant 8 : i32
    %mul3A_519 = arith.muli %mul3A_517, %mul3A_518 : i32
    %dma_start3A = arith.constant 0 : i32
    %dma_start3A_520 = arith.constant 0 : i32
    %dma_start3A_521 = tpu.memref_slice %arg5[%dma_start3A, %dma_start3A_520] : memref<16x512xi32, #tpu.memory_space<vmem>> -> memref<8x512xi32, #tpu.memory_space<vmem>>
    %dma_start3A_522 = arith.constant 0 : i32
    %dma_start3A_523 = tpu.memref_slice %arg3[%mul3A_519, %dma_start3A_522] : memref<512x512xi32, #tpu.memory_space<hbm>> -> memref<8x512xi32, #tpu.memory_space<hbm>>
    %dma_start3A_524 = arith.constant 0 : i32
    %dma_start3A_525 = arith.constant 0 : i32
    %dma_start3A_526 = tpu.memref_slice %arg5[%dma_start3A_524, %dma_start3A_525] : memref<16x512xi32, #tpu.memory_space<vmem>> -> memref<8x512xi32, #tpu.memory_space<vmem>>
    %dma_start3A_527 = arith.constant 0 : i32
    %dma_start3A_528 = tpu.memref_slice %arg3[%mul3A_519, %dma_start3A_527] : memref<512x512xi32, #tpu.memory_space<hbm>> -> memref<8x512xi32, #tpu.memory_space<hbm>>
    tpu.enqueue_dma source(%dma_start3A_528 : memref<8x512xi32, #tpu.memory_space<hbm>>) target(%dma_start3A_526 : memref<8x512xi32, #tpu.memory_space<vmem>>) target_semaphore(%arg12 : memref<!tpu.dma_semaphore, #tpu.memory_space<semaphore_mem>>)
    %add3A_529 = arith.constant 0 : i32
    %add3A_530 = arith.addi %mul3A_516, %add3A_529 : i32
    %mul3A_531 = arith.constant 0 : i32
    %mul3A_532 = arith.constant 8 : i32
    %mul3A_533 = arith.muli %mul3A_531, %mul3A_532 : i32
    %dma_start3A_534 = arith.constant 0 : i32
    %dma_start3A_535 = arith.constant 0 : i32
    %dma_start3A_536 = tpu.memref_slice %arg6[%dma_start3A_534, %dma_start3A_535] : memref<48x512xf32, #tpu.memory_space<vmem>> -> memref<8x512xf32, #tpu.memory_space<vmem>>
    %dma_start3A_537 = arith.constant 0 : i32
    %dma_start3A_538 = tpu.memref_slice %arg2[%add3A_530, %mul3A_533, %dma_start3A_537] : memref<96x512x512xf32, #tpu.memory_space<hbm>> -> memref<1x8x512xf32, #tpu.memory_space<hbm>>
    %dma_start3A_539 = tpu.memref_squeeze %dma_start3A_538 : memref<1x8x512xf32, #tpu.memory_space<hbm>> -> memref<8x512xf32, #tpu.memory_space<hbm>>
    %dma_start3A_540 = arith.constant 0 : i32
    %dma_start3A_541 = arith.constant 0 : i32
    %dma_start3A_542 = tpu.memref_slice %arg6[%dma_start3A_540, %dma_start3A_541] : memref<48x512xf32, #tpu.memory_space<vmem>> -> memref<8x512xf32, #tpu.memory_space<vmem>>
    %dma_start3A_543 = arith.constant 0 : i32
    %dma_start3A_544 = tpu.memref_slice %arg2[%add3A_530, %mul3A_533, %dma_start3A_543] : memref<96x512x512xf32, #tpu.memory_space<hbm>> -> memref<1x8x512xf32, #tpu.memory_space<hbm>>
    %dma_start3A_545 = tpu.memref_squeeze %dma_start3A_544 : memref<1x8x512xf32, #tpu.memory_space<hbm>> -> memref<8x512xf32, #tpu.memory_space<hbm>>
    tpu.enqueue_dma source(%dma_start3A_545 : memref<8x512xf32, #tpu.memory_space<hbm>>) target(%dma_start3A_542 : memref<8x512xf32, #tpu.memory_space<vmem>>) target_semaphore(%arg12 : memref<!tpu.dma_semaphore, #tpu.memory_space<semaphore_mem>>)
    %add3A_546 = arith.constant 1 : i32
    %add3A_547 = arith.addi %mul3A_516, %add3A_546 : i32
    %mul3A_548 = arith.constant 0 : i32
    %mul3A_549 = arith.constant 8 : i32
    %mul3A_550 = arith.muli %mul3A_548, %mul3A_549 : i32
    %dma_start3A_551 = arith.constant 8 : i32
    %dma_start3A_552 = arith.constant 0 : i32
    %dma_start3A_553 = tpu.memref_slice %arg6[%dma_start3A_551, %dma_start3A_552] : memref<48x512xf32, #tpu.memory_space<vmem>> -> memref<8x512xf32, #tpu.memory_space<vmem>>
    %dma_start3A_554 = arith.constant 0 : i32
    %dma_start3A_555 = tpu.memref_slice %arg2[%add3A_547, %mul3A_550, %dma_start3A_554] : memref<96x512x512xf32, #tpu.memory_space<hbm>> -> memref<1x8x512xf32, #tpu.memory_space<hbm>>
    %dma_start3A_556 = tpu.memref_squeeze %dma_start3A_555 : memref<1x8x512xf32, #tpu.memory_space<hbm>> -> memref<8x512xf32, #tpu.memory_space<hbm>>
    %dma_start3A_557 = arith.constant 8 : i32
    %dma_start3A_558 = arith.constant 0 : i32
    %dma_start3A_559 = tpu.memref_slice %arg6[%dma_start3A_557, %dma_start3A_558] : memref<48x512xf32, #tpu.memory_space<vmem>> -> memref<8x512xf32, #tpu.memory_space<vmem>>
    %dma_start3A_560 = arith.constant 0 : i32
    %dma_start3A_561 = tpu.memref_slice %arg2[%add3A_547, %mul3A_550, %dma_start3A_560] : memref<96x512x512xf32, #tpu.memory_space<hbm>> -> memref<1x8x512xf32, #tpu.memory_space<hbm>>
    %dma_start3A_562 = tpu.memref_squeeze %dma_start3A_561 : memref<1x8x512xf32, #tpu.memory_space<hbm>> -> memref<8x512xf32, #tpu.memory_space<hbm>>
    tpu.enqueue_dma source(%dma_start3A_562 : memref<8x512xf32, #tpu.memory_space<hbm>>) target(%dma_start3A_559 : memref<8x512xf32, #tpu.memory_space<vmem>>) target_semaphore(%arg12 : memref<!tpu.dma_semaphore, #tpu.memory_space<semaphore_mem>>)
    %add3A_563 = arith.constant 2 : i32
    %add3A_564 = arith.addi %mul3A_516, %add3A_563 : i32
    %mul3A_565 = arith.constant 0 : i32
    %mul3A_566 = arith.constant 8 : i32
    %mul3A_567 = arith.muli %mul3A_565, %mul3A_566 : i32
    %dma_start3A_568 = arith.constant 16 : i32
    %dma_start3A_569 = arith.constant 0 : i32
    %dma_start3A_570 = tpu.memref_slice %arg6[%dma_start3A_568, %dma_start3A_569] : memref<48x512xf32, #tpu.memory_space<vmem>> -> memref<8x512xf32, #tpu.memory_space<vmem>>
    %dma_start3A_571 = arith.constant 0 : i32
    %dma_start3A_572 = tpu.memref_slice %arg2[%add3A_564, %mul3A_567, %dma_start3A_571] : memref<96x512x512xf32, #tpu.memory_space<hbm>> -> memref<1x8x512xf32, #tpu.memory_space<hbm>>
    %dma_start3A_573 = tpu.memref_squeeze %dma_start3A_572 : memref<1x8x512xf32, #tpu.memory_space<hbm>> -> memref<8x512xf32, #tpu.memory_space<hbm>>
    %dma_start3A_574 = arith.constant 16 : i32
    %dma_start3A_575 = arith.constant 0 : i32
    %dma_start3A_576 = tpu.memref_slice %arg6[%dma_start3A_574, %dma_start3A_575] : memref<48x512xf32, #tpu.memory_space<vmem>> -> memref<8x512xf32, #tpu.memory_space<vmem>>
    %dma_start3A_577 = arith.constant 0 : i32
    %dma_start3A_578 = tpu.memref_slice %arg2[%add3A_564, %mul3A_567, %dma_start3A_577] : memref<96x512x512xf32, #tpu.memory_space<hbm>> -> memref<1x8x512xf32, #tpu.memory_space<hbm>>
    %dma_start3A_579 = tpu.memref_squeeze %dma_start3A_578 : memref<1x8x512xf32, #tpu.memory_space<hbm>> -> memref<8x512xf32, #tpu.memory_space<hbm>>
    tpu.enqueue_dma source(%dma_start3A_579 : memref<8x512xf32, #tpu.memory_space<hbm>>) target(%dma_start3A_576 : memref<8x512xf32, #tpu.memory_space<vmem>>) target_semaphore(%arg12 : memref<!tpu.dma_semaphore, #tpu.memory_space<semaphore_mem>>)
    %mul3A_580 = arith.constant 1 : i32
    %mul3A_581 = arith.constant 8 : i32
    %mul3A_582 = arith.muli %mul3A_580, %mul3A_581 : i32
    %dma_start3A_583 = arith.constant 8 : i32
    %dma_start3A_584 = arith.constant 0 : i32
    %dma_start3A_585 = tpu.memref_slice %arg5[%dma_start3A_583, %dma_start3A_584] : memref<16x512xi32, #tpu.memory_space<vmem>> -> memref<8x512xi32, #tpu.memory_space<vmem>>
    %dma_start3A_586 = arith.constant 0 : i32
    %dma_start3A_587 = tpu.memref_slice %arg3[%mul3A_582, %dma_start3A_586] : memref<512x512xi32, #tpu.memory_space<hbm>> -> memref<8x512xi32, #tpu.memory_space<hbm>>
    %dma_start3A_588 = arith.constant 8 : i32
    %dma_start3A_589 = arith.constant 0 : i32
    %dma_start3A_590 = tpu.memref_slice %arg5[%dma_start3A_588, %dma_start3A_589] : memref<16x512xi32, #tpu.memory_space<vmem>> -> memref<8x512xi32, #tpu.memory_space<vmem>>
    %dma_start3A_591 = arith.constant 0 : i32
    %dma_start3A_592 = tpu.memref_slice %arg3[%mul3A_582, %dma_start3A_591] : memref<512x512xi32, #tpu.memory_space<hbm>> -> memref<8x512xi32, #tpu.memory_space<hbm>>
    tpu.enqueue_dma source(%dma_start3A_592 : memref<8x512xi32, #tpu.memory_space<hbm>>) target(%dma_start3A_590 : memref<8x512xi32, #tpu.memory_space<vmem>>) target_semaphore(%arg13 : memref<!tpu.dma_semaphore, #tpu.memory_space<semaphore_mem>>)
    %add3A_593 = arith.constant 0 : i32
    %add3A_594 = arith.addi %mul3A_516, %add3A_593 : i32
    %mul3A_595 = arith.constant 1 : i32
    %mul3A_596 = arith.constant 8 : i32
    %mul3A_597 = arith.muli %mul3A_595, %mul3A_596 : i32
    %dma_start3A_598 = arith.constant 24 : i32
    %dma_start3A_599 = arith.constant 0 : i32
    %dma_start3A_600 = tpu.memref_slice %arg6[%dma_start3A_598, %dma_start3A_599] : memref<48x512xf32, #tpu.memory_space<vmem>> -> memref<8x512xf32, #tpu.memory_space<vmem>>
    %dma_start3A_601 = arith.constant 0 : i32
    %dma_start3A_602 = tpu.memref_slice %arg2[%add3A_594, %mul3A_597, %dma_start3A_601] : memref<96x512x512xf32, #tpu.memory_space<hbm>> -> memref<1x8x512xf32, #tpu.memory_space<hbm>>
    %dma_start3A_603 = tpu.memref_squeeze %dma_start3A_602 : memref<1x8x512xf32, #tpu.memory_space<hbm>> -> memref<8x512xf32, #tpu.memory_space<hbm>>
    %dma_start3A_604 = arith.constant 24 : i32
    %dma_start3A_605 = arith.constant 0 : i32
    %dma_start3A_606 = tpu.memref_slice %arg6[%dma_start3A_604, %dma_start3A_605] : memref<48x512xf32, #tpu.memory_space<vmem>> -> memref<8x512xf32, #tpu.memory_space<vmem>>
    %dma_start3A_607 = arith.constant 0 : i32
    %dma_start3A_608 = tpu.memref_slice %arg2[%add3A_594, %mul3A_597, %dma_start3A_607] : memref<96x512x512xf32, #tpu.memory_space<hbm>> -> memref<1x8x512xf32, #tpu.memory_space<hbm>>
    %dma_start3A_609 = tpu.memref_squeeze %dma_start3A_608 : memref<1x8x512xf32, #tpu.memory_space<hbm>> -> memref<8x512xf32, #tpu.memory_space<hbm>>
    tpu.enqueue_dma source(%dma_start3A_609 : memref<8x512xf32, #tpu.memory_space<hbm>>) target(%dma_start3A_606 : memref<8x512xf32, #tpu.memory_space<vmem>>) target_semaphore(%arg13 : memref<!tpu.dma_semaphore, #tpu.memory_space<semaphore_mem>>)
    %add3A_610 = arith.constant 1 : i32
    %add3A_611 = arith.addi %mul3A_516, %add3A_610 : i32
    %mul3A_612 = arith.constant 1 : i32
    %mul3A_613 = arith.constant 8 : i32
    %mul3A_614 = arith.muli %mul3A_612, %mul3A_613 : i32
    %dma_start3A_615 = arith.constant 32 : i32
    %dma_start3A_616 = arith.constant 0 : i32
    %dma_start3A_617 = tpu.memref_slice %arg6[%dma_start3A_615, %dma_start3A_616] : memref<48x512xf32, #tpu.memory_space<vmem>> -> memref<8x512xf32, #tpu.memory_space<vmem>>
    %dma_start3A_618 = arith.constant 0 : i32
    %dma_start3A_619 = tpu.memref_slice %arg2[%add3A_611, %mul3A_614, %dma_start3A_618] : memref<96x512x512xf32, #tpu.memory_space<hbm>> -> memref<1x8x512xf32, #tpu.memory_space<hbm>>
    %dma_start3A_620 = tpu.memref_squeeze %dma_start3A_619 : memref<1x8x512xf32, #tpu.memory_space<hbm>> -> memref<8x512xf32, #tpu.memory_space<hbm>>
    %dma_start3A_621 = arith.constant 32 : i32
    %dma_start3A_622 = arith.constant 0 : i32
    %dma_start3A_623 = tpu.memref_slice %arg6[%dma_start3A_621, %dma_start3A_622] : memref<48x512xf32, #tpu.memory_space<vmem>> -> memref<8x512xf32, #tpu.memory_space<vmem>>
    %dma_start3A_624 = arith.constant 0 : i32
    %dma_start3A_625 = tpu.memref_slice %arg2[%add3A_611, %mul3A_614, %dma_start3A_624] : memref<96x512x512xf32, #tpu.memory_space<hbm>> -> memref<1x8x512xf32, #tpu.memory_space<hbm>>
    %dma_start3A_626 = tpu.memref_squeeze %dma_start3A_625 : memref<1x8x512xf32, #tpu.memory_space<hbm>> -> memref<8x512xf32, #tpu.memory_space<hbm>>
    tpu.enqueue_dma source(%dma_start3A_626 : memref<8x512xf32, #tpu.memory_space<hbm>>) target(%dma_start3A_623 : memref<8x512xf32, #tpu.memory_space<vmem>>) target_semaphore(%arg13 : memref<!tpu.dma_semaphore, #tpu.memory_space<semaphore_mem>>)
    %add3A_627 = arith.constant 2 : i32
    %add3A_628 = arith.addi %mul3A_516, %add3A_627 : i32
    %mul3A_629 = arith.constant 1 : i32
    %mul3A_630 = arith.constant 8 : i32
    %mul3A_631 = arith.muli %mul3A_629, %mul3A_630 : i32
    %dma_start3A_632 = arith.constant 40 : i32
    %dma_start3A_633 = arith.constant 0 : i32
    %dma_start3A_634 = tpu.memref_slice %arg6[%dma_start3A_632, %dma_start3A_633] : memref<48x512xf32, #tpu.memory_space<vmem>> -> memref<8x512xf32, #tpu.memory_space<vmem>>
    %dma_start3A_635 = arith.constant 0 : i32
    %dma_start3A_636 = tpu.memref_slice %arg2[%add3A_628, %mul3A_631, %dma_start3A_635] : memref<96x512x512xf32, #tpu.memory_space<hbm>> -> memref<1x8x512xf32, #tpu.memory_space<hbm>>
    %dma_start3A_637 = tpu.memref_squeeze %dma_start3A_636 : memref<1x8x512xf32, #tpu.memory_space<hbm>> -> memref<8x512xf32, #tpu.memory_space<hbm>>
    %dma_start3A_638 = arith.constant 40 : i32
    %dma_start3A_639 = arith.constant 0 : i32
    %dma_start3A_640 = tpu.memref_slice %arg6[%dma_start3A_638, %dma_start3A_639] : memref<48x512xf32, #tpu.memory_space<vmem>> -> memref<8x512xf32, #tpu.memory_space<vmem>>
    %dma_start3A_641 = arith.constant 0 : i32
    %dma_start3A_642 = tpu.memref_slice %arg2[%add3A_628, %mul3A_631, %dma_start3A_641] : memref<96x512x512xf32, #tpu.memory_space<hbm>> -> memref<1x8x512xf32, #tpu.memory_space<hbm>>
    %dma_start3A_643 = tpu.memref_squeeze %dma_start3A_642 : memref<1x8x512xf32, #tpu.memory_space<hbm>> -> memref<8x512xf32, #tpu.memory_space<hbm>>
    tpu.enqueue_dma source(%dma_start3A_643 : memref<8x512xf32, #tpu.memory_space<hbm>>) target(%dma_start3A_640 : memref<8x512xf32, #tpu.memory_space<vmem>>) target_semaphore(%arg13 : memref<!tpu.dma_semaphore, #tpu.memory_space<semaphore_mem>>)
    %scan3A = arith.constant 0 : i32
    %scan3A_644 = arith.constant 32 : i32
    %scan3A_645 = arith.addi %scan3A, %scan3A_644 : i32
    %scan3A_646 = arith.constant 1 : i32
    %scan3A_647:3 = scf.for %scan3A_666 = %scan3A to %scan3A_645 step %scan3A_646 iter_args(%scan3A_667 = %broadcast_in_dim3A_1, %scan3A_668 = %broadcast_in_dim3A_1, %scan3A_669 = %broadcast_in_dim3A_1) -> (vector<16xf32>, vector<16xf32>, vector<16xf32>)  : i32 {
      %mul3A_670 = arith.constant 2 : i32
      %mul3A_671 = arith.muli %mul3A_670, %scan3A_666 : i32
      %add3A_672 = arith.constant 0 : i32
      %add3A_673 = arith.addi %mul3A_671, %add3A_672 : i32
      %mul3A_674 = arith.constant 8 : i32
      %mul3A_675 = arith.muli %add3A_673, %mul3A_674 : i32
      %dma_wait3A = arith.constant 0 : i32
      %dma_wait3A_676 = arith.constant 0 : i32
      %dma_wait3A_677 = tpu.memref_slice %arg5[%dma_wait3A, %dma_wait3A_676] : memref<16x512xi32, #tpu.memory_space<vmem>> -> memref<8x512xi32, #tpu.memory_space<vmem>>
      %dma_wait3A_678 = arith.constant 0 : i32
      %dma_wait3A_679 = tpu.memref_slice %arg3[%mul3A_675, %dma_wait3A_678] : memref<512x512xi32, #tpu.memory_space<hbm>> -> memref<8x512xi32, #tpu.memory_space<hbm>>
      %dma_wait3A_680 = arith.constant 0 : i32
      %dma_wait3A_681 = arith.constant 0 : i32
      %dma_wait3A_682 = tpu.memref_slice %arg5[%dma_wait3A_680, %dma_wait3A_681] : memref<16x512xi32, #tpu.memory_space<vmem>> -> memref<8x512xi32, #tpu.memory_space<vmem>>
      %dma_wait3A_683 = arith.constant 0 : i32
      %dma_wait3A_684 = tpu.memref_slice %arg3[%mul3A_675, %dma_wait3A_683] : memref<512x512xi32, #tpu.memory_space<hbm>> -> memref<8x512xi32, #tpu.memory_space<hbm>>
      tpu.wait_dma2 semaphore(%arg12 : memref<!tpu.dma_semaphore, #tpu.memory_space<semaphore_mem>>) src(%dma_wait3A_684 : memref<8x512xi32, #tpu.memory_space<hbm>>) dst(%dma_wait3A_682 : memref<8x512xi32, #tpu.memory_space<vmem>>)
      %add3A_685 = arith.constant 0 : i32
      %add3A_686 = arith.addi %mul3A_516, %add3A_685 : i32
      %mul3A_687 = arith.constant 8 : i32
      %mul3A_688 = arith.muli %add3A_673, %mul3A_687 : i32
      %dma_wait3A_689 = arith.constant 0 : i32
      %dma_wait3A_690 = arith.constant 0 : i32
      %dma_wait3A_691 = tpu.memref_slice %arg6[%dma_wait3A_689, %dma_wait3A_690] : memref<48x512xf32, #tpu.memory_space<vmem>> -> memref<8x512xf32, #tpu.memory_space<vmem>>
      %dma_wait3A_692 = arith.constant 0 : i32
      %dma_wait3A_693 = tpu.memref_slice %arg2[%add3A_686, %mul3A_688, %dma_wait3A_692] : memref<96x512x512xf32, #tpu.memory_space<hbm>> -> memref<1x8x512xf32, #tpu.memory_space<hbm>>
      %dma_wait3A_694 = tpu.memref_squeeze %dma_wait3A_693 : memref<1x8x512xf32, #tpu.memory_space<hbm>> -> memref<8x512xf32, #tpu.memory_space<hbm>>
      %dma_wait3A_695 = arith.constant 0 : i32
      %dma_wait3A_696 = arith.constant 0 : i32
      %dma_wait3A_697 = tpu.memref_slice %arg6[%dma_wait3A_695, %dma_wait3A_696] : memref<48x512xf32, #tpu.memory_space<vmem>> -> memref<8x512xf32, #tpu.memory_space<vmem>>
      %dma_wait3A_698 = arith.constant 0 : i32
      %dma_wait3A_699 = tpu.memref_slice %arg2[%add3A_686, %mul3A_688, %dma_wait3A_698] : memref<96x512x512xf32, #tpu.memory_space<hbm>> -> memref<1x8x512xf32, #tpu.memory_space<hbm>>
      %dma_wait3A_700 = tpu.memref_squeeze %dma_wait3A_699 : memref<1x8x512xf32, #tpu.memory_space<hbm>> -> memref<8x512xf32, #tpu.memory_space<hbm>>
      tpu.wait_dma2 semaphore(%arg12 : memref<!tpu.dma_semaphore, #tpu.memory_space<semaphore_mem>>) src(%dma_wait3A_700 : memref<8x512xf32, #tpu.memory_space<hbm>>) dst(%dma_wait3A_697 : memref<8x512xf32, #tpu.memory_space<vmem>>)
      %add3A_701 = arith.constant 1 : i32
      %add3A_702 = arith.addi %mul3A_516, %add3A_701 : i32
      %mul3A_703 = arith.constant 8 : i32
      %mul3A_704 = arith.muli %add3A_673, %mul3A_703 : i32
      %dma_wait3A_705 = arith.constant 8 : i32
      %dma_wait3A_706 = arith.constant 0 : i32
      %dma_wait3A_707 = tpu.memref_slice %arg6[%dma_wait3A_705, %dma_wait3A_706] : memref<48x512xf32, #tpu.memory_space<vmem>> -> memref<8x512xf32, #tpu.memory_space<vmem>>
      %dma_wait3A_708 = arith.constant 0 : i32
      %dma_wait3A_709 = tpu.memref_slice %arg2[%add3A_702, %mul3A_704, %dma_wait3A_708] : memref<96x512x512xf32, #tpu.memory_space<hbm>> -> memref<1x8x512xf32, #tpu.memory_space<hbm>>
      %dma_wait3A_710 = tpu.memref_squeeze %dma_wait3A_709 : memref<1x8x512xf32, #tpu.memory_space<hbm>> -> memref<8x512xf32, #tpu.memory_space<hbm>>
      %dma_wait3A_711 = arith.constant 8 : i32
      %dma_wait3A_712 = arith.constant 0 : i32
      %dma_wait3A_713 = tpu.memref_slice %arg6[%dma_wait3A_711, %dma_wait3A_712] : memref<48x512xf32, #tpu.memory_space<vmem>> -> memref<8x512xf32, #tpu.memory_space<vmem>>
      %dma_wait3A_714 = arith.constant 0 : i32
      %dma_wait3A_715 = tpu.memref_slice %arg2[%add3A_702, %mul3A_704, %dma_wait3A_714] : memref<96x512x512xf32, #tpu.memory_space<hbm>> -> memref<1x8x512xf32, #tpu.memory_space<hbm>>
      %dma_wait3A_716 = tpu.memref_squeeze %dma_wait3A_715 : memref<1x8x512xf32, #tpu.memory_space<hbm>> -> memref<8x512xf32, #tpu.memory_space<hbm>>
      tpu.wait_dma2 semaphore(%arg12 : memref<!tpu.dma_semaphore, #tpu.memory_space<semaphore_mem>>) src(%dma_wait3A_716 : memref<8x512xf32, #tpu.memory_space<hbm>>) dst(%dma_wait3A_713 : memref<8x512xf32, #tpu.memory_space<vmem>>)
      %add3A_717 = arith.constant 2 : i32
      %add3A_718 = arith.addi %mul3A_516, %add3A_717 : i32
      %mul3A_719 = arith.constant 8 : i32
      %mul3A_720 = arith.muli %add3A_673, %mul3A_719 : i32
      %dma_wait3A_721 = arith.constant 16 : i32
      %dma_wait3A_722 = arith.constant 0 : i32
      %dma_wait3A_723 = tpu.memref_slice %arg6[%dma_wait3A_721, %dma_wait3A_722] : memref<48x512xf32, #tpu.memory_space<vmem>> -> memref<8x512xf32, #tpu.memory_space<vmem>>
      %dma_wait3A_724 = arith.constant 0 : i32
      %dma_wait3A_725 = tpu.memref_slice %arg2[%add3A_718, %mul3A_720, %dma_wait3A_724] : memref<96x512x512xf32, #tpu.memory_space<hbm>> -> memref<1x8x512xf32, #tpu.memory_space<hbm>>
      %dma_wait3A_726 = tpu.memref_squeeze %dma_wait3A_725 : memref<1x8x512xf32, #tpu.memory_space<hbm>> -> memref<8x512xf32, #tpu.memory_space<hbm>>
      %dma_wait3A_727 = arith.constant 16 : i32
      %dma_wait3A_728 = arith.constant 0 : i32
      %dma_wait3A_729 = tpu.memref_slice %arg6[%dma_wait3A_727, %dma_wait3A_728] : memref<48x512xf32, #tpu.memory_space<vmem>> -> memref<8x512xf32, #tpu.memory_space<vmem>>
      %dma_wait3A_730 = arith.constant 0 : i32
      %dma_wait3A_731 = tpu.memref_slice %arg2[%add3A_718, %mul3A_720, %dma_wait3A_730] : memref<96x512x512xf32, #tpu.memory_space<hbm>> -> memref<1x8x512xf32, #tpu.memory_space<hbm>>
      %dma_wait3A_732 = tpu.memref_squeeze %dma_wait3A_731 : memref<1x8x512xf32, #tpu.memory_space<hbm>> -> memref<8x512xf32, #tpu.memory_space<hbm>>
      tpu.wait_dma2 semaphore(%arg12 : memref<!tpu.dma_semaphore, #tpu.memory_space<semaphore_mem>>) src(%dma_wait3A_732 : memref<8x512xf32, #tpu.memory_space<hbm>>) dst(%dma_wait3A_729 : memref<8x512xf32, #tpu.memory_space<vmem>>)
      %rem3A = arith.constant 16 : i32
      %rem3A_733 = arith.remsi %add3A_673, %rem3A : i32
      %eq3A = arith.cmpi eq, %rem3A_733, %arg1 : i32
      %convert_element_type3A = arith.extui %eq3A : i1 to i32
      %cond3A = arith.constant 0 : i32
      %cond3A_734 = arith.cmpi ne, %convert_element_type3A, %cond3A : i32
      scf.if %cond3A_734 {
        %parallel_loop3A_825 = arith.constant 0 : i32
        %parallel_loop3A_826 = arith.constant 32 : i32
        %parallel_loop3A_827 = arith.constant 1 : i32
        scf.for %parallel_loop3A_828 = %parallel_loop3A_825 to %parallel_loop3A_826 step %parallel_loop3A_827  : i32 {
          %parallel_loop3A_829 = arith.constant 16 : i32
          %parallel_loop3A_830 = arith.muli %parallel_loop3A_828, %parallel_loop3A_829 : i32
          %parallel_loop3A_831 = arith.constant 0 : i32
          %parallel_loop3A_832 = arith.index_cast %parallel_loop3A_831 : i32 to index
          %parallel_loop3A_833 = arith.index_cast %parallel_loop3A_830 : i32 to index
          %parallel_loop3A_834 = tpu.vector_load %arg5[%parallel_loop3A_832, %parallel_loop3A_833] {strides = array<i32>} : memref<16x512xi32, #tpu.memory_space<vmem>>, vector<16xi32>,
          tpu.vector_store_idx %arg8[%parallel_loop3A_834], %broadcast_in_dim3A_3 {add = true} : memref<1024xf32, #tpu.memory_space<vmem>>[vector<16xi32>], vector<16xf32>,
          %parallel_loop3A_835 = arith.constant 16 : i32
          %parallel_loop3A_836 = arith.muli %parallel_loop3A_828, %parallel_loop3A_835 : i32
          %parallel_loop3A_837 = arith.constant 1 : i32
          %parallel_loop3A_838 = arith.index_cast %parallel_loop3A_837 : i32 to index
          %parallel_loop3A_839 = arith.index_cast %parallel_loop3A_836 : i32 to index
          %parallel_loop3A_840 = tpu.vector_load %arg5[%parallel_loop3A_838, %parallel_loop3A_839] {strides = array<i32>} : memref<16x512xi32, #tpu.memory_space<vmem>>, vector<16xi32>,
          tpu.vector_store_idx %arg8[%parallel_loop3A_840], %broadcast_in_dim3A_3 {add = true} : memref<1024xf32, #tpu.memory_space<vmem>>[vector<16xi32>], vector<16xf32>,
          %parallel_loop3A_841 = arith.constant 16 : i32
          %parallel_loop3A_842 = arith.muli %parallel_loop3A_828, %parallel_loop3A_841 : i32
          %parallel_loop3A_843 = arith.constant 2 : i32
          %parallel_loop3A_844 = arith.index_cast %parallel_loop3A_843 : i32 to index
          %parallel_loop3A_845 = arith.index_cast %parallel_loop3A_842 : i32 to index
          %parallel_loop3A_846 = tpu.vector_load %arg5[%parallel_loop3A_844, %parallel_loop3A_845] {strides = array<i32>} : memref<16x512xi32, #tpu.memory_space<vmem>>, vector<16xi32>,
          tpu.vector_store_idx %arg8[%parallel_loop3A_846], %broadcast_in_dim3A_3 {add = true} : memref<1024xf32, #tpu.memory_space<vmem>>[vector<16xi32>], vector<16xf32>,
          %parallel_loop3A_847 = arith.constant 16 : i32
          %parallel_loop3A_848 = arith.muli %parallel_loop3A_828, %parallel_loop3A_847 : i32
          %parallel_loop3A_849 = arith.constant 3 : i32
          %parallel_loop3A_850 = arith.index_cast %parallel_loop3A_849 : i32 to index
          %parallel_loop3A_851 = arith.index_cast %parallel_loop3A_848 : i32 to index
          %parallel_loop3A_852 = tpu.vector_load %arg5[%parallel_loop3A_850, %parallel_loop3A_851] {strides = array<i32>} : memref<16x512xi32, #tpu.memory_space<vmem>>, vector<16xi32>,
          tpu.vector_store_idx %arg8[%parallel_loop3A_852], %broadcast_in_dim3A_3 {add = true} : memref<1024xf32, #tpu.memory_space<vmem>>[vector<16xi32>], vector<16xf32>,
          %parallel_loop3A_853 = arith.constant 16 : i32
          %parallel_loop3A_854 = arith.muli %parallel_loop3A_828, %parallel_loop3A_853 : i32
          %parallel_loop3A_855 = arith.constant 4 : i32
          %parallel_loop3A_856 = arith.index_cast %parallel_loop3A_855 : i32 to index
          %parallel_loop3A_857 = arith.index_cast %parallel_loop3A_854 : i32 to index
          %parallel_loop3A_858 = tpu.vector_load %arg5[%parallel_loop3A_856, %parallel_loop3A_857] {strides = array<i32>} : memref<16x512xi32, #tpu.memory_space<vmem>>, vector<16xi32>,
          tpu.vector_store_idx %arg8[%parallel_loop3A_858], %broadcast_in_dim3A_3 {add = true} : memref<1024xf32, #tpu.memory_space<vmem>>[vector<16xi32>], vector<16xf32>,
          %parallel_loop3A_859 = arith.constant 16 : i32
          %parallel_loop3A_860 = arith.muli %parallel_loop3A_828, %parallel_loop3A_859 : i32
          %parallel_loop3A_861 = arith.constant 5 : i32
          %parallel_loop3A_862 = arith.index_cast %parallel_loop3A_861 : i32 to index
          %parallel_loop3A_863 = arith.index_cast %parallel_loop3A_860 : i32 to index
          %parallel_loop3A_864 = tpu.vector_load %arg5[%parallel_loop3A_862, %parallel_loop3A_863] {strides = array<i32>} : memref<16x512xi32, #tpu.memory_space<vmem>>, vector<16xi32>,
          tpu.vector_store_idx %arg8[%parallel_loop3A_864], %broadcast_in_dim3A_3 {add = true} : memref<1024xf32, #tpu.memory_space<vmem>>[vector<16xi32>], vector<16xf32>,
          %parallel_loop3A_865 = arith.constant 16 : i32
          %parallel_loop3A_866 = arith.muli %parallel_loop3A_828, %parallel_loop3A_865 : i32
          %parallel_loop3A_867 = arith.constant 6 : i32
          %parallel_loop3A_868 = arith.index_cast %parallel_loop3A_867 : i32 to index
          %parallel_loop3A_869 = arith.index_cast %parallel_loop3A_866 : i32 to index
          %parallel_loop3A_870 = tpu.vector_load %arg5[%parallel_loop3A_868, %parallel_loop3A_869] {strides = array<i32>} : memref<16x512xi32, #tpu.memory_space<vmem>>, vector<16xi32>,
          tpu.vector_store_idx %arg8[%parallel_loop3A_870], %broadcast_in_dim3A_3 {add = true} : memref<1024xf32, #tpu.memory_space<vmem>>[vector<16xi32>], vector<16xf32>,
          %parallel_loop3A_871 = arith.constant 16 : i32
          %parallel_loop3A_872 = arith.muli %parallel_loop3A_828, %parallel_loop3A_871 : i32
          %parallel_loop3A_873 = arith.constant 7 : i32
          %parallel_loop3A_874 = arith.index_cast %parallel_loop3A_873 : i32 to index
          %parallel_loop3A_875 = arith.index_cast %parallel_loop3A_872 : i32 to index
          %parallel_loop3A_876 = tpu.vector_load %arg5[%parallel_loop3A_874, %parallel_loop3A_875] {strides = array<i32>} : memref<16x512xi32, #tpu.memory_space<vmem>>, vector<16xi32>,
          tpu.vector_store_idx %arg8[%parallel_loop3A_876], %broadcast_in_dim3A_3 {add = true} : memref<1024xf32, #tpu.memory_space<vmem>>[vector<16xi32>], vector<16xf32>,
        } {sc.loop_unroll_factor = 4 : i64, sc.parallel_access}
      } else {
      }
      %parallel_loop3A = arith.constant 0 : i32
      %parallel_loop3A_735 = arith.constant 32 : i32
      %parallel_loop3A_736 = arith.constant 1 : i32
      %parallel_loop3A_737:3 = scf.for %parallel_loop3A_825 = %parallel_loop3A to %parallel_loop3A_735 step %parallel_loop3A_736 iter_args(%parallel_loop3A_826 = %scan3A_667, %parallel_loop3A_827 = %scan3A_668, %parallel_loop3A_828 = %scan3A_669) -> (vector<16xf32>, vector<16xf32>, vector<16xf32>)  : i32 {
        %parallel_loop3A_829 = arith.constant 16 : i32
        %parallel_loop3A_830 = arith.muli %parallel_loop3A_825, %parallel_loop3A_829 : i32
        %parallel_loop3A_831 = arith.constant 0 : i32
        %parallel_loop3A_832 = arith.index_cast %parallel_loop3A_831 : i32 to index
        %parallel_loop3A_833 = arith.index_cast %parallel_loop3A_830 : i32 to index
        %parallel_loop3A_834 = tpu.vector_load %arg5[%parallel_loop3A_832, %parallel_loop3A_833] {strides = array<i32>} : memref<16x512xi32, #tpu.memory_space<vmem>>, vector<16xi32>,
        %parallel_loop3A_835 = arith.constant 16 : i32
        %parallel_loop3A_836 = arith.muli %parallel_loop3A_825, %parallel_loop3A_835 : i32
        %parallel_loop3A_837 = arith.constant 0 : i32
        %parallel_loop3A_838 = arith.index_cast %parallel_loop3A_837 : i32 to index
        %parallel_loop3A_839 = arith.index_cast %parallel_loop3A_836 : i32 to index
        %parallel_loop3A_840 = tpu.vector_load %arg6[%parallel_loop3A_838, %parallel_loop3A_839] {strides = array<i32>} : memref<48x512xf32, #tpu.memory_space<vmem>>, vector<16xf32>,
        %parallel_loop3A_841 = arith.constant 0 : i32
        %parallel_loop3A_842 = tpu.memref_slice %arg7[%parallel_loop3A_841] : memref<3072xf32, #tpu.memory_space<vmem>> -> memref<1024xf32, #tpu.memory_space<vmem>>
        tpu.vector_store_idx %parallel_loop3A_842[%parallel_loop3A_834], %parallel_loop3A_840 {add = true} : memref<1024xf32, #tpu.memory_space<vmem>>[vector<16xi32>], vector<16xf32>,
        %parallel_loop3A_843 = arith.mulf %parallel_loop3A_840, %parallel_loop3A_840 : vector<16xf32>
        %parallel_loop3A_844 = arith.addf %parallel_loop3A_826, %parallel_loop3A_843 : vector<16xf32>
        %parallel_loop3A_845 = arith.constant 16 : i32
        %parallel_loop3A_846 = arith.muli %parallel_loop3A_825, %parallel_loop3A_845 : i32
        %parallel_loop3A_847 = arith.constant 8 : i32
        %parallel_loop3A_848 = arith.index_cast %parallel_loop3A_847 : i32 to index
        %parallel_loop3A_849 = arith.index_cast %parallel_loop3A_846 : i32 to index
        %parallel_loop3A_850 = tpu.vector_load %arg6[%parallel_loop3A_848, %parallel_loop3A_849] {strides = array<i32>} : memref<48x512xf32, #tpu.memory_space<vmem>>, vector<16xf32>,
        %parallel_loop3A_851 = arith.constant 1024 : i32
        %parallel_loop3A_852 = tpu.memref_slice %arg7[%parallel_loop3A_851] : memref<3072xf32, #tpu.memory_space<vmem>> -> memref<1024xf32, #tpu.memory_space<vmem>>
        tpu.vector_store_idx %parallel_loop3A_852[%parallel_loop3A_834], %parallel_loop3A_850 {add = true} : memref<1024xf32, #tpu.memory_space<vmem>>[vector<16xi32>], vector<16xf32>,
        %parallel_loop3A_853 = arith.mulf %parallel_loop3A_850, %parallel_loop3A_850 : vector<16xf32>
        %parallel_loop3A_854 = arith.addf %parallel_loop3A_827, %parallel_loop3A_853 : vector<16xf32>
        %parallel_loop3A_855 = arith.constant 16 : i32
        %parallel_loop3A_856 = arith.muli %parallel_loop3A_825, %parallel_loop3A_855 : i32
        %parallel_loop3A_857 = arith.constant 16 : i32
        %parallel_loop3A_858 = arith.index_cast %parallel_loop3A_857 : i32 to index
        %parallel_loop3A_859 = arith.index_cast %parallel_loop3A_856 : i32 to index
        %parallel_loop3A_860 = tpu.vector_load %arg6[%parallel_loop3A_858, %parallel_loop3A_859] {strides = array<i32>} : memref<48x512xf32, #tpu.memory_space<vmem>>, vector<16xf32>,
        %parallel_loop3A_861 = arith.constant 2048 : i32
        %parallel_loop3A_862 = tpu.memref_slice %arg7[%parallel_loop3A_861] : memref<3072xf32, #tpu.memory_space<vmem>> -> memref<1024xf32, #tpu.memory_space<vmem>>
        tpu.vector_store_idx %parallel_loop3A_862[%parallel_loop3A_834], %parallel_loop3A_860 {add = true} : memref<1024xf32, #tpu.memory_space<vmem>>[vector<16xi32>], vector<16xf32>,
        %parallel_loop3A_863 = arith.mulf %parallel_loop3A_860, %parallel_loop3A_860 : vector<16xf32>
        %parallel_loop3A_864 = arith.addf %parallel_loop3A_828, %parallel_loop3A_863 : vector<16xf32>
        %parallel_loop3A_865 = arith.constant 16 : i32
        %parallel_loop3A_866 = arith.muli %parallel_loop3A_825, %parallel_loop3A_865 : i32
        %parallel_loop3A_867 = arith.constant 1 : i32
        %parallel_loop3A_868 = arith.index_cast %parallel_loop3A_867 : i32 to index
        %parallel_loop3A_869 = arith.index_cast %parallel_loop3A_866 : i32 to index
        %parallel_loop3A_870 = tpu.vector_load %arg5[%parallel_loop3A_868, %parallel_loop3A_869] {strides = array<i32>} : memref<16x512xi32, #tpu.memory_space<vmem>>, vector<16xi32>,
        %parallel_loop3A_871 = arith.constant 16 : i32
        %parallel_loop3A_872 = arith.muli %parallel_loop3A_825, %parallel_loop3A_871 : i32
        %parallel_loop3A_873 = arith.constant 1 : i32
        %parallel_loop3A_874 = arith.index_cast %parallel_loop3A_873 : i32 to index
        %parallel_loop3A_875 = arith.index_cast %parallel_loop3A_872 : i32 to index
        %parallel_loop3A_876 = tpu.vector_load %arg6[%parallel_loop3A_874, %parallel_loop3A_875] {strides = array<i32>} : memref<48x512xf32, #tpu.memory_space<vmem>>, vector<16xf32>,
        %parallel_loop3A_877 = arith.constant 0 : i32
        %parallel_loop3A_878 = tpu.memref_slice %arg7[%parallel_loop3A_877] : memref<3072xf32, #tpu.memory_space<vmem>> -> memref<1024xf32, #tpu.memory_space<vmem>>
        tpu.vector_store_idx %parallel_loop3A_878[%parallel_loop3A_870], %parallel_loop3A_876 {add = true} : memref<1024xf32, #tpu.memory_space<vmem>>[vector<16xi32>], vector<16xf32>,
        %parallel_loop3A_879 = arith.mulf %parallel_loop3A_876, %parallel_loop3A_876 : vector<16xf32>
        %parallel_loop3A_880 = arith.addf %parallel_loop3A_844, %parallel_loop3A_879 : vector<16xf32>
        %parallel_loop3A_881 = arith.constant 16 : i32
        %parallel_loop3A_882 = arith.muli %parallel_loop3A_825, %parallel_loop3A_881 : i32
        %parallel_loop3A_883 = arith.constant 9 : i32
        %parallel_loop3A_884 = arith.index_cast %parallel_loop3A_883 : i32 to index
        %parallel_loop3A_885 = arith.index_cast %parallel_loop3A_882 : i32 to index
        %parallel_loop3A_886 = tpu.vector_load %arg6[%parallel_loop3A_884, %parallel_loop3A_885] {strides = array<i32>} : memref<48x512xf32, #tpu.memory_space<vmem>>, vector<16xf32>,
        %parallel_loop3A_887 = arith.constant 1024 : i32
        %parallel_loop3A_888 = tpu.memref_slice %arg7[%parallel_loop3A_887] : memref<3072xf32, #tpu.memory_space<vmem>> -> memref<1024xf32, #tpu.memory_space<vmem>>
        tpu.vector_store_idx %parallel_loop3A_888[%parallel_loop3A_870], %parallel_loop3A_886 {add = true} : memref<1024xf32, #tpu.memory_space<vmem>>[vector<16xi32>], vector<16xf32>,
        %parallel_loop3A_889 = arith.mulf %parallel_loop3A_886, %parallel_loop3A_886 : vector<16xf32>
        %parallel_loop3A_890 = arith.addf %parallel_loop3A_854, %parallel_loop3A_889 : vector<16xf32>
        %parallel_loop3A_891 = arith.constant 16 : i32
        %parallel_loop3A_892 = arith.muli %parallel_loop3A_825, %parallel_loop3A_891 : i32
        %parallel_loop3A_893 = arith.constant 17 : i32
        %parallel_loop3A_894 = arith.index_cast %parallel_loop3A_893 : i32 to index
        %parallel_loop3A_895 = arith.index_cast %parallel_loop3A_892 : i32 to index
        %parallel_loop3A_896 = tpu.vector_load %arg6[%parallel_loop3A_894, %parallel_loop3A_895] {strides = array<i32>} : memref<48x512xf32, #tpu.memory_space<vmem>>, vector<16xf32>,
        %parallel_loop3A_897 = arith.constant 2048 : i32
        %parallel_loop3A_898 = tpu.memref_slice %arg7[%parallel_loop3A_897] : memref<3072xf32, #tpu.memory_space<vmem>> -> memref<1024xf32, #tpu.memory_space<vmem>>
        tpu.vector_store_idx %parallel_loop3A_898[%parallel_loop3A_870], %parallel_loop3A_896 {add = true} : memref<1024xf32, #tpu.memory_space<vmem>>[vector<16xi32>], vector<16xf32>,
        %parallel_loop3A_899 = arith.mulf %parallel_loop3A_896, %parallel_loop3A_896 : vector<16xf32>
        %parallel_loop3A_900 = arith.addf %parallel_loop3A_864, %parallel_loop3A_899 : vector<16xf32>
        %parallel_loop3A_901 = arith.constant 16 : i32
        %parallel_loop3A_902 = arith.muli %parallel_loop3A_825, %parallel_loop3A_901 : i32
        %parallel_loop3A_903 = arith.constant 2 : i32
        %parallel_loop3A_904 = arith.index_cast %parallel_loop3A_903 : i32 to index
        %parallel_loop3A_905 = arith.index_cast %parallel_loop3A_902 : i32 to index
        %parallel_loop3A_906 = tpu.vector_load %arg5[%parallel_loop3A_904, %parallel_loop3A_905] {strides = array<i32>} : memref<16x512xi32, #tpu.memory_space<vmem>>, vector<16xi32>,
        %parallel_loop3A_907 = arith.constant 16 : i32
        %parallel_loop3A_908 = arith.muli %parallel_loop3A_825, %parallel_loop3A_907 : i32
        %parallel_loop3A_909 = arith.constant 2 : i32
        %parallel_loop3A_910 = arith.index_cast %parallel_loop3A_909 : i32 to index
        %parallel_loop3A_911 = arith.index_cast %parallel_loop3A_908 : i32 to index
        %parallel_loop3A_912 = tpu.vector_load %arg6[%parallel_loop3A_910, %parallel_loop3A_911] {strides = array<i32>} : memref<48x512xf32, #tpu.memory_space<vmem>>, vector<16xf32>,
        %parallel_loop3A_913 = arith.constant 0 : i32
        %parallel_loop3A_914 = tpu.memref_slice %arg7[%parallel_loop3A_913] : memref<3072xf32, #tpu.memory_space<vmem>> -> memref<1024xf32, #tpu.memory_space<vmem>>
        tpu.vector_store_idx %parallel_loop3A_914[%parallel_loop3A_906], %parallel_loop3A_912 {add = true} : memref<1024xf32, #tpu.memory_space<vmem>>[vector<16xi32>], vector<16xf32>,
        %parallel_loop3A_915 = arith.mulf %parallel_loop3A_912, %parallel_loop3A_912 : vector<16xf32>
        %parallel_loop3A_916 = arith.addf %parallel_loop3A_880, %parallel_loop3A_915 : vector<16xf32>
        %parallel_loop3A_917 = arith.constant 16 : i32
        %parallel_loop3A_918 = arith.muli %parallel_loop3A_825, %parallel_loop3A_917 : i32
        %parallel_loop3A_919 = arith.constant 10 : i32
        %parallel_loop3A_920 = arith.index_cast %parallel_loop3A_919 : i32 to index
        %parallel_loop3A_921 = arith.index_cast %parallel_loop3A_918 : i32 to index
        %parallel_loop3A_922 = tpu.vector_load %arg6[%parallel_loop3A_920, %parallel_loop3A_921] {strides = array<i32>} : memref<48x512xf32, #tpu.memory_space<vmem>>, vector<16xf32>,
        %parallel_loop3A_923 = arith.constant 1024 : i32
        %parallel_loop3A_924 = tpu.memref_slice %arg7[%parallel_loop3A_923] : memref<3072xf32, #tpu.memory_space<vmem>> -> memref<1024xf32, #tpu.memory_space<vmem>>
        tpu.vector_store_idx %parallel_loop3A_924[%parallel_loop3A_906], %parallel_loop3A_922 {add = true} : memref<1024xf32, #tpu.memory_space<vmem>>[vector<16xi32>], vector<16xf32>,
        %parallel_loop3A_925 = arith.mulf %parallel_loop3A_922, %parallel_loop3A_922 : vector<16xf32>
        %parallel_loop3A_926 = arith.addf %parallel_loop3A_890, %parallel_loop3A_925 : vector<16xf32>
        %parallel_loop3A_927 = arith.constant 16 : i32
        %parallel_loop3A_928 = arith.muli %parallel_loop3A_825, %parallel_loop3A_927 : i32
        %parallel_loop3A_929 = arith.constant 18 : i32
        %parallel_loop3A_930 = arith.index_cast %parallel_loop3A_929 : i32 to index
        %parallel_loop3A_931 = arith.index_cast %parallel_loop3A_928 : i32 to index
        %parallel_loop3A_932 = tpu.vector_load %arg6[%parallel_loop3A_930, %parallel_loop3A_931] {strides = array<i32>} : memref<48x512xf32, #tpu.memory_space<vmem>>, vector<16xf32>,
        %parallel_loop3A_933 = arith.constant 2048 : i32
        %parallel_loop3A_934 = tpu.memref_slice %arg7[%parallel_loop3A_933] : memref<3072xf32, #tpu.memory_space<vmem>> -> memref<1024xf32, #tpu.memory_space<vmem>>
        tpu.vector_store_idx %parallel_loop3A_934[%parallel_loop3A_906], %parallel_loop3A_932 {add = true} : memref<1024xf32, #tpu.memory_space<vmem>>[vector<16xi32>], vector<16xf32>,
        %parallel_loop3A_935 = arith.mulf %parallel_loop3A_932, %parallel_loop3A_932 : vector<16xf32>
        %parallel_loop3A_936 = arith.addf %parallel_loop3A_900, %parallel_loop3A_935 : vector<16xf32>
        %parallel_loop3A_937 = arith.constant 16 : i32
        %parallel_loop3A_938 = arith.muli %parallel_loop3A_825, %parallel_loop3A_937 : i32
        %parallel_loop3A_939 = arith.constant 3 : i32
        %parallel_loop3A_940 = arith.index_cast %parallel_loop3A_939 : i32 to index
        %parallel_loop3A_941 = arith.index_cast %parallel_loop3A_938 : i32 to index
        %parallel_loop3A_942 = tpu.vector_load %arg5[%parallel_loop3A_940, %parallel_loop3A_941] {strides = array<i32>} : memref<16x512xi32, #tpu.memory_space<vmem>>, vector<16xi32>,
        %parallel_loop3A_943 = arith.constant 16 : i32
        %parallel_loop3A_944 = arith.muli %parallel_loop3A_825, %parallel_loop3A_943 : i32
        %parallel_loop3A_945 = arith.constant 3 : i32
        %parallel_loop3A_946 = arith.index_cast %parallel_loop3A_945 : i32 to index
        %parallel_loop3A_947 = arith.index_cast %parallel_loop3A_944 : i32 to index
        %parallel_loop3A_948 = tpu.vector_load %arg6[%parallel_loop3A_946, %parallel_loop3A_947] {strides = array<i32>} : memref<48x512xf32, #tpu.memory_space<vmem>>, vector<16xf32>,
        %parallel_loop3A_949 = arith.constant 0 : i32
        %parallel_loop3A_950 = tpu.memref_slice %arg7[%parallel_loop3A_949] : memref<3072xf32, #tpu.memory_space<vmem>> -> memref<1024xf32, #tpu.memory_space<vmem>>
        tpu.vector_store_idx %parallel_loop3A_950[%parallel_loop3A_942], %parallel_loop3A_948 {add = true} : memref<1024xf32, #tpu.memory_space<vmem>>[vector<16xi32>], vector<16xf32>,
        %parallel_loop3A_951 = arith.mulf %parallel_loop3A_948, %parallel_loop3A_948 : vector<16xf32>
        %parallel_loop3A_952 = arith.addf %parallel_loop3A_916, %parallel_loop3A_951 : vector<16xf32>
        %parallel_loop3A_953 = arith.constant 16 : i32
        %parallel_loop3A_954 = arith.muli %parallel_loop3A_825, %parallel_loop3A_953 : i32
        %parallel_loop3A_955 = arith.constant 11 : i32
        %parallel_loop3A_956 = arith.index_cast %parallel_loop3A_955 : i32 to index
        %parallel_loop3A_957 = arith.index_cast %parallel_loop3A_954 : i32 to index
        %parallel_loop3A_958 = tpu.vector_load %arg6[%parallel_loop3A_956, %parallel_loop3A_957] {strides = array<i32>} : memref<48x512xf32, #tpu.memory_space<vmem>>, vector<16xf32>,
        %parallel_loop3A_959 = arith.constant 1024 : i32
        %parallel_loop3A_960 = tpu.memref_slice %arg7[%parallel_loop3A_959] : memref<3072xf32, #tpu.memory_space<vmem>> -> memref<1024xf32, #tpu.memory_space<vmem>>
        tpu.vector_store_idx %parallel_loop3A_960[%parallel_loop3A_942], %parallel_loop3A_958 {add = true} : memref<1024xf32, #tpu.memory_space<vmem>>[vector<16xi32>], vector<16xf32>,
        %parallel_loop3A_961 = arith.mulf %parallel_loop3A_958, %parallel_loop3A_958 : vector<16xf32>
        %parallel_loop3A_962 = arith.addf %parallel_loop3A_926, %parallel_loop3A_961 : vector<16xf32>
        %parallel_loop3A_963 = arith.constant 16 : i32
        %parallel_loop3A_964 = arith.muli %parallel_loop3A_825, %parallel_loop3A_963 : i32
        %parallel_loop3A_965 = arith.constant 19 : i32
        %parallel_loop3A_966 = arith.index_cast %parallel_loop3A_965 : i32 to index
        %parallel_loop3A_967 = arith.index_cast %parallel_loop3A_964 : i32 to index
        %parallel_loop3A_968 = tpu.vector_load %arg6[%parallel_loop3A_966, %parallel_loop3A_967] {strides = array<i32>} : memref<48x512xf32, #tpu.memory_space<vmem>>, vector<16xf32>,
        %parallel_loop3A_969 = arith.constant 2048 : i32
        %parallel_loop3A_970 = tpu.memref_slice %arg7[%parallel_loop3A_969] : memref<3072xf32, #tpu.memory_space<vmem>> -> memref<1024xf32, #tpu.memory_space<vmem>>
        tpu.vector_store_idx %parallel_loop3A_970[%parallel_loop3A_942], %parallel_loop3A_968 {add = true} : memref<1024xf32, #tpu.memory_space<vmem>>[vector<16xi32>], vector<16xf32>,
        %parallel_loop3A_971 = arith.mulf %parallel_loop3A_968, %parallel_loop3A_968 : vector<16xf32>
        %parallel_loop3A_972 = arith.addf %parallel_loop3A_936, %parallel_loop3A_971 : vector<16xf32>
        %parallel_loop3A_973 = arith.constant 16 : i32
        %parallel_loop3A_974 = arith.muli %parallel_loop3A_825, %parallel_loop3A_973 : i32
        %parallel_loop3A_975 = arith.constant 4 : i32
        %parallel_loop3A_976 = arith.index_cast %parallel_loop3A_975 : i32 to index
        %parallel_loop3A_977 = arith.index_cast %parallel_loop3A_974 : i32 to index
        %parallel_loop3A_978 = tpu.vector_load %arg5[%parallel_loop3A_976, %parallel_loop3A_977] {strides = array<i32>} : memref<16x512xi32, #tpu.memory_space<vmem>>, vector<16xi32>,
        %parallel_loop3A_979 = arith.constant 16 : i32
        %parallel_loop3A_980 = arith.muli %parallel_loop3A_825, %parallel_loop3A_979 : i32
        %parallel_loop3A_981 = arith.constant 4 : i32
        %parallel_loop3A_982 = arith.index_cast %parallel_loop3A_981 : i32 to index
        %parallel_loop3A_983 = arith.index_cast %parallel_loop3A_980 : i32 to index
        %parallel_loop3A_984 = tpu.vector_load %arg6[%parallel_loop3A_982, %parallel_loop3A_983] {strides = array<i32>} : memref<48x512xf32, #tpu.memory_space<vmem>>, vector<16xf32>,
        %parallel_loop3A_985 = arith.constant 0 : i32
        %parallel_loop3A_986 = tpu.memref_slice %arg7[%parallel_loop3A_985] : memref<3072xf32, #tpu.memory_space<vmem>> -> memref<1024xf32, #tpu.memory_space<vmem>>
        tpu.vector_store_idx %parallel_loop3A_986[%parallel_loop3A_978], %parallel_loop3A_984 {add = true} : memref<1024xf32, #tpu.memory_space<vmem>>[vector<16xi32>], vector<16xf32>,
        %parallel_loop3A_987 = arith.mulf %parallel_loop3A_984, %parallel_loop3A_984 : vector<16xf32>
        %parallel_loop3A_988 = arith.addf %parallel_loop3A_952, %parallel_loop3A_987 : vector<16xf32>
        %parallel_loop3A_989 = arith.constant 16 : i32
        %parallel_loop3A_990 = arith.muli %parallel_loop3A_825, %parallel_loop3A_989 : i32
        %parallel_loop3A_991 = arith.constant 12 : i32
        %parallel_loop3A_992 = arith.index_cast %parallel_loop3A_991 : i32 to index
        %parallel_loop3A_993 = arith.index_cast %parallel_loop3A_990 : i32 to index
        %parallel_loop3A_994 = tpu.vector_load %arg6[%parallel_loop3A_992, %parallel_loop3A_993] {strides = array<i32>} : memref<48x512xf32, #tpu.memory_space<vmem>>, vector<16xf32>,
        %parallel_loop3A_995 = arith.constant 1024 : i32
        %parallel_loop3A_996 = tpu.memref_slice %arg7[%parallel_loop3A_995] : memref<3072xf32, #tpu.memory_space<vmem>> -> memref<1024xf32, #tpu.memory_space<vmem>>
        tpu.vector_store_idx %parallel_loop3A_996[%parallel_loop3A_978], %parallel_loop3A_994 {add = true} : memref<1024xf32, #tpu.memory_space<vmem>>[vector<16xi32>], vector<16xf32>,
        %parallel_loop3A_997 = arith.mulf %parallel_loop3A_994, %parallel_loop3A_994 : vector<16xf32>
        %parallel_loop3A_998 = arith.addf %parallel_loop3A_962, %parallel_loop3A_997 : vector<16xf32>
        %parallel_loop3A_999 = arith.constant 16 : i32
        %parallel_loop3A_1000 = arith.muli %parallel_loop3A_825, %parallel_loop3A_999 : i32
        %parallel_loop3A_1001 = arith.constant 20 : i32
        %parallel_loop3A_1002 = arith.index_cast %parallel_loop3A_1001 : i32 to index
        %parallel_loop3A_1003 = arith.index_cast %parallel_loop3A_1000 : i32 to index
        %parallel_loop3A_1004 = tpu.vector_load %arg6[%parallel_loop3A_1002, %parallel_loop3A_1003] {strides = array<i32>} : memref<48x512xf32, #tpu.memory_space<vmem>>, vector<16xf32>,
        %parallel_loop3A_1005 = arith.constant 2048 : i32
        %parallel_loop3A_1006 = tpu.memref_slice %arg7[%parallel_loop3A_1005] : memref<3072xf32, #tpu.memory_space<vmem>> -> memref<1024xf32, #tpu.memory_space<vmem>>
        tpu.vector_store_idx %parallel_loop3A_1006[%parallel_loop3A_978], %parallel_loop3A_1004 {add = true} : memref<1024xf32, #tpu.memory_space<vmem>>[vector<16xi32>], vector<16xf32>,
        %parallel_loop3A_1007 = arith.mulf %parallel_loop3A_1004, %parallel_loop3A_1004 : vector<16xf32>
        %parallel_loop3A_1008 = arith.addf %parallel_loop3A_972, %parallel_loop3A_1007 : vector<16xf32>
        %parallel_loop3A_1009 = arith.constant 16 : i32
        %parallel_loop3A_1010 = arith.muli %parallel_loop3A_825, %parallel_loop3A_1009 : i32
        %parallel_loop3A_1011 = arith.constant 5 : i32
        %parallel_loop3A_1012 = arith.index_cast %parallel_loop3A_1011 : i32 to index
        %parallel_loop3A_1013 = arith.index_cast %parallel_loop3A_1010 : i32 to index
        %parallel_loop3A_1014 = tpu.vector_load %arg5[%parallel_loop3A_1012, %parallel_loop3A_1013] {strides = array<i32>} : memref<16x512xi32, #tpu.memory_space<vmem>>, vector<16xi32>,
        %parallel_loop3A_1015 = arith.constant 16 : i32
        %parallel_loop3A_1016 = arith.muli %parallel_loop3A_825, %parallel_loop3A_1015 : i32
        %parallel_loop3A_1017 = arith.constant 5 : i32
        %parallel_loop3A_1018 = arith.index_cast %parallel_loop3A_1017 : i32 to index
        %parallel_loop3A_1019 = arith.index_cast %parallel_loop3A_1016 : i32 to index
        %parallel_loop3A_1020 = tpu.vector_load %arg6[%parallel_loop3A_1018, %parallel_loop3A_1019] {strides = array<i32>} : memref<48x512xf32, #tpu.memory_space<vmem>>, vector<16xf32>,
        %parallel_loop3A_1021 = arith.constant 0 : i32
        %parallel_loop3A_1022 = tpu.memref_slice %arg7[%parallel_loop3A_1021] : memref<3072xf32, #tpu.memory_space<vmem>> -> memref<1024xf32, #tpu.memory_space<vmem>>
        tpu.vector_store_idx %parallel_loop3A_1022[%parallel_loop3A_1014], %parallel_loop3A_1020 {add = true} : memref<1024xf32, #tpu.memory_space<vmem>>[vector<16xi32>], vector<16xf32>,
        %parallel_loop3A_1023 = arith.mulf %parallel_loop3A_1020, %parallel_loop3A_1020 : vector<16xf32>
        %parallel_loop3A_1024 = arith.addf %parallel_loop3A_988, %parallel_loop3A_1023 : vector<16xf32>
        %parallel_loop3A_1025 = arith.constant 16 : i32
        %parallel_loop3A_1026 = arith.muli %parallel_loop3A_825, %parallel_loop3A_1025 : i32
        %parallel_loop3A_1027 = arith.constant 13 : i32
        %parallel_loop3A_1028 = arith.index_cast %parallel_loop3A_1027 : i32 to index
        %parallel_loop3A_1029 = arith.index_cast %parallel_loop3A_1026 : i32 to index
        %parallel_loop3A_1030 = tpu.vector_load %arg6[%parallel_loop3A_1028, %parallel_loop3A_1029] {strides = array<i32>} : memref<48x512xf32, #tpu.memory_space<vmem>>, vector<16xf32>,
        %parallel_loop3A_1031 = arith.constant 1024 : i32
        %parallel_loop3A_1032 = tpu.memref_slice %arg7[%parallel_loop3A_1031] : memref<3072xf32, #tpu.memory_space<vmem>> -> memref<1024xf32, #tpu.memory_space<vmem>>
        tpu.vector_store_idx %parallel_loop3A_1032[%parallel_loop3A_1014], %parallel_loop3A_1030 {add = true} : memref<1024xf32, #tpu.memory_space<vmem>>[vector<16xi32>], vector<16xf32>,
        %parallel_loop3A_1033 = arith.mulf %parallel_loop3A_1030, %parallel_loop3A_1030 : vector<16xf32>
        %parallel_loop3A_1034 = arith.addf %parallel_loop3A_998, %parallel_loop3A_1033 : vector<16xf32>
        %parallel_loop3A_1035 = arith.constant 16 : i32
        %parallel_loop3A_1036 = arith.muli %parallel_loop3A_825, %parallel_loop3A_1035 : i32
        %parallel_loop3A_1037 = arith.constant 21 : i32
        %parallel_loop3A_1038 = arith.index_cast %parallel_loop3A_1037 : i32 to index
        %parallel_loop3A_1039 = arith.index_cast %parallel_loop3A_1036 : i32 to index
        %parallel_loop3A_1040 = tpu.vector_load %arg6[%parallel_loop3A_1038, %parallel_loop3A_1039] {strides = array<i32>} : memref<48x512xf32, #tpu.memory_space<vmem>>, vector<16xf32>,
        %parallel_loop3A_1041 = arith.constant 2048 : i32
        %parallel_loop3A_1042 = tpu.memref_slice %arg7[%parallel_loop3A_1041] : memref<3072xf32, #tpu.memory_space<vmem>> -> memref<1024xf32, #tpu.memory_space<vmem>>
        tpu.vector_store_idx %parallel_loop3A_1042[%parallel_loop3A_1014], %parallel_loop3A_1040 {add = true} : memref<1024xf32, #tpu.memory_space<vmem>>[vector<16xi32>], vector<16xf32>,
        %parallel_loop3A_1043 = arith.mulf %parallel_loop3A_1040, %parallel_loop3A_1040 : vector<16xf32>
        %parallel_loop3A_1044 = arith.addf %parallel_loop3A_1008, %parallel_loop3A_1043 : vector<16xf32>
        %parallel_loop3A_1045 = arith.constant 16 : i32
        %parallel_loop3A_1046 = arith.muli %parallel_loop3A_825, %parallel_loop3A_1045 : i32
        %parallel_loop3A_1047 = arith.constant 6 : i32
        %parallel_loop3A_1048 = arith.index_cast %parallel_loop3A_1047 : i32 to index
        %parallel_loop3A_1049 = arith.index_cast %parallel_loop3A_1046 : i32 to index
        %parallel_loop3A_1050 = tpu.vector_load %arg5[%parallel_loop3A_1048, %parallel_loop3A_1049] {strides = array<i32>} : memref<16x512xi32, #tpu.memory_space<vmem>>, vector<16xi32>,
        %parallel_loop3A_1051 = arith.constant 16 : i32
        %parallel_loop3A_1052 = arith.muli %parallel_loop3A_825, %parallel_loop3A_1051 : i32
        %parallel_loop3A_1053 = arith.constant 6 : i32
        %parallel_loop3A_1054 = arith.index_cast %parallel_loop3A_1053 : i32 to index
        %parallel_loop3A_1055 = arith.index_cast %parallel_loop3A_1052 : i32 to index
        %parallel_loop3A_1056 = tpu.vector_load %arg6[%parallel_loop3A_1054, %parallel_loop3A_1055] {strides = array<i32>} : memref<48x512xf32, #tpu.memory_space<vmem>>, vector<16xf32>,
        %parallel_loop3A_1057 = arith.constant 0 : i32
        %parallel_loop3A_1058 = tpu.memref_slice %arg7[%parallel_loop3A_1057] : memref<3072xf32, #tpu.memory_space<vmem>> -> memref<1024xf32, #tpu.memory_space<vmem>>
        tpu.vector_store_idx %parallel_loop3A_1058[%parallel_loop3A_1050], %parallel_loop3A_1056 {add = true} : memref<1024xf32, #tpu.memory_space<vmem>>[vector<16xi32>], vector<16xf32>,
        %parallel_loop3A_1059 = arith.mulf %parallel_loop3A_1056, %parallel_loop3A_1056 : vector<16xf32>
        %parallel_loop3A_1060 = arith.addf %parallel_loop3A_1024, %parallel_loop3A_1059 : vector<16xf32>
        %parallel_loop3A_1061 = arith.constant 16 : i32
        %parallel_loop3A_1062 = arith.muli %parallel_loop3A_825, %parallel_loop3A_1061 : i32
        %parallel_loop3A_1063 = arith.constant 14 : i32
        %parallel_loop3A_1064 = arith.index_cast %parallel_loop3A_1063 : i32 to index
        %parallel_loop3A_1065 = arith.index_cast %parallel_loop3A_1062 : i32 to index
        %parallel_loop3A_1066 = tpu.vector_load %arg6[%parallel_loop3A_1064, %parallel_loop3A_1065] {strides = array<i32>} : memref<48x512xf32, #tpu.memory_space<vmem>>, vector<16xf32>,
        %parallel_loop3A_1067 = arith.constant 1024 : i32
        %parallel_loop3A_1068 = tpu.memref_slice %arg7[%parallel_loop3A_1067] : memref<3072xf32, #tpu.memory_space<vmem>> -> memref<1024xf32, #tpu.memory_space<vmem>>
        tpu.vector_store_idx %parallel_loop3A_1068[%parallel_loop3A_1050], %parallel_loop3A_1066 {add = true} : memref<1024xf32, #tpu.memory_space<vmem>>[vector<16xi32>], vector<16xf32>,
        %parallel_loop3A_1069 = arith.mulf %parallel_loop3A_1066, %parallel_loop3A_1066 : vector<16xf32>
        %parallel_loop3A_1070 = arith.addf %parallel_loop3A_1034, %parallel_loop3A_1069 : vector<16xf32>
        %parallel_loop3A_1071 = arith.constant 16 : i32
        %parallel_loop3A_1072 = arith.muli %parallel_loop3A_825, %parallel_loop3A_1071 : i32
        %parallel_loop3A_1073 = arith.constant 22 : i32
        %parallel_loop3A_1074 = arith.index_cast %parallel_loop3A_1073 : i32 to index
        %parallel_loop3A_1075 = arith.index_cast %parallel_loop3A_1072 : i32 to index
        %parallel_loop3A_1076 = tpu.vector_load %arg6[%parallel_loop3A_1074, %parallel_loop3A_1075] {strides = array<i32>} : memref<48x512xf32, #tpu.memory_space<vmem>>, vector<16xf32>,
        %parallel_loop3A_1077 = arith.constant 2048 : i32
        %parallel_loop3A_1078 = tpu.memref_slice %arg7[%parallel_loop3A_1077] : memref<3072xf32, #tpu.memory_space<vmem>> -> memref<1024xf32, #tpu.memory_space<vmem>>
        tpu.vector_store_idx %parallel_loop3A_1078[%parallel_loop3A_1050], %parallel_loop3A_1076 {add = true} : memref<1024xf32, #tpu.memory_space<vmem>>[vector<16xi32>], vector<16xf32>,
        %parallel_loop3A_1079 = arith.mulf %parallel_loop3A_1076, %parallel_loop3A_1076 : vector<16xf32>
        %parallel_loop3A_1080 = arith.addf %parallel_loop3A_1044, %parallel_loop3A_1079 : vector<16xf32>
        %parallel_loop3A_1081 = arith.constant 16 : i32
        %parallel_loop3A_1082 = arith.muli %parallel_loop3A_825, %parallel_loop3A_1081 : i32
        %parallel_loop3A_1083 = arith.constant 7 : i32
        %parallel_loop3A_1084 = arith.index_cast %parallel_loop3A_1083 : i32 to index
        %parallel_loop3A_1085 = arith.index_cast %parallel_loop3A_1082 : i32 to index
        %parallel_loop3A_1086 = tpu.vector_load %arg5[%parallel_loop3A_1084, %parallel_loop3A_1085] {strides = array<i32>} : memref<16x512xi32, #tpu.memory_space<vmem>>, vector<16xi32>,
        %parallel_loop3A_1087 = arith.constant 16 : i32
        %parallel_loop3A_1088 = arith.muli %parallel_loop3A_825, %parallel_loop3A_1087 : i32
        %parallel_loop3A_1089 = arith.constant 7 : i32
        %parallel_loop3A_1090 = arith.index_cast %parallel_loop3A_1089 : i32 to index
        %parallel_loop3A_1091 = arith.index_cast %parallel_loop3A_1088 : i32 to index
        %parallel_loop3A_1092 = tpu.vector_load %arg6[%parallel_loop3A_1090, %parallel_loop3A_1091] {strides = array<i32>} : memref<48x512xf32, #tpu.memory_space<vmem>>, vector<16xf32>,
        %parallel_loop3A_1093 = arith.constant 0 : i32
        %parallel_loop3A_1094 = tpu.memref_slice %arg7[%parallel_loop3A_1093] : memref<3072xf32, #tpu.memory_space<vmem>> -> memref<1024xf32, #tpu.memory_space<vmem>>
        tpu.vector_store_idx %parallel_loop3A_1094[%parallel_loop3A_1086], %parallel_loop3A_1092 {add = true} : memref<1024xf32, #tpu.memory_space<vmem>>[vector<16xi32>], vector<16xf32>,
        %parallel_loop3A_1095 = arith.mulf %parallel_loop3A_1092, %parallel_loop3A_1092 : vector<16xf32>
        %parallel_loop3A_1096 = arith.addf %parallel_loop3A_1060, %parallel_loop3A_1095 : vector<16xf32>
        %parallel_loop3A_1097 = arith.constant 16 : i32
        %parallel_loop3A_1098 = arith.muli %parallel_loop3A_825, %parallel_loop3A_1097 : i32
        %parallel_loop3A_1099 = arith.constant 15 : i32
        %parallel_loop3A_1100 = arith.index_cast %parallel_loop3A_1099 : i32 to index
        %parallel_loop3A_1101 = arith.index_cast %parallel_loop3A_1098 : i32 to index
        %parallel_loop3A_1102 = tpu.vector_load %arg6[%parallel_loop3A_1100, %parallel_loop3A_1101] {strides = array<i32>} : memref<48x512xf32, #tpu.memory_space<vmem>>, vector<16xf32>,
        %parallel_loop3A_1103 = arith.constant 1024 : i32
        %parallel_loop3A_1104 = tpu.memref_slice %arg7[%parallel_loop3A_1103] : memref<3072xf32, #tpu.memory_space<vmem>> -> memref<1024xf32, #tpu.memory_space<vmem>>
        tpu.vector_store_idx %parallel_loop3A_1104[%parallel_loop3A_1086], %parallel_loop3A_1102 {add = true} : memref<1024xf32, #tpu.memory_space<vmem>>[vector<16xi32>], vector<16xf32>,
        %parallel_loop3A_1105 = arith.mulf %parallel_loop3A_1102, %parallel_loop3A_1102 : vector<16xf32>
        %parallel_loop3A_1106 = arith.addf %parallel_loop3A_1070, %parallel_loop3A_1105 : vector<16xf32>
        %parallel_loop3A_1107 = arith.constant 16 : i32
        %parallel_loop3A_1108 = arith.muli %parallel_loop3A_825, %parallel_loop3A_1107 : i32
        %parallel_loop3A_1109 = arith.constant 23 : i32
        %parallel_loop3A_1110 = arith.index_cast %parallel_loop3A_1109 : i32 to index
        %parallel_loop3A_1111 = arith.index_cast %parallel_loop3A_1108 : i32 to index
        %parallel_loop3A_1112 = tpu.vector_load %arg6[%parallel_loop3A_1110, %parallel_loop3A_1111] {strides = array<i32>} : memref<48x512xf32, #tpu.memory_space<vmem>>, vector<16xf32>,
        %parallel_loop3A_1113 = arith.constant 2048 : i32
        %parallel_loop3A_1114 = tpu.memref_slice %arg7[%parallel_loop3A_1113] : memref<3072xf32, #tpu.memory_space<vmem>> -> memref<1024xf32, #tpu.memory_space<vmem>>
        tpu.vector_store_idx %parallel_loop3A_1114[%parallel_loop3A_1086], %parallel_loop3A_1112 {add = true} : memref<1024xf32, #tpu.memory_space<vmem>>[vector<16xi32>], vector<16xf32>,
        %parallel_loop3A_1115 = arith.mulf %parallel_loop3A_1112, %parallel_loop3A_1112 : vector<16xf32>
        %parallel_loop3A_1116 = arith.addf %parallel_loop3A_1080, %parallel_loop3A_1115 : vector<16xf32>
        scf.yield %parallel_loop3A_1096, %parallel_loop3A_1106, %parallel_loop3A_1116 : vector<16xf32>, vector<16xf32>, vector<16xf32>
      } {sc.loop_unroll_factor = 1 : i64, sc.parallel_access}
      %add3A_738 = arith.constant 2 : i32
      %add3A_739 = arith.addi %add3A_673, %add3A_738 : i32
      %lt3A = arith.constant 64 : i32
      %lt3A_740 = arith.cmpi slt, %add3A_739, %lt3A : i32
      %convert_element_type3A_741 = arith.extui %lt3A_740 : i1 to i32
      %cond3A_742 = arith.constant 0 : i32
      %cond3A_743 = arith.cmpi ne, %convert_element_type3A_741, %cond3A_742 : i32
      scf.if %cond3A_743 {
        %add3A_825 = arith.constant 2 : i32
        %add3A_826 = arith.addi %add3A_673, %add3A_825 : i32
        %mul3A_827 = arith.constant 8 : i32
        %mul3A_828 = arith.muli %add3A_826, %mul3A_827 : i32
        %dma_start3A_829 = arith.constant 0 : i32
        %dma_start3A_830 = arith.constant 0 : i32
        %dma_start3A_831 = tpu.memref_slice %arg5[%dma_start3A_829, %dma_start3A_830] : memref<16x512xi32, #tpu.memory_space<vmem>> -> memref<8x512xi32, #tpu.memory_space<vmem>>
        %dma_start3A_832 = arith.constant 0 : i32
        %dma_start3A_833 = tpu.memref_slice %arg3[%mul3A_828, %dma_start3A_832] : memref<512x512xi32, #tpu.memory_space<hbm>> -> memref<8x512xi32, #tpu.memory_space<hbm>>
        %dma_start3A_834 = arith.constant 0 : i32
        %dma_start3A_835 = arith.constant 0 : i32
        %dma_start3A_836 = tpu.memref_slice %arg5[%dma_start3A_834, %dma_start3A_835] : memref<16x512xi32, #tpu.memory_space<vmem>> -> memref<8x512xi32, #tpu.memory_space<vmem>>
        %dma_start3A_837 = arith.constant 0 : i32
        %dma_start3A_838 = tpu.memref_slice %arg3[%mul3A_828, %dma_start3A_837] : memref<512x512xi32, #tpu.memory_space<hbm>> -> memref<8x512xi32, #tpu.memory_space<hbm>>
        tpu.enqueue_dma source(%dma_start3A_838 : memref<8x512xi32, #tpu.memory_space<hbm>>) target(%dma_start3A_836 : memref<8x512xi32, #tpu.memory_space<vmem>>) target_semaphore(%arg12 : memref<!tpu.dma_semaphore, #tpu.memory_space<semaphore_mem>>)
        %add3A_839 = arith.constant 0 : i32
        %add3A_840 = arith.addi %mul3A_516, %add3A_839 : i32
        %mul3A_841 = arith.constant 8 : i32
        %mul3A_842 = arith.muli %add3A_826, %mul3A_841 : i32
        %dma_start3A_843 = arith.constant 0 : i32
        %dma_start3A_844 = arith.constant 0 : i32
        %dma_start3A_845 = tpu.memref_slice %arg6[%dma_start3A_843, %dma_start3A_844] : memref<48x512xf32, #tpu.memory_space<vmem>> -> memref<8x512xf32, #tpu.memory_space<vmem>>
        %dma_start3A_846 = arith.constant 0 : i32
        %dma_start3A_847 = tpu.memref_slice %arg2[%add3A_840, %mul3A_842, %dma_start3A_846] : memref<96x512x512xf32, #tpu.memory_space<hbm>> -> memref<1x8x512xf32, #tpu.memory_space<hbm>>
        %dma_start3A_848 = tpu.memref_squeeze %dma_start3A_847 : memref<1x8x512xf32, #tpu.memory_space<hbm>> -> memref<8x512xf32, #tpu.memory_space<hbm>>
        %dma_start3A_849 = arith.constant 0 : i32
        %dma_start3A_850 = arith.constant 0 : i32
        %dma_start3A_851 = tpu.memref_slice %arg6[%dma_start3A_849, %dma_start3A_850] : memref<48x512xf32, #tpu.memory_space<vmem>> -> memref<8x512xf32, #tpu.memory_space<vmem>>
        %dma_start3A_852 = arith.constant 0 : i32
        %dma_start3A_853 = tpu.memref_slice %arg2[%add3A_840, %mul3A_842, %dma_start3A_852] : memref<96x512x512xf32, #tpu.memory_space<hbm>> -> memref<1x8x512xf32, #tpu.memory_space<hbm>>
        %dma_start3A_854 = tpu.memref_squeeze %dma_start3A_853 : memref<1x8x512xf32, #tpu.memory_space<hbm>> -> memref<8x512xf32, #tpu.memory_space<hbm>>
        tpu.enqueue_dma source(%dma_start3A_854 : memref<8x512xf32, #tpu.memory_space<hbm>>) target(%dma_start3A_851 : memref<8x512xf32, #tpu.memory_space<vmem>>) target_semaphore(%arg12 : memref<!tpu.dma_semaphore, #tpu.memory_space<semaphore_mem>>)
        %add3A_855 = arith.constant 1 : i32
        %add3A_856 = arith.addi %mul3A_516, %add3A_855 : i32
        %mul3A_857 = arith.constant 8 : i32
        %mul3A_858 = arith.muli %add3A_826, %mul3A_857 : i32
        %dma_start3A_859 = arith.constant 8 : i32
        %dma_start3A_860 = arith.constant 0 : i32
        %dma_start3A_861 = tpu.memref_slice %arg6[%dma_start3A_859, %dma_start3A_860] : memref<48x512xf32, #tpu.memory_space<vmem>> -> memref<8x512xf32, #tpu.memory_space<vmem>>
        %dma_start3A_862 = arith.constant 0 : i32
        %dma_start3A_863 = tpu.memref_slice %arg2[%add3A_856, %mul3A_858, %dma_start3A_862] : memref<96x512x512xf32, #tpu.memory_space<hbm>> -> memref<1x8x512xf32, #tpu.memory_space<hbm>>
        %dma_start3A_864 = tpu.memref_squeeze %dma_start3A_863 : memref<1x8x512xf32, #tpu.memory_space<hbm>> -> memref<8x512xf32, #tpu.memory_space<hbm>>
        %dma_start3A_865 = arith.constant 8 : i32
        %dma_start3A_866 = arith.constant 0 : i32
        %dma_start3A_867 = tpu.memref_slice %arg6[%dma_start3A_865, %dma_start3A_866] : memref<48x512xf32, #tpu.memory_space<vmem>> -> memref<8x512xf32, #tpu.memory_space<vmem>>
        %dma_start3A_868 = arith.constant 0 : i32
        %dma_start3A_869 = tpu.memref_slice %arg2[%add3A_856, %mul3A_858, %dma_start3A_868] : memref<96x512x512xf32, #tpu.memory_space<hbm>> -> memref<1x8x512xf32, #tpu.memory_space<hbm>>
        %dma_start3A_870 = tpu.memref_squeeze %dma_start3A_869 : memref<1x8x512xf32, #tpu.memory_space<hbm>> -> memref<8x512xf32, #tpu.memory_space<hbm>>
        tpu.enqueue_dma source(%dma_start3A_870 : memref<8x512xf32, #tpu.memory_space<hbm>>) target(%dma_start3A_867 : memref<8x512xf32, #tpu.memory_space<vmem>>) target_semaphore(%arg12 : memref<!tpu.dma_semaphore, #tpu.memory_space<semaphore_mem>>)
        %add3A_871 = arith.constant 2 : i32
        %add3A_872 = arith.addi %mul3A_516, %add3A_871 : i32
        %mul3A_873 = arith.constant 8 : i32
        %mul3A_874 = arith.muli %add3A_826, %mul3A_873 : i32
        %dma_start3A_875 = arith.constant 16 : i32
        %dma_start3A_876 = arith.constant 0 : i32
        %dma_start3A_877 = tpu.memref_slice %arg6[%dma_start3A_875, %dma_start3A_876] : memref<48x512xf32, #tpu.memory_space<vmem>> -> memref<8x512xf32, #tpu.memory_space<vmem>>
        %dma_start3A_878 = arith.constant 0 : i32
        %dma_start3A_879 = tpu.memref_slice %arg2[%add3A_872, %mul3A_874, %dma_start3A_878] : memref<96x512x512xf32, #tpu.memory_space<hbm>> -> memref<1x8x512xf32, #tpu.memory_space<hbm>>
        %dma_start3A_880 = tpu.memref_squeeze %dma_start3A_879 : memref<1x8x512xf32, #tpu.memory_space<hbm>> -> memref<8x512xf32, #tpu.memory_space<hbm>>
        %dma_start3A_881 = arith.constant 16 : i32
        %dma_start3A_882 = arith.constant 0 : i32
        %dma_start3A_883 = tpu.memref_slice %arg6[%dma_start3A_881, %dma_start3A_882] : memref<48x512xf32, #tpu.memory_space<vmem>> -> memref<8x512xf32, #tpu.memory_space<vmem>>
        %dma_start3A_884 = arith.constant 0 : i32
        %dma_start3A_885 = tpu.memref_slice %arg2[%add3A_872, %mul3A_874, %dma_start3A_884] : memref<96x512x512xf32, #tpu.memory_space<hbm>> -> memref<1x8x512xf32, #tpu.memory_space<hbm>>
        %dma_start3A_886 = tpu.memref_squeeze %dma_start3A_885 : memref<1x8x512xf32, #tpu.memory_space<hbm>> -> memref<8x512xf32, #tpu.memory_space<hbm>>
        tpu.enqueue_dma source(%dma_start3A_886 : memref<8x512xf32, #tpu.memory_space<hbm>>) target(%dma_start3A_883 : memref<8x512xf32, #tpu.memory_space<vmem>>) target_semaphore(%arg12 : memref<!tpu.dma_semaphore, #tpu.memory_space<semaphore_mem>>)
      } else {
      }
      %mul3A_744 = arith.constant 2 : i32
      %mul3A_745 = arith.muli %mul3A_744, %scan3A_666 : i32
      %add3A_746 = arith.constant 1 : i32
      %add3A_747 = arith.addi %mul3A_745, %add3A_746 : i32
      %mul3A_748 = arith.constant 8 : i32
      %mul3A_749 = arith.muli %add3A_747, %mul3A_748 : i32
      %dma_wait3A_750 = arith.constant 8 : i32
      %dma_wait3A_751 = arith.constant 0 : i32
      %dma_wait3A_752 = tpu.memref_slice %arg5[%dma_wait3A_750, %dma_wait3A_751] : memref<16x512xi32, #tpu.memory_space<vmem>> -> memref<8x512xi32, #tpu.memory_space<vmem>>
      %dma_wait3A_753 = arith.constant 0 : i32
      %dma_wait3A_754 = tpu.memref_slice %arg3[%mul3A_749, %dma_wait3A_753] : memref<512x512xi32, #tpu.memory_space<hbm>> -> memref<8x512xi32, #tpu.memory_space<hbm>>
      %dma_wait3A_755 = arith.constant 8 : i32
      %dma_wait3A_756 = arith.constant 0 : i32
      %dma_wait3A_757 = tpu.memref_slice %arg5[%dma_wait3A_755, %dma_wait3A_756] : memref<16x512xi32, #tpu.memory_space<vmem>> -> memref<8x512xi32, #tpu.memory_space<vmem>>
      %dma_wait3A_758 = arith.constant 0 : i32
      %dma_wait3A_759 = tpu.memref_slice %arg3[%mul3A_749, %dma_wait3A_758] : memref<512x512xi32, #tpu.memory_space<hbm>> -> memref<8x512xi32, #tpu.memory_space<hbm>>
      tpu.wait_dma2 semaphore(%arg13 : memref<!tpu.dma_semaphore, #tpu.memory_space<semaphore_mem>>) src(%dma_wait3A_759 : memref<8x512xi32, #tpu.memory_space<hbm>>) dst(%dma_wait3A_757 : memref<8x512xi32, #tpu.memory_space<vmem>>)
      %add3A_760 = arith.constant 0 : i32
      %add3A_761 = arith.addi %mul3A_516, %add3A_760 : i32
      %mul3A_762 = arith.constant 8 : i32
      %mul3A_763 = arith.muli %add3A_747, %mul3A_762 : i32
      %dma_wait3A_764 = arith.constant 24 : i32
      %dma_wait3A_765 = arith.constant 0 : i32
      %dma_wait3A_766 = tpu.memref_slice %arg6[%dma_wait3A_764, %dma_wait3A_765] : memref<48x512xf32, #tpu.memory_space<vmem>> -> memref<8x512xf32, #tpu.memory_space<vmem>>
      %dma_wait3A_767 = arith.constant 0 : i32
      %dma_wait3A_768 = tpu.memref_slice %arg2[%add3A_761, %mul3A_763, %dma_wait3A_767] : memref<96x512x512xf32, #tpu.memory_space<hbm>> -> memref<1x8x512xf32, #tpu.memory_space<hbm>>
      %dma_wait3A_769 = tpu.memref_squeeze %dma_wait3A_768 : memref<1x8x512xf32, #tpu.memory_space<hbm>> -> memref<8x512xf32, #tpu.memory_space<hbm>>
      %dma_wait3A_770 = arith.constant 24 : i32
      %dma_wait3A_771 = arith.constant 0 : i32
      %dma_wait3A_772 = tpu.memref_slice %arg6[%dma_wait3A_770, %dma_wait3A_771] : memref<48x512xf32, #tpu.memory_space<vmem>> -> memref<8x512xf32, #tpu.memory_space<vmem>>
      %dma_wait3A_773 = arith.constant 0 : i32
      %dma_wait3A_774 = tpu.memref_slice %arg2[%add3A_761, %mul3A_763, %dma_wait3A_773] : memref<96x512x512xf32, #tpu.memory_space<hbm>> -> memref<1x8x512xf32, #tpu.memory_space<hbm>>
      %dma_wait3A_775 = tpu.memref_squeeze %dma_wait3A_774 : memref<1x8x512xf32, #tpu.memory_space<hbm>> -> memref<8x512xf32, #tpu.memory_space<hbm>>
      tpu.wait_dma2 semaphore(%arg13 : memref<!tpu.dma_semaphore, #tpu.memory_space<semaphore_mem>>) src(%dma_wait3A_775 : memref<8x512xf32, #tpu.memory_space<hbm>>) dst(%dma_wait3A_772 : memref<8x512xf32, #tpu.memory_space<vmem>>)
      %add3A_776 = arith.constant 1 : i32
      %add3A_777 = arith.addi %mul3A_516, %add3A_776 : i32
      %mul3A_778 = arith.constant 8 : i32
      %mul3A_779 = arith.muli %add3A_747, %mul3A_778 : i32
      %dma_wait3A_780 = arith.constant 32 : i32
      %dma_wait3A_781 = arith.constant 0 : i32
      %dma_wait3A_782 = tpu.memref_slice %arg6[%dma_wait3A_780, %dma_wait3A_781] : memref<48x512xf32, #tpu.memory_space<vmem>> -> memref<8x512xf32, #tpu.memory_space<vmem>>
      %dma_wait3A_783 = arith.constant 0 : i32
      %dma_wait3A_784 = tpu.memref_slice %arg2[%add3A_777, %mul3A_779, %dma_wait3A_783] : memref<96x512x512xf32, #tpu.memory_space<hbm>> -> memref<1x8x512xf32, #tpu.memory_space<hbm>>
      %dma_wait3A_785 = tpu.memref_squeeze %dma_wait3A_784 : memref<1x8x512xf32, #tpu.memory_space<hbm>> -> memref<8x512xf32, #tpu.memory_space<hbm>>
      %dma_wait3A_786 = arith.constant 32 : i32
      %dma_wait3A_787 = arith.constant 0 : i32
      %dma_wait3A_788 = tpu.memref_slice %arg6[%dma_wait3A_786, %dma_wait3A_787] : memref<48x512xf32, #tpu.memory_space<vmem>> -> memref<8x512xf32, #tpu.memory_space<vmem>>
      %dma_wait3A_789 = arith.constant 0 : i32
      %dma_wait3A_790 = tpu.memref_slice %arg2[%add3A_777, %mul3A_779, %dma_wait3A_789] : memref<96x512x512xf32, #tpu.memory_space<hbm>> -> memref<1x8x512xf32, #tpu.memory_space<hbm>>
      %dma_wait3A_791 = tpu.memref_squeeze %dma_wait3A_790 : memref<1x8x512xf32, #tpu.memory_space<hbm>> -> memref<8x512xf32, #tpu.memory_space<hbm>>
      tpu.wait_dma2 semaphore(%arg13 : memref<!tpu.dma_semaphore, #tpu.memory_space<semaphore_mem>>) src(%dma_wait3A_791 : memref<8x512xf32, #tpu.memory_space<hbm>>) dst(%dma_wait3A_788 : memref<8x512xf32, #tpu.memory_space<vmem>>)
      %add3A_792 = arith.constant 2 : i32
      %add3A_793 = arith.addi %mul3A_516, %add3A_792 : i32
      %mul3A_794 = arith.constant 8 : i32
      %mul3A_795 = arith.muli %add3A_747, %mul3A_794 : i32
      %dma_wait3A_796 = arith.constant 40 : i32
      %dma_wait3A_797 = arith.constant 0 : i32
      %dma_wait3A_798 = tpu.memref_slice %arg6[%dma_wait3A_796, %dma_wait3A_797] : memref<48x512xf32, #tpu.memory_space<vmem>> -> memref<8x512xf32, #tpu.memory_space<vmem>>
      %dma_wait3A_799 = arith.constant 0 : i32
      %dma_wait3A_800 = tpu.memref_slice %arg2[%add3A_793, %mul3A_795, %dma_wait3A_799] : memref<96x512x512xf32, #tpu.memory_space<hbm>> -> memref<1x8x512xf32, #tpu.memory_space<hbm>>
      %dma_wait3A_801 = tpu.memref_squeeze %dma_wait3A_800 : memref<1x8x512xf32, #tpu.memory_space<hbm>> -> memref<8x512xf32, #tpu.memory_space<hbm>>
      %dma_wait3A_802 = arith.constant 40 : i32
      %dma_wait3A_803 = arith.constant 0 : i32
      %dma_wait3A_804 = tpu.memref_slice %arg6[%dma_wait3A_802, %dma_wait3A_803] : memref<48x512xf32, #tpu.memory_space<vmem>> -> memref<8x512xf32, #tpu.memory_space<vmem>>
      %dma_wait3A_805 = arith.constant 0 : i32
      %dma_wait3A_806 = tpu.memref_slice %arg2[%add3A_793, %mul3A_795, %dma_wait3A_805] : memref<96x512x512xf32, #tpu.memory_space<hbm>> -> memref<1x8x512xf32, #tpu.memory_space<hbm>>
      %dma_wait3A_807 = tpu.memref_squeeze %dma_wait3A_806 : memref<1x8x512xf32, #tpu.memory_space<hbm>> -> memref<8x512xf32, #tpu.memory_space<hbm>>
      tpu.wait_dma2 semaphore(%arg13 : memref<!tpu.dma_semaphore, #tpu.memory_space<semaphore_mem>>) src(%dma_wait3A_807 : memref<8x512xf32, #tpu.memory_space<hbm>>) dst(%dma_wait3A_804 : memref<8x512xf32, #tpu.memory_space<vmem>>)
      %rem3A_808 = arith.constant 16 : i32
      %rem3A_809 = arith.remsi %add3A_747, %rem3A_808 : i32
      %eq3A_810 = arith.cmpi eq, %rem3A_809, %arg1 : i32
      %convert_element_type3A_811 = arith.extui %eq3A_810 : i1 to i32
      %cond3A_812 = arith.constant 0 : i32
      %cond3A_813 = arith.cmpi ne, %convert_element_type3A_811, %cond3A_812 : i32
      scf.if %cond3A_813 {
        %parallel_loop3A_825 = arith.constant 0 : i32
        %parallel_loop3A_826 = arith.constant 32 : i32
        %parallel_loop3A_827 = arith.constant 1 : i32
        scf.for %parallel_loop3A_828 = %parallel_loop3A_825 to %parallel_loop3A_826 step %parallel_loop3A_827  : i32 {
          %parallel_loop3A_829 = arith.constant 16 : i32
          %parallel_loop3A_830 = arith.muli %parallel_loop3A_828, %parallel_loop3A_829 : i32
          %parallel_loop3A_831 = arith.constant 8 : i32
          %parallel_loop3A_832 = arith.index_cast %parallel_loop3A_831 : i32 to index
          %parallel_loop3A_833 = arith.index_cast %parallel_loop3A_830 : i32 to index
          %parallel_loop3A_834 = tpu.vector_load %arg5[%parallel_loop3A_832, %parallel_loop3A_833] {strides = array<i32>} : memref<16x512xi32, #tpu.memory_space<vmem>>, vector<16xi32>,
          tpu.vector_store_idx %arg8[%parallel_loop3A_834], %broadcast_in_dim3A_3 {add = true} : memref<1024xf32, #tpu.memory_space<vmem>>[vector<16xi32>], vector<16xf32>,
          %parallel_loop3A_835 = arith.constant 16 : i32
          %parallel_loop3A_836 = arith.muli %parallel_loop3A_828, %parallel_loop3A_835 : i32
          %parallel_loop3A_837 = arith.constant 9 : i32
          %parallel_loop3A_838 = arith.index_cast %parallel_loop3A_837 : i32 to index
          %parallel_loop3A_839 = arith.index_cast %parallel_loop3A_836 : i32 to index
          %parallel_loop3A_840 = tpu.vector_load %arg5[%parallel_loop3A_838, %parallel_loop3A_839] {strides = array<i32>} : memref<16x512xi32, #tpu.memory_space<vmem>>, vector<16xi32>,
          tpu.vector_store_idx %arg8[%parallel_loop3A_840], %broadcast_in_dim3A_3 {add = true} : memref<1024xf32, #tpu.memory_space<vmem>>[vector<16xi32>], vector<16xf32>,
          %parallel_loop3A_841 = arith.constant 16 : i32
          %parallel_loop3A_842 = arith.muli %parallel_loop3A_828, %parallel_loop3A_841 : i32
          %parallel_loop3A_843 = arith.constant 10 : i32
          %parallel_loop3A_844 = arith.index_cast %parallel_loop3A_843 : i32 to index
          %parallel_loop3A_845 = arith.index_cast %parallel_loop3A_842 : i32 to index
          %parallel_loop3A_846 = tpu.vector_load %arg5[%parallel_loop3A_844, %parallel_loop3A_845] {strides = array<i32>} : memref<16x512xi32, #tpu.memory_space<vmem>>, vector<16xi32>,
          tpu.vector_store_idx %arg8[%parallel_loop3A_846], %broadcast_in_dim3A_3 {add = true} : memref<1024xf32, #tpu.memory_space<vmem>>[vector<16xi32>], vector<16xf32>,
          %parallel_loop3A_847 = arith.constant 16 : i32
          %parallel_loop3A_848 = arith.muli %parallel_loop3A_828, %parallel_loop3A_847 : i32
          %parallel_loop3A_849 = arith.constant 11 : i32
          %parallel_loop3A_850 = arith.index_cast %parallel_loop3A_849 : i32 to index
          %parallel_loop3A_851 = arith.index_cast %parallel_loop3A_848 : i32 to index
          %parallel_loop3A_852 = tpu.vector_load %arg5[%parallel_loop3A_850, %parallel_loop3A_851] {strides = array<i32>} : memref<16x512xi32, #tpu.memory_space<vmem>>, vector<16xi32>,
          tpu.vector_store_idx %arg8[%parallel_loop3A_852], %broadcast_in_dim3A_3 {add = true} : memref<1024xf32, #tpu.memory_space<vmem>>[vector<16xi32>], vector<16xf32>,
          %parallel_loop3A_853 = arith.constant 16 : i32
          %parallel_loop3A_854 = arith.muli %parallel_loop3A_828, %parallel_loop3A_853 : i32
          %parallel_loop3A_855 = arith.constant 12 : i32
          %parallel_loop3A_856 = arith.index_cast %parallel_loop3A_855 : i32 to index
          %parallel_loop3A_857 = arith.index_cast %parallel_loop3A_854 : i32 to index
          %parallel_loop3A_858 = tpu.vector_load %arg5[%parallel_loop3A_856, %parallel_loop3A_857] {strides = array<i32>} : memref<16x512xi32, #tpu.memory_space<vmem>>, vector<16xi32>,
          tpu.vector_store_idx %arg8[%parallel_loop3A_858], %broadcast_in_dim3A_3 {add = true} : memref<1024xf32, #tpu.memory_space<vmem>>[vector<16xi32>], vector<16xf32>,
          %parallel_loop3A_859 = arith.constant 16 : i32
          %parallel_loop3A_860 = arith.muli %parallel_loop3A_828, %parallel_loop3A_859 : i32
          %parallel_loop3A_861 = arith.constant 13 : i32
          %parallel_loop3A_862 = arith.index_cast %parallel_loop3A_861 : i32 to index
          %parallel_loop3A_863 = arith.index_cast %parallel_loop3A_860 : i32 to index
          %parallel_loop3A_864 = tpu.vector_load %arg5[%parallel_loop3A_862, %parallel_loop3A_863] {strides = array<i32>} : memref<16x512xi32, #tpu.memory_space<vmem>>, vector<16xi32>,
          tpu.vector_store_idx %arg8[%parallel_loop3A_864], %broadcast_in_dim3A_3 {add = true} : memref<1024xf32, #tpu.memory_space<vmem>>[vector<16xi32>], vector<16xf32>,
          %parallel_loop3A_865 = arith.constant 16 : i32
          %parallel_loop3A_866 = arith.muli %parallel_loop3A_828, %parallel_loop3A_865 : i32
          %parallel_loop3A_867 = arith.constant 14 : i32
          %parallel_loop3A_868 = arith.index_cast %parallel_loop3A_867 : i32 to index
          %parallel_loop3A_869 = arith.index_cast %parallel_loop3A_866 : i32 to index
          %parallel_loop3A_870 = tpu.vector_load %arg5[%parallel_loop3A_868, %parallel_loop3A_869] {strides = array<i32>} : memref<16x512xi32, #tpu.memory_space<vmem>>, vector<16xi32>,
          tpu.vector_store_idx %arg8[%parallel_loop3A_870], %broadcast_in_dim3A_3 {add = true} : memref<1024xf32, #tpu.memory_space<vmem>>[vector<16xi32>], vector<16xf32>,
          %parallel_loop3A_871 = arith.constant 16 : i32
          %parallel_loop3A_872 = arith.muli %parallel_loop3A_828, %parallel_loop3A_871 : i32
          %parallel_loop3A_873 = arith.constant 15 : i32
          %parallel_loop3A_874 = arith.index_cast %parallel_loop3A_873 : i32 to index
          %parallel_loop3A_875 = arith.index_cast %parallel_loop3A_872 : i32 to index
          %parallel_loop3A_876 = tpu.vector_load %arg5[%parallel_loop3A_874, %parallel_loop3A_875] {strides = array<i32>} : memref<16x512xi32, #tpu.memory_space<vmem>>, vector<16xi32>,
          tpu.vector_store_idx %arg8[%parallel_loop3A_876], %broadcast_in_dim3A_3 {add = true} : memref<1024xf32, #tpu.memory_space<vmem>>[vector<16xi32>], vector<16xf32>,
        } {sc.loop_unroll_factor = 4 : i64, sc.parallel_access}
      } else {
      }
      %parallel_loop3A_814 = arith.constant 0 : i32
      %parallel_loop3A_815 = arith.constant 32 : i32
      %parallel_loop3A_816 = arith.constant 1 : i32
      %parallel_loop3A_817:3 = scf.for %parallel_loop3A_825 = %parallel_loop3A_814 to %parallel_loop3A_815 step %parallel_loop3A_816 iter_args(%parallel_loop3A_826 = %parallel_loop3A_737#0, %parallel_loop3A_827 = %parallel_loop3A_737#1, %parallel_loop3A_828 = %parallel_loop3A_737#2) -> (vector<16xf32>, vector<16xf32>, vector<16xf32>)  : i32 {
        %parallel_loop3A_829 = arith.constant 16 : i32
        %parallel_loop3A_830 = arith.muli %parallel_loop3A_825, %parallel_loop3A_829 : i32
        %parallel_loop3A_831 = arith.constant 8 : i32
        %parallel_loop3A_832 = arith.index_cast %parallel_loop3A_831 : i32 to index
        %parallel_loop3A_833 = arith.index_cast %parallel_loop3A_830 : i32 to index
        %parallel_loop3A_834 = tpu.vector_load %arg5[%parallel_loop3A_832, %parallel_loop3A_833] {strides = array<i32>} : memref<16x512xi32, #tpu.memory_space<vmem>>, vector<16xi32>,
        %parallel_loop3A_835 = arith.constant 16 : i32
        %parallel_loop3A_836 = arith.muli %parallel_loop3A_825, %parallel_loop3A_835 : i32
        %parallel_loop3A_837 = arith.constant 24 : i32
        %parallel_loop3A_838 = arith.index_cast %parallel_loop3A_837 : i32 to index
        %parallel_loop3A_839 = arith.index_cast %parallel_loop3A_836 : i32 to index
        %parallel_loop3A_840 = tpu.vector_load %arg6[%parallel_loop3A_838, %parallel_loop3A_839] {strides = array<i32>} : memref<48x512xf32, #tpu.memory_space<vmem>>, vector<16xf32>,
        %parallel_loop3A_841 = arith.constant 0 : i32
        %parallel_loop3A_842 = tpu.memref_slice %arg7[%parallel_loop3A_841] : memref<3072xf32, #tpu.memory_space<vmem>> -> memref<1024xf32, #tpu.memory_space<vmem>>
        tpu.vector_store_idx %parallel_loop3A_842[%parallel_loop3A_834], %parallel_loop3A_840 {add = true} : memref<1024xf32, #tpu.memory_space<vmem>>[vector<16xi32>], vector<16xf32>,
        %parallel_loop3A_843 = arith.mulf %parallel_loop3A_840, %parallel_loop3A_840 : vector<16xf32>
        %parallel_loop3A_844 = arith.addf %parallel_loop3A_826, %parallel_loop3A_843 : vector<16xf32>
        %parallel_loop3A_845 = arith.constant 16 : i32
        %parallel_loop3A_846 = arith.muli %parallel_loop3A_825, %parallel_loop3A_845 : i32
        %parallel_loop3A_847 = arith.constant 32 : i32
        %parallel_loop3A_848 = arith.index_cast %parallel_loop3A_847 : i32 to index
        %parallel_loop3A_849 = arith.index_cast %parallel_loop3A_846 : i32 to index
        %parallel_loop3A_850 = tpu.vector_load %arg6[%parallel_loop3A_848, %parallel_loop3A_849] {strides = array<i32>} : memref<48x512xf32, #tpu.memory_space<vmem>>, vector<16xf32>,
        %parallel_loop3A_851 = arith.constant 1024 : i32
        %parallel_loop3A_852 = tpu.memref_slice %arg7[%parallel_loop3A_851] : memref<3072xf32, #tpu.memory_space<vmem>> -> memref<1024xf32, #tpu.memory_space<vmem>>
        tpu.vector_store_idx %parallel_loop3A_852[%parallel_loop3A_834], %parallel_loop3A_850 {add = true} : memref<1024xf32, #tpu.memory_space<vmem>>[vector<16xi32>], vector<16xf32>,
        %parallel_loop3A_853 = arith.mulf %parallel_loop3A_850, %parallel_loop3A_850 : vector<16xf32>
        %parallel_loop3A_854 = arith.addf %parallel_loop3A_827, %parallel_loop3A_853 : vector<16xf32>
        %parallel_loop3A_855 = arith.constant 16 : i32
        %parallel_loop3A_856 = arith.muli %parallel_loop3A_825, %parallel_loop3A_855 : i32
        %parallel_loop3A_857 = arith.constant 40 : i32
        %parallel_loop3A_858 = arith.index_cast %parallel_loop3A_857 : i32 to index
        %parallel_loop3A_859 = arith.index_cast %parallel_loop3A_856 : i32 to index
        %parallel_loop3A_860 = tpu.vector_load %arg6[%parallel_loop3A_858, %parallel_loop3A_859] {strides = array<i32>} : memref<48x512xf32, #tpu.memory_space<vmem>>, vector<16xf32>,
        %parallel_loop3A_861 = arith.constant 2048 : i32
        %parallel_loop3A_862 = tpu.memref_slice %arg7[%parallel_loop3A_861] : memref<3072xf32, #tpu.memory_space<vmem>> -> memref<1024xf32, #tpu.memory_space<vmem>>
        tpu.vector_store_idx %parallel_loop3A_862[%parallel_loop3A_834], %parallel_loop3A_860 {add = true} : memref<1024xf32, #tpu.memory_space<vmem>>[vector<16xi32>], vector<16xf32>,
        %parallel_loop3A_863 = arith.mulf %parallel_loop3A_860, %parallel_loop3A_860 : vector<16xf32>
        %parallel_loop3A_864 = arith.addf %parallel_loop3A_828, %parallel_loop3A_863 : vector<16xf32>
        %parallel_loop3A_865 = arith.constant 16 : i32
        %parallel_loop3A_866 = arith.muli %parallel_loop3A_825, %parallel_loop3A_865 : i32
        %parallel_loop3A_867 = arith.constant 9 : i32
        %parallel_loop3A_868 = arith.index_cast %parallel_loop3A_867 : i32 to index
        %parallel_loop3A_869 = arith.index_cast %parallel_loop3A_866 : i32 to index
        %parallel_loop3A_870 = tpu.vector_load %arg5[%parallel_loop3A_868, %parallel_loop3A_869] {strides = array<i32>} : memref<16x512xi32, #tpu.memory_space<vmem>>, vector<16xi32>,
        %parallel_loop3A_871 = arith.constant 16 : i32
        %parallel_loop3A_872 = arith.muli %parallel_loop3A_825, %parallel_loop3A_871 : i32
        %parallel_loop3A_873 = arith.constant 25 : i32
        %parallel_loop3A_874 = arith.index_cast %parallel_loop3A_873 : i32 to index
        %parallel_loop3A_875 = arith.index_cast %parallel_loop3A_872 : i32 to index
        %parallel_loop3A_876 = tpu.vector_load %arg6[%parallel_loop3A_874, %parallel_loop3A_875] {strides = array<i32>} : memref<48x512xf32, #tpu.memory_space<vmem>>, vector<16xf32>,
        %parallel_loop3A_877 = arith.constant 0 : i32
        %parallel_loop3A_878 = tpu.memref_slice %arg7[%parallel_loop3A_877] : memref<3072xf32, #tpu.memory_space<vmem>> -> memref<1024xf32, #tpu.memory_space<vmem>>
        tpu.vector_store_idx %parallel_loop3A_878[%parallel_loop3A_870], %parallel_loop3A_876 {add = true} : memref<1024xf32, #tpu.memory_space<vmem>>[vector<16xi32>], vector<16xf32>,
        %parallel_loop3A_879 = arith.mulf %parallel_loop3A_876, %parallel_loop3A_876 : vector<16xf32>
        %parallel_loop3A_880 = arith.addf %parallel_loop3A_844, %parallel_loop3A_879 : vector<16xf32>
        %parallel_loop3A_881 = arith.constant 16 : i32
        %parallel_loop3A_882 = arith.muli %parallel_loop3A_825, %parallel_loop3A_881 : i32
        %parallel_loop3A_883 = arith.constant 33 : i32
        %parallel_loop3A_884 = arith.index_cast %parallel_loop3A_883 : i32 to index
        %parallel_loop3A_885 = arith.index_cast %parallel_loop3A_882 : i32 to index
        %parallel_loop3A_886 = tpu.vector_load %arg6[%parallel_loop3A_884, %parallel_loop3A_885] {strides = array<i32>} : memref<48x512xf32, #tpu.memory_space<vmem>>, vector<16xf32>,
        %parallel_loop3A_887 = arith.constant 1024 : i32
        %parallel_loop3A_888 = tpu.memref_slice %arg7[%parallel_loop3A_887] : memref<3072xf32, #tpu.memory_space<vmem>> -> memref<1024xf32, #tpu.memory_space<vmem>>
        tpu.vector_store_idx %parallel_loop3A_888[%parallel_loop3A_870], %parallel_loop3A_886 {add = true} : memref<1024xf32, #tpu.memory_space<vmem>>[vector<16xi32>], vector<16xf32>,
        %parallel_loop3A_889 = arith.mulf %parallel_loop3A_886, %parallel_loop3A_886 : vector<16xf32>
        %parallel_loop3A_890 = arith.addf %parallel_loop3A_854, %parallel_loop3A_889 : vector<16xf32>
        %parallel_loop3A_891 = arith.constant 16 : i32
        %parallel_loop3A_892 = arith.muli %parallel_loop3A_825, %parallel_loop3A_891 : i32
        %parallel_loop3A_893 = arith.constant 41 : i32
        %parallel_loop3A_894 = arith.index_cast %parallel_loop3A_893 : i32 to index
        %parallel_loop3A_895 = arith.index_cast %parallel_loop3A_892 : i32 to index
        %parallel_loop3A_896 = tpu.vector_load %arg6[%parallel_loop3A_894, %parallel_loop3A_895] {strides = array<i32>} : memref<48x512xf32, #tpu.memory_space<vmem>>, vector<16xf32>,
        %parallel_loop3A_897 = arith.constant 2048 : i32
        %parallel_loop3A_898 = tpu.memref_slice %arg7[%parallel_loop3A_897] : memref<3072xf32, #tpu.memory_space<vmem>> -> memref<1024xf32, #tpu.memory_space<vmem>>
        tpu.vector_store_idx %parallel_loop3A_898[%parallel_loop3A_870], %parallel_loop3A_896 {add = true} : memref<1024xf32, #tpu.memory_space<vmem>>[vector<16xi32>], vector<16xf32>,
        %parallel_loop3A_899 = arith.mulf %parallel_loop3A_896, %parallel_loop3A_896 : vector<16xf32>
        %parallel_loop3A_900 = arith.addf %parallel_loop3A_864, %parallel_loop3A_899 : vector<16xf32>
        %parallel_loop3A_901 = arith.constant 16 : i32
        %parallel_loop3A_902 = arith.muli %parallel_loop3A_825, %parallel_loop3A_901 : i32
        %parallel_loop3A_903 = arith.constant 10 : i32
        %parallel_loop3A_904 = arith.index_cast %parallel_loop3A_903 : i32 to index
        %parallel_loop3A_905 = arith.index_cast %parallel_loop3A_902 : i32 to index
        %parallel_loop3A_906 = tpu.vector_load %arg5[%parallel_loop3A_904, %parallel_loop3A_905] {strides = array<i32>} : memref<16x512xi32, #tpu.memory_space<vmem>>, vector<16xi32>,
        %parallel_loop3A_907 = arith.constant 16 : i32
        %parallel_loop3A_908 = arith.muli %parallel_loop3A_825, %parallel_loop3A_907 : i32
        %parallel_loop3A_909 = arith.constant 26 : i32
        %parallel_loop3A_910 = arith.index_cast %parallel_loop3A_909 : i32 to index
        %parallel_loop3A_911 = arith.index_cast %parallel_loop3A_908 : i32 to index
        %parallel_loop3A_912 = tpu.vector_load %arg6[%parallel_loop3A_910, %parallel_loop3A_911] {strides = array<i32>} : memref<48x512xf32, #tpu.memory_space<vmem>>, vector<16xf32>,
        %parallel_loop3A_913 = arith.constant 0 : i32
        %parallel_loop3A_914 = tpu.memref_slice %arg7[%parallel_loop3A_913] : memref<3072xf32, #tpu.memory_space<vmem>> -> memref<1024xf32, #tpu.memory_space<vmem>>
        tpu.vector_store_idx %parallel_loop3A_914[%parallel_loop3A_906], %parallel_loop3A_912 {add = true} : memref<1024xf32, #tpu.memory_space<vmem>>[vector<16xi32>], vector<16xf32>,
        %parallel_loop3A_915 = arith.mulf %parallel_loop3A_912, %parallel_loop3A_912 : vector<16xf32>
        %parallel_loop3A_916 = arith.addf %parallel_loop3A_880, %parallel_loop3A_915 : vector<16xf32>
        %parallel_loop3A_917 = arith.constant 16 : i32
        %parallel_loop3A_918 = arith.muli %parallel_loop3A_825, %parallel_loop3A_917 : i32
        %parallel_loop3A_919 = arith.constant 34 : i32
        %parallel_loop3A_920 = arith.index_cast %parallel_loop3A_919 : i32 to index
        %parallel_loop3A_921 = arith.index_cast %parallel_loop3A_918 : i32 to index
        %parallel_loop3A_922 = tpu.vector_load %arg6[%parallel_loop3A_920, %parallel_loop3A_921] {strides = array<i32>} : memref<48x512xf32, #tpu.memory_space<vmem>>, vector<16xf32>,
        %parallel_loop3A_923 = arith.constant 1024 : i32
        %parallel_loop3A_924 = tpu.memref_slice %arg7[%parallel_loop3A_923] : memref<3072xf32, #tpu.memory_space<vmem>> -> memref<1024xf32, #tpu.memory_space<vmem>>
        tpu.vector_store_idx %parallel_loop3A_924[%parallel_loop3A_906], %parallel_loop3A_922 {add = true} : memref<1024xf32, #tpu.memory_space<vmem>>[vector<16xi32>], vector<16xf32>,
        %parallel_loop3A_925 = arith.mulf %parallel_loop3A_922, %parallel_loop3A_922 : vector<16xf32>
        %parallel_loop3A_926 = arith.addf %parallel_loop3A_890, %parallel_loop3A_925 : vector<16xf32>
        %parallel_loop3A_927 = arith.constant 16 : i32
        %parallel_loop3A_928 = arith.muli %parallel_loop3A_825, %parallel_loop3A_927 : i32
        %parallel_loop3A_929 = arith.constant 42 : i32
        %parallel_loop3A_930 = arith.index_cast %parallel_loop3A_929 : i32 to index
        %parallel_loop3A_931 = arith.index_cast %parallel_loop3A_928 : i32 to index
        %parallel_loop3A_932 = tpu.vector_load %arg6[%parallel_loop3A_930, %parallel_loop3A_931] {strides = array<i32>} : memref<48x512xf32, #tpu.memory_space<vmem>>, vector<16xf32>,
        %parallel_loop3A_933 = arith.constant 2048 : i32
        %parallel_loop3A_934 = tpu.memref_slice %arg7[%parallel_loop3A_933] : memref<3072xf32, #tpu.memory_space<vmem>> -> memref<1024xf32, #tpu.memory_space<vmem>>
        tpu.vector_store_idx %parallel_loop3A_934[%parallel_loop3A_906], %parallel_loop3A_932 {add = true} : memref<1024xf32, #tpu.memory_space<vmem>>[vector<16xi32>], vector<16xf32>,
        %parallel_loop3A_935 = arith.mulf %parallel_loop3A_932, %parallel_loop3A_932 : vector<16xf32>
        %parallel_loop3A_936 = arith.addf %parallel_loop3A_900, %parallel_loop3A_935 : vector<16xf32>
        %parallel_loop3A_937 = arith.constant 16 : i32
        %parallel_loop3A_938 = arith.muli %parallel_loop3A_825, %parallel_loop3A_937 : i32
        %parallel_loop3A_939 = arith.constant 11 : i32
        %parallel_loop3A_940 = arith.index_cast %parallel_loop3A_939 : i32 to index
        %parallel_loop3A_941 = arith.index_cast %parallel_loop3A_938 : i32 to index
        %parallel_loop3A_942 = tpu.vector_load %arg5[%parallel_loop3A_940, %parallel_loop3A_941] {strides = array<i32>} : memref<16x512xi32, #tpu.memory_space<vmem>>, vector<16xi32>,
        %parallel_loop3A_943 = arith.constant 16 : i32
        %parallel_loop3A_944 = arith.muli %parallel_loop3A_825, %parallel_loop3A_943 : i32
        %parallel_loop3A_945 = arith.constant 27 : i32
        %parallel_loop3A_946 = arith.index_cast %parallel_loop3A_945 : i32 to index
        %parallel_loop3A_947 = arith.index_cast %parallel_loop3A_944 : i32 to index
        %parallel_loop3A_948 = tpu.vector_load %arg6[%parallel_loop3A_946, %parallel_loop3A_947] {strides = array<i32>} : memref<48x512xf32, #tpu.memory_space<vmem>>, vector<16xf32>,
        %parallel_loop3A_949 = arith.constant 0 : i32
        %parallel_loop3A_950 = tpu.memref_slice %arg7[%parallel_loop3A_949] : memref<3072xf32, #tpu.memory_space<vmem>> -> memref<1024xf32, #tpu.memory_space<vmem>>
        tpu.vector_store_idx %parallel_loop3A_950[%parallel_loop3A_942], %parallel_loop3A_948 {add = true} : memref<1024xf32, #tpu.memory_space<vmem>>[vector<16xi32>], vector<16xf32>,
        %parallel_loop3A_951 = arith.mulf %parallel_loop3A_948, %parallel_loop3A_948 : vector<16xf32>
        %parallel_loop3A_952 = arith.addf %parallel_loop3A_916, %parallel_loop3A_951 : vector<16xf32>
        %parallel_loop3A_953 = arith.constant 16 : i32
        %parallel_loop3A_954 = arith.muli %parallel_loop3A_825, %parallel_loop3A_953 : i32
        %parallel_loop3A_955 = arith.constant 35 : i32
        %parallel_loop3A_956 = arith.index_cast %parallel_loop3A_955 : i32 to index
        %parallel_loop3A_957 = arith.index_cast %parallel_loop3A_954 : i32 to index
        %parallel_loop3A_958 = tpu.vector_load %arg6[%parallel_loop3A_956, %parallel_loop3A_957] {strides = array<i32>} : memref<48x512xf32, #tpu.memory_space<vmem>>, vector<16xf32>,
        %parallel_loop3A_959 = arith.constant 1024 : i32
        %parallel_loop3A_960 = tpu.memref_slice %arg7[%parallel_loop3A_959] : memref<3072xf32, #tpu.memory_space<vmem>> -> memref<1024xf32, #tpu.memory_space<vmem>>
        tpu.vector_store_idx %parallel_loop3A_960[%parallel_loop3A_942], %parallel_loop3A_958 {add = true} : memref<1024xf32, #tpu.memory_space<vmem>>[vector<16xi32>], vector<16xf32>,
        %parallel_loop3A_961 = arith.mulf %parallel_loop3A_958, %parallel_loop3A_958 : vector<16xf32>
        %parallel_loop3A_962 = arith.addf %parallel_loop3A_926, %parallel_loop3A_961 : vector<16xf32>
        %parallel_loop3A_963 = arith.constant 16 : i32
        %parallel_loop3A_964 = arith.muli %parallel_loop3A_825, %parallel_loop3A_963 : i32
        %parallel_loop3A_965 = arith.constant 43 : i32
        %parallel_loop3A_966 = arith.index_cast %parallel_loop3A_965 : i32 to index
        %parallel_loop3A_967 = arith.index_cast %parallel_loop3A_964 : i32 to index
        %parallel_loop3A_968 = tpu.vector_load %arg6[%parallel_loop3A_966, %parallel_loop3A_967] {strides = array<i32>} : memref<48x512xf32, #tpu.memory_space<vmem>>, vector<16xf32>,
        %parallel_loop3A_969 = arith.constant 2048 : i32
        %parallel_loop3A_970 = tpu.memref_slice %arg7[%parallel_loop3A_969] : memref<3072xf32, #tpu.memory_space<vmem>> -> memref<1024xf32, #tpu.memory_space<vmem>>
        tpu.vector_store_idx %parallel_loop3A_970[%parallel_loop3A_942], %parallel_loop3A_968 {add = true} : memref<1024xf32, #tpu.memory_space<vmem>>[vector<16xi32>], vector<16xf32>,
        %parallel_loop3A_971 = arith.mulf %parallel_loop3A_968, %parallel_loop3A_968 : vector<16xf32>
        %parallel_loop3A_972 = arith.addf %parallel_loop3A_936, %parallel_loop3A_971 : vector<16xf32>
        %parallel_loop3A_973 = arith.constant 16 : i32
        %parallel_loop3A_974 = arith.muli %parallel_loop3A_825, %parallel_loop3A_973 : i32
        %parallel_loop3A_975 = arith.constant 12 : i32
        %parallel_loop3A_976 = arith.index_cast %parallel_loop3A_975 : i32 to index
        %parallel_loop3A_977 = arith.index_cast %parallel_loop3A_974 : i32 to index
        %parallel_loop3A_978 = tpu.vector_load %arg5[%parallel_loop3A_976, %parallel_loop3A_977] {strides = array<i32>} : memref<16x512xi32, #tpu.memory_space<vmem>>, vector<16xi32>,
        %parallel_loop3A_979 = arith.constant 16 : i32
        %parallel_loop3A_980 = arith.muli %parallel_loop3A_825, %parallel_loop3A_979 : i32
        %parallel_loop3A_981 = arith.constant 28 : i32
        %parallel_loop3A_982 = arith.index_cast %parallel_loop3A_981 : i32 to index
        %parallel_loop3A_983 = arith.index_cast %parallel_loop3A_980 : i32 to index
        %parallel_loop3A_984 = tpu.vector_load %arg6[%parallel_loop3A_982, %parallel_loop3A_983] {strides = array<i32>} : memref<48x512xf32, #tpu.memory_space<vmem>>, vector<16xf32>,
        %parallel_loop3A_985 = arith.constant 0 : i32
        %parallel_loop3A_986 = tpu.memref_slice %arg7[%parallel_loop3A_985] : memref<3072xf32, #tpu.memory_space<vmem>> -> memref<1024xf32, #tpu.memory_space<vmem>>
        tpu.vector_store_idx %parallel_loop3A_986[%parallel_loop3A_978], %parallel_loop3A_984 {add = true} : memref<1024xf32, #tpu.memory_space<vmem>>[vector<16xi32>], vector<16xf32>,
        %parallel_loop3A_987 = arith.mulf %parallel_loop3A_984, %parallel_loop3A_984 : vector<16xf32>
        %parallel_loop3A_988 = arith.addf %parallel_loop3A_952, %parallel_loop3A_987 : vector<16xf32>
        %parallel_loop3A_989 = arith.constant 16 : i32
        %parallel_loop3A_990 = arith.muli %parallel_loop3A_825, %parallel_loop3A_989 : i32
        %parallel_loop3A_991 = arith.constant 36 : i32
        %parallel_loop3A_992 = arith.index_cast %parallel_loop3A_991 : i32 to index
        %parallel_loop3A_993 = arith.index_cast %parallel_loop3A_990 : i32 to index
        %parallel_loop3A_994 = tpu.vector_load %arg6[%parallel_loop3A_992, %parallel_loop3A_993] {strides = array<i32>} : memref<48x512xf32, #tpu.memory_space<vmem>>, vector<16xf32>,
        %parallel_loop3A_995 = arith.constant 1024 : i32
        %parallel_loop3A_996 = tpu.memref_slice %arg7[%parallel_loop3A_995] : memref<3072xf32, #tpu.memory_space<vmem>> -> memref<1024xf32, #tpu.memory_space<vmem>>
        tpu.vector_store_idx %parallel_loop3A_996[%parallel_loop3A_978], %parallel_loop3A_994 {add = true} : memref<1024xf32, #tpu.memory_space<vmem>>[vector<16xi32>], vector<16xf32>,
        %parallel_loop3A_997 = arith.mulf %parallel_loop3A_994, %parallel_loop3A_994 : vector<16xf32>
        %parallel_loop3A_998 = arith.addf %parallel_loop3A_962, %parallel_loop3A_997 : vector<16xf32>
        %parallel_loop3A_999 = arith.constant 16 : i32
        %parallel_loop3A_1000 = arith.muli %parallel_loop3A_825, %parallel_loop3A_999 : i32
        %parallel_loop3A_1001 = arith.constant 44 : i32
        %parallel_loop3A_1002 = arith.index_cast %parallel_loop3A_1001 : i32 to index
        %parallel_loop3A_1003 = arith.index_cast %parallel_loop3A_1000 : i32 to index
        %parallel_loop3A_1004 = tpu.vector_load %arg6[%parallel_loop3A_1002, %parallel_loop3A_1003] {strides = array<i32>} : memref<48x512xf32, #tpu.memory_space<vmem>>, vector<16xf32>,
        %parallel_loop3A_1005 = arith.constant 2048 : i32
        %parallel_loop3A_1006 = tpu.memref_slice %arg7[%parallel_loop3A_1005] : memref<3072xf32, #tpu.memory_space<vmem>> -> memref<1024xf32, #tpu.memory_space<vmem>>
        tpu.vector_store_idx %parallel_loop3A_1006[%parallel_loop3A_978], %parallel_loop3A_1004 {add = true} : memref<1024xf32, #tpu.memory_space<vmem>>[vector<16xi32>], vector<16xf32>,
        %parallel_loop3A_1007 = arith.mulf %parallel_loop3A_1004, %parallel_loop3A_1004 : vector<16xf32>
        %parallel_loop3A_1008 = arith.addf %parallel_loop3A_972, %parallel_loop3A_1007 : vector<16xf32>
        %parallel_loop3A_1009 = arith.constant 16 : i32
        %parallel_loop3A_1010 = arith.muli %parallel_loop3A_825, %parallel_loop3A_1009 : i32
        %parallel_loop3A_1011 = arith.constant 13 : i32
        %parallel_loop3A_1012 = arith.index_cast %parallel_loop3A_1011 : i32 to index
        %parallel_loop3A_1013 = arith.index_cast %parallel_loop3A_1010 : i32 to index
        %parallel_loop3A_1014 = tpu.vector_load %arg5[%parallel_loop3A_1012, %parallel_loop3A_1013] {strides = array<i32>} : memref<16x512xi32, #tpu.memory_space<vmem>>, vector<16xi32>,
        %parallel_loop3A_1015 = arith.constant 16 : i32
        %parallel_loop3A_1016 = arith.muli %parallel_loop3A_825, %parallel_loop3A_1015 : i32
        %parallel_loop3A_1017 = arith.constant 29 : i32
        %parallel_loop3A_1018 = arith.index_cast %parallel_loop3A_1017 : i32 to index
        %parallel_loop3A_1019 = arith.index_cast %parallel_loop3A_1016 : i32 to index
        %parallel_loop3A_1020 = tpu.vector_load %arg6[%parallel_loop3A_1018, %parallel_loop3A_1019] {strides = array<i32>} : memref<48x512xf32, #tpu.memory_space<vmem>>, vector<16xf32>,
        %parallel_loop3A_1021 = arith.constant 0 : i32
        %parallel_loop3A_1022 = tpu.memref_slice %arg7[%parallel_loop3A_1021] : memref<3072xf32, #tpu.memory_space<vmem>> -> memref<1024xf32, #tpu.memory_space<vmem>>
        tpu.vector_store_idx %parallel_loop3A_1022[%parallel_loop3A_1014], %parallel_loop3A_1020 {add = true} : memref<1024xf32, #tpu.memory_space<vmem>>[vector<16xi32>], vector<16xf32>,
        %parallel_loop3A_1023 = arith.mulf %parallel_loop3A_1020, %parallel_loop3A_1020 : vector<16xf32>
        %parallel_loop3A_1024 = arith.addf %parallel_loop3A_988, %parallel_loop3A_1023 : vector<16xf32>
        %parallel_loop3A_1025 = arith.constant 16 : i32
        %parallel_loop3A_1026 = arith.muli %parallel_loop3A_825, %parallel_loop3A_1025 : i32
        %parallel_loop3A_1027 = arith.constant 37 : i32
        %parallel_loop3A_1028 = arith.index_cast %parallel_loop3A_1027 : i32 to index
        %parallel_loop3A_1029 = arith.index_cast %parallel_loop3A_1026 : i32 to index
        %parallel_loop3A_1030 = tpu.vector_load %arg6[%parallel_loop3A_1028, %parallel_loop3A_1029] {strides = array<i32>} : memref<48x512xf32, #tpu.memory_space<vmem>>, vector<16xf32>,
        %parallel_loop3A_1031 = arith.constant 1024 : i32
        %parallel_loop3A_1032 = tpu.memref_slice %arg7[%parallel_loop3A_1031] : memref<3072xf32, #tpu.memory_space<vmem>> -> memref<1024xf32, #tpu.memory_space<vmem>>
        tpu.vector_store_idx %parallel_loop3A_1032[%parallel_loop3A_1014], %parallel_loop3A_1030 {add = true} : memref<1024xf32, #tpu.memory_space<vmem>>[vector<16xi32>], vector<16xf32>,
        %parallel_loop3A_1033 = arith.mulf %parallel_loop3A_1030, %parallel_loop3A_1030 : vector<16xf32>
        %parallel_loop3A_1034 = arith.addf %parallel_loop3A_998, %parallel_loop3A_1033 : vector<16xf32>
        %parallel_loop3A_1035 = arith.constant 16 : i32
        %parallel_loop3A_1036 = arith.muli %parallel_loop3A_825, %parallel_loop3A_1035 : i32
        %parallel_loop3A_1037 = arith.constant 45 : i32
        %parallel_loop3A_1038 = arith.index_cast %parallel_loop3A_1037 : i32 to index
        %parallel_loop3A_1039 = arith.index_cast %parallel_loop3A_1036 : i32 to index
        %parallel_loop3A_1040 = tpu.vector_load %arg6[%parallel_loop3A_1038, %parallel_loop3A_1039] {strides = array<i32>} : memref<48x512xf32, #tpu.memory_space<vmem>>, vector<16xf32>,
        %parallel_loop3A_1041 = arith.constant 2048 : i32
        %parallel_loop3A_1042 = tpu.memref_slice %arg7[%parallel_loop3A_1041] : memref<3072xf32, #tpu.memory_space<vmem>> -> memref<1024xf32, #tpu.memory_space<vmem>>
        tpu.vector_store_idx %parallel_loop3A_1042[%parallel_loop3A_1014], %parallel_loop3A_1040 {add = true} : memref<1024xf32, #tpu.memory_space<vmem>>[vector<16xi32>], vector<16xf32>,
        %parallel_loop3A_1043 = arith.mulf %parallel_loop3A_1040, %parallel_loop3A_1040 : vector<16xf32>
        %parallel_loop3A_1044 = arith.addf %parallel_loop3A_1008, %parallel_loop3A_1043 : vector<16xf32>
        %parallel_loop3A_1045 = arith.constant 16 : i32
        %parallel_loop3A_1046 = arith.muli %parallel_loop3A_825, %parallel_loop3A_1045 : i32
        %parallel_loop3A_1047 = arith.constant 14 : i32
        %parallel_loop3A_1048 = arith.index_cast %parallel_loop3A_1047 : i32 to index
        %parallel_loop3A_1049 = arith.index_cast %parallel_loop3A_1046 : i32 to index
        %parallel_loop3A_1050 = tpu.vector_load %arg5[%parallel_loop3A_1048, %parallel_loop3A_1049] {strides = array<i32>} : memref<16x512xi32, #tpu.memory_space<vmem>>, vector<16xi32>,
        %parallel_loop3A_1051 = arith.constant 16 : i32
        %parallel_loop3A_1052 = arith.muli %parallel_loop3A_825, %parallel_loop3A_1051 : i32
        %parallel_loop3A_1053 = arith.constant 30 : i32
        %parallel_loop3A_1054 = arith.index_cast %parallel_loop3A_1053 : i32 to index
        %parallel_loop3A_1055 = arith.index_cast %parallel_loop3A_1052 : i32 to index
        %parallel_loop3A_1056 = tpu.vector_load %arg6[%parallel_loop3A_1054, %parallel_loop3A_1055] {strides = array<i32>} : memref<48x512xf32, #tpu.memory_space<vmem>>, vector<16xf32>,
        %parallel_loop3A_1057 = arith.constant 0 : i32
        %parallel_loop3A_1058 = tpu.memref_slice %arg7[%parallel_loop3A_1057] : memref<3072xf32, #tpu.memory_space<vmem>> -> memref<1024xf32, #tpu.memory_space<vmem>>
        tpu.vector_store_idx %parallel_loop3A_1058[%parallel_loop3A_1050], %parallel_loop3A_1056 {add = true} : memref<1024xf32, #tpu.memory_space<vmem>>[vector<16xi32>], vector<16xf32>,
        %parallel_loop3A_1059 = arith.mulf %parallel_loop3A_1056, %parallel_loop3A_1056 : vector<16xf32>
        %parallel_loop3A_1060 = arith.addf %parallel_loop3A_1024, %parallel_loop3A_1059 : vector<16xf32>
        %parallel_loop3A_1061 = arith.constant 16 : i32
        %parallel_loop3A_1062 = arith.muli %parallel_loop3A_825, %parallel_loop3A_1061 : i32
        %parallel_loop3A_1063 = arith.constant 38 : i32
        %parallel_loop3A_1064 = arith.index_cast %parallel_loop3A_1063 : i32 to index
        %parallel_loop3A_1065 = arith.index_cast %parallel_loop3A_1062 : i32 to index
        %parallel_loop3A_1066 = tpu.vector_load %arg6[%parallel_loop3A_1064, %parallel_loop3A_1065] {strides = array<i32>} : memref<48x512xf32, #tpu.memory_space<vmem>>, vector<16xf32>,
        %parallel_loop3A_1067 = arith.constant 1024 : i32
        %parallel_loop3A_1068 = tpu.memref_slice %arg7[%parallel_loop3A_1067] : memref<3072xf32, #tpu.memory_space<vmem>> -> memref<1024xf32, #tpu.memory_space<vmem>>
        tpu.vector_store_idx %parallel_loop3A_1068[%parallel_loop3A_1050], %parallel_loop3A_1066 {add = true} : memref<1024xf32, #tpu.memory_space<vmem>>[vector<16xi32>], vector<16xf32>,
        %parallel_loop3A_1069 = arith.mulf %parallel_loop3A_1066, %parallel_loop3A_1066 : vector<16xf32>
        %parallel_loop3A_1070 = arith.addf %parallel_loop3A_1034, %parallel_loop3A_1069 : vector<16xf32>
        %parallel_loop3A_1071 = arith.constant 16 : i32
        %parallel_loop3A_1072 = arith.muli %parallel_loop3A_825, %parallel_loop3A_1071 : i32
        %parallel_loop3A_1073 = arith.constant 46 : i32
        %parallel_loop3A_1074 = arith.index_cast %parallel_loop3A_1073 : i32 to index
        %parallel_loop3A_1075 = arith.index_cast %parallel_loop3A_1072 : i32 to index
        %parallel_loop3A_1076 = tpu.vector_load %arg6[%parallel_loop3A_1074, %parallel_loop3A_1075] {strides = array<i32>} : memref<48x512xf32, #tpu.memory_space<vmem>>, vector<16xf32>,
        %parallel_loop3A_1077 = arith.constant 2048 : i32
        %parallel_loop3A_1078 = tpu.memref_slice %arg7[%parallel_loop3A_1077] : memref<3072xf32, #tpu.memory_space<vmem>> -> memref<1024xf32, #tpu.memory_space<vmem>>
        tpu.vector_store_idx %parallel_loop3A_1078[%parallel_loop3A_1050], %parallel_loop3A_1076 {add = true} : memref<1024xf32, #tpu.memory_space<vmem>>[vector<16xi32>], vector<16xf32>,
        %parallel_loop3A_1079 = arith.mulf %parallel_loop3A_1076, %parallel_loop3A_1076 : vector<16xf32>
        %parallel_loop3A_1080 = arith.addf %parallel_loop3A_1044, %parallel_loop3A_1079 : vector<16xf32>
        %parallel_loop3A_1081 = arith.constant 16 : i32
        %parallel_loop3A_1082 = arith.muli %parallel_loop3A_825, %parallel_loop3A_1081 : i32
        %parallel_loop3A_1083 = arith.constant 15 : i32
        %parallel_loop3A_1084 = arith.index_cast %parallel_loop3A_1083 : i32 to index
        %parallel_loop3A_1085 = arith.index_cast %parallel_loop3A_1082 : i32 to index
        %parallel_loop3A_1086 = tpu.vector_load %arg5[%parallel_loop3A_1084, %parallel_loop3A_1085] {strides = array<i32>} : memref<16x512xi32, #tpu.memory_space<vmem>>, vector<16xi32>,
        %parallel_loop3A_1087 = arith.constant 16 : i32
        %parallel_loop3A_1088 = arith.muli %parallel_loop3A_825, %parallel_loop3A_1087 : i32
        %parallel_loop3A_1089 = arith.constant 31 : i32
        %parallel_loop3A_1090 = arith.index_cast %parallel_loop3A_1089 : i32 to index
        %parallel_loop3A_1091 = arith.index_cast %parallel_loop3A_1088 : i32 to index
        %parallel_loop3A_1092 = tpu.vector_load %arg6[%parallel_loop3A_1090, %parallel_loop3A_1091] {strides = array<i32>} : memref<48x512xf32, #tpu.memory_space<vmem>>, vector<16xf32>,
        %parallel_loop3A_1093 = arith.constant 0 : i32
        %parallel_loop3A_1094 = tpu.memref_slice %arg7[%parallel_loop3A_1093] : memref<3072xf32, #tpu.memory_space<vmem>> -> memref<1024xf32, #tpu.memory_space<vmem>>
        tpu.vector_store_idx %parallel_loop3A_1094[%parallel_loop3A_1086], %parallel_loop3A_1092 {add = true} : memref<1024xf32, #tpu.memory_space<vmem>>[vector<16xi32>], vector<16xf32>,
        %parallel_loop3A_1095 = arith.mulf %parallel_loop3A_1092, %parallel_loop3A_1092 : vector<16xf32>
        %parallel_loop3A_1096 = arith.addf %parallel_loop3A_1060, %parallel_loop3A_1095 : vector<16xf32>
        %parallel_loop3A_1097 = arith.constant 16 : i32
        %parallel_loop3A_1098 = arith.muli %parallel_loop3A_825, %parallel_loop3A_1097 : i32
        %parallel_loop3A_1099 = arith.constant 39 : i32
        %parallel_loop3A_1100 = arith.index_cast %parallel_loop3A_1099 : i32 to index
        %parallel_loop3A_1101 = arith.index_cast %parallel_loop3A_1098 : i32 to index
        %parallel_loop3A_1102 = tpu.vector_load %arg6[%parallel_loop3A_1100, %parallel_loop3A_1101] {strides = array<i32>} : memref<48x512xf32, #tpu.memory_space<vmem>>, vector<16xf32>,
        %parallel_loop3A_1103 = arith.constant 1024 : i32
        %parallel_loop3A_1104 = tpu.memref_slice %arg7[%parallel_loop3A_1103] : memref<3072xf32, #tpu.memory_space<vmem>> -> memref<1024xf32, #tpu.memory_space<vmem>>
        tpu.vector_store_idx %parallel_loop3A_1104[%parallel_loop3A_1086], %parallel_loop3A_1102 {add = true} : memref<1024xf32, #tpu.memory_space<vmem>>[vector<16xi32>], vector<16xf32>,
        %parallel_loop3A_1105 = arith.mulf %parallel_loop3A_1102, %parallel_loop3A_1102 : vector<16xf32>
        %parallel_loop3A_1106 = arith.addf %parallel_loop3A_1070, %parallel_loop3A_1105 : vector<16xf32>
        %parallel_loop3A_1107 = arith.constant 16 : i32
        %parallel_loop3A_1108 = arith.muli %parallel_loop3A_825, %parallel_loop3A_1107 : i32
        %parallel_loop3A_1109 = arith.constant 47 : i32
        %parallel_loop3A_1110 = arith.index_cast %parallel_loop3A_1109 : i32 to index
        %parallel_loop3A_1111 = arith.index_cast %parallel_loop3A_1108 : i32 to index
        %parallel_loop3A_1112 = tpu.vector_load %arg6[%parallel_loop3A_1110, %parallel_loop3A_1111] {strides = array<i32>} : memref<48x512xf32, #tpu.memory_space<vmem>>, vector<16xf32>,
        %parallel_loop3A_1113 = arith.constant 2048 : i32
        %parallel_loop3A_1114 = tpu.memref_slice %arg7[%parallel_loop3A_1113] : memref<3072xf32, #tpu.memory_space<vmem>> -> memref<1024xf32, #tpu.memory_space<vmem>>
        tpu.vector_store_idx %parallel_loop3A_1114[%parallel_loop3A_1086], %parallel_loop3A_1112 {add = true} : memref<1024xf32, #tpu.memory_space<vmem>>[vector<16xi32>], vector<16xf32>,
        %parallel_loop3A_1115 = arith.mulf %parallel_loop3A_1112, %parallel_loop3A_1112 : vector<16xf32>
        %parallel_loop3A_1116 = arith.addf %parallel_loop3A_1080, %parallel_loop3A_1115 : vector<16xf32>
        scf.yield %parallel_loop3A_1096, %parallel_loop3A_1106, %parallel_loop3A_1116 : vector<16xf32>, vector<16xf32>, vector<16xf32>
      } {sc.loop_unroll_factor = 1 : i64, sc.parallel_access}
      %add3A_818 = arith.constant 2 : i32
      %add3A_819 = arith.addi %add3A_747, %add3A_818 : i32
      %lt3A_820 = arith.constant 64 : i32
      %lt3A_821 = arith.cmpi slt, %add3A_819, %lt3A_820 : i32
      %convert_element_type3A_822 = arith.extui %lt3A_821 : i1 to i32
      %cond3A_823 = arith.constant 0 : i32
      %cond3A_824 = arith.cmpi ne, %convert_element_type3A_822, %cond3A_823 : i32
      scf.if %cond3A_824 {
        %add3A_825 = arith.constant 2 : i32
        %add3A_826 = arith.addi %add3A_747, %add3A_825 : i32
        %mul3A_827 = arith.constant 8 : i32
        %mul3A_828 = arith.muli %add3A_826, %mul3A_827 : i32
        %dma_start3A_829 = arith.constant 8 : i32
        %dma_start3A_830 = arith.constant 0 : i32
        %dma_start3A_831 = tpu.memref_slice %arg5[%dma_start3A_829, %dma_start3A_830] : memref<16x512xi32, #tpu.memory_space<vmem>> -> memref<8x512xi32, #tpu.memory_space<vmem>>
        %dma_start3A_832 = arith.constant 0 : i32
        %dma_start3A_833 = tpu.memref_slice %arg3[%mul3A_828, %dma_start3A_832] : memref<512x512xi32, #tpu.memory_space<hbm>> -> memref<8x512xi32, #tpu.memory_space<hbm>>
        %dma_start3A_834 = arith.constant 8 : i32
        %dma_start3A_835 = arith.constant 0 : i32
        %dma_start3A_836 = tpu.memref_slice %arg5[%dma_start3A_834, %dma_start3A_835] : memref<16x512xi32, #tpu.memory_space<vmem>> -> memref<8x512xi32, #tpu.memory_space<vmem>>
        %dma_start3A_837 = arith.constant 0 : i32
        %dma_start3A_838 = tpu.memref_slice %arg3[%mul3A_828, %dma_start3A_837] : memref<512x512xi32, #tpu.memory_space<hbm>> -> memref<8x512xi32, #tpu.memory_space<hbm>>
        tpu.enqueue_dma source(%dma_start3A_838 : memref<8x512xi32, #tpu.memory_space<hbm>>) target(%dma_start3A_836 : memref<8x512xi32, #tpu.memory_space<vmem>>) target_semaphore(%arg13 : memref<!tpu.dma_semaphore, #tpu.memory_space<semaphore_mem>>)
        %add3A_839 = arith.constant 0 : i32
        %add3A_840 = arith.addi %mul3A_516, %add3A_839 : i32
        %mul3A_841 = arith.constant 8 : i32
        %mul3A_842 = arith.muli %add3A_826, %mul3A_841 : i32
        %dma_start3A_843 = arith.constant 24 : i32
        %dma_start3A_844 = arith.constant 0 : i32
        %dma_start3A_845 = tpu.memref_slice %arg6[%dma_start3A_843, %dma_start3A_844] : memref<48x512xf32, #tpu.memory_space<vmem>> -> memref<8x512xf32, #tpu.memory_space<vmem>>
        %dma_start3A_846 = arith.constant 0 : i32
        %dma_start3A_847 = tpu.memref_slice %arg2[%add3A_840, %mul3A_842, %dma_start3A_846] : memref<96x512x512xf32, #tpu.memory_space<hbm>> -> memref<1x8x512xf32, #tpu.memory_space<hbm>>
        %dma_start3A_848 = tpu.memref_squeeze %dma_start3A_847 : memref<1x8x512xf32, #tpu.memory_space<hbm>> -> memref<8x512xf32, #tpu.memory_space<hbm>>
        %dma_start3A_849 = arith.constant 24 : i32
        %dma_start3A_850 = arith.constant 0 : i32
        %dma_start3A_851 = tpu.memref_slice %arg6[%dma_start3A_849, %dma_start3A_850] : memref<48x512xf32, #tpu.memory_space<vmem>> -> memref<8x512xf32, #tpu.memory_space<vmem>>
        %dma_start3A_852 = arith.constant 0 : i32
        %dma_start3A_853 = tpu.memref_slice %arg2[%add3A_840, %mul3A_842, %dma_start3A_852] : memref<96x512x512xf32, #tpu.memory_space<hbm>> -> memref<1x8x512xf32, #tpu.memory_space<hbm>>
        %dma_start3A_854 = tpu.memref_squeeze %dma_start3A_853 : memref<1x8x512xf32, #tpu.memory_space<hbm>> -> memref<8x512xf32, #tpu.memory_space<hbm>>
        tpu.enqueue_dma source(%dma_start3A_854 : memref<8x512xf32, #tpu.memory_space<hbm>>) target(%dma_start3A_851 : memref<8x512xf32, #tpu.memory_space<vmem>>) target_semaphore(%arg13 : memref<!tpu.dma_semaphore, #tpu.memory_space<semaphore_mem>>)
        %add3A_855 = arith.constant 1 : i32
        %add3A_856 = arith.addi %mul3A_516, %add3A_855 : i32
        %mul3A_857 = arith.constant 8 : i32
        %mul3A_858 = arith.muli %add3A_826, %mul3A_857 : i32
        %dma_start3A_859 = arith.constant 32 : i32
        %dma_start3A_860 = arith.constant 0 : i32
        %dma_start3A_861 = tpu.memref_slice %arg6[%dma_start3A_859, %dma_start3A_860] : memref<48x512xf32, #tpu.memory_space<vmem>> -> memref<8x512xf32, #tpu.memory_space<vmem>>
        %dma_start3A_862 = arith.constant 0 : i32
        %dma_start3A_863 = tpu.memref_slice %arg2[%add3A_856, %mul3A_858, %dma_start3A_862] : memref<96x512x512xf32, #tpu.memory_space<hbm>> -> memref<1x8x512xf32, #tpu.memory_space<hbm>>
        %dma_start3A_864 = tpu.memref_squeeze %dma_start3A_863 : memref<1x8x512xf32, #tpu.memory_space<hbm>> -> memref<8x512xf32, #tpu.memory_space<hbm>>
        %dma_start3A_865 = arith.constant 32 : i32
        %dma_start3A_866 = arith.constant 0 : i32
        %dma_start3A_867 = tpu.memref_slice %arg6[%dma_start3A_865, %dma_start3A_866] : memref<48x512xf32, #tpu.memory_space<vmem>> -> memref<8x512xf32, #tpu.memory_space<vmem>>
        %dma_start3A_868 = arith.constant 0 : i32
        %dma_start3A_869 = tpu.memref_slice %arg2[%add3A_856, %mul3A_858, %dma_start3A_868] : memref<96x512x512xf32, #tpu.memory_space<hbm>> -> memref<1x8x512xf32, #tpu.memory_space<hbm>>
        %dma_start3A_870 = tpu.memref_squeeze %dma_start3A_869 : memref<1x8x512xf32, #tpu.memory_space<hbm>> -> memref<8x512xf32, #tpu.memory_space<hbm>>
        tpu.enqueue_dma source(%dma_start3A_870 : memref<8x512xf32, #tpu.memory_space<hbm>>) target(%dma_start3A_867 : memref<8x512xf32, #tpu.memory_space<vmem>>) target_semaphore(%arg13 : memref<!tpu.dma_semaphore, #tpu.memory_space<semaphore_mem>>)
        %add3A_871 = arith.constant 2 : i32
        %add3A_872 = arith.addi %mul3A_516, %add3A_871 : i32
        %mul3A_873 = arith.constant 8 : i32
        %mul3A_874 = arith.muli %add3A_826, %mul3A_873 : i32
        %dma_start3A_875 = arith.constant 40 : i32
        %dma_start3A_876 = arith.constant 0 : i32
        %dma_start3A_877 = tpu.memref_slice %arg6[%dma_start3A_875, %dma_start3A_876] : memref<48x512xf32, #tpu.memory_space<vmem>> -> memref<8x512xf32, #tpu.memory_space<vmem>>
        %dma_start3A_878 = arith.constant 0 : i32
        %dma_start3A_879 = tpu.memref_slice %arg2[%add3A_872, %mul3A_874, %dma_start3A_878] : memref<96x512x512xf32, #tpu.memory_space<hbm>> -> memref<1x8x512xf32, #tpu.memory_space<hbm>>
        %dma_start3A_880 = tpu.memref_squeeze %dma_start3A_879 : memref<1x8x512xf32, #tpu.memory_space<hbm>> -> memref<8x512xf32, #tpu.memory_space<hbm>>
        %dma_start3A_881 = arith.constant 40 : i32
        %dma_start3A_882 = arith.constant 0 : i32
        %dma_start3A_883 = tpu.memref_slice %arg6[%dma_start3A_881, %dma_start3A_882] : memref<48x512xf32, #tpu.memory_space<vmem>> -> memref<8x512xf32, #tpu.memory_space<vmem>>
        %dma_start3A_884 = arith.constant 0 : i32
        %dma_start3A_885 = tpu.memref_slice %arg2[%add3A_872, %mul3A_874, %dma_start3A_884] : memref<96x512x512xf32, #tpu.memory_space<hbm>> -> memref<1x8x512xf32, #tpu.memory_space<hbm>>
        %dma_start3A_886 = tpu.memref_squeeze %dma_start3A_885 : memref<1x8x512xf32, #tpu.memory_space<hbm>> -> memref<8x512xf32, #tpu.memory_space<hbm>>
        tpu.enqueue_dma source(%dma_start3A_886 : memref<8x512xf32, #tpu.memory_space<hbm>>) target(%dma_start3A_883 : memref<8x512xf32, #tpu.memory_space<vmem>>) target_semaphore(%arg13 : memref<!tpu.dma_semaphore, #tpu.memory_space<semaphore_mem>>)
      } else {
      }
      scf.yield %parallel_loop3A_817#0, %parallel_loop3A_817#1, %parallel_loop3A_817#2 : vector<16xf32>, vector<16xf32>, vector<16xf32>
    }
    %scan3A_648 = arith.constant 32 : i32
    %add3A_649 = arith.addf %scan3A_647#0, %scan3A_647#1 : vector<16xf32>
    %add3A_650 = arith.addf %add3A_649, %scan3A_647#2 : vector<16xf32>
    "tpu.region"() ({
      %run_scoped3A = tpu.sem_alloc : memref<!tpu.dma_semaphore, #tpu.memory_space<semaphore_mem>>
      %dma_start3A_666 = arith.constant 0 : i32
      %dma_start3A_667 = tpu.memref_slice %arg11[%arg1, %dma_start3A_666] : memref<16x1024xf32, #tpu.memory_space<vmem_shared>> -> memref<1x1024xf32, #tpu.memory_space<vmem_shared>>
      %dma_start3A_668 = tpu.memref_squeeze %dma_start3A_667 : memref<1x1024xf32, #tpu.memory_space<vmem_shared>> -> memref<1024xf32, #tpu.memory_space<vmem_shared>>
      %dma_start3A_669 = arith.constant 0 : i32
      %dma_start3A_670 = tpu.memref_slice %arg11[%arg1, %dma_start3A_669] : memref<16x1024xf32, #tpu.memory_space<vmem_shared>> -> memref<1x1024xf32, #tpu.memory_space<vmem_shared>>
      %dma_start3A_671 = tpu.memref_squeeze %dma_start3A_670 : memref<1x1024xf32, #tpu.memory_space<vmem_shared>> -> memref<1024xf32, #tpu.memory_space<vmem_shared>>
      tpu.enqueue_dma source(%arg8 : memref<1024xf32, #tpu.memory_space<vmem>>) target(%dma_start3A_671 : memref<1024xf32, #tpu.memory_space<vmem_shared>>) target_semaphore(%run_scoped3A : memref<!tpu.dma_semaphore, #tpu.memory_space<semaphore_mem>>)
      %dma_wait3A = arith.constant 0 : i32
      %dma_wait3A_672 = tpu.memref_slice %arg11[%arg1, %dma_wait3A] : memref<16x1024xf32, #tpu.memory_space<vmem_shared>> -> memref<1x1024xf32, #tpu.memory_space<vmem_shared>>
      %dma_wait3A_673 = tpu.memref_squeeze %dma_wait3A_672 : memref<1x1024xf32, #tpu.memory_space<vmem_shared>> -> memref<1024xf32, #tpu.memory_space<vmem_shared>>
      %dma_wait3A_674 = arith.constant 0 : i32
      %dma_wait3A_675 = tpu.memref_slice %arg11[%arg1, %dma_wait3A_674] : memref<16x1024xf32, #tpu.memory_space<vmem_shared>> -> memref<1x1024xf32, #tpu.memory_space<vmem_shared>>
      %dma_wait3A_676 = tpu.memref_squeeze %dma_wait3A_675 : memref<1x1024xf32, #tpu.memory_space<vmem_shared>> -> memref<1024xf32, #tpu.memory_space<vmem_shared>>
      tpu.wait_dma2 semaphore(%run_scoped3A : memref<!tpu.dma_semaphore, #tpu.memory_space<semaphore_mem>>) src(%arg8 : memref<1024xf32, #tpu.memory_space<vmem>>) dst(%dma_wait3A_676 : memref<1024xf32, #tpu.memory_space<vmem_shared>>)
      tpu.yield
    }) : () -> ()
    %barrier3A = arith.constant 0 : index
    tpu.barrier barrier_id(%barrier3A)
    "tpu.region"() ({
      %run_scoped3A = tpu.sem_alloc : memref<!tpu.dma_semaphore, #tpu.memory_space<semaphore_mem>>
      tpu.enqueue_dma source(%arg11 : memref<16x1024xf32, #tpu.memory_space<vmem_shared>>) target(%arg9 : memref<16x1024xf32, #tpu.memory_space<vmem>>) target_semaphore(%run_scoped3A : memref<!tpu.dma_semaphore, #tpu.memory_space<semaphore_mem>>)
      tpu.wait_dma2 semaphore(%run_scoped3A : memref<!tpu.dma_semaphore, #tpu.memory_space<semaphore_mem>>) src(%arg11 : memref<16x1024xf32, #tpu.memory_space<vmem_shared>>) dst(%arg9 : memref<16x1024xf32, #tpu.memory_space<vmem>>)
      tpu.yield
    }) : () -> ()
    %scan3A_651 = arith.constant 0 : i32
    %scan3A_652 = arith.constant 0 : i32
    %scan3A_653 = arith.constant 64 : i32
    %scan3A_654 = arith.addi %scan3A_652, %scan3A_653 : i32
    %scan3A_655 = arith.constant 1 : i32
    %scan3A_656 = scf.for %scan3A_666 = %scan3A_652 to %scan3A_654 step %scan3A_655 iter_args(%scan3A_667 = %scan3A_651) -> (i32)  : i32 {
      %mul3A_668 = arith.constant 16 : i32
      %mul3A_669 = arith.muli %scan3A_666, %mul3A_668 : i32
      %get3A = arith.constant 0 : i32
      %get3A_670 = arith.index_cast %get3A : i32 to index
      %get3A_671 = arith.index_cast %mul3A_669 : i32 to index
      %get3A_672 = tpu.vector_load %arg9[%get3A_670, %get3A_671] {strides = array<i32>} : memref<16x1024xf32, #tpu.memory_space<vmem>>, vector<16xf32>,
      %add3A_673 = arith.addf %broadcast_in_dim3A_1, %get3A_672 : vector<16xf32>
      %mul3A_674 = arith.constant 16 : i32
      %mul3A_675 = arith.muli %scan3A_666, %mul3A_674 : i32
      %get3A_676 = arith.constant 1 : i32
      %get3A_677 = arith.index_cast %get3A_676 : i32 to index
      %get3A_678 = arith.index_cast %mul3A_675 : i32 to index
      %get3A_679 = tpu.vector_load %arg9[%get3A_677, %get3A_678] {strides = array<i32>} : memref<16x1024xf32, #tpu.memory_space<vmem>>, vector<16xf32>,
      %add3A_680 = arith.addf %add3A_673, %get3A_679 : vector<16xf32>
      %mul3A_681 = arith.constant 16 : i32
      %mul3A_682 = arith.muli %scan3A_666, %mul3A_681 : i32
      %get3A_683 = arith.constant 2 : i32
      %get3A_684 = arith.index_cast %get3A_683 : i32 to index
      %get3A_685 = arith.index_cast %mul3A_682 : i32 to index
      %get3A_686 = tpu.vector_load %arg9[%get3A_684, %get3A_685] {strides = array<i32>} : memref<16x1024xf32, #tpu.memory_space<vmem>>, vector<16xf32>,
      %add3A_687 = arith.addf %add3A_680, %get3A_686 : vector<16xf32>
      %mul3A_688 = arith.constant 16 : i32
      %mul3A_689 = arith.muli %scan3A_666, %mul3A_688 : i32
      %get3A_690 = arith.constant 3 : i32
      %get3A_691 = arith.index_cast %get3A_690 : i32 to index
      %get3A_692 = arith.index_cast %mul3A_689 : i32 to index
      %get3A_693 = tpu.vector_load %arg9[%get3A_691, %get3A_692] {strides = array<i32>} : memref<16x1024xf32, #tpu.memory_space<vmem>>, vector<16xf32>,
      %add3A_694 = arith.addf %add3A_687, %get3A_693 : vector<16xf32>
      %mul3A_695 = arith.constant 16 : i32
      %mul3A_696 = arith.muli %scan3A_666, %mul3A_695 : i32
      %get3A_697 = arith.constant 4 : i32
      %get3A_698 = arith.index_cast %get3A_697 : i32 to index
      %get3A_699 = arith.index_cast %mul3A_696 : i32 to index
      %get3A_700 = tpu.vector_load %arg9[%get3A_698, %get3A_699] {strides = array<i32>} : memref<16x1024xf32, #tpu.memory_space<vmem>>, vector<16xf32>,
      %add3A_701 = arith.addf %add3A_694, %get3A_700 : vector<16xf32>
      %mul3A_702 = arith.constant 16 : i32
      %mul3A_703 = arith.muli %scan3A_666, %mul3A_702 : i32
      %get3A_704 = arith.constant 5 : i32
      %get3A_705 = arith.index_cast %get3A_704 : i32 to index
      %get3A_706 = arith.index_cast %mul3A_703 : i32 to index
      %get3A_707 = tpu.vector_load %arg9[%get3A_705, %get3A_706] {strides = array<i32>} : memref<16x1024xf32, #tpu.memory_space<vmem>>, vector<16xf32>,
      %add3A_708 = arith.addf %add3A_701, %get3A_707 : vector<16xf32>
      %mul3A_709 = arith.constant 16 : i32
      %mul3A_710 = arith.muli %scan3A_666, %mul3A_709 : i32
      %get3A_711 = arith.constant 6 : i32
      %get3A_712 = arith.index_cast %get3A_711 : i32 to index
      %get3A_713 = arith.index_cast %mul3A_710 : i32 to index
      %get3A_714 = tpu.vector_load %arg9[%get3A_712, %get3A_713] {strides = array<i32>} : memref<16x1024xf32, #tpu.memory_space<vmem>>, vector<16xf32>,
      %add3A_715 = arith.addf %add3A_708, %get3A_714 : vector<16xf32>
      %mul3A_716 = arith.constant 16 : i32
      %mul3A_717 = arith.muli %scan3A_666, %mul3A_716 : i32
      %get3A_718 = arith.constant 7 : i32
      %get3A_719 = arith.index_cast %get3A_718 : i32 to index
      %get3A_720 = arith.index_cast %mul3A_717 : i32 to index
      %get3A_721 = tpu.vector_load %arg9[%get3A_719, %get3A_720] {strides = array<i32>} : memref<16x1024xf32, #tpu.memory_space<vmem>>, vector<16xf32>,
      %add3A_722 = arith.addf %add3A_715, %get3A_721 : vector<16xf32>
      %mul3A_723 = arith.constant 16 : i32
      %mul3A_724 = arith.muli %scan3A_666, %mul3A_723 : i32
      %get3A_725 = arith.constant 8 : i32
      %get3A_726 = arith.index_cast %get3A_725 : i32 to index
      %get3A_727 = arith.index_cast %mul3A_724 : i32 to index
      %get3A_728 = tpu.vector_load %arg9[%get3A_726, %get3A_727] {strides = array<i32>} : memref<16x1024xf32, #tpu.memory_space<vmem>>, vector<16xf32>,
      %add3A_729 = arith.addf %add3A_722, %get3A_728 : vector<16xf32>
      %mul3A_730 = arith.constant 16 : i32
      %mul3A_731 = arith.muli %scan3A_666, %mul3A_730 : i32
      %get3A_732 = arith.constant 9 : i32
      %get3A_733 = arith.index_cast %get3A_732 : i32 to index
      %get3A_734 = arith.index_cast %mul3A_731 : i32 to index
      %get3A_735 = tpu.vector_load %arg9[%get3A_733, %get3A_734] {strides = array<i32>} : memref<16x1024xf32, #tpu.memory_space<vmem>>, vector<16xf32>,
      %add3A_736 = arith.addf %add3A_729, %get3A_735 : vector<16xf32>
      %mul3A_737 = arith.constant 16 : i32
      %mul3A_738 = arith.muli %scan3A_666, %mul3A_737 : i32
      %get3A_739 = arith.constant 10 : i32
      %get3A_740 = arith.index_cast %get3A_739 : i32 to index
      %get3A_741 = arith.index_cast %mul3A_738 : i32 to index
      %get3A_742 = tpu.vector_load %arg9[%get3A_740, %get3A_741] {strides = array<i32>} : memref<16x1024xf32, #tpu.memory_space<vmem>>, vector<16xf32>,
      %add3A_743 = arith.addf %add3A_736, %get3A_742 : vector<16xf32>
      %mul3A_744 = arith.constant 16 : i32
      %mul3A_745 = arith.muli %scan3A_666, %mul3A_744 : i32
      %get3A_746 = arith.constant 11 : i32
      %get3A_747 = arith.index_cast %get3A_746 : i32 to index
      %get3A_748 = arith.index_cast %mul3A_745 : i32 to index
      %get3A_749 = tpu.vector_load %arg9[%get3A_747, %get3A_748] {strides = array<i32>} : memref<16x1024xf32, #tpu.memory_space<vmem>>, vector<16xf32>,
      %add3A_750 = arith.addf %add3A_743, %get3A_749 : vector<16xf32>
      %mul3A_751 = arith.constant 16 : i32
      %mul3A_752 = arith.muli %scan3A_666, %mul3A_751 : i32
      %get3A_753 = arith.constant 12 : i32
      %get3A_754 = arith.index_cast %get3A_753 : i32 to index
      %get3A_755 = arith.index_cast %mul3A_752 : i32 to index
      %get3A_756 = tpu.vector_load %arg9[%get3A_754, %get3A_755] {strides = array<i32>} : memref<16x1024xf32, #tpu.memory_space<vmem>>, vector<16xf32>,
      %add3A_757 = arith.addf %add3A_750, %get3A_756 : vector<16xf32>
      %mul3A_758 = arith.constant 16 : i32
      %mul3A_759 = arith.muli %scan3A_666, %mul3A_758 : i32
      %get3A_760 = arith.constant 13 : i32
      %get3A_761 = arith.index_cast %get3A_760 : i32 to index
      %get3A_762 = arith.index_cast %mul3A_759 : i32 to index
      %get3A_763 = tpu.vector_load %arg9[%get3A_761, %get3A_762] {strides = array<i32>} : memref<16x1024xf32, #tpu.memory_space<vmem>>, vector<16xf32>,
      %add3A_764 = arith.addf %add3A_757, %get3A_763 : vector<16xf32>
      %mul3A_765 = arith.constant 16 : i32
      %mul3A_766 = arith.muli %scan3A_666, %mul3A_765 : i32
      %get3A_767 = arith.constant 14 : i32
      %get3A_768 = arith.index_cast %get3A_767 : i32 to index
      %get3A_769 = arith.index_cast %mul3A_766 : i32 to index
      %get3A_770 = tpu.vector_load %arg9[%get3A_768, %get3A_769] {strides = array<i32>} : memref<16x1024xf32, #tpu.memory_space<vmem>>, vector<16xf32>,
      %add3A_771 = arith.addf %add3A_764, %get3A_770 : vector<16xf32>
      %mul3A_772 = arith.constant 16 : i32
      %mul3A_773 = arith.muli %scan3A_666, %mul3A_772 : i32
      %get3A_774 = arith.constant 15 : i32
      %get3A_775 = arith.index_cast %get3A_774 : i32 to index
      %get3A_776 = arith.index_cast %mul3A_773 : i32 to index
      %get3A_777 = tpu.vector_load %arg9[%get3A_775, %get3A_776] {strides = array<i32>} : memref<16x1024xf32, #tpu.memory_space<vmem>>, vector<16xf32>,
      %add3A_778 = arith.addf %add3A_771, %get3A_777 : vector<16xf32>
      %mul3A_779 = arith.constant 16 : i32
      %mul3A_780 = arith.muli %scan3A_666, %mul3A_779 : i32
      %swap3A_781 = arith.index_cast %mul3A_780 : i32 to index
      %swap3A_782 = tpu.vector_load %arg8[%swap3A_781] {strides = array<i32>} : memref<1024xf32, #tpu.memory_space<vmem>>, vector<16xf32>,
      tpu.vector_store %arg8[%swap3A_781], %add3A_778 {strides = array<i32>} : memref<1024xf32, #tpu.memory_space<vmem>>, vector<16xf32>,
      %scan3A_783 = arith.constant 0 : i32
      scf.yield %scan3A_783 : i32
    }
    %scan3A_657 = arith.constant 64 : i32
    %scan3A_658 = arith.constant 0 : i32
    %scan3A_659 = arith.constant 64 : i32
    %scan3A_660 = arith.addi %scan3A_658, %scan3A_659 : i32
    %scan3A_661 = arith.constant 1 : i32
    %scan3A_662 = scf.for %scan3A_666 = %scan3A_658 to %scan3A_660 step %scan3A_661 iter_args(%scan3A_667 = %broadcast_in_dim3A_1) -> (vector<16xf32>)  : i32 {
      %mul3A_668 = arith.constant 16 : i32
      %mul3A_669 = arith.muli %scan3A_666, %mul3A_668 : i32
      %get3A = arith.index_cast %mul3A_669 : i32 to index
      %get3A_670 = tpu.vector_load %arg8[%get3A] {strides = array<i32>} : memref<1024xf32, #tpu.memory_space<vmem>>, vector<16xf32>,
      %max3A = arith.constant 1.000000e+00 : f32
      %max3A_671 = vector.broadcast %max3A : f32 to vector<16xf32>
      %max3A_672 = arith.maximumf %get3A_670, %max3A_671 : vector<16xf32>
      %div3A = arith.constant 1.000000e+00 : f32
      %div3A_673 = vector.broadcast %div3A : f32 to vector<16xf32>
      %div3A_674 = arith.divf %div3A_673, %max3A_672 : vector<16xf32>
      %mul3A_675 = arith.constant 16 : i32
      %mul3A_676 = arith.muli %scan3A_666, %mul3A_675 : i32
      %add3A_677 = arith.constant 0 : i32
      %add3A_678 = arith.addi %add3A_677, %mul3A_676 : i32
      %get3A_679 = arith.index_cast %add3A_678 : i32 to index
      %get3A_680 = tpu.vector_load %arg7[%get3A_679] {strides = array<i32>} : memref<3072xf32, #tpu.memory_space<vmem>>, vector<16xf32>,
      %mul3A_681 = arith.mulf %get3A_680, %get3A_680 : vector<16xf32>
      %mul3A_682 = arith.mulf %mul3A_681, %div3A_674 : vector<16xf32>
      %add3A_683 = arith.addf %scan3A_667, %mul3A_682 : vector<16xf32>
      %mul3A_684 = arith.constant 16 : i32
      %mul3A_685 = arith.muli %scan3A_666, %mul3A_684 : i32
      %add3A_686 = arith.constant 1024 : i32
      %add3A_687 = arith.addi %add3A_686, %mul3A_685 : i32
      %get3A_688 = arith.index_cast %add3A_687 : i32 to index
      %get3A_689 = tpu.vector_load %arg7[%get3A_688] {strides = array<i32>} : memref<3072xf32, #tpu.memory_space<vmem>>, vector<16xf32>,
      %mul3A_690 = arith.mulf %get3A_689, %get3A_689 : vector<16xf32>
      %mul3A_691 = arith.mulf %mul3A_690, %div3A_674 : vector<16xf32>
      %add3A_692 = arith.addf %add3A_683, %mul3A_691 : vector<16xf32>
      %mul3A_693 = arith.constant 16 : i32
      %mul3A_694 = arith.muli %scan3A_666, %mul3A_693 : i32
      %add3A_695 = arith.constant 2048 : i32
      %add3A_696 = arith.addi %add3A_695, %mul3A_694 : i32
      %get3A_697 = arith.index_cast %add3A_696 : i32 to index
      %get3A_698 = tpu.vector_load %arg7[%get3A_697] {strides = array<i32>} : memref<3072xf32, #tpu.memory_space<vmem>>, vector<16xf32>,
      %mul3A_699 = arith.mulf %get3A_698, %get3A_698 : vector<16xf32>
      %mul3A_700 = arith.mulf %mul3A_699, %div3A_674 : vector<16xf32>
      %add3A_701 = arith.addf %add3A_692, %mul3A_700 : vector<16xf32>
      scf.yield %add3A_701 : vector<16xf32>
    }
    %scan3A_663 = arith.constant 64 : i32
    %sub3A = arith.subf %add3A_650, %scan3A_662 : vector<16xf32>
    %swap3A_664 = arith.constant 0 : index
    %swap3A_665 = tpu.vector_load %arg10[%swap3A_664] {strides = array<i32>} : memref<16xf32, #tpu.memory_space<vmem>>, vector<16xf32>,
    tpu.vector_store %arg10[%swap3A_664], %sub3A {strides = array<i32>} : memref<16xf32, #tpu.memory_space<vmem>>, vector<16xf32>,
    "tpu.region"() ({
      %run_scoped3A = tpu.sem_alloc : memref<!tpu.dma_semaphore, #tpu.memory_space<semaphore_mem>>
      %dma_start3A_666 = arith.constant 0 : i32
      %dma_start3A_667 = tpu.memref_slice %arg4[%add3A, %dma_start3A_666] : memref<32x16xf32, #tpu.memory_space<hbm>> -> memref<1x16xf32, #tpu.memory_space<hbm>>
      %dma_start3A_668 = tpu.memref_squeeze %dma_start3A_667 : memref<1x16xf32, #tpu.memory_space<hbm>> -> memref<16xf32, #tpu.memory_space<hbm>>
      %dma_start3A_669 = arith.constant 0 : i32
      %dma_start3A_670 = tpu.memref_slice %arg4[%add3A, %dma_start3A_669] : memref<32x16xf32, #tpu.memory_space<hbm>> -> memref<1x16xf32, #tpu.memory_space<hbm>>
      %dma_start3A_671 = tpu.memref_squeeze %dma_start3A_670 : memref<1x16xf32, #tpu.memory_space<hbm>> -> memref<16xf32, #tpu.memory_space<hbm>>
      tpu.enqueue_dma source(%arg10 : memref<16xf32, #tpu.memory_space<vmem>>) target(%dma_start3A_671 : memref<16xf32, #tpu.memory_space<hbm>>) target_semaphore(%run_scoped3A : memref<!tpu.dma_semaphore, #tpu.memory_space<semaphore_mem>>)
      %dma_wait3A = arith.constant 0 : i32
      %dma_wait3A_672 = tpu.memref_slice %arg4[%add3A, %dma_wait3A] : memref<32x16xf32, #tpu.memory_space<hbm>> -> memref<1x16xf32, #tpu.memory_space<hbm>>
      %dma_wait3A_673 = tpu.memref_squeeze %dma_wait3A_672 : memref<1x16xf32, #tpu.memory_space<hbm>> -> memref<16xf32, #tpu.memory_space<hbm>>
      %dma_wait3A_674 = arith.constant 0 : i32
      %dma_wait3A_675 = tpu.memref_slice %arg4[%add3A, %dma_wait3A_674] : memref<32x16xf32, #tpu.memory_space<hbm>> -> memref<1x16xf32, #tpu.memory_space<hbm>>
      %dma_wait3A_676 = tpu.memref_squeeze %dma_wait3A_675 : memref<1x16xf32, #tpu.memory_space<hbm>> -> memref<16xf32, #tpu.memory_space<hbm>>
      tpu.wait_dma2 semaphore(%run_scoped3A : memref<!tpu.dma_semaphore, #tpu.memory_space<semaphore_mem>>) src(%arg10 : memref<16xf32, #tpu.memory_space<vmem>>) dst(%dma_wait3A_676 : memref<16xf32, #tpu.memory_space<hbm>>)
      tpu.yield
    }) : () -> ()
    return
  }
}

</mosaic_0001>

<sc_bundles>
// kernel: kernel.3.cloned.1.call-start
scs
__scs_entry_jumppad:
0x0: {  	(pc) =	sbr.rel $0x88, $3  }
0x1: {  	(tag) =	ssettag $0x0;
	lr =	simm.s32 $0x1  }
0x2: {  	[smem:$0x3F9F] =	sst lr;
	_ =	strace $0xD0000000  }
0x3: {  	_ = 	snop  }
0x4: {  	_ = 	snop  }
0x5: {  	_ = 	snop  }
0x6: {  	_ = 	snop  }
0x7: {  	_ = 	snop  }
__scs_overlays_trampoline_lowered:
0x8: {  	[smem:$0x3FAE] =	sst s0  }
0x9: {  	[smem:$0x3FAF] =	sst s1  }
0xa: {  	[smem:$0x3FB0] =	sst s2  }
0xb: {  	[smem:$0x3FB1] =	sst s3  }
0xc: {  	[smem:$0x3FB2] =	sst s4  }
0xd: {  	[smem:$0x3FB3] =	sst s5  }
0xe: {  	[smem:$0x3FB4] =	sst s6  }
0xf: {  	[smem:$0x3FB5] =	sst s7  }
0x10: {  	[smem:$0x3FB6] =	sst s8  }
0x11: {  	[smem:$0x3FB7] =	sst s9;
	s0 =	simm.s32 @!p0 $0x0  }
0x12: {  	s1 =	sld [smem:$0x3F9D];
	s0 =	simm.s32 @p0 $0x1  }
0x13: {  	[smem:$0x3FB8] =	sst s0;
	s0 =	simm.s32 @!p1 $0x0  }
0x14: {  	s2 =	sld [smem:$0x3F9C];
	s0 =	simm.s32 @p1 $0x1  }
0x15: {  	[smem:$0x3FB9] =	sst s0;
	s0 =	simm.s32 @!p2 $0x0  }
0x16: {  	s3 =	sld [smem:$0x3FDB];
	s0 =	simm.s32 @p2 $0x1  }
0x17: {  	s4 =	simm.s32 $0x1BF5;
	[smem:$0x3FBB] =	sst s0  }
0x18: {  	s0 =	sld [smem:$0x3F9E];
	_ =	swait.ge [sflag:s4], $0x0  }
0x19: {  	s7 =	sld [smem:$0x3F9F]  }
0x1a: {  	s8 =	sadd.s32 $0xFFFFE003, lr  }
0x1b: {  	s9 =	sadd.s32 $0xFFFFFEF7, lr;
	s5 =	simm.s32 $0xFFFFFFFF;
	p2 =	slt.u32 s8, $0xFFFFF086  }
0x1c: {  	p1 =	slt.u32 s9, $0xF7A;
	s5 =	simm.s32 @!p2 $0x0  }
0x1d: {  	s5 =	simm.s32 @p1 $0x1;
	p0 =	seq.s32 s7, s2  }
0x1e: {  	s7 =	smul.u32 @!p0 $0xF7A, s2;
	p2 =	seq.s32 @!p0 s5, $0x0  }
0x1f: {  	s9 =	smul.u32 $0xF7A, s1;
	s8 =	simm.s32 @!p0 $0x1BF5;
	p2 =	por !p2, p0  }
0x20: {  	[sflag:s8] =	ssyncset.s32 @!p0 $0xFFFFF086;
	s6 =	sadd.s32 @!p0 s3, s7;
	s7 =	simm.s32 @!p0 $0x108  }
0x21: {  	s3 =	sadd.s32 s3, s9;
	s6 =	sadd.s32 @!p0 $0x88, s6;
	s7 =	simm.s32 @p2 $0x1082  }
0x22: {  	[simem:s7], [sflag:s8] =	dma.local @!p0 [hbm:s6], $0xF7A  }
0x23: {  	s9 =	sor.u32 $0xD0000000, s2;
	s6 =	simm.s32 $0x108;
	_ =	swait.ge @!p0 [sflag:s8], $0x0  }
0x24: {  	s3 =	sadd.s32 $0x88, s3;
	s6 =	simm.s32 @!p1 $0x1082;
	[sflag:s4] =	ssyncset.s32 $0xFFFFF086  }
0x25: {  	[simem:s6], [sflag:s4] =	dma.local [hbm:s3], $0xF7A  }
0x26: {  	[smem:$0x3F9F] =	sst s1;
	(tag) =	ssettag s2;
	_ =	strace s9  }
0x27: {  	s1 =	sld [smem:$0x3FAF]  }
0x28: {  	s2 =	sld [smem:$0x3FB0]  }
0x29: {  	s4 =	sld [smem:$0x3FB2]  }
0x2a: {  	p0 =	seq.s32 s5, $0x0;
	s5 =	sld [smem:$0x3FB3]  }
0x2b: {  	s6 =	sld [smem:$0x3FB4]  }
0x2c: {  	s7 =	sld [smem:$0x3FB5]  }
0x2d: {  	s3 =	simm.s32 $0x108;
	s8 =	sld [smem:$0x3FB6]  }
0x2e: {  	s3 =	simm.s32 @!p0 $0x1082;
	s9 =	sld [smem:$0x3FB7]  }
0x2f: {  	lr =	sadd.s32 s0, s3;
	s0 =	sld [smem:$0x3FAE]  }
0x30: {  	s3 =	sld [smem:$0x3FB1]  }
0x31: {  	[smem:$0x3FBA] =	sst s10  }
0x32: {  	s10 =	sld [smem:$0x3FB8];
	_ =	sdelay $0x3  }
0x33: {  	p0 =	seq.s32 s10, $0x1;
	s10 =	sld [smem:$0x3FBA];
	_ =	sdelay $0x3  }
0x34: {  	[smem:$0x3FBA] =	sst s10  }
0x35: {  	s10 =	sld [smem:$0x3FB9];
	_ =	sdelay $0x3  }
0x36: {  	p1 =	seq.s32 s10, $0x1;
	s10 =	sld [smem:$0x3FBA];
	_ =	sdelay $0x3  }
0x37: {  	[smem:$0x3FBA] =	sst s10  }
0x38: {  	s10 =	sld [smem:$0x3FBB]  }
0x39: {  	_ = 	snop;
	(pc) =	sbr.ind lr, $3  }
0x3a: {  	_ = 	snop  }
0x3b: {  	_ = 	snop  }
0x3c: {  	p2 =	seq.s32 s10, $0x1;
	s10 =	sld [smem:$0x3FBA]  }
0x3d: {  	_ =	shalt  }
0x3e: {  	_ =	shalt  }
0x3f: {  	_ =	shalt  }
0x40: {  	_ =	shalt  }
0x41: {  	_ =	shalt  }
0x42: {  	_ =	shalt  }
0x43: {  	_ =	shalt  }
0x44: {  	_ =	shalt  }
0x45: {  	_ =	shalt  }
0x46: {  	_ =	shalt  }
0x47: {  	_ =	shalt  }
0x48: {  	_ =	shalt  }
0x49: {  	_ =	shalt  }
0x4a: {  	_ =	shalt  }
0x4b: {  	_ =	shalt  }
0x4c: {  	_ =	shalt  }
0x4d: {  	_ =	shalt  }
0x4e: {  	_ =	shalt  }
0x4f: {  	_ =	shalt  }
0x50: {  	_ =	shalt  }
0x51: {  	_ =	shalt  }
0x52: {  	_ =	shalt  }
0x53: {  	_ =	shalt  }
0x54: {  	_ =	shalt  }
0x55: {  	_ =	shalt  }
0x56: {  	_ =	shalt  }
0x57: {  	_ =	shalt  }
0x58: {  	_ =	shalt  }
0x59: {  	_ =	shalt  }
0x5a: {  	_ =	shalt  }
0x5b: {  	_ =	shalt  }
0x5c: {  	_ =	shalt  }
0x5d: {  	_ =	shalt  }
0x5e: {  	_ =	shalt  }
0x5f: {  	_ =	shalt  }
0x60: {  	_ =	shalt  }
0x61: {  	_ =	shalt  }
0x62: {  	_ =	shalt  }
0x63: {  	_ =	shalt  }
0x64: {  	_ =	shalt  }
0x65: {  	_ =	shalt  }
0x66: {  	_ =	shalt  }
0x67: {  	_ =	shalt  }
0x68: {  	_ =	shalt  }
0x69: {  	_ =	shalt  }
0x6a: {  	_ =	shalt  }
0x6b: {  	_ =	shalt  }
0x6c: {  	_ =	shalt  }
0x6d: {  	_ =	shalt  }
0x6e: {  	_ =	shalt  }
0x6f: {  	_ =	shalt  }
0x70: {  	_ =	shalt  }
0x71: {  	_ =	shalt  }
0x72: {  	_ =	shalt  }
0x73: {  	_ =	shalt  }
0x74: {  	_ =	shalt  }
0x75: {  	_ =	shalt  }
0x76: {  	_ =	shalt  }
0x77: {  	_ =	shalt  }
0x78: {  	_ =	shalt  }
0x79: {  	_ =	shalt  }
0x7a: {  	_ =	shalt  }
0x7b: {  	_ =	shalt  }
0x7c: {  	_ =	shalt  }
0x7d: {  	_ =	shalt  }
0x7e: {  	_ =	shalt  }
0x7f: {  	_ =	shalt  }
0x80: {  	_ =	shalt  }
0x81: {  	_ =	shalt  }
0x82: {  	_ =	shalt  }
0x83: {  	_ =	shalt  }
0x84: {  	_ =	shalt  }
0x85: {  	_ =	shalt  }
0x86: {  	_ =	shalt  }
0x87: {  	_ =	shalt  }
.Lfunc_end0:
.L_simem_size_0:
called_computation_lowered:
.L_overlay_start_0:
0x88: {  	s2 =	sld [smem:$0x3FD9]  }
0x89: {  	s3 =	sld [smem:$0x3FFE];
	_ =	sdelay $0x1  }
0x8a: {  	s1 =	srdreg.scid  }
0x8b: {  	s0 =	sand.u32 $0x1, s1  }
0x8c: {  	s17 =	sshll.u32 s0, $0xA;
	s2 =	sadd.s32 s3, s2  }
0x8d: {  	s2 =	sadd.s32 s2, s17  }
0x8e: {  	[smem:$0x3FC6] =	sst s2  }
0x8f: {  	_ = 	snop  }
0x90: {  	s2 =	sld [smem:$0x3FC9]  }
0x91: {  	s18 =	sld [smem:$0x3FC8];
	(tm) =	ssettm $0x1  }
0x92: {  	s4 =	sld [smem:$0x3FFB];
	_ =	sdelay $0x3  }
0x93: {  	_ =	strace s4  }
0x94: {  	s4 =	sld [smem:$0x3FFC];
	_ =	sdelay $0x3  }
0x95: {  	_ =	strace s4  }
0x96: {  	s4 =	sld [smem:$0x3FFD];
	_ =	sdelay $0x3  }
0x97: {  	_ =	strace s4  }
0x98: {  	_ =	strace $0x8FFFFFFF  }
0x99: {  	s19 =	sld [smem:$0x3FDB];
	_ =	sdelay $0x1  }
0x9a: {  	s5 =	simm.s32 $_scs_section_size  }
0x9b: {  	s6 =	simm.s32 $_size__tile_overlayer_lowered;
	s7 =	simm.s32 $_tile_overlayer_lowered  }
0x9c: {  	s22 =	simm.s32 $0x1BFF;
	s21 =	sshll.u32 s7, $0x1;
	s4 =	sadd.s32 s5, s19  }
0x9d: {  	s8 =	simm.s32 $0x0;
	s20 =	sshll.u32 s6, $0x1;
	s6 =	sadd.s32 s21, s4  }
0x9e: {  	[timem:s8], [sflag:s22] =	dma.local [hbm:s6], s20  }
0x9f: {  	_ =	swait.ge [sflag:s22], s20  }
0xa0: {  	s5 =	ssub.s32 $0x0, s20;
	[sflag:s22] =	ssyncset.done $0x0  }
0xa1: {  	[sflag:s22] =	ssyncadd.s32 s5;
	_ =	sdelay $0x1  }
0xa2: {  	s23 =	simm.s32 $0x1B8B  }
0xa3: {  	_ =	swait.ge [sflag:s23], $0x1  }
0xa4: {  	[sflag:s23] =	ssyncset.done $0x0  }
0xa5: {  	s25 =	simm.s32 $0x1B8E;
	s24 =	sld [smem:$0x3FFE];
	[sflag:s23] =	ssyncadd.s32 $0xFFFFFFFF  }
0xa6: {  	s26 =	simm.s32 $execute0_lowered;
	[smem:$0x3FD2] =	sst s25  }
0xa7: {  	s6 =	sshll.u32 s26, $0x1;
	_ =	strace $0x80000046;
	[dreg:$0x1] =	wrdreg $0xFFFFFFFF  }
0xa8: {  	s28 =	simm.s32 $_size_execute0_lowered;
	s4 =	sadd.s32 s4, s6;
	[dreg:$0x0] =	wrdreg $0x0  }
0xa9: {  	s6 =	sshll.u32 s28, $0x1;
	[dreg:$0x2] =	wrdreg s4  }
0xaa: {  	[dreg:$0x3] =	wrdreg s6  }
0xab: {  	[dreg:$0x4] =	wrdreg $0xC0  }
0xac: {  	_ =	task [dreg:s8], $0x5FFFF  }
0xad: {  	[dreg:$0x1] =	wrdreg $0xFFFFFFFF  }
0xae: {  	[dreg:$0x0] =	wrdreg $0x60  }
0xaf: {  	[dreg:$0x2] =	wrdreg s2  }
0xb0: {  	[dreg:$0x3] =	wrdreg s18  }
0xb1: {  	[dreg:$0x4] =	wrdreg s24  }
0xb2: {  	[dreg:$0x5] =	wrdreg $0xD0800  }
0xb3: {  	[dreg:$0x6] =	wrdreg $0x9  }
0xb4: {  	_ =	task.clear_ibuf [dreg:s8], $0x7FFFF;
	_ =	strace $0x90000046  }
0xb5: {  	s29 =	simm.s32 $0x9;
	_ =	strace $0x80000048  }
0xb6: {  	_ =	swait.ge [sflag:s29], $0x1  }
0xb7: {  	[sflag:s29] =	ssyncadd.s32 $0xFFFFFFFF  }
0xb8: {  	_ =	strace $0x90000048  }
0xb9: {  	_ =	sfence  }
0xba: {  	s30 =	sld [smem:$0x0];
	_ =	sdelay $0x2  }
0xbb: {  	s31 =	sshll.u32 s1, $0xD;
	s1 =	sshrl.u32 s1, $0x2  }
0xbc: {  	s3 =	sand.u32 $0x4000, s31;
	s1 =	sadd.s32 s1, s30  }
0xbd: {  	s0 =	sor.u32 s3, s0;
	s1 =	sshll.u32 s1, $0x11  }
0xbe: {  	s0 =	sor.u32 s1, s0  }
0xbf: {  	s0 =	sadd.s32 $0x8F2B, s0  }
0xc0: {  	[sflag:s0] =	ssyncadd.remote.s32 $0x1  }
0xc1: {  	_ =	sfence.sel $0xFFFF  }
0xc2: {  	[dreg:$0x0] =	wrdreg $0xFFFFFFFF;
	(pc) =	sbr.abs _section_cstart, $3  }
0xc3: {  	[dreg:$0x1] =	wrdreg $0xFFFFFFFF  }
0xc4: {  	_ =	task.clear_ibuf [dreg:s8], $0x2FFFF;
	_ =	strace $0x9FFFFFFF  }
0xc5: {  	(tm) =	ssettm $0x7FFFFFFF  }
tec
execute0_lowered:
.L_overlay_start_1:
0x0: {  	(tag) =	ssettag $0x1  }
0x1: {  	s0 =	rddreg [dreg:$0x0]  }
0x2: {  	s25 =	rddreg [dreg:$0x1]  }
0x3: {  	s2 =	srdreg.scid;
	s4 =	rddreg [dreg:$0x2]  }
0x4: {  	s3 =	rddreg [dreg:$0x3];
	s1 =	stileid.u32;
	s28 =	simm.s32 $0x8C00  }
0x5: {  	s29 =	simm.s32 $0x8000;
	s30 =	simm.s32 $0x8400;
	s2 =	sand.u32 $0x1, s2  }
0x6: {  	s31 =	simm.s32 $0x8800;
	s17 =	sadd.s32 $0x200, s25;
	s5 =	sshll.u32 s2, $0x4  }
0x7: {  	s2 =	ssub.s32 $0x2, s2;
	s9 =	sor.u32 s1, s5;
	s5 =	simm.s32 $0x0  }
0x8: {  	s7 =	sshrl.u32 s2, $0x1;
	s1 =	smul.u32 $0xC0000, s9;
	[smem:$0x7FF] =	sst s5  }
0x9: {  	s2 =	ssub.s32 s2, s7;
	s7 =	stileid.u32;
	s9 =	sshll.u32 s9, $0x7  }
0xa: {  	_ =	strace $0x80000047;
	[dreg:$0xa] =	wrdreg s17;
	s19 =	sshll.u32 s7, $0xA  }
0xb: {  	s20 =	sshll.u32 s7, $0x7;
	s26 =	smax.u32 s2, $0x1;
	[dreg:$0x6] =	wrdreg s1  }
0xc: {  	s9 =	sand.u32 $0xC00, s9;
	s6 =	sadd.s32 $0x40000, s1;
	[dreg:$0x10] =	wrdreg s26  }
0xd: {  	s10 =	sshrl.u32 s1, $0x3;
	s1 =	sadd.s32 $0x80000, s1;
	[dreg:$0x5] =	wrdreg s6  }
0xe: {  	s11 =	sshrl.u32 s6, $0x3;
	s15 =	sadd.s32 s0, s10;
	s16 =	sshrl.u32 s1, $0x3  }
0xf: {  	s10 =	sand.u32 $0x2000, s19;
	s8 =	sadd.s32 s0, s11;
	[dreg:$0x7] =	wrdreg s15  }
0x10: {  	s18 =	sadd.s32 $0x200, s15;
	s11 =	sand.u32 $0x380, s20;
	[dreg:$0x8] =	wrdreg s8  }
0x11: {  	s21 =	sadd.s32 $0x8200, s15;
	s10 =	sadd.s32 s10, s3;
	[dreg:$0xb] =	wrdreg s18  }
0x12: {  	s22 =	sadd.s32 $0x10200, s15;
	s8 =	smov.u32 s1;
	[dreg:$0xc] =	wrdreg s21  }
0x13: {  	s1 =	sadd.s32 s0, s16;
	s9 =	sor.u32 s11, s9;
	[dreg:$0xd] =	wrdreg s22  }
0x14: {  	s23 =	sadd.s32 s11, s10;
	[dreg:$0x9] =	wrdreg s1;
	s9 =	sshrl.u32 s9, $0x3  }
0x15: {  	s2 =	simm.s32 $0x2;
	[dreg:$0xe] =	wrdreg s23;
	s24 =	sadd.s32 s4, s9  }
0x16: {  	v0 =	vimm.f32 $1.000000000e+00;
	s26 =	simm.s32 $0x1;
	s3 =	simm.s32 $0x0;
	[dreg:$0xf] =	wrdreg s24  }
.LBB2_1:
0x17: {  	v1 =	vimm.f32 $0.0e+00  }
0x18: {  	[tilespmem:$0x8C00] =	vst v1  }
0x19: {  	[tilespmem:$0x8C10] =	vst v1  }
0x1a: {  	[tilespmem:$0x8C20] =	vst v1  }
0x1b: {  	[tilespmem:$0x8C30] =	vst v1  }
0x1c: {  	[tilespmem:$0x8C40] =	vst v1  }
0x1d: {  	[tilespmem:$0x8C50] =	vst v1  }
0x1e: {  	[tilespmem:$0x8C60] =	vst v1  }
0x1f: {  	[tilespmem:$0x8C70] =	vst v1  }
0x20: {  	[tilespmem:$0x8C80] =	vst v1  }
0x21: {  	[tilespmem:$0x8C90] =	vst v1  }
0x22: {  	[tilespmem:$0x8CA0] =	vst v1  }
0x23: {  	[tilespmem:$0x8CB0] =	vst v1  }
0x24: {  	[tilespmem:$0x8CC0] =	vst v1  }
0x25: {  	[tilespmem:$0x8CD0] =	vst v1  }
0x26: {  	[tilespmem:$0x8CE0] =	vst v1  }
0x27: {  	[tilespmem:$0x8CF0] =	vst v1  }
0x28: {  	[tilespmem:$0x8D00] =	vst v1  }
0x29: {  	[tilespmem:$0x8D10] =	vst v1  }
0x2a: {  	[tilespmem:$0x8D20] =	vst v1  }
0x2b: {  	[tilespmem:$0x8D30] =	vst v1  }
0x2c: {  	[tilespmem:$0x8D40] =	vst v1  }
0x2d: {  	[tilespmem:$0x8D50] =	vst v1  }
0x2e: {  	[tilespmem:$0x8D60] =	vst v1  }
0x2f: {  	[tilespmem:$0x8D70] =	vst v1  }
0x30: {  	[tilespmem:$0x8D80] =	vst v1  }
0x31: {  	[tilespmem:$0x8D90] =	vst v1  }
0x32: {  	[tilespmem:$0x8DA0] =	vst v1  }
0x33: {  	[tilespmem:$0x8DB0] =	vst v1  }
0x34: {  	[tilespmem:$0x8DC0] =	vst v1  }
0x35: {  	[tilespmem:$0x8DD0] =	vst v1  }
0x36: {  	[tilespmem:$0x8DE0] =	vst v1  }
0x37: {  	[tilespmem:$0x8DF0] =	vst v1  }
0x38: {  	[tilespmem:$0x8E00] =	vst v1  }
0x39: {  	[tilespmem:$0x8E10] =	vst v1  }
0x3a: {  	[tilespmem:$0x8E20] =	vst v1  }
0x3b: {  	[tilespmem:$0x8E30] =	vst v1  }
0x3c: {  	[tilespmem:$0x8E40] =	vst v1  }
0x3d: {  	[tilespmem:$0x8E50] =	vst v1  }
0x3e: {  	[tilespmem:$0x8E60] =	vst v1  }
0x3f: {  	[tilespmem:$0x8E70] =	vst v1  }
0x40: {  	[tilespmem:$0x8E80] =	vst v1  }
0x41: {  	[tilespmem:$0x8E90] =	vst v1  }
0x42: {  	[tilespmem:$0x8EA0] =	vst v1  }
0x43: {  	[tilespmem:$0x8EB0] =	vst v1  }
0x44: {  	[tilespmem:$0x8EC0] =	vst v1  }
0x45: {  	[tilespmem:$0x8ED0] =	vst v1  }
0x46: {  	[tilespmem:$0x8EE0] =	vst v1  }
0x47: {  	[tilespmem:$0x8EF0] =	vst v1  }
0x48: {  	[tilespmem:$0x8F00] =	vst v1  }
0x49: {  	[tilespmem:$0x8F10] =	vst v1  }
0x4a: {  	[tilespmem:$0x8F20] =	vst v1  }
0x4b: {  	[tilespmem:$0x8F30] =	vst v1  }
0x4c: {  	[tilespmem:$0x8F40] =	vst v1  }
0x4d: {  	[tilespmem:$0x8F50] =	vst v1  }
0x4e: {  	[tilespmem:$0x8F60] =	vst v1  }
0x4f: {  	[tilespmem:$0x8F70] =	vst v1  }
0x50: {  	[tilespmem:$0x8F80] =	vst v1  }
0x51: {  	[tilespmem:$0x8F90] =	vst v1  }
0x52: {  	[tilespmem:$0x8FA0] =	vst v1  }
0x53: {  	[tilespmem:$0x8FB0] =	vst v1  }
0x54: {  	[tilespmem:$0x8FC0] =	vst v1  }
0x55: {  	[tilespmem:$0x8FD0] =	vst v1  }
0x56: {  	[tilespmem:$0x8FE0] =	vst v1  }
0x57: {  	[tilespmem:$0x8FF0] =	vst v1  }
0x58: {  	[tilespmem:$0x8000] =	vst v1  }
0x59: {  	[tilespmem:$0x8010] =	vst v1  }
0x5a: {  	[tilespmem:$0x8020] =	vst v1  }
0x5b: {  	[tilespmem:$0x8030] =	vst v1  }
0x5c: {  	[tilespmem:$0x8040] =	vst v1  }
0x5d: {  	[tilespmem:$0x8050] =	vst v1  }
0x5e: {  	[tilespmem:$0x8060] =	vst v1  }
0x5f: {  	[tilespmem:$0x8070] =	vst v1  }
0x60: {  	[tilespmem:$0x8080] =	vst v1  }
0x61: {  	[tilespmem:$0x8090] =	vst v1  }
0x62: {  	[tilespmem:$0x80A0] =	vst v1  }
0x63: {  	[tilespmem:$0x80B0] =	vst v1  }
0x64: {  	[tilespmem:$0x80C0] =	vst v1  }
0x65: {  	[tilespmem:$0x80D0] =	vst v1  }
0x66: {  	[tilespmem:$0x80E0] =	vst v1  }
0x67: {  	[tilespmem:$0x80F0] =	vst v1  }
0x68: {  	[tilespmem:$0x8100] =	vst v1  }
0x69: {  	[tilespmem:$0x8110] =	vst v1  }
0x6a: {  	[tilespmem:$0x8120] =	vst v1  }
0x6b: {  	[tilespmem:$0x8130] =	vst v1  }
0x6c: {  	[tilespmem:$0x8140] =	vst v1  }
0x6d: {  	[tilespmem:$0x8150] =	vst v1  }
0x6e: {  	[tilespmem:$0x8160] =	vst v1  }
0x6f: {  	[tilespmem:$0x8170] =	vst v1  }
0x70: {  	[tilespmem:$0x8180] =	vst v1  }
0x71: {  	[tilespmem:$0x8190] =	vst v1  }
0x72: {  	[tilespmem:$0x81A0] =	vst v1  }
0x73: {  	[tilespmem:$0x81B0] =	vst v1  }
0x74: {  	[tilespmem:$0x81C0] =	vst v1  }
0x75: {  	[tilespmem:$0x81D0] =	vst v1  }
0x76: {  	[tilespmem:$0x81E0] =	vst v1  }
0x77: {  	[tilespmem:$0x81F0] =	vst v1  }
0x78: {  	[tilespmem:$0x8200] =	vst v1  }
0x79: {  	[tilespmem:$0x8210] =	vst v1  }
0x7a: {  	[tilespmem:$0x8220] =	vst v1  }
0x7b: {  	[tilespmem:$0x8230] =	vst v1  }
0x7c: {  	[tilespmem:$0x8240] =	vst v1  }
0x7d: {  	[tilespmem:$0x8250] =	vst v1  }
0x7e: {  	[tilespmem:$0x8260] =	vst v1  }
0x7f: {  	[tilespmem:$0x8270] =	vst v1  }
0x80: {  	[tilespmem:$0x8280] =	vst v1  }
0x81: {  	[tilespmem:$0x8290] =	vst v1  }
0x82: {  	[tilespmem:$0x82A0] =	vst v1  }
0x83: {  	[tilespmem:$0x82B0] =	vst v1  }
0x84: {  	[tilespmem:$0x82C0] =	vst v1  }
0x85: {  	[tilespmem:$0x82D0] =	vst v1  }
0x86: {  	[tilespmem:$0x82E0] =	vst v1  }
0x87: {  	[tilespmem:$0x82F0] =	vst v1  }
0x88: {  	[tilespmem:$0x8300] =	vst v1  }
0x89: {  	[tilespmem:$0x8310] =	vst v1  }
0x8a: {  	[tilespmem:$0x8320] =	vst v1  }
0x8b: {  	[tilespmem:$0x8330] =	vst v1  }
0x8c: {  	[tilespmem:$0x8340] =	vst v1  }
0x8d: {  	[tilespmem:$0x8350] =	vst v1  }
0x8e: {  	[tilespmem:$0x8360] =	vst v1  }
0x8f: {  	[tilespmem:$0x8370] =	vst v1  }
0x90: {  	[tilespmem:$0x8380] =	vst v1  }
0x91: {  	[tilespmem:$0x8390] =	vst v1  }
0x92: {  	[tilespmem:$0x83A0] =	vst v1  }
0x93: {  	[tilespmem:$0x83B0] =	vst v1  }
0x94: {  	[tilespmem:$0x83C0] =	vst v1  }
0x95: {  	[tilespmem:$0x83D0] =	vst v1  }
0x96: {  	[tilespmem:$0x83E0] =	vst v1  }
0x97: {  	[tilespmem:$0x83F0] =	vst v1  }
0x98: {  	[tilespmem:$0x8400] =	vst v1  }
0x99: {  	[tilespmem:$0x8410] =	vst v1  }
0x9a: {  	[tilespmem:$0x8420] =	vst v1  }
0x9b: {  	[tilespmem:$0x8430] =	vst v1  }
0x9c: {  	[tilespmem:$0x8440] =	vst v1  }
0x9d: {  	[tilespmem:$0x8450] =	vst v1  }
0x9e: {  	[tilespmem:$0x8460] =	vst v1  }
0x9f: {  	[tilespmem:$0x8470] =	vst v1  }
0xa0: {  	[tilespmem:$0x8480] =	vst v1  }
0xa1: {  	[tilespmem:$0x8490] =	vst v1  }
0xa2: {  	[tilespmem:$0x84A0] =	vst v1  }
0xa3: {  	[tilespmem:$0x84B0] =	vst v1  }
0xa4: {  	[tilespmem:$0x84C0] =	vst v1  }
0xa5: {  	[tilespmem:$0x84D0] =	vst v1  }
0xa6: {  	[tilespmem:$0x84E0] =	vst v1  }
0xa7: {  	[tilespmem:$0x84F0] =	vst v1  }
0xa8: {  	[tilespmem:$0x8500] =	vst v1  }
0xa9: {  	[tilespmem:$0x8510] =	vst v1  }
0xaa: {  	[tilespmem:$0x8520] =	vst v1  }
0xab: {  	[tilespmem:$0x8530] =	vst v1  }
0xac: {  	[tilespmem:$0x8540] =	vst v1  }
0xad: {  	[tilespmem:$0x8550] =	vst v1  }
0xae: {  	[tilespmem:$0x8560] =	vst v1  }
0xaf: {  	[tilespmem:$0x8570] =	vst v1  }
0xb0: {  	[tilespmem:$0x8580] =	vst v1  }
0xb1: {  	[tilespmem:$0x8590] =	vst v1  }
0xb2: {  	[tilespmem:$0x85A0] =	vst v1  }
0xb3: {  	[tilespmem:$0x85B0] =	vst v1  }
0xb4: {  	[tilespmem:$0x85C0] =	vst v1  }
0xb5: {  	[tilespmem:$0x85D0] =	vst v1  }
0xb6: {  	[tilespmem:$0x85E0] =	vst v1  }
0xb7: {  	[tilespmem:$0x85F0] =	vst v1  }
0xb8: {  	[tilespmem:$0x8600] =	vst v1  }
0xb9: {  	[tilespmem:$0x8610] =	vst v1  }
0xba: {  	[tilespmem:$0x8620] =	vst v1  }
0xbb: {  	[tilespmem:$0x8630] =	vst v1  }
0xbc: {  	[tilespmem:$0x8640] =	vst v1  }
0xbd: {  	[tilespmem:$0x8650] =	vst v1  }
0xbe: {  	[tilespmem:$0x8660] =	vst v1  }
0xbf: {  	[tilespmem:$0x8670] =	vst v1  }
0xc0: {  	[tilespmem:$0x8680] =	vst v1  }
0xc1: {  	[tilespmem:$0x8690] =	vst v1  }
0xc2: {  	[tilespmem:$0x86A0] =	vst v1  }
0xc3: {  	[tilespmem:$0x86B0] =	vst v1  }
0xc4: {  	[tilespmem:$0x86C0] =	vst v1  }
0xc5: {  	[tilespmem:$0x86D0] =	vst v1  }
0xc6: {  	[tilespmem:$0x86E0] =	vst v1  }
0xc7: {  	[tilespmem:$0x86F0] =	vst v1  }
0xc8: {  	[tilespmem:$0x8700] =	vst v1  }
0xc9: {  	[tilespmem:$0x8710] =	vst v1  }
0xca: {  	[tilespmem:$0x8720] =	vst v1  }
0xcb: {  	[tilespmem:$0x8730] =	vst v1  }
0xcc: {  	[tilespmem:$0x8740] =	vst v1  }
0xcd: {  	[tilespmem:$0x8750] =	vst v1  }
0xce: {  	[tilespmem:$0x8760] =	vst v1  }
0xcf: {  	[tilespmem:$0x8770] =	vst v1  }
0xd0: {  	[tilespmem:$0x8780] =	vst v1  }
0xd1: {  	[tilespmem:$0x8790] =	vst v1  }
0xd2: {  	[tilespmem:$0x87A0] =	vst v1  }
0xd3: {  	[tilespmem:$0x87B0] =	vst v1  }
0xd4: {  	[tilespmem:$0x87C0] =	vst v1  }
0xd5: {  	[tilespmem:$0x87D0] =	vst v1  }
0xd6: {  	[tilespmem:$0x87E0] =	vst v1  }
0xd7: {  	[tilespmem:$0x87F0] =	vst v1  }
0xd8: {  	[tilespmem:$0x8800] =	vst v1  }
0xd9: {  	[tilespmem:$0x8810] =	vst v1  }
0xda: {  	[tilespmem:$0x8820] =	vst v1  }
0xdb: {  	[tilespmem:$0x8830] =	vst v1  }
0xdc: {  	[tilespmem:$0x8840] =	vst v1  }
0xdd: {  	[tilespmem:$0x8850] =	vst v1  }
0xde: {  	[tilespmem:$0x8860] =	vst v1  }
0xdf: {  	[tilespmem:$0x8870] =	vst v1  }
0xe0: {  	[tilespmem:$0x8880] =	vst v1  }
0xe1: {  	[tilespmem:$0x8890] =	vst v1  }
0xe2: {  	[tilespmem:$0x88A0] =	vst v1  }
0xe3: {  	[tilespmem:$0x88B0] =	vst v1  }
0xe4: {  	[tilespmem:$0x88C0] =	vst v1  }
0xe5: {  	[tilespmem:$0x88D0] =	vst v1  }
0xe6: {  	[tilespmem:$0x88E0] =	vst v1  }
0xe7: {  	[tilespmem:$0x88F0] =	vst v1  }
0xe8: {  	[tilespmem:$0x8900] =	vst v1  }
0xe9: {  	[tilespmem:$0x8910] =	vst v1  }
0xea: {  	[tilespmem:$0x8920] =	vst v1  }
0xeb: {  	[tilespmem:$0x8930] =	vst v1  }
0xec: {  	[tilespmem:$0x8940] =	vst v1  }
0xed: {  	[tilespmem:$0x8950] =	vst v1  }
0xee: {  	[tilespmem:$0x8960] =	vst v1  }
0xef: {  	[tilespmem:$0x8970] =	vst v1  }
0xf0: {  	[tilespmem:$0x8980] =	vst v1  }
0xf1: {  	[tilespmem:$0x8990] =	vst v1  }
0xf2: {  	[tilespmem:$0x89A0] =	vst v1  }
0xf3: {  	[tilespmem:$0x89B0] =	vst v1  }
0xf4: {  	[tilespmem:$0x89C0] =	vst v1  }
0xf5: {  	[tilespmem:$0x89D0] =	vst v1  }
0xf6: {  	[tilespmem:$0x89E0] =	vst v1  }
0xf7: {  	[tilespmem:$0x89F0] =	vst v1  }
0xf8: {  	[tilespmem:$0x8A00] =	vst v1  }
0xf9: {  	[tilespmem:$0x8A10] =	vst v1  }
0xfa: {  	[tilespmem:$0x8A20] =	vst v1  }
0xfb: {  	[tilespmem:$0x8A30] =	vst v1  }
0xfc: {  	[tilespmem:$0x8A40] =	vst v1  }
0xfd: {  	[tilespmem:$0x8A50] =	vst v1  }
0xfe: {  	[tilespmem:$0x8A60] =	vst v1  }
0xff: {  	[tilespmem:$0x8A70] =	vst v1  }
0x100: {  	[tilespmem:$0x8A80] =	vst v1  }
0x101: {  	[tilespmem:$0x8A90] =	vst v1  }
0x102: {  	[tilespmem:$0x8AA0] =	vst v1  }
0x103: {  	[tilespmem:$0x8AB0] =	vst v1  }
0x104: {  	[tilespmem:$0x8AC0] =	vst v1  }
0x105: {  	[tilespmem:$0x8AD0] =	vst v1  }
0x106: {  	[tilespmem:$0x8AE0] =	vst v1  }
0x107: {  	[tilespmem:$0x8AF0] =	vst v1  }
0x108: {  	[tilespmem:$0x8B00] =	vst v1  }
0x109: {  	[tilespmem:$0x8B10] =	vst v1  }
0x10a: {  	[tilespmem:$0x8B20] =	vst v1  }
0x10b: {  	[tilespmem:$0x8B30] =	vst v1  }
0x10c: {  	[tilespmem:$0x8B40] =	vst v1  }
0x10d: {  	[tilespmem:$0x8B50] =	vst v1  }
0x10e: {  	[tilespmem:$0x8B60] =	vst v1  }
0x10f: {  	[tilespmem:$0x8B70] =	vst v1  }
0x110: {  	[tilespmem:$0x8B80] =	vst v1  }
0x111: {  	[tilespmem:$0x8B90] =	vst v1  }
0x112: {  	[tilespmem:$0x8BA0] =	vst v1  }
0x113: {  	[tilespmem:$0x8BB0] =	vst v1  }
0x114: {  	[tilespmem:$0x8BC0] =	vst v1  }
0x115: {  	[tilespmem:$0x8BD0] =	vst v1  }
0x116: {  	[tilespmem:$0x8BE0] =	vst v1  }
0x117: {  	[dreg:$0x11] =	wrdreg s3;
	[tilespmem:$0x8BF0] =	vst v1  }
0x118: {  	[tilespmem:s5], [sflag:$0x1] =	stream.linear.gather [hbm4b:s25+s5], $0x1000, $0x38;
	[tilespmem:$0xD480] =	vst v63  }
0x119: {  	s1 =	rddreg [dreg:$0x7];
	s12 =	simm.s32 $0x2000  }
0x11a: {  	[tilespmem:s12], [sflag:$0x1] =	stream.linear.gather [hbm4b:s1+s5], $0x1000, $0x38;
	[tilespmem:$0xD480] =	vst v63  }
0x11b: {  	s13 =	rddreg [dreg:$0x8];
	s14 =	simm.s32 $0x3000  }
0x11c: {  	[tilespmem:s14], [sflag:$0x1] =	stream.linear.gather [hbm4b:s13+s5], $0x1000, $0x38;
	[tilespmem:$0xD480] =	vst v63  }
0x11d: {  	s15 =	rddreg [dreg:$0x9];
	s16 =	simm.s32 $0x4000  }
0x11e: {  	[tilespmem:s16], [sflag:$0x1] =	stream.linear.gather [hbm4b:s15+s5], $0x1000, $0x38;
	[tilespmem:$0xD480] =	vst v63  }
0x11f: {  	s17 =	rddreg [dreg:$0xa];
	s18 =	simm.s32 $0x1000  }
0x120: {  	[tilespmem:s18], [sflag:$0x2] =	stream.linear.gather [hbm4b:s17+s5], $0x1000, $0x38;
	[tilespmem:$0xD480] =	vst v63  }
0x121: {  	s19 =	rddreg [dreg:$0xb];
	s20 =	simm.s32 $0x5000  }
0x122: {  	[tilespmem:s20], [sflag:$0x2] =	stream.linear.gather [hbm4b:s19+s5], $0x1000, $0x38;
	[tilespmem:$0xD480] =	vst v63  }
0x123: {  	s21 =	rddreg [dreg:$0xc];
	s22 =	simm.s32 $0x6000  }
0x124: {  	[tilespmem:s22], [sflag:$0x2] =	stream.linear.gather [hbm4b:s21+s5], $0x1000, $0x38;
	[tilespmem:$0xD480] =	vst v63  }
0x125: {  	s23 =	rddreg [dreg:$0xd];
	s24 =	simm.s32 $0x7000;
	s20 =	simm.s32 $0x0  }
0x126: {  	v2 =	vimm.f32 $0.0e+00;
	v3 =	vimm.f32 $0.0e+00;
	[tilespmem:s24], [sflag:$0x2] =	stream.linear.gather [hbm4b:s23+s5], $0x1000, $0x38;
	[tilespmem:$0xD480] =	vst v63  }
.LBB2_2:
0x127: {  	_ =	swait.ge [sflag:s26], $0x1000  }
0x128: {  	[sflag:s26] =	ssyncset.done $0x0  }
0x129: {  	[sflag:s26] =	ssyncadd.s32 $0xFFFFF000  }
0x12a: {  	_ =	swait.ge [sflag:s26], $0x1000  }
0x12b: {  	s4 =	sshll.u32 s20, $0x1;
	[sflag:s26] =	ssyncset.done $0x0  }
0x12c: {  	s4 =	sand.u32 $0xE, s4;
	[sflag:s26] =	ssyncadd.s32 $0xFFFFF000  }
0x12d: {  	p0 =	sne.s32 s4, s7;
	_ =	swait.ge [sflag:s26], $0x1000  }
.Ltmp0:
0x12e: {  	[sflag:s26] =	ssyncset.done $0x0;
	(pc) =	sbr.rel @p0 .LBB2_6-.Ltmp0, $4  }
0x12f: {  	[sflag:s26] =	ssyncadd.s32 $0xFFFFF000  }
0x130: {  	_ =	swait.ge [sflag:s26], $0x1000  }
0x131: {  	[sflag:s26] =	ssyncset.done $0x0  }
0x132: {  	[sflag:s26] =	ssyncadd.s32 $0xFFFFF000  }
0x133: {  	s10 =	simm.s32 $0x0  }
0x134: {  	s9 =	sand.u32 $0x40, s10;
	s11 =	sand.u32 $0xC00, s10  }
0x135: {  	s9 =	sor.u32 s9, s11  }
0x136: {  	v4 =	vld [tilespmem:s9+$0x30];
	_ =	sdelay $0x3  }
0x137: {  	v5 =	vld [tilespmem:s9+$0x0]  }
0x138: {  	v6 =	vld [tilespmem:s9+$0x10];
	_ =	sdelay $0x2  }
0x139: {  	[tilespmem:v4+s28+$0x0] =	vst.idx.add.f32.msk $0xffff, v0  }
0x13a: {  	v4 =	vld [tilespmem:s9+$0xB0];
	_ =	sdelay $0x1  }
0x13b: {  	v7 =	vld [tilespmem:s9+$0x20]  }
0x13c: {  	[tilespmem:v5+s28+$0x0] =	vst.idx.add.f32.msk $0xffff, v0  }
0x13d: {  	[tilespmem:v6+s28+$0x0] =	vst.idx.add.f32.msk $0xffff, v0  }
0x13e: {  	v5 =	vld [tilespmem:s9+$0x80]  }
0x13f: {  	v6 =	vld [tilespmem:s9+$0x90];
	_ =	sdelay $0x1  }
0x140: {  	[tilespmem:v4+s28+$0x0] =	vst.idx.add.f32.msk $0xffff, v0  }
0x141: {  	v4 =	vld [tilespmem:s9+$0x130]  }
0x142: {  	[tilespmem:v7+s28+$0x0] =	vst.idx.add.f32.msk $0xffff, v0  }
0x143: {  	v7 =	vld [tilespmem:s9+$0xA0];
	_ =	sdelay $0x1  }
0x144: {  	[tilespmem:v5+s28+$0x0] =	vst.idx.add.f32.msk $0xffff, v0  }
0x145: {  	[tilespmem:v6+s28+$0x0] =	vst.idx.add.f32.msk $0xffff, v0  }
0x146: {  	v5 =	vld [tilespmem:s9+$0x100]  }
0x147: {  	v6 =	vld [tilespmem:s9+$0x110]  }
0x148: {  	[tilespmem:v4+s28+$0x0] =	vst.idx.add.f32.msk $0xffff, v0  }
0x149: {  	v4 =	vld [tilespmem:s9+$0x1B0]  }
0x14a: {  	[tilespmem:v7+s28+$0x0] =	vst.idx.add.f32.msk $0xffff, v0  }
0x14b: {  	v7 =	vld [tilespmem:s9+$0x120]  }
0x14c: {  	p0 =	por $0x0, $0x0;
	s11 =	simm.s32 $0x1  }
0x14d: {  	s11 =	simm.s32 @!p0 $0x0  }
0x14e: {  	s11 =	sshll.u32 s11, $0x6;
	[tilespmem:v5+s28+$0x0] =	vst.idx.add.f32.msk $0xffff, v0  }
0x14f: {  	s11 =	sadd.s32 $0x0, s11;
	[tilespmem:v6+s28+$0x0] =	vst.idx.add.f32.msk $0xffff, v0  }
0x150: {  	s15 =	sadd.s32 $0x30, s11;
	v5 =	vld [tilespmem:s9+$0x180]  }
0x151: {  	s12 =	sor.u32 $0x200, s15;
	[tilespmem:v4+s28+$0x0] =	vst.idx.add.f32.msk $0xffff, v0  }
0x152: {  	v4 =	vld [tilespmem:s12+$0x0]  }
0x153: {  	[tilespmem:v7+s28+$0x0] =	vst.idx.add.f32.msk $0xffff, v0  }
0x154: {  	v6 =	vld [tilespmem:s9+$0x190]  }
0x155: {  	v7 =	vld [tilespmem:s9+$0x1A0];
	_ =	sdelay $0x2  }
0x156: {  	s18 =	sor.u32 $0x200, s11;
	[tilespmem:v5+s28+$0x0] =	vst.idx.add.f32.msk $0xffff, v0  }
0x157: {  	v5 =	vld [tilespmem:s18+$0x0]  }
0x158: {  	s19 =	sor.u32 $0x280, s15;
	[tilespmem:v4+s28+$0x0] =	vst.idx.add.f32.msk $0xffff, v0  }
0x159: {  	v4 =	vld [tilespmem:s19+$0x0]  }
0x15a: {  	s13 =	sadd.s32 $0x10, s11;
	[tilespmem:v6+s28+$0x0] =	vst.idx.add.f32.msk $0xffff, v0  }
0x15b: {  	s17 =	sadd.s32 $0x20, s11;
	s21 =	sor.u32 $0x200, s13;
	[tilespmem:v7+s28+$0x0] =	vst.idx.add.f32.msk $0xffff, v0  }
0x15c: {  	s22 =	sor.u32 $0x200, s17;
	v6 =	vld [tilespmem:s21+$0x0]  }
0x15d: {  	v7 =	vld [tilespmem:s22+$0x0];
	_ =	sdelay $0x1  }
0x15e: {  	s23 =	sor.u32 $0x280, s11;
	[tilespmem:v5+s28+$0x0] =	vst.idx.add.f32.msk $0xffff, v0  }
0x15f: {  	v8 =	vld [tilespmem:s23+$0x0]  }
0x160: {  	s24 =	sor.u32 $0x300, s15;
	[tilespmem:v4+s28+$0x0] =	vst.idx.add.f32.msk $0xffff, v0  }
0x161: {  	v4 =	vld [tilespmem:s24+$0x0];
	_ =	sdelay $0x1  }
0x162: {  	[tilespmem:v6+s28+$0x0] =	vst.idx.add.f32.msk $0xffff, v0  }
0x163: {  	s7 =	smov.u32 s25;
	s25 =	sor.u32 s10, s10;
	s14 =	sor.u32 $0x280, s13;
	[tilespmem:v7+s28+$0x0] =	vst.idx.add.f32.msk $0xffff, v0  }
0x164: {  	s16 =	sor.u32 $0x300, s17;
	s9 =	sor.u32 $0x380, s25;
	s21 =	sor.u32 $0x280, s17;
	v5 =	vld [tilespmem:s14+$0x0]  }
0x165: {  	s12 =	simm.s32 $0x0;
	s18 =	sor.u32 $0x300, s13;
	s19 =	sor.u32 $0x300, s11;
	v6 =	vld [tilespmem:s21+$0x0]  }
0x166: {  	s14 =	sor.u32 $0x380, s13;
	s11 =	sor.u32 $0x380, s17;
	s13 =	simm.s32 $0x40;
	[tilespmem:v8+s28+$0x0] =	vst.idx.add.f32.msk $0xffff, v0  }
.LBB2_4:
0x167: {  	s17 =	sand.u32 $0x40, s13;
	v7 =	vld [tilespmem:s19+$0x0];
	s10 =	sadd.s32 $0x200, s10  }
0x168: {  	s12 =	sadd.s32 $0x4, s12;
	s15 =	sor.u32 $0x380, s15;
	s19 =	sand.u32 $0xC00, s10;
	[tilespmem:v4+s28+$0x0] =	vst.idx.add.f32.msk $0xffff, v0  }
0x169: {  	p1 =	slt.u32 s12, $0x1C;
	s17 =	sor.u32 s17, s19;
	s19 =	sor.u32 s10, s13;
	v4 =	vld [tilespmem:s15+$0x0]  }
0x16a: {  	s15 =	sor.u32 $0x380, s19;
	v8 =	vld [tilespmem:s17+$0x30]  }
0x16b: {  	v9 =	vld [tilespmem:s17+$0x0]  }
0x16c: {  	v10 =	vld [tilespmem:s17+$0x10]  }
0x16d: {  	v11 =	vld [tilespmem:s17+$0x20]  }
0x16e: {  	[tilespmem:v5+s28+$0x0] =	vst.idx.add.f32.msk $0xffff, v0  }
0x16f: {  	[tilespmem:v6+s28+$0x0] =	vst.idx.add.f32.msk $0xffff, v0  }
0x170: {  	v5 =	vld [tilespmem:s18+$0x0]  }
0x171: {  	[tilespmem:v4+s28+$0x0] =	vst.idx.add.f32.msk $0xffff, v0  }
0x172: {  	[tilespmem:v8+s28+$0x0] =	vst.idx.add.f32.msk $0xffff, v0  }
0x173: {  	v4 =	vld [tilespmem:s17+$0xB0]  }
0x174: {  	[tilespmem:v9+s28+$0x0] =	vst.idx.add.f32.msk $0xffff, v0  }
0x175: {  	[tilespmem:v10+s28+$0x0] =	vst.idx.add.f32.msk $0xffff, v0  }
0x176: {  	[tilespmem:v11+s28+$0x0] =	vst.idx.add.f32.msk $0xffff, v0  }
0x177: {  	v6 =	vld [tilespmem:s17+$0x80]  }
0x178: {  	v8 =	vld [tilespmem:s17+$0x90]  }
0x179: {  	v9 =	vld [tilespmem:s17+$0xA0]  }
0x17a: {  	v10 =	vld [tilespmem:s16+$0x0]  }
0x17b: {  	[tilespmem:v4+s28+$0x0] =	vst.idx.add.f32.msk $0xffff, v0  }
0x17c: {  	v4 =	vld [tilespmem:s17+$0x130]  }
0x17d: {  	[tilespmem:v7+s28+$0x0] =	vst.idx.add.f32.msk $0xffff, v0  }
0x17e: {  	[tilespmem:v5+s28+$0x0] =	vst.idx.add.f32.msk $0xffff, v0  }
0x17f: {  	[tilespmem:v6+s28+$0x0] =	vst.idx.add.f32.msk $0xffff, v0  }
0x180: {  	[tilespmem:v8+s28+$0x0] =	vst.idx.add.f32.msk $0xffff, v0  }
0x181: {  	[tilespmem:v9+s28+$0x0] =	vst.idx.add.f32.msk $0xffff, v0  }
0x182: {  	v5 =	vld [tilespmem:s17+$0x100]  }
0x183: {  	v6 =	vld [tilespmem:s17+$0x110]  }
0x184: {  	[tilespmem:v4+s28+$0x0] =	vst.idx.add.f32.msk $0xffff, v0  }
0x185: {  	v4 =	vld [tilespmem:s17+$0x1B0]  }
0x186: {  	v7 =	vld [tilespmem:s17+$0x120]  }
0x187: {  	[tilespmem:v10+s28+$0x0] =	vst.idx.add.f32.msk $0xffff, v0  }
0x188: {  	p0 =	por !p0, !p0;
	v8 =	vld [tilespmem:s9+$0x0];
	s9 =	smov.u32 s15;
	s15 =	simm.s32 $0x1  }
0x189: {  	s15 =	simm.s32 @!p0 $0x0;
	v9 =	vld [tilespmem:s14+$0x0]  }
0x18a: {  	s14 =	sshll.u32 s15, $0x6;
	[tilespmem:v5+s28+$0x0] =	vst.idx.add.f32.msk $0xffff, v0  }
0x18b: {  	s14 =	sadd.s32 s14, s10;
	[tilespmem:v6+s28+$0x0] =	vst.idx.add.f32.msk $0xffff, v0  }
0x18c: {  	v5 =	vld [tilespmem:s17+$0x180];
	s21 =	sadd.s32 $0x10, s14;
	s22 =	sadd.s32 $0x20, s14;
	s15 =	sadd.s32 $0x30, s14  }
0x18d: {  	s23 =	sor.u32 $0x200, s21;
	s24 =	sor.u32 $0x200, s22;
	[tilespmem:v4+s28+$0x0] =	vst.idx.add.f32.msk $0xffff, v0;
	s16 =	sor.u32 $0x200, s15  }
0x18e: {  	s25 =	sor.u32 $0x200, s14;
	s1 =	sor.u32 $0x280, s21;
	s3 =	sor.u32 $0x280, s22;
	v4 =	vld [tilespmem:s16+$0x0]  }
0x18f: {  	s6 =	sor.u32 $0x280, s14;
	s18 =	sor.u32 $0x300, s21;
	s16 =	sor.u32 $0x300, s22;
	[tilespmem:v7+s28+$0x0] =	vst.idx.add.f32.msk $0xffff, v0  }
0x190: {  	s19 =	sor.u32 $0x300, s14;
	s14 =	sor.u32 $0x380, s21;
	s21 =	sor.u32 $0x380, s22;
	v6 =	vld [tilespmem:s17+$0x190]  }
0x191: {  	v7 =	vld [tilespmem:s17+$0x1A0]  }
0x192: {  	v10 =	vld [tilespmem:s11+$0x0];
	s11 =	smov.u32 s21  }
0x193: {  	[tilespmem:v8+s28+$0x0] =	vst.idx.add.f32.msk $0xffff, v0  }
0x194: {  	[tilespmem:v5+s28+$0x0] =	vst.idx.add.f32.msk $0xffff, v0  }
0x195: {  	v5 =	vld [tilespmem:s25+$0x0]  }
0x196: {  	s17 =	sor.u32 $0x280, s15;
	[tilespmem:v4+s28+$0x0] =	vst.idx.add.f32.msk $0xffff, v0  }
0x197: {  	v4 =	vld [tilespmem:s17+$0x0]  }
0x198: {  	[tilespmem:v6+s28+$0x0] =	vst.idx.add.f32.msk $0xffff, v0  }
0x199: {  	[tilespmem:v7+s28+$0x0] =	vst.idx.add.f32.msk $0xffff, v0  }
0x19a: {  	v6 =	vld [tilespmem:s23+$0x0]  }
0x19b: {  	v7 =	vld [tilespmem:s24+$0x0]  }
0x19c: {  	[tilespmem:v9+s28+$0x0] =	vst.idx.add.f32.msk $0xffff, v0  }
0x19d: {  	[tilespmem:v5+s28+$0x0] =	vst.idx.add.f32.msk $0xffff, v0  }
0x19e: {  	v8 =	vld [tilespmem:s6+$0x0]  }
0x19f: {  	s6 =	sor.u32 $0x300, s15;
	[tilespmem:v4+s28+$0x0] =	vst.idx.add.f32.msk $0xffff, v0  }
0x1a0: {  	v4 =	vld [tilespmem:s6+$0x0]  }
0x1a1: {  	[tilespmem:v10+s28+$0x0] =	vst.idx.add.f32.msk $0xffff, v0  }
.Ltmp1:
0x1a2: {  	[tilespmem:v6+s28+$0x0] =	vst.idx.add.f32.msk $0xffff, v0;
	(pc) =	sbr.rel @p1 .LBB2_4-.Ltmp1, $4  }
0x1a3: {  	[tilespmem:v7+s28+$0x0] =	vst.idx.add.f32.msk $0xffff, v0  }
0x1a4: {  	v5 =	vld [tilespmem:s1+$0x0]  }
0x1a5: {  	v6 =	vld [tilespmem:s3+$0x0]  }
0x1a6: {  	s13 =	sadd.s32 $0x40, s13;
	[tilespmem:v8+s28+$0x0] =	vst.idx.add.f32.msk $0xffff, v0  }
0x1a7: {  	_ =	sdelay $0x4  }
0x1a8: {  	v7 =	vld [tilespmem:s19+$0x0]  }
0x1a9: {  	[tilespmem:v5+s28+$0x0] =	vst.idx.add.f32.msk $0xffff, v0  }
0x1aa: {  	v5 =	vld [tilespmem:s18+$0x0]  }
0x1ab: {  	[tilespmem:v6+s28+$0x0] =	vst.idx.add.f32.msk $0xffff, v0  }
0x1ac: {  	v6 =	vld [tilespmem:s16+$0x0];
	_ =	sdelay $0x2  }
0x1ad: {  	[tilespmem:v4+s28+$0x0] =	vst.idx.add.f32.msk $0xffff, v0;
	s1 =	sor.u32 $0x380, s15  }
0x1ae: {  	v4 =	vld [tilespmem:s1+$0x0]  }
0x1af: {  	[tilespmem:v7+s28+$0x0] =	vst.idx.add.f32.msk $0xffff, v0  }
0x1b0: {  	[tilespmem:v5+s28+$0x0] =	vst.idx.add.f32.msk $0xffff, v0  }
0x1b1: {  	v5 =	vld [tilespmem:s9+$0x0]  }
0x1b2: {  	[tilespmem:v6+s28+$0x0] =	vst.idx.add.f32.msk $0xffff, v0  }
0x1b3: {  	v62 =	vld [tilespmem:s14+$0x0]  }
0x1b4: {  	v63 =	vld [tilespmem:s11+$0x0];
	_ =	sdelay $0x4  }
0x1b5: {  	[tilespmem:v4+s28+$0x0] =	vst.idx.add.f32.msk $0xffff, v0  }
0x1b6: {  	[tilespmem:v5+s28+$0x0] =	vst.idx.add.f32.msk $0xffff, v0  }
0x1b7: {  	[tilespmem:v62+s28+$0x0] =	vst.idx.add.f32.msk $0xffff, v0  }
0x1b8: {  	s25 =	smov.u32 s7;
	s7 =	stileid.u32;
	[tilespmem:v63+s28+$0x0] =	vst.idx.add.f32.msk $0xffff, v0  }
.LBB2_6:
0x1b9: {  	s19 =	simm.s32 $0x0  }
0x1ba: {  	s1 =	sand.u32 $0x70, s19;
	s3 =	sand.u32 $0xC00, s19  }
0x1bb: {  	s9 =	sor.u32 s1, s3  }
0x1bc: {  	s12 =	simm.s32 $0x10;
	s13 =	simm.s32 $0x80;
	v4 =	vld [tilespmem:s9+$0x0]  }
0x1bd: {  	s23 =	sand.u32 $0x70, s12;
	s6 =	sand.u32 $0xC00, s13  }
0x1be: {  	s10 =	sor.u32 s23, s6;
	v30 =	vld [tilespmem:s9+$0x2000]  }
0x1bf: {  	v5 =	vld [tilespmem:s10+$0x0];
	_ =	sdelay $0x2  }
0x1c0: {  	v36 =	vld [tilespmem:s10+$0x2000];
	_ =	sdelay $0x1  }
0x1c1: {  	[tilespmem:v4+s29+$0x0] =	vst.idx.add.f32.msk $0xffff, v30  }
0x1c2: {  	v39 =	vld [tilespmem:s9+$0x3000];
	_ =	sdelay $0x1  }
0x1c3: {  	[tilespmem:v5+s29+$0x0] =	vst.idx.add.f32.msk $0xffff, v36  }
0x1c4: {  	v14 =	vld [tilespmem:s10+$0x3000];
	_ =	sdelay $0x1  }
0x1c5: {  	[tilespmem:v4+s30+$0x0] =	vst.idx.add.f32.msk $0xffff, v39  }
0x1c6: {  	v35 =	vld [tilespmem:s9+$0x4000];
	_ =	sdelay $0x1  }
0x1c7: {  	[tilespmem:v5+s30+$0x0] =	vst.idx.add.f32.msk $0xffff, v14  }
0x1c8: {  	v10 =	vld [tilespmem:s10+$0x4000];
	_ =	sdelay $0x1  }
0x1c9: {  	[tilespmem:v4+s31+$0x0] =	vst.idx.add.f32.msk $0xffff, v35  }
0x1ca: {  	v4 =	vld [tilespmem:s9+$0x80];
	_ =	sdelay $0x1  }
0x1cb: {  	[tilespmem:v5+s31+$0x0] =	vst.idx.add.f32.msk $0xffff, v10  }
0x1cc: {  	v46 =	vld [tilespmem:s9+$0x2080]  }
0x1cd: {  	v5 =	vld [tilespmem:s10+$0x80];
	_ =	sdelay $0x2  }
0x1ce: {  	v40 =	vld [tilespmem:s10+$0x2080]  }
0x1cf: {  	[tilespmem:v4+s29+$0x0] =	vst.idx.add.f32.msk $0xffff, v46  }
0x1d0: {  	v41 =	vld [tilespmem:s9+$0x3080];
	_ =	sdelay $0x2  }
0x1d1: {  	[tilespmem:v5+s29+$0x0] =	vst.idx.add.f32.msk $0xffff, v40  }
0x1d2: {  	v16 =	vld [tilespmem:s10+$0x3080]  }
0x1d3: {  	[tilespmem:v4+s30+$0x0] =	vst.idx.add.f32.msk $0xffff, v41  }
0x1d4: {  	v37 =	vld [tilespmem:s9+$0x4080];
	_ =	sdelay $0x3  }
0x1d5: {  	[tilespmem:v5+s30+$0x0] =	vst.idx.add.f32.msk $0xffff, v16  }
0x1d6: {  	[tilespmem:v4+s31+$0x0] =	vst.idx.add.f32.msk $0xffff, v37  }
0x1d7: {  	v4 =	vld [tilespmem:s9+$0x100]  }
0x1d8: {  	v13 =	vld [tilespmem:s10+$0x4080];
	_ =	sdelay $0x1  }
0x1d9: {  	v48 =	vld [tilespmem:s9+$0x2100];
	_ =	sdelay $0x2  }
0x1da: {  	[tilespmem:v5+s31+$0x0] =	vst.idx.add.f32.msk $0xffff, v13  }
0x1db: {  	s15 =	simm.s32 $0x20;
	s16 =	simm.s32 $0x100;
	v6 =	vld [tilespmem:s10+$0x100]  }
0x1dc: {  	s22 =	sand.u32 $0xC00, s16;
	s24 =	sor.u32 s3, s19;
	s3 =	sand.u32 $0x70, s15;
	[tilespmem:v4+s29+$0x0] =	vst.idx.add.f32.msk $0xffff, v48  }
0x1dd: {  	s11 =	sor.u32 s3, s22;
	v44 =	vld [tilespmem:s9+$0x3100]  }
0x1de: {  	v7 =	vld [tilespmem:s11+$0x0]  }
0x1df: {  	v42 =	vld [tilespmem:s10+$0x2100];
	_ =	sdelay $0x1  }
0x1e0: {  	v12 =	vld [tilespmem:s11+$0x2000]  }
0x1e1: {  	[tilespmem:v4+s30+$0x0] =	vst.idx.add.f32.msk $0xffff, v44  }
0x1e2: {  	v38 =	vld [tilespmem:s9+$0x4100]  }
0x1e3: {  	[tilespmem:v6+s29+$0x0] =	vst.idx.add.f32.msk $0xffff, v42  }
0x1e4: {  	v22 =	vld [tilespmem:s10+$0x3100]  }
0x1e5: {  	[tilespmem:v7+s29+$0x0] =	vst.idx.add.f32.msk $0xffff, v12  }
0x1e6: {  	v5 =	vld [tilespmem:s11+$0x3000]  }
0x1e7: {  	s1 =	sor.u32 $0x180, s24;
	[tilespmem:v4+s31+$0x0] =	vst.idx.add.f32.msk $0xffff, v38  }
0x1e8: {  	v4 =	vld [tilespmem:s1+$0x0]  }
0x1e9: {  	[tilespmem:v6+s30+$0x0] =	vst.idx.add.f32.msk $0xffff, v22  }
0x1ea: {  	v17 =	vld [tilespmem:s10+$0x4100]  }
0x1eb: {  	v49 =	vld [tilespmem:s1+$0x2000];
	_ =	sdelay $0x2  }
0x1ec: {  	[tilespmem:v7+s30+$0x0] =	vst.idx.add.f32.msk $0xffff, v5  }
0x1ed: {  	[tilespmem:v6+s31+$0x0] =	vst.idx.add.f32.msk $0xffff, v17  }
0x1ee: {  	[tilespmem:v4+s29+$0x0] =	vst.idx.add.f32.msk $0xffff, v49  }
0x1ef: {  	s6 =	sor.u32 s6, s12;
	v47 =	vld [tilespmem:s9+$0x3180]  }
0x1f0: {  	v6 =	vld [tilespmem:s11+$0x4000];
	s1 =	sor.u32 $0x180, s6  }
0x1f1: {  	v11 =	vld [tilespmem:s1+$0x0];
	_ =	sdelay $0x1  }
0x1f2: {  	v43 =	vld [tilespmem:s1+$0x2000]  }
0x1f3: {  	[tilespmem:v4+s30+$0x0] =	vst.idx.add.f32.msk $0xffff, v47  }
0x1f4: {  	v45 =	vld [tilespmem:s9+$0x4180]  }
0x1f5: {  	[tilespmem:v7+s31+$0x0] =	vst.idx.add.f32.msk $0xffff, v6  }
0x1f6: {  	v7 =	vld [tilespmem:s11+$0x80]  }
0x1f7: {  	v18 =	vld [tilespmem:s11+$0x2080]  }
0x1f8: {  	[tilespmem:v11+s29+$0x0] =	vst.idx.add.f32.msk $0xffff, v43  }
0x1f9: {  	[tilespmem:v4+s31+$0x0] =	vst.idx.add.f32.msk $0xffff, v45  }
0x1fa: {  	v4 =	vld [tilespmem:s9+$0x200]  }
0x1fb: {  	v24 =	vld [tilespmem:s10+$0x3180];
	_ =	sdelay $0x1  }
0x1fc: {  	v52 =	vld [tilespmem:s9+$0x2200]  }
0x1fd: {  	[tilespmem:v7+s29+$0x0] =	vst.idx.add.f32.msk $0xffff, v18  }
0x1fe: {  	v9 =	vld [tilespmem:s11+$0x3080]  }
0x1ff: {  	[tilespmem:v11+s30+$0x0] =	vst.idx.add.f32.msk $0xffff, v24  }
0x200: {  	v23 =	vld [tilespmem:s10+$0x4180]  }
0x201: {  	[tilespmem:v4+s29+$0x0] =	vst.idx.add.f32.msk $0xffff, v52  }
0x202: {  	v51 =	vld [tilespmem:s9+$0x3200];
	_ =	sdelay $0x1  }
0x203: {  	[tilespmem:v7+s30+$0x0] =	vst.idx.add.f32.msk $0xffff, v9  }
0x204: {  	v8 =	vld [tilespmem:s11+$0x4080]  }
0x205: {  	[tilespmem:v11+s31+$0x0] =	vst.idx.add.f32.msk $0xffff, v23  }
0x206: {  	[tilespmem:v4+s30+$0x0] =	vst.idx.add.f32.msk $0xffff, v51  }
0x207: {  	v50 =	vld [tilespmem:s9+$0x4200]  }
0x208: {  	v15 =	vld [tilespmem:s10+$0x200]  }
0x209: {  	v28 =	vld [tilespmem:s10+$0x2200]  }
0x20a: {  	[tilespmem:v7+s31+$0x0] =	vst.idx.add.f32.msk $0xffff, v8  }
0x20b: {  	v7 =	vld [tilespmem:s11+$0x100]  }
0x20c: {  	[tilespmem:v4+s31+$0x0] =	vst.idx.add.f32.msk $0xffff, v50  }
0x20d: {  	v4 =	vld [tilespmem:s9+$0x280]  }
0x20e: {  	v21 =	vld [tilespmem:s11+$0x2100];
	_ =	sdelay $0x1  }
0x20f: {  	v53 =	vld [tilespmem:s9+$0x2280]  }
0x210: {  	[tilespmem:v15+s29+$0x0] =	vst.idx.add.f32.msk $0xffff, v28  }
0x211: {  	v27 =	vld [tilespmem:s10+$0x3200]  }
0x212: {  	[tilespmem:v7+s29+$0x0] =	vst.idx.add.f32.msk $0xffff, v21  }
0x213: {  	v20 =	vld [tilespmem:s11+$0x3100]  }
0x214: {  	[tilespmem:v4+s29+$0x0] =	vst.idx.add.f32.msk $0xffff, v53  }
0x215: {  	s18 =	simm.s32 $0x30;
	s17 =	simm.s32 $0x180;
	v54 =	vld [tilespmem:s9+$0x3280]  }
0x216: {  	s14 =	sand.u32 $0x70, s18;
	s21 =	sand.u32 $0xC00, s17;
	[tilespmem:v15+s30+$0x0] =	vst.idx.add.f32.msk $0xffff, v27  }
0x217: {  	s14 =	sor.u32 s14, s21;
	v26 =	vld [tilespmem:s10+$0x4200]  }
0x218: {  	v29 =	vld [tilespmem:s14+$0x0]  }
0x219: {  	[tilespmem:v7+s30+$0x0] =	vst.idx.add.f32.msk $0xffff, v20  }
0x21a: {  	[tilespmem:v4+s30+$0x0] =	vst.idx.add.f32.msk $0xffff, v54  }
0x21b: {  	v55 =	vld [tilespmem:s9+$0x4280]  }
0x21c: {  	[tilespmem:v15+s31+$0x0] =	vst.idx.add.f32.msk $0xffff, v26  }
0x21d: {  	v59 =	vld [tilespmem:s10+$0x280]  }
0x21e: {  	v19 =	vld [tilespmem:s11+$0x4100]  }
0x21f: {  	v60 =	vld [tilespmem:s10+$0x2280]  }
0x220: {  	[tilespmem:v4+s31+$0x0] =	vst.idx.add.f32.msk $0xffff, v55  }
0x221: {  	v25 =	vld [tilespmem:s9+$0x300]  }
0x222: {  	v4 =	vld [tilespmem:s14+$0x2000]  }
0x223: {  	[tilespmem:v7+s31+$0x0] =	vst.idx.add.f32.msk $0xffff, v19  }
0x224: {  	v56 =	vld [tilespmem:s9+$0x2300]  }
0x225: {  	[tilespmem:v59+s29+$0x0] =	vst.idx.add.f32.msk $0xffff, v60  }
0x226: {  	v33 =	vld [tilespmem:s10+$0x3280]  }
0x227: {  	[tilespmem:v29+s29+$0x0] =	vst.idx.add.f32.msk $0xffff, v4  }
0x228: {  	v11 =	vld [tilespmem:s14+$0x3000]  }
0x229: {  	[tilespmem:v25+s29+$0x0] =	vst.idx.add.f32.msk $0xffff, v56  }
0x22a: {  	v57 =	vld [tilespmem:s9+$0x3300]  }
0x22b: {  	[tilespmem:v59+s30+$0x0] =	vst.idx.add.f32.msk $0xffff, v33  }
0x22c: {  	v31 =	vld [tilespmem:s10+$0x4280]  }
0x22d: {  	[tilespmem:v29+s30+$0x0] =	vst.idx.add.f32.msk $0xffff, v11  }
0x22e: {  	v30 =	vmul.f32 v30, v30;
	v15 =	vld [tilespmem:s14+$0x4000]  }
0x22f: {  	s23 =	sor.u32 s22, s15;
	[tilespmem:v25+s30+$0x0] =	vst.idx.add.f32.msk $0xffff, v57  }
0x230: {  	v3 =	vadd.f32 v30, v3;
	v46 =	vmul.f32 v46, v46;
	s1 =	sor.u32 $0x180, s23;
	v58 =	vld [tilespmem:s9+$0x4300]  }
0x231: {  	v39 =	vmul.f32 v39, v39;
	v61 =	vld [tilespmem:s1+$0x0]  }
0x232: {  	v46 =	vadd.f32 v46, v3;
	v48 =	vmul.f32 v48, v48;
	[tilespmem:v59+s31+$0x0] =	vst.idx.add.f32.msk $0xffff, v31  }
0x233: {  	v2 =	vadd.f32 v39, v2;
	v41 =	vmul.f32 v41, v41;
	v39 =	vld [tilespmem:s10+$0x300]  }
0x234: {  	v46 =	vadd.f32 v48, v46;
	v63 =	vmul.f32 v49, v49;
	[tilespmem:v29+s31+$0x0] =	vst.idx.add.f32.msk $0xffff, v15  }
0x235: {  	[tilespmem:v25+s31+$0x0] =	vst.idx.add.f32.msk $0xffff, v58  }
0x236: {  	v41 =	vadd.f32 v41, v2;
	v46 =	vadd.f32 v63, v46;
	v2 =	vmul.f32 v52, v52;
	v25 =	vld [tilespmem:s1+$0x2000]  }
0x237: {  	v62 =	vld [tilespmem:s14+$0x80]  }
0x238: {  	v46 =	vadd.f32 v2, v46;
	v2 =	vld [tilespmem:s10+$0x2300];
	_ =	sdelay $0x1  }
0x239: {  	v7 =	vld [tilespmem:s14+$0x2080]  }
0x23a: {  	[tilespmem:v61+s29+$0x0] =	vst.idx.add.f32.msk $0xffff, v25  }
0x23b: {  	s24 =	sor.u32 s19, s19;
	v32 =	vld [tilespmem:s11+$0x3180]  }
0x23c: {  	[tilespmem:v39+s29+$0x0] =	vst.idx.add.f32.msk $0xffff, v2;
	s1 =	sor.u32 $0x380, s24  }
0x23d: {  	v34 =	vld [tilespmem:s1+$0x0]  }
0x23e: {  	[tilespmem:v62+s29+$0x0] =	vst.idx.add.f32.msk $0xffff, v7  }
0x23f: {  	v29 =	vld [tilespmem:s14+$0x3080]  }
0x240: {  	[tilespmem:v61+s30+$0x0] =	vst.idx.add.f32.msk $0xffff, v32  }
0x241: {  	v30 =	vld [tilespmem:s11+$0x4180]  }
0x242: {  	v52 =	vmul.f32 v47, v47;
	v47 =	vld [tilespmem:s10+$0x3300]  }
0x243: {  	v59 =	vld [tilespmem:s1+$0x2000]  }
0x244: {  	[tilespmem:v62+s30+$0x0] =	vst.idx.add.f32.msk $0xffff, v29  }
0x245: {  	v35 =	vmul.f32 v35, v35;
	v3 =	vld [tilespmem:s14+$0x4080]  }
0x246: {  	[tilespmem:v61+s31+$0x0] =	vst.idx.add.f32.msk $0xffff, v30  }
0x247: {  	v1 =	vadd.f32 v35, v1;
	v37 =	vmul.f32 v37, v37;
	v49 =	vld [tilespmem:s11+$0x200]  }
0x248: {  	v48 =	vmul.f32 v53, v53;
	[tilespmem:v39+s30+$0x0] =	vst.idx.add.f32.msk $0xffff, v47  }
0x249: {  	v1 =	vadd.f32 v37, v1;
	v53 =	vmul.f32 v38, v38;
	[tilespmem:v34+s29+$0x0] =	vst.idx.add.f32.msk $0xffff, v59  }
0x24a: {  	v44 =	vmul.f32 v44, v44;
	v45 =	vmul.f32 v45, v45;
	v35 =	vadd.f32 v48, v46;
	v38 =	vld [tilespmem:s11+$0x2200]  }
0x24b: {  	v1 =	vadd.f32 v53, v1;
	v53 =	vmul.f32 v56, v56;
	[tilespmem:v62+s31+$0x0] =	vst.idx.add.f32.msk $0xffff, v3  }
0x24c: {  	v36 =	vmul.f32 v36, v36;
	v40 =	vmul.f32 v40, v40;
	v41 =	vadd.f32 v44, v41;
	v44 =	vld [tilespmem:s14+$0x100]  }
0x24d: {  	v45 =	vadd.f32 v45, v1;
	v35 =	vadd.f32 v53, v35;
	v56 =	vmul.f32 v59, v59;
	v63 =	vld [tilespmem:s9+$0x3380]  }
0x24e: {  	v61 =	vadd.f32 v52, v41;
	v62 =	vmul.f32 v51, v51;
	v52 =	vmul.f32 v54, v54;
	v1 =	vld [tilespmem:s14+$0x2100]  }
0x24f: {  	v54 =	vmul.f32 v50, v50;
	v41 =	vadd.f32 v56, v35;
	[tilespmem:v49+s29+$0x0] =	vst.idx.add.f32.msk $0xffff, v38  }
0x250: {  	v42 =	vmul.f32 v42, v42;
	v59 =	vmul.f32 v57, v57;
	v37 =	vadd.f32 v62, v61;
	v35 =	vld [tilespmem:s11+$0x3200]  }
0x251: {  	v45 =	vadd.f32 v54, v45;
	v61 =	vmul.f32 v55, v55;
	v36 =	vadd.f32 v36, v41  }
0x252: {  	[tilespmem:v34+s30+$0x0] =	vst.idx.add.f32.msk $0xffff, v63;
	v46 =	vmul.f32 v63, v63;
	v37 =	vadd.f32 v52, v37  }
0x253: {  	v41 =	vld [tilespmem:s9+$0x4380];
	v62 =	vmul.f32 v58, v58;
	v45 =	vadd.f32 v61, v45;
	v63 =	vadd.f32 v40, v36  }
0x254: {  	v40 =	vmul.f32 v47, v47;
	v48 =	vadd.f32 v59, v37;
	[tilespmem:v44+s29+$0x0] =	vst.idx.add.f32.msk $0xffff, v1  }
0x255: {  	v37 =	vmul.f32 v60, v60;
	v57 =	vadd.f32 v62, v45;
	[tilespmem:v49+s30+$0x0] =	vst.idx.add.f32.msk $0xffff, v35  }
0x256: {  	s19 =	simm.s32 $0x40;
	s9 =	sor.u32 s21, s18;
	s21 =	simm.s32 $0x200;
	v59 =	vadd.f32 v42, v63;
	v60 =	vmul.f32 v43, v43;
	v56 =	vadd.f32 v46, v48;
	v36 =	vld [tilespmem:s11+$0x4200]  }
.LBB2_7:
0x257: {  	s1 =	sand.u32 $0x70, s19  }
0x258: {  	s3 =	sand.u32 $0xC00, s21;
	v45 =	vld [tilespmem:s14+$0x3100];
	s23 =	smov.u32 s19;
	s24 =	sadd.s32 $0x10, s19  }
0x259: {  	p0 =	sne.s32 s19, $0x1F0;
	v46 =	vmul.f32 v28, v28;
	v28 =	vmov v38;
	s22 =	sor.u32 s1, s3;
	s1 =	sor.u32 s3, s23;
	v43 =	vadd.f32 v60, v59;
	v42 =	vld [tilespmem:s10+$0x4300]  }
0x25a: {  	[tilespmem:v34+s31+$0x0] =	vst.idx.add.f32.msk $0xffff, v41  }
0x25b: {  	v38 =	vld [tilespmem:s22+$0x0];
	v34 =	vadd.f32 v46, v43  }
0x25c: {  	v46 =	vmul.f32 v14, v14;
	v14 =	vmov v5;
	v5 =	vmov v11;
	[tilespmem:v49+s31+$0x0] =	vst.idx.add.f32.msk $0xffff, v36  }
0x25d: {  	v43 =	vld [tilespmem:s22+$0x2000];
	v47 =	vadd.f32 v37, v34  }
0x25e: {  	v11 =	vadd.f32 v46, v56;
	v34 =	vmul.f32 v16, v16;
	v16 =	vmov v9;
	[tilespmem:v44+s30+$0x0] =	vst.idx.add.f32.msk $0xffff, v45  }
0x25f: {  	v9 =	vmov v29;
	v46 =	vld [tilespmem:s14+$0x4100]  }
0x260: {  	v29 =	vmul.f32 v22, v22;
	v22 =	vmovc v20;
	v11 =	vadd.f32 v34, v11;
	v34 =	vmul.f32 v41, v41;
	v48 =	vld [tilespmem:s11+$0x280]  }
0x261: {  	v49 =	vmul.f32 v24, v24;
	v37 =	vmul.f32 v10, v10;
	v20 =	vmovc v45;
	v10 =	vmovc v6;
	v6 =	vmov v15;
	v41 =	vld [tilespmem:s11+$0x2280]  }
0x262: {  	v24 =	vmov v32;
	v15 =	vadd.f32 v29, v11;
	v29 =	vadd.f32 v34, v57;
	[tilespmem:v39+s31+$0x0] =	vst.idx.add.f32.msk $0xffff, v42  }
0x263: {  	v32 =	vmul.f32 v13, v13;
	v13 =	vmov v8;
	v8 =	vmov v3;
	[tilespmem:v38+s29+$0x0] =	vst.idx.add.f32.msk $0xffff, v43  }
0x264: {  	v3 =	vadd.f32 v37, v29;
	v15 =	vadd.f32 v49, v15;
	v29 =	vmul.f32 v27, v27;
	v27 =	vmovc v35;
	v11 =	vld [tilespmem:s22+$0x3000]  }
0x265: {  	v33 =	vmul.f32 v33, v33;
	s3 =	sor.u32 $0x180, s9;
	s9 =	smov.u32 s1;
	v34 =	vmul.f32 v17, v17;
	v17 =	vmov v19;
	[tilespmem:v44+s31+$0x0] =	vst.idx.add.f32.msk $0xffff, v46  }
0x266: {  	v19 =	vmovc v46;
	v3 =	vadd.f32 v32, v3;
	v15 =	vadd.f32 v29, v15;
	v35 =	vld [tilespmem:s3+$0x0];
	v37 =	vmul.f32 v41, v41  }
0x267: {  	v29 =	vmul.f32 v23, v23;
	v23 =	vmov v30;
	v45 =	vld [tilespmem:s3+$0x2000]  }
0x268: {  	v3 =	vadd.f32 v34, v3;
	v30 =	vadd.f32 v33, v15;
	[tilespmem:v48+s29+$0x0] =	vst.idx.add.f32.msk $0xffff, v41  }
0x269: {  	[tilespmem:v38+s30+$0x0] =	vst.idx.add.f32.msk $0xffff, v11  }
0x26a: {  	s1 =	sor.u32 s13, s12;
	s12 =	smov.u32 s15;
	s15 =	smov.u32 s18;
	v3 =	vadd.f32 v29, v3;
	v29 =	vmul.f32 v26, v26;
	v40 =	vadd.f32 v40, v30;
	v26 =	vmovc v36;
	v15 =	vld [tilespmem:s22+$0x4000]  }
0x26b: {  	s18 =	smov.u32 s23;
	s13 =	smov.u32 s16;
	s1 =	sor.u32 $0x380, s1;
	v33 =	vld [tilespmem:s11+$0x3280]  }
0x26c: {  	s16 =	smov.u32 s17;
	s17 =	smov.u32 s21;
	v3 =	vadd.f32 v29, v3;
	v29 =	vmul.f32 v31, v31;
	v34 =	vld [tilespmem:s1+$0x0]  }
0x26d: {  	v30 =	vld [tilespmem:s1+$0x2000]  }
0x26e: {  	v36 =	vadd.f32 v29, v3;
	[tilespmem:v35+s29+$0x0] =	vst.idx.add.f32.msk $0xffff, v45  }
0x26f: {  	[tilespmem:v38+s31+$0x0] =	vst.idx.add.f32.msk $0xffff, v15  }
0x270: {  	v2 =	vmul.f32 v2, v2;
	v41 =	vld [tilespmem:s22+$0x80]  }
0x271: {  	v32 =	vld [tilespmem:s14+$0x3180]  }
0x272: {  	v2 =	vadd.f32 v2, v47;
	[tilespmem:v48+s30+$0x0] =	vst.idx.add.f32.msk $0xffff, v33;
	v3 =	vmul.f32 v30, v30  }
0x273: {  	v46 =	vld [tilespmem:s22+$0x2080]  }
0x274: {  	v31 =	vld [tilespmem:s11+$0x4280];
	v47 =	vadd.f32 v3, v2  }
0x275: {  	[tilespmem:v34+s29+$0x0] =	vst.idx.add.f32.msk $0xffff, v30  }
0x276: {  	[tilespmem:v35+s30+$0x0] =	vst.idx.add.f32.msk $0xffff, v32  }
0x277: {  	v30 =	vld [tilespmem:s14+$0x4180]  }
0x278: {  	[tilespmem:v41+s29+$0x0] =	vst.idx.add.f32.msk $0xffff, v46  }
0x279: {  	v29 =	vld [tilespmem:s22+$0x3080]  }
0x27a: {  	[tilespmem:v48+s31+$0x0] =	vst.idx.add.f32.msk $0xffff, v31  }
0x27b: {  	v39 =	vld [tilespmem:s11+$0x300]  }
0x27c: {  	v2 =	vld [tilespmem:s11+$0x2300]  }
0x27d: {  	[tilespmem:v35+s31+$0x0] =	vst.idx.add.f32.msk $0xffff, v30  }
0x27e: {  	[tilespmem:v41+s30+$0x0] =	vst.idx.add.f32.msk $0xffff, v29  }
0x27f: {  	v3 =	vld [tilespmem:s22+$0x4080]  }
0x280: {  	v49 =	vld [tilespmem:s14+$0x200]  }
0x281: {  	v38 =	vld [tilespmem:s14+$0x2200]  }
0x282: {  	v48 =	vld [tilespmem:s10+$0x3380]  }
0x283: {  	[tilespmem:v39+s29+$0x0] =	vst.idx.add.f32.msk $0xffff, v2  }
0x284: {  	[tilespmem:v41+s31+$0x0] =	vst.idx.add.f32.msk $0xffff, v3  }
0x285: {  	v44 =	vld [tilespmem:s22+$0x100]  }
0x286: {  	v50 =	vld [tilespmem:s22+$0x2100]  }
0x287: {  	v51 =	vld [tilespmem:s11+$0x3300];
	v41 =	vmul.f32 v48, v48  }
0x288: {  	[tilespmem:v49+s29+$0x0] =	vst.idx.add.f32.msk $0xffff, v38  }
0x289: {  	v52 =	vmul.f32 v12, v12;
	v12 =	vmovc v4;
	v4 =	vmov v43;
	v35 =	vld [tilespmem:s14+$0x3200];
	v56 =	vadd.f32 v41, v40  }
0x28a: {  	[tilespmem:v34+s30+$0x0] =	vst.idx.add.f32.msk $0xffff, v48  }
.Ltmp2:
0x28b: {  	v43 =	vadd.f32 v52, v47;
	v47 =	vmul.f32 v18, v18;
	v18 =	vmovc v7;
	v7 =	vmov v46;
	v41 =	vld [tilespmem:s10+$0x4380];
	s10 =	smov.u32 s11;
	s11 =	smov.u32 s14;
	(pc) =	sbr.rel @p0 .LBB2_7-.Ltmp2, $4  }
0x28c: {  	v42 =	vmul.f32 v42, v42;
	s14 =	smov.u32 s22;
	[tilespmem:v39+s30+$0x0] =	vst.idx.add.f32.msk $0xffff, v51;
	v40 =	vmul.f32 v51, v51  }
0x28d: {  	v43 =	vadd.f32 v47, v43;
	v46 =	vmul.f32 v21, v21;
	v21 =	vmov v1;
	[tilespmem:v44+s29+$0x0] =	vst.idx.add.f32.msk $0xffff, v50  }
0x28e: {  	v57 =	vadd.f32 v42, v36;
	v1 =	vmov v50;
	[tilespmem:v49+s30+$0x0] =	vst.idx.add.f32.msk $0xffff, v35  }
0x28f: {  	v60 =	vmul.f32 v25, v25;
	s19 =	smov.u32 s24;
	s21 =	sadd.s32 $0x80, s21;
	v25 =	vmov v45;
	v59 =	vadd.f32 v46, v43;
	v36 =	vld [tilespmem:s11+$0x4200]  }
0x290: {  	v47 =	vld [tilespmem:s14+$0x3100];
	_ =	sdelay $0x4  }
0x291: {  	[tilespmem:v44+s30+$0x0] =	vst.idx.add.f32.msk $0xffff, v47  }
0x292: {  	v42 =	vld [tilespmem:s14+$0x4100];
	_ =	sdelay $0x4  }
0x293: {  	[tilespmem:$0x1FFB0] =	vst v42  }
0x294: {  	s1 =	sor.u32 $0x180, s9;
	[tilespmem:v44+s31+$0x0] =	vst.idx.add.f32.msk $0xffff, v42  }
0x295: {  	v42 =	vld [tilespmem:s1+$0x0];
	_ =	sdelay $0x2  }
0x296: {  	v50 =	vld [tilespmem:s1+$0x2000];
	_ =	sdelay $0x4  }
0x297: {  	[tilespmem:v42+s29+$0x0] =	vst.idx.add.f32.msk $0xffff, v50  }
0x298: {  	v48 =	vld [tilespmem:s14+$0x3180];
	_ =	sdelay $0x4  }
0x299: {  	[tilespmem:v42+s30+$0x0] =	vst.idx.add.f32.msk $0xffff, v48  }
0x29a: {  	v43 =	vld [tilespmem:s14+$0x4180];
	_ =	sdelay $0x4  }
0x29b: {  	[tilespmem:$0x1FFC0] =	vst v43  }
0x29c: {  	[tilespmem:v42+s31+$0x0] =	vst.idx.add.f32.msk $0xffff, v43  }
0x29d: {  	v51 =	vld [tilespmem:s14+$0x200];
	_ =	sdelay $0x1  }
0x29e: {  	v42 =	vld [tilespmem:s14+$0x2200];
	_ =	sdelay $0x4  }
0x29f: {  	[tilespmem:$0x1FFD0] =	vst v42  }
0x2a0: {  	[tilespmem:v51+s29+$0x0] =	vst.idx.add.f32.msk $0xffff, v42  }
0x2a1: {  	v42 =	vld [tilespmem:s14+$0x3200];
	_ =	sdelay $0x4  }
0x2a2: {  	[tilespmem:$0x1FFE0] =	vst v42  }
0x2a3: {  	[tilespmem:v51+s30+$0x0] =	vst.idx.add.f32.msk $0xffff, v42  }
0x2a4: {  	v42 =	vld [tilespmem:s14+$0x4200];
	_ =	sdelay $0x4  }
0x2a5: {  	[tilespmem:$0x1FFF0] =	vst v42  }
0x2a6: {  	[tilespmem:v49+s31+$0x0] =	vst.idx.add.f32.msk $0xffff, v36  }
0x2a7: {  	v53 =	vld [tilespmem:s11+$0x280]  }
0x2a8: {  	[tilespmem:v51+s31+$0x0] =	vst.idx.add.f32.msk $0xffff, v42  }
0x2a9: {  	v54 =	vld [tilespmem:s14+$0x280]  }
0x2aa: {  	v61 =	vld [tilespmem:s11+$0x2280];
	_ =	sdelay $0x1  }
0x2ab: {  	v52 =	vld [tilespmem:s14+$0x2280];
	_ =	sdelay $0x2  }
0x2ac: {  	[tilespmem:v53+s29+$0x0] =	vst.idx.add.f32.msk $0xffff, v61  }
0x2ad: {  	v58 =	vld [tilespmem:s11+$0x3280]  }
0x2ae: {  	[tilespmem:v54+s29+$0x0] =	vst.idx.add.f32.msk $0xffff, v52  }
0x2af: {  	v51 =	vld [tilespmem:s14+$0x3280];
	_ =	sdelay $0x2  }
0x2b0: {  	[tilespmem:v53+s30+$0x0] =	vst.idx.add.f32.msk $0xffff, v58  }
0x2b1: {  	v55 =	vld [tilespmem:s11+$0x4280]  }
0x2b2: {  	[tilespmem:v54+s30+$0x0] =	vst.idx.add.f32.msk $0xffff, v51  }
0x2b3: {  	v49 =	vld [tilespmem:s14+$0x4280];
	_ =	sdelay $0x2  }
0x2b4: {  	[tilespmem:v53+s31+$0x0] =	vst.idx.add.f32.msk $0xffff, v55  }
0x2b5: {  	v62 =	vld [tilespmem:s11+$0x300]  }
0x2b6: {  	[tilespmem:v54+s31+$0x0] =	vst.idx.add.f32.msk $0xffff, v49  }
0x2b7: {  	v63 =	vld [tilespmem:s14+$0x300]  }
0x2b8: {  	v43 =	vld [tilespmem:s11+$0x2300];
	_ =	sdelay $0x1  }
0x2b9: {  	v42 =	vld [tilespmem:s10+$0x4300]  }
0x2ba: {  	v53 =	vld [tilespmem:s14+$0x2300];
	_ =	sdelay $0x1  }
0x2bb: {  	[tilespmem:v62+s29+$0x0] =	vst.idx.add.f32.msk $0xffff, v43  }
0x2bc: {  	v44 =	vld [tilespmem:s11+$0x3300]  }
0x2bd: {  	[tilespmem:v39+s31+$0x0] =	vst.idx.add.f32.msk $0xffff, v42  }
0x2be: {  	s22 =	sor.u32 s13, s12;
	[tilespmem:v63+s29+$0x0] =	vst.idx.add.f32.msk $0xffff, v53  }
0x2bf: {  	s1 =	sor.u32 $0x380, s22;
	v54 =	vld [tilespmem:s14+$0x3300]  }
0x2c0: {  	v39 =	vld [tilespmem:s1+$0x0]  }
0x2c1: {  	[tilespmem:v62+s30+$0x0] =	vst.idx.add.f32.msk $0xffff, v44  }
0x2c2: {  	v45 =	vld [tilespmem:s11+$0x4300]  }
0x2c3: {  	v14 =	vmul.f32 v14, v14;
	v59 =	vadd.f32 v60, v59;
	v60 =	vld [tilespmem:s1+$0x2000]  }
0x2c4: {  	[tilespmem:v63+s30+$0x0] =	vst.idx.add.f32.msk $0xffff, v54  }
0x2c5: {  	v14 =	vadd.f32 v14, v56;
	v56 =	vmul.f32 v41, v41;
	v46 =	vld [tilespmem:s14+$0x4300]  }
0x2c6: {  	v28 =	vmul.f32 v28, v28  }
0x2c7: {  	v10 =	vmul.f32 v10, v10;
	s23 =	sor.u32 s16, s15;
	[tilespmem:v62+s31+$0x0] =	vst.idx.add.f32.msk $0xffff, v45;
	v62 =	vadd.f32 v56, v57  }
0x2c8: {  	v16 =	vmul.f32 v16, v16;
	v28 =	vadd.f32 v28, v59;
	s1 =	sor.u32 $0x380, s23;
	[tilespmem:v39+s29+$0x0] =	vst.idx.add.f32.msk $0xffff, v60  }
0x2c9: {  	v13 =	vmul.f32 v13, v13;
	s3 =	sor.u32 s17, s18;
	v59 =	vmul.f32 v22, v22;
	v22 =	vld [tilespmem:s1+$0x0];
	v10 =	vadd.f32 v10, v62  }
0x2ca: {  	v2 =	vmul.f32 v2, v2;
	s3 =	sor.u32 $0x380, s3;
	[tilespmem:v63+s31+$0x0] =	vst.idx.add.f32.msk $0xffff, v46;
	v57 =	vadd.f32 v37, v28  }
0x2cb: {  	v10 =	vadd.f32 v13, v10;
	v13 =	vld [tilespmem:s3+$0x0]  }
0x2cc: {  	v14 =	vadd.f32 v16, v14;
	v60 =	vmul.f32 v60, v60;
	v28 =	vld [tilespmem:s1+$0x2000];
	v2 =	vadd.f32 v2, v57;
	_ =	sdelay $0x1  }
0x2cd: {  	v14 =	vadd.f32 v59, v14;
	v56 =	vmul.f32 v24, v24;
	v24 =	vadd.f32 v60, v2;
	v2 =	vld [tilespmem:s3+$0x2000]  }
0x2ce: {  	v27 =	vmul.f32 v27, v27;
	[tilespmem:v34+s31+$0x0] =	vst.idx.add.f32.msk $0xffff, v41  }
0x2cf: {  	v17 =	vmul.f32 v17, v17;
	v12 =	vmul.f32 v12, v12;
	v59 =	vld [tilespmem:s10+$0x3380];
	v14 =	vadd.f32 v56, v14  }
0x2d0: {  	v18 =	vmul.f32 v18, v18;
	v5 =	vmul.f32 v5, v5;
	[tilespmem:v22+s29+$0x0] =	vst.idx.add.f32.msk $0xffff, v28  }
0x2d1: {  	v9 =	vmul.f32 v9, v9;
	v63 =	vmul.f32 v33, v33;
	v14 =	vadd.f32 v27, v14;
	v56 =	vld [tilespmem:s11+$0x3380]  }
0x2d2: {  	v62 =	vmul.f32 v23, v23;
	v10 =	vadd.f32 v17, v10;
	[tilespmem:v13+s29+$0x0] =	vst.idx.add.f32.msk $0xffff, v2  }
0x2d3: {  	v6 =	vmul.f32 v6, v6;
	v14 =	vadd.f32 v63, v14;
	v12 =	vadd.f32 v12, v24;
	v24 =	vld [tilespmem:s14+$0x3380]  }
0x2d4: {  	[tilespmem:v39+s30+$0x0] =	vst.idx.add.f32.msk $0xffff, v59;
	v27 =	vmul.f32 v26, v26;
	v10 =	vadd.f32 v62, v10  }
0x2d5: {  	v8 =	vmul.f32 v8, v8;
	v16 =	vmul.f32 v59, v59;
	v33 =	vld [tilespmem:s10+$0x4380];
	v14 =	vadd.f32 v40, v14  }
0x2d6: {  	v37 =	vmul.f32 v31, v31;
	v10 =	vadd.f32 v27, v10;
	[tilespmem:v22+s30+$0x0] =	vst.idx.add.f32.msk $0xffff, v56  }
0x2d7: {  	v57 =	vmul.f32 v42, v42;
	v12 =	vadd.f32 v18, v12;
	v14 =	vadd.f32 v16, v14;
	v63 =	vld [tilespmem:s11+$0x4380]  }
0x2d8: {  	v40 =	vmul.f32 v21, v21;
	v10 =	vadd.f32 v37, v10;
	[tilespmem:v13+s30+$0x0] =	vst.idx.add.f32.msk $0xffff, v24  }
0x2d9: {  	v59 =	vmul.f32 v25, v25;
	v18 =	vmul.f32 v20, v20;
	v5 =	vadd.f32 v5, v14;
	v20 =	vld [tilespmem:s14+$0x4380]  }
0x2da: {  	p0 =	seq.s32 s20, $0x1F;
	v60 =	vmul.f32 v33, v33;
	v12 =	vadd.f32 v40, v12;
	v10 =	vadd.f32 v57, v10  }
0x2db: {  	v25 =	vmul.f32 v61, v61;
	s1 =	sshll.u32 @!p0 s20, $0xD;
	[tilespmem:v39+s31+$0x0] =	vst.idx.add.f32.msk $0xffff, v33;
	v5 =	vadd.f32 v9, v5  }
0x2dc: {  	s1 =	sadd.s32 @!p0 $0x2000, s1;
	v62 =	vmul.f32 v38, v38;
	v12 =	vadd.f32 v59, v12;
	v10 =	vadd.f32 v60, v10  }
0x2dd: {  	v26 =	vmul.f32 v32, v32;
	s3 =	sshrl.u32 @!p0 s1, $0x3;
	v5 =	vadd.f32 v18, v5;
	[tilespmem:v22+s31+$0x0] =	vst.idx.add.f32.msk $0xffff, v63  }
0x2de: {  	s6 =	simm.s32 @!p0 $0x0;
	s3 =	sadd.s32 @!p0 s25, s3;
	v12 =	vadd.f32 v62, v12;
	v6 =	vadd.f32 v6, v10;
	[tilespmem:v13+s31+$0x0] =	vst.idx.add.f32.msk $0xffff, v20  }
0x2df: {  	v34 =	vmul.f32 v43, v43;
	v33 =	vmul.f32 v35, v35;
	v5 =	vadd.f32 v26, v5;
	[tilespmem:s6], [sflag:$0x1] =	stream.linear.gather @!p0 [hbm4b:s3+s6], $0x1000, $0x38;
	[tilespmem:$0xD480] =	vst v63  }
0x2e0: {  	v27 =	vmul.f32 v19, v19;
	v31 =	vadd.f32 v25, v12;
	v6 =	vadd.f32 v8, v6;
	s3 =	rddreg [dreg:$0x6]  }
0x2e1: {  	v32 =	vmul.f32 v30, v30;
	v35 =	vmul.f32 v58, v58;
	v5 =	vadd.f32 v33, v5;
	s3 =	sadd.s32 @!p0 s3, s1  }
0x2e2: {  	v37 =	vmul.f32 v28, v28;
	v8 =	vadd.f32 v34, v31;
	v6 =	vadd.f32 v27, v6;
	s3 =	sshrl.u32 @!p0 s3, $0x3  }
0x2e3: {  	v4 =	vmul.f32 v4, v4;
	s9 =	simm.s32 @!p0 $0x2000;
	v38 =	vmul.f32 v44, v44;
	v5 =	vadd.f32 v35, v5;
	s3 =	sadd.s32 @!p0 s0, s3  }
0x2e4: {  	v36 =	vmul.f32 v36, v36;
	v8 =	vadd.f32 v37, v8;
	v6 =	vadd.f32 v32, v6;
	[tilespmem:s9], [sflag:$0x1] =	stream.linear.gather @!p0 [hbm4b:s3+s6], $0x1000, $0x38;
	[tilespmem:$0xD480] =	vst v63  }
0x2e5: {  	v7 =	vmul.f32 v7, v7;
	v41 =	vmul.f32 v56, v56;
	v5 =	vadd.f32 v38, v5;
	s3 =	rddreg [dreg:$0x5]  }
0x2e6: {  	v39 =	vmul.f32 v55, v55;
	v4 =	vadd.f32 v4, v8;
	v6 =	vadd.f32 v36, v6;
	s3 =	sadd.s32 @!p0 s3, s1  }
0x2e7: {  	v1 =	vmul.f32 v1, v1;
	v43 =	vmul.f32 v11, v11;
	v5 =	vadd.f32 v41, v5;
	s1 =	sadd.s32 @!p0 s8, s1;
	s3 =	sshrl.u32 @!p0 s3, $0x3  }
0x2e8: {  	v40 =	vmul.f32 v45, v45;
	v4 =	vadd.f32 v7, v4;
	v6 =	vadd.f32 v39, v6;
	s9 =	simm.s32 @!p0 $0x3000;
	s1 =	sshrl.u32 @!p0 s1, $0x3;
	s3 =	sadd.s32 @!p0 s0, s3  }
0x2e9: {  	v45 =	vmul.f32 v29, v29;
	v5 =	vadd.f32 v43, v5;
	[tilespmem:s9], [sflag:$0x1] =	stream.linear.gather @!p0 [hbm4b:s3+s6], $0x1000, $0x38;
	[tilespmem:$0xD480] =	vst v63  }
0x2ea: {  	v42 =	vmul.f32 v63, v63;
	v1 =	vadd.f32 v1, v4;
	v6 =	vadd.f32 v40, v6;
	s1 =	sadd.s32 @!p0 s0, s1;
	s3 =	simm.s32 @!p0 $0x4000  }
0x2eb: {  	v4 =	vadd.f32 v45, v5;
	v5 =	vmul.f32 v47, v47;
	v47 =	vmul.f32 v50, v50;
	v50 =	vld [tilespmem:$0x1FFB0];
	[tilespmem:s3], [sflag:$0x1] =	stream.linear.gather @!p0 [hbm4b:s1+s6], $0x1000, $0x38  }
0x2ec: {  	v44 =	vmul.f32 v15, v15;
	v6 =	vadd.f32 v42, v6;
	_ =	swait.ge [sflag:s2], $0x1000  }
0x2ed: {  	v4 =	vadd.f32 v5, v4;
	v5 =	vld [tilespmem:$0x1FFC0]  }
0x2ee: {  	v3 =	vmul.f32 v3, v3;
	v6 =	vadd.f32 v44, v6;
	_ =	sdelay $0x1  }
0x2ef: {  	v8 =	vmul.f32 v50, v50;
	v3 =	vadd.f32 v3, v6;
	_ =	sdelay $0x1  }
0x2f0: {  	v56 =	vld [tilespmem:$0x1FFD0];
	v3 =	vadd.f32 v8, v3;
	v5 =	vmul.f32 v5, v5  }
0x2f1: {  	v57 =	vld [tilespmem:$0x1FFE0]  }
0x2f2: {  	v3 =	vadd.f32 v5, v3;
	v5 =	vld [tilespmem:$0x1FFF0];
	_ =	sdelay $0x2  }
0x2f3: {  	v55 =	vmul.f32 v48, v48;
	[sflag:s2] =	ssyncset.done $0x0  }
0x2f4: {  	v1 =	vadd.f32 v47, v1;
	[sflag:s2] =	ssyncadd.s32 $0xFFFFF000;
	v7 =	vmul.f32 v56, v56  }
0x2f5: {  	v4 =	vadd.f32 v55, v4;
	v6 =	vmul.f32 v57, v57;
	_ =	swait.ge [sflag:s2], $0x1000;
	v5 =	vmul.f32 v5, v5  }
0x2f6: {  	v58 =	vmul.f32 v52, v52;
	v59 =	vmul.f32 v51, v51;
	v1 =	vadd.f32 v7, v1;
	[sflag:s2] =	ssyncset.done $0x0  }
0x2f7: {  	s24 =	sor.u32 $0x1, s4;
	v4 =	vadd.f32 v6, v4;
	[sflag:s2] =	ssyncadd.s32 $0xFFFFF000;
	v3 =	vadd.f32 v5, v3;
	v5 =	vmul.f32 v49, v49  }
0x2f8: {  	p1 =	sne.s32 s24, s7;
	v61 =	vmul.f32 v53, v53;
	v60 =	vmul.f32 v54, v54;
	v1 =	vadd.f32 v58, v1;
	_ =	swait.ge [sflag:s2], $0x1000  }
.Ltmp3:
0x2f9: {  	v4 =	vadd.f32 v59, v4;
	[sflag:s2] =	ssyncset.done $0x0;
	v3 =	vadd.f32 v5, v3;
	v5 =	vmul.f32 v46, v46;
	(pc) =	sbr.rel @p1 .LBB2_12-.Ltmp3, $4  }
0x2fa: {  	v2 =	vmul.f32 v2, v2;
	v62 =	vmul.f32 v24, v24;
	v1 =	vadd.f32 v61, v1;
	[sflag:s2] =	ssyncadd.s32 $0xFFFFF000  }
0x2fb: {  	v63 =	vmul.f32 v20, v20;
	v4 =	vadd.f32 v60, v4;
	_ =	swait.ge [sflag:s2], $0x1000;
	v5 =	vadd.f32 v5, v3  }
0x2fc: {  	[sflag:s2] =	ssyncset.done $0x0;
	v3 =	vadd.f32 v2, v1  }
0x2fd: {  	[sflag:s2] =	ssyncadd.s32 $0xFFFFF000;
	v1 =	vadd.f32 v62, v4;
	v2 =	vadd.f32 v63, v5  }
0x2fe: {  	s1 =	simm.s32 $0x0  }
0x2ff: {  	s4 =	sand.u32 $0x40, s1;
	s13 =	sand.u32 $0xC00, s1  }
0x300: {  	s1 =	sor.u32 $0x1000, s13;
	s10 =	sor.u32 $0x30, s4  }
0x301: {  	s3 =	sor.u32 s10, s1  }
0x302: {  	v4 =	vld [tilespmem:s3+$0x0];
	_ =	sdelay $0x5  }
0x303: {  	s12 =	sor.u32 s4, s1  }
0x304: {  	s14 =	sor.u32 $0x1080, s13;
	v5 =	vld [tilespmem:s12+$0x0]  }
0x305: {  	s15 =	sor.u32 s10, s14;
	[tilespmem:v4+s28+$0x0] =	vst.idx.add.f32.msk $0xffff, v0  }
0x306: {  	s11 =	sor.u32 $0x10, s4;
	v4 =	vld [tilespmem:s15+$0x0]  }
0x307: {  	s6 =	sor.u32 s11, s1  }
0x308: {  	v6 =	vld [tilespmem:s6+$0x0];
	s12 =	sor.u32 $0x20, s4  }
0x309: {  	s1 =	sor.u32 s12, s1  }
0x30a: {  	v7 =	vld [tilespmem:s1+$0x0];
	_ =	sdelay $0x1  }
0x30b: {  	s16 =	sor.u32 s4, s14;
	[tilespmem:v5+s28+$0x0] =	vst.idx.add.f32.msk $0xffff, v0  }
0x30c: {  	s18 =	sor.u32 $0x1100, s13;
	v5 =	vld [tilespmem:s16+$0x0]  }
0x30d: {  	s19 =	sor.u32 s10, s18;
	[tilespmem:v4+s28+$0x0] =	vst.idx.add.f32.msk $0xffff, v0  }
0x30e: {  	v4 =	vld [tilespmem:s19+$0x0]  }
0x30f: {  	s17 =	sor.u32 s11, s14;
	[tilespmem:v6+s28+$0x0] =	vst.idx.add.f32.msk $0xffff, v0  }
0x310: {  	v6 =	vld [tilespmem:s17+$0x0]  }
0x311: {  	s3 =	sor.u32 s12, s14;
	[tilespmem:v7+s28+$0x0] =	vst.idx.add.f32.msk $0xffff, v0  }
0x312: {  	v7 =	vld [tilespmem:s3+$0x0];
	_ =	sdelay $0x1  }
0x313: {  	s21 =	sor.u32 s4, s18;
	[tilespmem:v5+s28+$0x0] =	vst.idx.add.f32.msk $0xffff, v0  }
0x314: {  	s23 =	sor.u32 $0x1180, s13;
	v5 =	vld [tilespmem:s21+$0x0]  }
0x315: {  	s24 =	sor.u32 s10, s23;
	[tilespmem:v4+s28+$0x0] =	vst.idx.add.f32.msk $0xffff, v0  }
0x316: {  	v4 =	vld [tilespmem:s24+$0x0]  }
0x317: {  	s22 =	sor.u32 s11, s18;
	[tilespmem:v6+s28+$0x0] =	vst.idx.add.f32.msk $0xffff, v0  }
0x318: {  	v6 =	vld [tilespmem:s22+$0x0]  }
0x319: {  	s1 =	sor.u32 s12, s18;
	[tilespmem:v7+s28+$0x0] =	vst.idx.add.f32.msk $0xffff, v0  }
0x31a: {  	v7 =	vld [tilespmem:s1+$0x0];
	_ =	sdelay $0x1  }
0x31b: {  	s6 =	sor.u32 s4, s23;
	[tilespmem:v5+s28+$0x0] =	vst.idx.add.f32.msk $0xffff, v0  }
0x31c: {  	s9 =	sor.u32 $0x1200, s13;
	v5 =	vld [tilespmem:s6+$0x0]  }
0x31d: {  	s14 =	sor.u32 s10, s9;
	[tilespmem:v4+s28+$0x0] =	vst.idx.add.f32.msk $0xffff, v0  }
0x31e: {  	v4 =	vld [tilespmem:s14+$0x0]  }
0x31f: {  	s15 =	sor.u32 s11, s23;
	[tilespmem:v6+s28+$0x0] =	vst.idx.add.f32.msk $0xffff, v0  }
0x320: {  	v6 =	vld [tilespmem:s15+$0x0]  }
0x321: {  	s3 =	sor.u32 s12, s23;
	[tilespmem:v7+s28+$0x0] =	vst.idx.add.f32.msk $0xffff, v0  }
0x322: {  	v7 =	vld [tilespmem:s3+$0x0];
	_ =	sdelay $0x1  }
0x323: {  	s16 =	sor.u32 s4, s9;
	[tilespmem:v5+s28+$0x0] =	vst.idx.add.f32.msk $0xffff, v0  }
0x324: {  	s17 =	sor.u32 $0x1280, s13;
	v5 =	vld [tilespmem:s16+$0x0]  }
0x325: {  	s18 =	sor.u32 s10, s17;
	[tilespmem:v4+s28+$0x0] =	vst.idx.add.f32.msk $0xffff, v0  }
0x326: {  	v4 =	vld [tilespmem:s18+$0x0]  }
0x327: {  	s19 =	sor.u32 s11, s9;
	[tilespmem:v6+s28+$0x0] =	vst.idx.add.f32.msk $0xffff, v0  }
0x328: {  	v8 =	vld [tilespmem:s19+$0x0]  }
0x329: {  	s1 =	sor.u32 s12, s9;
	[tilespmem:v7+s28+$0x0] =	vst.idx.add.f32.msk $0xffff, v0  }
0x32a: {  	v9 =	vld [tilespmem:s1+$0x0];
	_ =	sdelay $0x1  }
0x32b: {  	s21 =	sor.u32 s4, s17;
	[tilespmem:v5+s28+$0x0] =	vst.idx.add.f32.msk $0xffff, v0  }
0x32c: {  	s22 =	sor.u32 $0x1300, s13;
	v7 =	vld [tilespmem:s21+$0x0]  }
0x32d: {  	s23 =	sor.u32 s10, s22;
	[tilespmem:v4+s28+$0x0] =	vst.idx.add.f32.msk $0xffff, v0  }
0x32e: {  	v6 =	vld [tilespmem:s23+$0x0];
	_ =	sdelay $0x1  }
0x32f: {  	[tilespmem:v8+s28+$0x0] =	vst.idx.add.f32.msk $0xffff, v0  }
0x330: {  	s9 =	simm.s32 $0x0;
	s3 =	sor.u32 s12, s17;
	[tilespmem:v9+s28+$0x0] =	vst.idx.add.f32.msk $0xffff, v0  }
0x331: {  	s24 =	sor.u32 s11, s17;
	s15 =	simm.s32 $0x40;
	s17 =	sor.u32 s12, s22;
	v5 =	vld [tilespmem:s3+$0x0]  }
0x332: {  	s16 =	sor.u32 s4, s22;
	s14 =	simm.s32 $0x200;
	s21 =	sor.u32 s11, s22;
	v4 =	vld [tilespmem:s24+$0x0]  }
.LBB2_10:
0x333: {  	s1 =	sand.u32 $0x40, s15;
	s3 =	sand.u32 $0xC00, s14;
	[tilespmem:v7+s28+$0x0] =	vst.idx.add.f32.msk $0xffff, v0  }
0x334: {  	s9 =	sadd.s32 $0x4, s9;
	s13 =	sor.u32 $0x1380, s13;
	s6 =	sor.u32 $0x1000, s3;
	v7 =	vld [tilespmem:s16+$0x0]  }
0x335: {  	p1 =	slt.u32 s9, $0x1C;
	s16 =	sor.u32 s10, s13;
	s10 =	sor.u32 $0x30, s1;
	[tilespmem:v6+s28+$0x0] =	vst.idx.add.f32.msk $0xffff, v0  }
0x336: {  	s22 =	sor.u32 $0x10, s1;
	s23 =	sor.u32 $0x20, s1;
	s18 =	sor.u32 s10, s6;
	v6 =	vld [tilespmem:s16+$0x0]  }
0x337: {  	s24 =	sor.u32 s22, s6;
	s16 =	sor.u32 s1, s6;
	s6 =	sor.u32 s23, s6;
	v8 =	vld [tilespmem:s18+$0x0]  }
0x338: {  	s19 =	sor.u32 s4, s13;
	s18 =	sor.u32 s11, s13;
	v9 =	vld [tilespmem:s16+$0x0];
	s16 =	sor.u32 s12, s13  }
0x339: {  	s4 =	smov.u32 s1;
	s11 =	smov.u32 s22;
	s13 =	smov.u32 s3;
	v10 =	vld [tilespmem:s24+$0x0]  }
0x33a: {  	s12 =	smov.u32 s23;
	v11 =	vld [tilespmem:s6+$0x0]  }
0x33b: {  	[tilespmem:v4+s28+$0x0] =	vst.idx.add.f32.msk $0xffff, v0  }
0x33c: {  	[tilespmem:v5+s28+$0x0] =	vst.idx.add.f32.msk $0xffff, v0  }
0x33d: {  	v4 =	vld [tilespmem:s21+$0x0]  }
0x33e: {  	s1 =	sor.u32 $0x1080, s13;
	[tilespmem:v6+s28+$0x0] =	vst.idx.add.f32.msk $0xffff, v0  }
0x33f: {  	s3 =	sor.u32 s4, s1;
	s6 =	sor.u32 s11, s1;
	s21 =	sor.u32 s10, s1;
	[tilespmem:v8+s28+$0x0] =	vst.idx.add.f32.msk $0xffff, v0  }
0x340: {  	s1 =	sor.u32 s12, s1;
	v5 =	vld [tilespmem:s21+$0x0]  }
0x341: {  	[tilespmem:v9+s28+$0x0] =	vst.idx.add.f32.msk $0xffff, v0  }
0x342: {  	[tilespmem:v10+s28+$0x0] =	vst.idx.add.f32.msk $0xffff, v0  }
0x343: {  	[tilespmem:v11+s28+$0x0] =	vst.idx.add.f32.msk $0xffff, v0  }
0x344: {  	v6 =	vld [tilespmem:s3+$0x0]  }
0x345: {  	v8 =	vld [tilespmem:s6+$0x0]  }
0x346: {  	v9 =	vld [tilespmem:s1+$0x0]  }
0x347: {  	s1 =	sor.u32 $0x1100, s13;
	v10 =	vld [tilespmem:s17+$0x0]  }
0x348: {  	s3 =	sor.u32 s4, s1;
	s6 =	sor.u32 s11, s1;
	s17 =	sor.u32 s10, s1;
	[tilespmem:v5+s28+$0x0] =	vst.idx.add.f32.msk $0xffff, v0  }
0x349: {  	s1 =	sor.u32 s12, s1;
	v5 =	vld [tilespmem:s17+$0x0]  }
0x34a: {  	[tilespmem:v7+s28+$0x0] =	vst.idx.add.f32.msk $0xffff, v0  }
0x34b: {  	[tilespmem:v4+s28+$0x0] =	vst.idx.add.f32.msk $0xffff, v0  }
0x34c: {  	[tilespmem:v6+s28+$0x0] =	vst.idx.add.f32.msk $0xffff, v0  }
0x34d: {  	[tilespmem:v8+s28+$0x0] =	vst.idx.add.f32.msk $0xffff, v0  }
0x34e: {  	[tilespmem:v9+s28+$0x0] =	vst.idx.add.f32.msk $0xffff, v0  }
0x34f: {  	v4 =	vld [tilespmem:s3+$0x0]  }
0x350: {  	s3 =	sor.u32 $0x1180, s13;
	v6 =	vld [tilespmem:s6+$0x0]  }
0x351: {  	s6 =	sor.u32 s4, s3;
	s17 =	sor.u32 s11, s3;
	s21 =	sor.u32 s10, s3;
	[tilespmem:v5+s28+$0x0] =	vst.idx.add.f32.msk $0xffff, v0  }
0x352: {  	s3 =	sor.u32 s12, s3;
	v5 =	vld [tilespmem:s21+$0x0]  }
0x353: {  	v7 =	vld [tilespmem:s1+$0x0]  }
0x354: {  	[tilespmem:v10+s28+$0x0] =	vst.idx.add.f32.msk $0xffff, v0  }
0x355: {  	v8 =	vld [tilespmem:s19+$0x0]  }
0x356: {  	v9 =	vld [tilespmem:s18+$0x0]  }
0x357: {  	[tilespmem:v4+s28+$0x0] =	vst.idx.add.f32.msk $0xffff, v0  }
0x358: {  	[tilespmem:v6+s28+$0x0] =	vst.idx.add.f32.msk $0xffff, v0  }
0x359: {  	s1 =	sor.u32 $0x1200, s13;
	v4 =	vld [tilespmem:s6+$0x0]  }
0x35a: {  	s19 =	sor.u32 s10, s1;
	s18 =	sor.u32 s11, s1;
	s6 =	sor.u32 s4, s1;
	[tilespmem:v5+s28+$0x0] =	vst.idx.add.f32.msk $0xffff, v0  }
0x35b: {  	s1 =	sor.u32 s12, s1;
	v5 =	vld [tilespmem:s19+$0x0]  }
0x35c: {  	[tilespmem:v7+s28+$0x0] =	vst.idx.add.f32.msk $0xffff, v0  }
0x35d: {  	v6 =	vld [tilespmem:s17+$0x0]  }
0x35e: {  	v7 =	vld [tilespmem:s3+$0x0]  }
0x35f: {  	v10 =	vld [tilespmem:s16+$0x0]  }
0x360: {  	[tilespmem:v8+s28+$0x0] =	vst.idx.add.f32.msk $0xffff, v0  }
0x361: {  	[tilespmem:v4+s28+$0x0] =	vst.idx.add.f32.msk $0xffff, v0  }
0x362: {  	s3 =	sor.u32 $0x1280, s13;
	v4 =	vld [tilespmem:s6+$0x0]  }
0x363: {  	s19 =	sor.u32 s11, s3;
	s16 =	sor.u32 s10, s3;
	s6 =	sor.u32 s4, s3;
	[tilespmem:v5+s28+$0x0] =	vst.idx.add.f32.msk $0xffff, v0  }
0x364: {  	s3 =	sor.u32 s12, s3;
	v5 =	vld [tilespmem:s16+$0x0]  }
0x365: {  	[tilespmem:v6+s28+$0x0] =	vst.idx.add.f32.msk $0xffff, v0  }
0x366: {  	[tilespmem:v7+s28+$0x0] =	vst.idx.add.f32.msk $0xffff, v0  }
0x367: {  	v8 =	vld [tilespmem:s18+$0x0]  }
0x368: {  	v11 =	vld [tilespmem:s1+$0x0]  }
0x369: {  	[tilespmem:v9+s28+$0x0] =	vst.idx.add.f32.msk $0xffff, v0  }
0x36a: {  	[tilespmem:v4+s28+$0x0] =	vst.idx.add.f32.msk $0xffff, v0  }
0x36b: {  	s1 =	sor.u32 $0x1300, s13;
	v7 =	vld [tilespmem:s6+$0x0]  }
0x36c: {  	s16 =	sor.u32 s4, s1;
	s21 =	sor.u32 s11, s1;
	s6 =	sor.u32 s10, s1;
	[tilespmem:v5+s28+$0x0] =	vst.idx.add.f32.msk $0xffff, v0  }
0x36d: {  	s17 =	sor.u32 s12, s1;
	v6 =	vld [tilespmem:s6+$0x0]  }
.Ltmp4:
0x36e: {  	[tilespmem:v10+s28+$0x0] =	vst.idx.add.f32.msk $0xffff, v0;
	(pc) =	sbr.rel @p1 .LBB2_10-.Ltmp4, $4  }
0x36f: {  	[tilespmem:v8+s28+$0x0] =	vst.idx.add.f32.msk $0xffff, v0  }
0x370: {  	[tilespmem:v11+s28+$0x0] =	vst.idx.add.f32.msk $0xffff, v0  }
0x371: {  	v4 =	vld [tilespmem:s19+$0x0]  }
0x372: {  	s14 =	sadd.s32 $0x200, s14;
	s15 =	sadd.s32 $0x40, s15;
	v5 =	vld [tilespmem:s3+$0x0]  }
0x373: {  	_ =	sdelay $0x4  }
0x374: {  	[tilespmem:v7+s28+$0x0] =	vst.idx.add.f32.msk $0xffff, v0  }
0x375: {  	v7 =	vld [tilespmem:s16+$0x0]  }
0x376: {  	[tilespmem:v4+s28+$0x0] =	vst.idx.add.f32.msk $0xffff, v0  }
0x377: {  	v4 =	vld [tilespmem:s21+$0x0]  }
0x378: {  	[tilespmem:v5+s28+$0x0] =	vst.idx.add.f32.msk $0xffff, v0  }
0x379: {  	v5 =	vld [tilespmem:s17+$0x0];
	_ =	sdelay $0x1  }
0x37a: {  	s1 =	sor.u32 $0x1380, s13  }
0x37b: {  	[tilespmem:v6+s28+$0x0] =	vst.idx.add.f32.msk $0xffff, v0;
	s3 =	sor.u32 s10, s1  }
0x37c: {  	v6 =	vld [tilespmem:s3+$0x0]  }
0x37d: {  	[tilespmem:v7+s28+$0x0] =	vst.idx.add.f32.msk $0xffff, v0  }
0x37e: {  	s23 =	sor.u32 s4, s1;
	[tilespmem:v4+s28+$0x0] =	vst.idx.add.f32.msk $0xffff, v0  }
0x37f: {  	v4 =	vld [tilespmem:s23+$0x0]  }
0x380: {  	s24 =	sor.u32 s11, s1;
	[tilespmem:v5+s28+$0x0] =	vst.idx.add.f32.msk $0xffff, v0  }
0x381: {  	s1 =	sor.u32 s12, s1;
	v5 =	vld [tilespmem:s24+$0x0]  }
0x382: {  	v63 =	vld [tilespmem:s1+$0x0];
	_ =	sdelay $0x4  }
0x383: {  	[tilespmem:v6+s28+$0x0] =	vst.idx.add.f32.msk $0xffff, v0  }
0x384: {  	[tilespmem:v4+s28+$0x0] =	vst.idx.add.f32.msk $0xffff, v0  }
0x385: {  	[tilespmem:v5+s28+$0x0] =	vst.idx.add.f32.msk $0xffff, v0  }
0x386: {  	[tilespmem:v63+s28+$0x0] =	vst.idx.add.f32.msk $0xffff, v0  }
.LBB2_12:
0x387: {  	s1 =	simm.s32 $0x0  }
0x388: {  	s3 =	sand.u32 $0x70, s1;
	s1 =	sand.u32 $0xC00, s1  }
0x389: {  	s11 =	sor.u32 s3, s1  }
0x38a: {  	v4 =	vld [tilespmem:s11+$0x1000];
	_ =	sdelay $0x2  }
0x38b: {  	v34 =	vld [tilespmem:s11+$0x5000];
	_ =	sdelay $0x4  }
0x38c: {  	[tilespmem:v4+s29+$0x0] =	vst.idx.add.f32.msk $0xffff, v34  }
0x38d: {  	v20 =	vld [tilespmem:s11+$0x6000];
	_ =	sdelay $0x4  }
0x38e: {  	[tilespmem:v4+s30+$0x0] =	vst.idx.add.f32.msk $0xffff, v20  }
0x38f: {  	v16 =	vld [tilespmem:s11+$0x7000];
	_ =	sdelay $0x4  }
0x390: {  	s21 =	simm.s32 $0x10;
	s22 =	simm.s32 $0x80;
	[tilespmem:v4+s31+$0x0] =	vst.idx.add.f32.msk $0xffff, v16  }
0x391: {  	s1 =	sand.u32 $0x70, s21;
	s3 =	sand.u32 $0xC00, s22;
	v4 =	vld [tilespmem:s11+$0x1080]  }
0x392: {  	s10 =	sor.u32 s1, s3  }
0x393: {  	v7 =	vld [tilespmem:s10+$0x1000]  }
0x394: {  	v38 =	vld [tilespmem:s11+$0x5080];
	_ =	sdelay $0x1  }
0x395: {  	v12 =	vld [tilespmem:s10+$0x5000];
	_ =	sdelay $0x2  }
0x396: {  	[tilespmem:v4+s29+$0x0] =	vst.idx.add.f32.msk $0xffff, v38  }
0x397: {  	v22 =	vld [tilespmem:s11+$0x6080]  }
0x398: {  	[tilespmem:v7+s29+$0x0] =	vst.idx.add.f32.msk $0xffff, v12  }
0x399: {  	v6 =	vld [tilespmem:s10+$0x6000];
	_ =	sdelay $0x2  }
0x39a: {  	[tilespmem:v4+s30+$0x0] =	vst.idx.add.f32.msk $0xffff, v22  }
0x39b: {  	v19 =	vld [tilespmem:s11+$0x7080]  }
0x39c: {  	[tilespmem:v7+s30+$0x0] =	vst.idx.add.f32.msk $0xffff, v6  }
0x39d: {  	v5 =	vld [tilespmem:s10+$0x7000];
	_ =	sdelay $0x2  }
0x39e: {  	[tilespmem:v4+s31+$0x0] =	vst.idx.add.f32.msk $0xffff, v19  }
0x39f: {  	v4 =	vld [tilespmem:s11+$0x1100]  }
0x3a0: {  	[tilespmem:v7+s31+$0x0] =	vst.idx.add.f32.msk $0xffff, v5  }
0x3a1: {  	v9 =	vld [tilespmem:s10+$0x1080]  }
0x3a2: {  	v41 =	vld [tilespmem:s11+$0x5100];
	_ =	sdelay $0x2  }
0x3a3: {  	v14 =	vld [tilespmem:s10+$0x5080];
	_ =	sdelay $0x1  }
0x3a4: {  	[tilespmem:v4+s29+$0x0] =	vst.idx.add.f32.msk $0xffff, v41  }
0x3a5: {  	v24 =	vld [tilespmem:s11+$0x6100];
	_ =	sdelay $0x1  }
0x3a6: {  	[tilespmem:v9+s29+$0x0] =	vst.idx.add.f32.msk $0xffff, v14  }
0x3a7: {  	v8 =	vld [tilespmem:s10+$0x6080];
	_ =	sdelay $0x1  }
0x3a8: {  	[tilespmem:v4+s30+$0x0] =	vst.idx.add.f32.msk $0xffff, v24  }
0x3a9: {  	v21 =	vld [tilespmem:s11+$0x7100];
	_ =	sdelay $0x1  }
0x3aa: {  	[tilespmem:v9+s30+$0x0] =	vst.idx.add.f32.msk $0xffff, v8  }
0x3ab: {  	v7 =	vld [tilespmem:s10+$0x7080];
	_ =	sdelay $0x1  }
0x3ac: {  	[tilespmem:v4+s31+$0x0] =	vst.idx.add.f32.msk $0xffff, v21  }
0x3ad: {  	v4 =	vld [tilespmem:s11+$0x1180];
	_ =	sdelay $0x1  }
0x3ae: {  	[tilespmem:v9+s31+$0x0] =	vst.idx.add.f32.msk $0xffff, v7  }
0x3af: {  	v40 =	vld [tilespmem:s11+$0x5180]  }
0x3b0: {  	v9 =	vld [tilespmem:s10+$0x1100];
	_ =	sdelay $0x2  }
0x3b1: {  	v17 =	vld [tilespmem:s10+$0x5100]  }
0x3b2: {  	[tilespmem:v4+s29+$0x0] =	vst.idx.add.f32.msk $0xffff, v40  }
0x3b3: {  	v26 =	vld [tilespmem:s11+$0x6180];
	_ =	sdelay $0x2  }
0x3b4: {  	[tilespmem:v9+s29+$0x0] =	vst.idx.add.f32.msk $0xffff, v17  }
0x3b5: {  	v10 =	vld [tilespmem:s10+$0x6100]  }
0x3b6: {  	[tilespmem:v4+s30+$0x0] =	vst.idx.add.f32.msk $0xffff, v26  }
0x3b7: {  	v23 =	vld [tilespmem:s11+$0x7180];
	_ =	sdelay $0x2  }
0x3b8: {  	[tilespmem:v9+s30+$0x0] =	vst.idx.add.f32.msk $0xffff, v10  }
0x3b9: {  	v11 =	vld [tilespmem:s10+$0x7100]  }
0x3ba: {  	s23 =	simm.s32 $0x20;
	s24 =	simm.s32 $0x100;
	[tilespmem:v4+s31+$0x0] =	vst.idx.add.f32.msk $0xffff, v23  }
0x3bb: {  	s1 =	sand.u32 $0x70, s23;
	s3 =	sand.u32 $0xC00, s24;
	v13 =	vld [tilespmem:s11+$0x1200]  }
0x3bc: {  	s4 =	sor.u32 s1, s3  }
0x3bd: {  	v27 =	vld [tilespmem:s4+$0x1000]  }
0x3be: {  	v32 =	vld [tilespmem:s11+$0x5200];
	_ =	sdelay $0x1  }
0x3bf: {  	[tilespmem:v9+s31+$0x0] =	vst.idx.add.f32.msk $0xffff, v11  }
0x3c0: {  	v4 =	vld [tilespmem:s4+$0x5000]  }
0x3c1: {  	v33 =	vld [tilespmem:s10+$0x1180]  }
0x3c2: {  	[tilespmem:v13+s29+$0x0] =	vst.idx.add.f32.msk $0xffff, v32  }
0x3c3: {  	v28 =	vld [tilespmem:s11+$0x6200]  }
0x3c4: {  	v43 =	vld [tilespmem:s10+$0x5180]  }
0x3c5: {  	[tilespmem:v27+s29+$0x0] =	vst.idx.add.f32.msk $0xffff, v4  }
0x3c6: {  	v18 =	vld [tilespmem:s4+$0x6000];
	_ =	sdelay $0x1  }
0x3c7: {  	[tilespmem:v13+s30+$0x0] =	vst.idx.add.f32.msk $0xffff, v28  }
0x3c8: {  	v25 =	vld [tilespmem:s11+$0x7200]  }
0x3c9: {  	[tilespmem:v33+s29+$0x0] =	vst.idx.add.f32.msk $0xffff, v43  }
0x3ca: {  	[tilespmem:v27+s30+$0x0] =	vst.idx.add.f32.msk $0xffff, v18  }
0x3cb: {  	v15 =	vld [tilespmem:s4+$0x7000]  }
0x3cc: {  	v30 =	vld [tilespmem:s10+$0x6180]  }
0x3cd: {  	[tilespmem:v13+s31+$0x0] =	vst.idx.add.f32.msk $0xffff, v25  }
0x3ce: {  	v13 =	vld [tilespmem:s11+$0x1280];
	_ =	sdelay $0x1  }
0x3cf: {  	[tilespmem:v27+s31+$0x0] =	vst.idx.add.f32.msk $0xffff, v15  }
0x3d0: {  	v36 =	vld [tilespmem:s11+$0x5280]  }
0x3d1: {  	v39 =	vld [tilespmem:s4+$0x1080]  }
0x3d2: {  	[tilespmem:v33+s30+$0x0] =	vst.idx.add.f32.msk $0xffff, v30  }
0x3d3: {  	v27 =	vld [tilespmem:s10+$0x7180]  }
0x3d4: {  	v9 =	vld [tilespmem:s4+$0x5080]  }
0x3d5: {  	[tilespmem:v13+s29+$0x0] =	vst.idx.add.f32.msk $0xffff, v36  }
0x3d6: {  	v31 =	vld [tilespmem:s11+$0x6280];
	_ =	sdelay $0x1  }
0x3d7: {  	[tilespmem:v33+s31+$0x0] =	vst.idx.add.f32.msk $0xffff, v27  }
0x3d8: {  	[tilespmem:v39+s29+$0x0] =	vst.idx.add.f32.msk $0xffff, v9  }
0x3d9: {  	v35 =	vld [tilespmem:s4+$0x6080]  }
0x3da: {  	[tilespmem:v13+s30+$0x0] =	vst.idx.add.f32.msk $0xffff, v31  }
0x3db: {  	v29 =	vld [tilespmem:s11+$0x7280]  }
0x3dc: {  	v48 =	vld [tilespmem:s10+$0x1200]  }
0x3dd: {  	v42 =	vld [tilespmem:s10+$0x5200]  }
0x3de: {  	[tilespmem:v39+s30+$0x0] =	vst.idx.add.f32.msk $0xffff, v35  }
0x3df: {  	v33 =	vld [tilespmem:s4+$0x7080]  }
0x3e0: {  	[tilespmem:v13+s31+$0x0] =	vst.idx.add.f32.msk $0xffff, v29  }
0x3e1: {  	v47 =	vld [tilespmem:s11+$0x1300];
	_ =	sdelay $0x2  }
0x3e2: {  	v44 =	vld [tilespmem:s11+$0x5300]  }
0x3e3: {  	[tilespmem:v48+s29+$0x0] =	vst.idx.add.f32.msk $0xffff, v42  }
0x3e4: {  	[tilespmem:v39+s31+$0x0] =	vst.idx.add.f32.msk $0xffff, v33  }
0x3e5: {  	v39 =	vld [tilespmem:s10+$0x6200]  }
0x3e6: {  	v46 =	vld [tilespmem:s4+$0x1100]  }
0x3e7: {  	[tilespmem:v47+s29+$0x0] =	vst.idx.add.f32.msk $0xffff, v44  }
0x3e8: {  	v37 =	vld [tilespmem:s11+$0x6300];
	_ =	sdelay $0x2  }
0x3e9: {  	v13 =	vld [tilespmem:s4+$0x5100]  }
0x3ea: {  	[tilespmem:v48+s30+$0x0] =	vst.idx.add.f32.msk $0xffff, v39  }
0x3eb: {  	v45 =	vmul.f32 v34, v34;
	[tilespmem:v47+s30+$0x0] =	vst.idx.add.f32.msk $0xffff, v37  }
0x3ec: {  	v34 =	vld [tilespmem:s11+$0x7300]  }
0x3ed: {  	v45 =	vadd.f32 v45, v3;
	v49 =	vmul.f32 v38, v38;
	v38 =	vld [tilespmem:s10+$0x7200]  }
0x3ee: {  	v54 =	vmul.f32 v41, v41;
	v3 =	vmul.f32 v40, v40;
	[tilespmem:v46+s29+$0x0] =	vst.idx.add.f32.msk $0xffff, v13  }
0x3ef: {  	s14 =	simm.s32 $0x30;
	s9 =	simm.s32 $0x180;
	v53 =	vadd.f32 v49, v45;
	v40 =	vmul.f32 v43, v43;
	v43 =	vmul.f32 v44, v44;
	v41 =	vld [tilespmem:s4+$0x6100]  }
.LBB2_13:
0x3f0: {  	s1 =	sand.u32 $0x70, s14  }
0x3f1: {  	s3 =	sand.u32 $0xC00, s9;
	v45 =	vadd.f32 v54, v53;
	[tilespmem:v47+s31+$0x0] =	vst.idx.add.f32.msk $0xffff, v34;
	s6 =	smov.u32 s14;
	s12 =	sadd.s32 $0x10, s14  }
0x3f2: {  	p1 =	sne.s32 s14, $0x1F0;
	s13 =	sor.u32 s1, s3;
	v44 =	vld [tilespmem:s11+$0x1380]  }
0x3f3: {  	v49 =	vmul.f32 v32, v32;
	v32 =	vmovc v42;
	v47 =	vld [tilespmem:s13+$0x1000];
	v45 =	vadd.f32 v3, v45;
	v3 =	vmov v40  }
0x3f4: {  	v40 =	vmul.f32 v20, v20;
	v20 =	vmov v6;
	v6 =	vmov v18;
	[tilespmem:v48+s31+$0x0] =	vst.idx.add.f32.msk $0xffff, v38  }
0x3f5: {  	v36 =	vmul.f32 v36, v36;
	[tilespmem:v46+s30+$0x0] =	vst.idx.add.f32.msk $0xffff, v41;
	v18 =	vadd.f32 v49, v45  }
0x3f6: {  	v1 =	vadd.f32 v40, v1;
	v40 =	vmul.f32 v22, v22;
	v22 =	vmovc v8;
	v8 =	vmov v35;
	v45 =	vld [tilespmem:s13+$0x5000]  }
0x3f7: {  	v35 =	vld [tilespmem:s4+$0x7100];
	v18 =	vadd.f32 v36, v18  }
0x3f8: {  	v1 =	vadd.f32 v40, v1;
	v40 =	vmul.f32 v24, v24;
	v24 =	vmovc v10;
	v10 =	vmov v41;
	v42 =	vld [tilespmem:s10+$0x1280]  }
0x3f9: {  	v36 =	vld [tilespmem:s10+$0x5280];
	v41 =	vadd.f32 v43, v18  }
0x3fa: {  	v49 =	vmul.f32 v26, v26;
	v18 =	vmul.f32 v16, v16;
	v1 =	vadd.f32 v40, v1;
	v16 =	vmovc v5;
	v40 =	vld [tilespmem:s11+$0x5380]  }
0x3fb: {  	v48 =	vmul.f32 v28, v28;
	v43 =	vmul.f32 v19, v19;
	v5 =	vmov v15;
	[tilespmem:v47+s29+$0x0] =	vst.idx.add.f32.msk $0xffff, v45  }
0x3fc: {  	v26 =	vmov v30;
	v2 =	vadd.f32 v18, v2;
	v1 =	vadd.f32 v49, v1;
	[tilespmem:v46+s31+$0x0] =	vst.idx.add.f32.msk $0xffff, v35  }
0x3fd: {  	v28 =	vmov v39;
	v19 =	vmov v7;
	v7 =	vmov v33;
	v46 =	vld [tilespmem:s4+$0x1180]  }
0x3fe: {  	v15 =	vmul.f32 v21, v21;
	v21 =	vmovc v11;
	v2 =	vadd.f32 v43, v2;
	v1 =	vadd.f32 v48, v1;
	v18 =	vld [tilespmem:s13+$0x6000]  }
0x3ff: {  	v11 =	vmov v35;
	v30 =	vld [tilespmem:s4+$0x5180];
	v33 =	vmul.f32 v40, v40  }
0x400: {  	v2 =	vadd.f32 v15, v2;
	v15 =	vmul.f32 v23, v23;
	v23 =	vmov v27;
	[tilespmem:v42+s29+$0x0] =	vst.idx.add.f32.msk $0xffff, v36  }
0x401: {  	v27 =	vld [tilespmem:s10+$0x6280];
	v41 =	vadd.f32 v33, v41  }
0x402: {  	v2 =	vadd.f32 v15, v2;
	v33 =	vmul.f32 v25, v25;
	v25 =	vmov v38;
	[tilespmem:v44+s29+$0x0] =	vst.idx.add.f32.msk $0xffff, v40  }
0x403: {  	[tilespmem:v47+s30+$0x0] =	vst.idx.add.f32.msk $0xffff, v18  }
0x404: {  	v2 =	vadd.f32 v33, v2;
	v15 =	vld [tilespmem:s13+$0x7000];
	v40 =	vmul.f32 v30, v30  }
0x405: {  	[tilespmem:v46+s29+$0x0] =	vst.idx.add.f32.msk $0xffff, v30  }
0x406: {  	[tilespmem:v42+s30+$0x0] =	vst.idx.add.f32.msk $0xffff, v27  }
0x407: {  	v30 =	vld [tilespmem:s4+$0x6180]  }
0x408: {  	v38 =	vld [tilespmem:s10+$0x7280]  }
0x409: {  	[tilespmem:v47+s31+$0x0] =	vst.idx.add.f32.msk $0xffff, v15  }
0x40a: {  	v39 =	vld [tilespmem:s13+$0x1080]  }
0x40b: {  	v33 =	vld [tilespmem:s11+$0x6380]  }
0x40c: {  	v35 =	vmul.f32 v31, v31;
	v31 =	vmov v27;
	[tilespmem:v46+s30+$0x0] =	vst.idx.add.f32.msk $0xffff, v30  }
0x40d: {  	v49 =	vld [tilespmem:s13+$0x5080]  }
0x40e: {  	v1 =	vadd.f32 v35, v1;
	v35 =	vmul.f32 v37, v37;
	v27 =	vld [tilespmem:s4+$0x7180]  }
0x40f: {  	[tilespmem:v42+s31+$0x0] =	vst.idx.add.f32.msk $0xffff, v38  }
0x410: {  	v1 =	vadd.f32 v35, v1;
	v47 =	vld [tilespmem:s10+$0x1300];
	v35 =	vmul.f32 v33, v33  }
0x411: {  	v37 =	vld [tilespmem:s10+$0x5300]  }
0x412: {  	[tilespmem:v39+s29+$0x0] =	vst.idx.add.f32.msk $0xffff, v49;
	v1 =	vadd.f32 v35, v1  }
0x413: {  	v35 =	vld [tilespmem:s13+$0x6080]  }
0x414: {  	[tilespmem:v46+s31+$0x0] =	vst.idx.add.f32.msk $0xffff, v27  }
0x415: {  	v48 =	vld [tilespmem:s4+$0x1200]  }
0x416: {  	v42 =	vld [tilespmem:s4+$0x5200];
	v43 =	vmul.f32 v37, v37  }
0x417: {  	[tilespmem:v44+s30+$0x0] =	vst.idx.add.f32.msk $0xffff, v33  }
0x418: {  	[tilespmem:v39+s30+$0x0] =	vst.idx.add.f32.msk $0xffff, v35  }
0x419: {  	v33 =	vld [tilespmem:s13+$0x7080]  }
0x41a: {  	[tilespmem:v47+s29+$0x0] =	vst.idx.add.f32.msk $0xffff, v37  }
0x41b: {  	v37 =	vld [tilespmem:s10+$0x6300]  }
0x41c: {  	v50 =	vld [tilespmem:s11+$0x7380];
	s11 =	smov.u32 s10;
	s10 =	smov.u32 s4;
	s4 =	smov.u32 s13  }
0x41d: {  	v51 =	vmul.f32 v29, v29;
	v29 =	vmov v38;
	[tilespmem:v48+s29+$0x0] =	vst.idx.add.f32.msk $0xffff, v42  }
0x41e: {  	[tilespmem:v39+s31+$0x0] =	vst.idx.add.f32.msk $0xffff, v33  }
0x41f: {  	v34 =	vmul.f32 v34, v34;
	v2 =	vadd.f32 v51, v2;
	v46 =	vld [tilespmem:s4+$0x1100]  }
0x420: {  	v39 =	vld [tilespmem:s10+$0x6200]  }
0x421: {  	v2 =	vadd.f32 v34, v2;
	[tilespmem:v47+s30+$0x0] =	vst.idx.add.f32.msk $0xffff, v37;
	v38 =	vmul.f32 v50, v50  }
0x422: {  	v51 =	vld [tilespmem:s4+$0x5100]  }
0x423: {  	v52 =	vmul.f32 v12, v12;
	v12 =	vmovc v4;
	v4 =	vmov v45;
	v34 =	vld [tilespmem:s11+$0x7300];
	v2 =	vadd.f32 v38, v2  }
.Ltmp5:
0x424: {  	[tilespmem:v44+s31+$0x0] =	vst.idx.add.f32.msk $0xffff, v50;
	(pc) =	sbr.rel @p1 .LBB2_13-.Ltmp5, $4  }
0x425: {  	v41 =	vadd.f32 v52, v41;
	v44 =	vmul.f32 v14, v14;
	v14 =	vmov v9;
	[tilespmem:v48+s30+$0x0] =	vst.idx.add.f32.msk $0xffff, v39  }
0x426: {  	v9 =	vmov v49;
	v38 =	vld [tilespmem:s10+$0x7200]  }
0x427: {  	v54 =	vmul.f32 v17, v17;
	v17 =	vmov v13;
	v53 =	vadd.f32 v44, v41;
	[tilespmem:v46+s29+$0x0] =	vst.idx.add.f32.msk $0xffff, v51  }
0x428: {  	s9 =	sadd.s32 $0x80, s9;
	s14 =	smov.u32 s12;
	v13 =	vmov v51;
	v41 =	vld [tilespmem:s4+$0x6100]  }
0x429: {  	_ =	sdelay $0x3  }
0x42a: {  	[tilespmem:v46+s30+$0x0] =	vst.idx.add.f32.msk $0xffff, v41  }
0x42b: {  	v44 =	vld [tilespmem:s4+$0x7100];
	_ =	sdelay $0x4  }
0x42c: {  	[tilespmem:v46+s31+$0x0] =	vst.idx.add.f32.msk $0xffff, v44  }
0x42d: {  	v49 =	vld [tilespmem:s4+$0x1180];
	_ =	sdelay $0x2  }
0x42e: {  	v52 =	vld [tilespmem:s4+$0x5180];
	_ =	sdelay $0x4  }
0x42f: {  	[tilespmem:v49+s29+$0x0] =	vst.idx.add.f32.msk $0xffff, v52  }
0x430: {  	v45 =	vld [tilespmem:s4+$0x6180];
	_ =	sdelay $0x4  }
0x431: {  	[tilespmem:v49+s30+$0x0] =	vst.idx.add.f32.msk $0xffff, v45  }
0x432: {  	v46 =	vld [tilespmem:s4+$0x7180];
	_ =	sdelay $0x4  }
0x433: {  	[tilespmem:v49+s31+$0x0] =	vst.idx.add.f32.msk $0xffff, v46  }
0x434: {  	v55 =	vld [tilespmem:s4+$0x1200]  }
0x435: {  	[tilespmem:v48+s31+$0x0] =	vst.idx.add.f32.msk $0xffff, v38  }
0x436: {  	v51 =	vld [tilespmem:s10+$0x1280]  }
0x437: {  	v50 =	vld [tilespmem:s4+$0x5200];
	_ =	sdelay $0x1  }
0x438: {  	v56 =	vld [tilespmem:s10+$0x5280];
	_ =	sdelay $0x2  }
0x439: {  	[tilespmem:v55+s29+$0x0] =	vst.idx.add.f32.msk $0xffff, v50  }
0x43a: {  	v48 =	vld [tilespmem:s4+$0x6200]  }
0x43b: {  	[tilespmem:v51+s29+$0x0] =	vst.idx.add.f32.msk $0xffff, v56  }
0x43c: {  	v57 =	vld [tilespmem:s10+$0x6280];
	_ =	sdelay $0x2  }
0x43d: {  	[tilespmem:v55+s30+$0x0] =	vst.idx.add.f32.msk $0xffff, v48  }
0x43e: {  	v49 =	vld [tilespmem:s4+$0x7200]  }
0x43f: {  	[tilespmem:v51+s30+$0x0] =	vst.idx.add.f32.msk $0xffff, v57  }
0x440: {  	v58 =	vld [tilespmem:s10+$0x7280];
	_ =	sdelay $0x1  }
0x441: {  	[tilespmem:v47+s31+$0x0] =	vst.idx.add.f32.msk $0xffff, v34  }
0x442: {  	[tilespmem:v55+s31+$0x0] =	vst.idx.add.f32.msk $0xffff, v49  }
0x443: {  	v55 =	vld [tilespmem:s4+$0x1280]  }
0x444: {  	[tilespmem:v51+s31+$0x0] =	vst.idx.add.f32.msk $0xffff, v58  }
0x445: {  	v59 =	vld [tilespmem:s10+$0x1300]  }
0x446: {  	v51 =	vld [tilespmem:s4+$0x5280]  }
0x447: {  	v47 =	vld [tilespmem:s11+$0x1380]  }
0x448: {  	v53 =	vadd.f32 v54, v53;
	v60 =	vld [tilespmem:s10+$0x5300];
	_ =	sdelay $0x1  }
0x449: {  	v3 =	vadd.f32 v3, v53;
	v53 =	vld [tilespmem:s11+$0x5380]  }
0x44a: {  	[tilespmem:v55+s29+$0x0] =	vst.idx.add.f32.msk $0xffff, v51  }
0x44b: {  	v63 =	vmul.f32 v20, v20;
	v20 =	vld [tilespmem:s4+$0x6280]  }
0x44c: {  	[tilespmem:v59+s29+$0x0] =	vst.idx.add.f32.msk $0xffff, v60  }
0x44d: {  	v32 =	vmul.f32 v32, v32;
	v22 =	vmul.f32 v22, v22;
	v1 =	vadd.f32 v63, v1;
	v61 =	vld [tilespmem:s10+$0x6300]  }
0x44e: {  	[tilespmem:v47+s29+$0x0] =	vst.idx.add.f32.msk $0xffff, v53  }
0x44f: {  	v62 =	vmul.f32 v24, v24;
	v3 =	vadd.f32 v32, v3;
	v1 =	vadd.f32 v22, v1;
	v32 =	vld [tilespmem:s11+$0x6380]  }
0x450: {  	[tilespmem:v55+s30+$0x0] =	vst.idx.add.f32.msk $0xffff, v20  }
0x451: {  	v22 =	vadd.f32 v62, v1;
	v1 =	vld [tilespmem:s4+$0x7280]  }
0x452: {  	v16 =	vmul.f32 v16, v16;
	[tilespmem:v59+s30+$0x0] =	vst.idx.add.f32.msk $0xffff, v61  }
0x453: {  	v54 =	vmul.f32 v36, v36;
	v24 =	vld [tilespmem:s10+$0x7300]  }
0x454: {  	v19 =	vmul.f32 v19, v19;
	v36 =	vmul.f32 v21, v21;
	v2 =	vadd.f32 v16, v2  }
0x455: {  	v12 =	vmul.f32 v12, v12;
	v63 =	vmul.f32 v26, v26;
	[tilespmem:v47+s30+$0x0] =	vst.idx.add.f32.msk $0xffff, v32  }
0x456: {  	v17 =	vmul.f32 v17, v17;
	v2 =	vadd.f32 v19, v2;
	[tilespmem:v55+s31+$0x0] =	vst.idx.add.f32.msk $0xffff, v1  }
0x457: {  	v6 =	vmul.f32 v6, v6;
	v3 =	vadd.f32 v54, v3;
	v16 =	vadd.f32 v63, v22;
	v22 =	vld [tilespmem:s4+$0x1300]  }
0x458: {  	v2 =	vadd.f32 v36, v2;
	[tilespmem:v59+s31+$0x0] =	vst.idx.add.f32.msk $0xffff, v24;
	v59 =	vmul.f32 v23, v23  }
0x459: {  	v54 =	vmul.f32 v53, v53;
	v3 =	vadd.f32 v43, v3;
	v43 =	vmul.f32 v28, v28;
	v23 =	vld [tilespmem:s11+$0x7380]  }
0x45a: {  	v63 =	vmul.f32 v25, v25;
	v28 =	vmul.f32 v14, v14;
	v2 =	vadd.f32 v59, v2;
	v14 =	vld [tilespmem:s4+$0x5300]  }
0x45b: {  	v8 =	vmul.f32 v8, v8;
	v62 =	vmul.f32 v31, v31;
	v16 =	vadd.f32 v43, v16;
	v21 =	vld [tilespmem:s10+$0x1380]  }
0x45c: {  	v31 =	vmul.f32 v29, v29;
	v3 =	vadd.f32 v54, v3;
	v2 =	vadd.f32 v63, v2  }
0x45d: {  	v5 =	vmul.f32 v5, v5;
	v25 =	vmul.f32 v37, v37;
	v16 =	vadd.f32 v62, v16  }
0x45e: {  	v36 =	vmul.f32 v34, v34;
	v3 =	vadd.f32 v12, v3;
	v37 =	vld [tilespmem:s10+$0x5380];
	v2 =	vadd.f32 v31, v2  }
0x45f: {  	v16 =	vadd.f32 v25, v16;
	v32 =	vmul.f32 v32, v32;
	[tilespmem:v22+s29+$0x0] =	vst.idx.add.f32.msk $0xffff, v14  }
0x460: {  	v3 =	vadd.f32 v28, v3;
	v43 =	vmul.f32 v23, v23;
	v2 =	vadd.f32 v36, v2;
	v25 =	vld [tilespmem:s4+$0x6300]  }
0x461: {  	v7 =	vmul.f32 v7, v7;
	v27 =	vmul.f32 v27, v27;
	v12 =	vadd.f32 v32, v16  }
0x462: {  	v4 =	vmul.f32 v4, v4;
	v3 =	vadd.f32 v17, v3;
	v2 =	vadd.f32 v43, v2  }
0x463: {  	v53 =	vmul.f32 v42, v42;
	v6 =	vadd.f32 v6, v12;
	[tilespmem:v21+s29+$0x0] =	vst.idx.add.f32.msk $0xffff, v37  }
0x464: {  	v62 =	vmul.f32 v11, v11;
	v3 =	vadd.f32 v40, v3;
	v2 =	vadd.f32 v5, v2;
	v5 =	vld [tilespmem:s10+$0x6380]  }
0x465: {  	v6 =	vadd.f32 v8, v6;
	v55 =	vmul.f32 v10, v10;
	[tilespmem:v22+s30+$0x0] =	vst.idx.add.f32.msk $0xffff, v25  }
0x466: {  	v3 =	vadd.f32 v53, v3;
	v59 =	vmul.f32 v56, v56;
	v2 =	vadd.f32 v7, v2;
	v63 =	vld [tilespmem:s4+$0x7300]  }
0x467: {  	v54 =	vmul.f32 v60, v60;
	v60 =	vmul.f32 v30, v30;
	v6 =	vadd.f32 v55, v6  }
0x468: {  	v19 =	vmul.f32 v39, v39;
	v3 =	vadd.f32 v59, v3;
	v2 =	vadd.f32 v62, v2  }
0x469: {  	v30 =	vmul.f32 v38, v38;
	[tilespmem:v21+s30+$0x0] =	vst.idx.add.f32.msk $0xffff, v5;
	v6 =	vadd.f32 v60, v6  }
0x46a: {  	v3 =	vadd.f32 v54, v3;
	v29 =	vmul.f32 v37, v37;
	v2 =	vadd.f32 v27, v2;
	v31 =	vld [tilespmem:s10+$0x7380]  }
0x46b: {  	v28 =	vmul.f32 v57, v57;
	v6 =	vadd.f32 v19, v6;
	[tilespmem:v22+s31+$0x0] =	vst.idx.add.f32.msk $0xffff, v63  }
0x46c: {  	v34 =	vmul.f32 v58, v58;
	v3 =	vadd.f32 v29, v3;
	v2 =	vadd.f32 v30, v2;
	v36 =	vld [tilespmem:s4+$0x1380]  }
0x46d: {  	v32 =	vmul.f32 v61, v61;
	v6 =	vadd.f32 v28, v6  }
0x46e: {  	v37 =	vmul.f32 v24, v24;
	v3 =	vadd.f32 v4, v3;
	v2 =	vadd.f32 v34, v2  }
0x46f: {  	v4 =	vmul.f32 v9, v9;
	v5 =	vmul.f32 v5, v5;
	v6 =	vadd.f32 v32, v6;
	v38 =	vld [tilespmem:s4+$0x5380]  }
0x470: {  	v40 =	vmul.f32 v18, v18;
	v39 =	vmul.f32 v31, v31;
	v2 =	vadd.f32 v37, v2  }
0x471: {  	v3 =	vadd.f32 v4, v3;
	v4 =	vmul.f32 v13, v13;
	v5 =	vadd.f32 v5, v6  }
0x472: {  	v42 =	vmul.f32 v52, v52;
	v43 =	vmul.f32 v15, v15;
	v2 =	vadd.f32 v39, v2  }
0x473: {  	v3 =	vadd.f32 v4, v3;
	v4 =	vadd.f32 v40, v5;
	v5 =	vmul.f32 v35, v35  }
0x474: {  	v52 =	vmul.f32 v33, v33;
	v2 =	vadd.f32 v43, v2;
	[tilespmem:v36+s29+$0x0] =	vst.idx.add.f32.msk $0xffff, v38  }
0x475: {  	v4 =	vadd.f32 v5, v4;
	v5 =	vmul.f32 v41, v41;
	v53 =	vld [tilespmem:s4+$0x6380]  }
0x476: {  	v54 =	vmul.f32 v44, v44;
	v2 =	vadd.f32 v52, v2  }
0x477: {  	v56 =	vmul.f32 v46, v46;
	v4 =	vadd.f32 v5, v4;
	v5 =	vmul.f32 v45, v45  }
0x478: {  	v57 =	vmul.f32 v48, v48;
	v58 =	vmul.f32 v51, v51;
	v2 =	vadd.f32 v54, v2  }
0x479: {  	v3 =	vadd.f32 v42, v3;
	v55 =	vmul.f32 v50, v50;
	v4 =	vadd.f32 v5, v4  }
0x47a: {  	v2 =	vadd.f32 v56, v2;
	v5 =	vmul.f32 v49, v49;
	[tilespmem:v36+s30+$0x0] =	vst.idx.add.f32.msk $0xffff, v53  }
0x47b: {  	v59 =	vmul.f32 v20, v20;
	v3 =	vadd.f32 v55, v3;
	v4 =	vadd.f32 v57, v4;
	v60 =	vld [tilespmem:s4+$0x7380]  }
0x47c: {  	v1 =	vmul.f32 v1, v1;
	v61 =	vmul.f32 v14, v14;
	v2 =	vadd.f32 v5, v2  }
0x47d: {  	v3 =	vadd.f32 v58, v3;
	v5 =	vmul.f32 v25, v25;
	v4 =	vadd.f32 v59, v4  }
.Ltmp6:
0x47e: {  	[tilespmem:v47+s31+$0x0] =	vst.idx.add.f32.msk $0xffff, v23;
	v1 =	vadd.f32 v1, v2;
	v2 =	vmul.f32 v63, v63;
	(pc) =	sbr.rel @p0 .LBB2_16-.Ltmp6, $4  }
0x47f: {  	v3 =	vadd.f32 v61, v3;
	v4 =	vadd.f32 v5, v4;
	v62 =	vmul.f32 v38, v38  }
0x480: {  	v1 =	vadd.f32 v2, v1;
	v5 =	vmul.f32 v53, v53;
	v63 =	vmul.f32 v60, v60  }
0x481: {  	[tilespmem:v21+s31+$0x0] =	vst.idx.add.f32.msk $0xffff, v31;
	v3 =	vadd.f32 v62, v3  }
0x482: {  	v2 =	vadd.f32 v5, v4;
	[tilespmem:v36+s31+$0x0] =	vst.idx.add.f32.msk $0xffff, v60;
	v1 =	vadd.f32 v63, v1  }
0x483: {  	s1 =	sshll.u32 s20, $0xD  }
0x484: {  	s1 =	sadd.s32 $0x3000, s1  }
0x485: {  	s3 =	sshrl.u32 s1, $0x3  }
0x486: {  	s4 =	simm.s32 $0x1000;
	s19 =	rddreg [dreg:$0x6];
	s3 =	sadd.s32 s25, s3  }
0x487: {  	[tilespmem:s4], [sflag:$0x2] =	stream.linear.gather [hbm4b:s3+s5], $0x1000, $0x38;
	[tilespmem:$0xD480] =	vst v63  }
0x488: {  	s3 =	sadd.s32 s19, s1  }
0x489: {  	s3 =	sshrl.u32 s3, $0x3  }
0x48a: {  	s21 =	simm.s32 $0x5000;
	s22 =	rddreg [dreg:$0x5];
	s3 =	sadd.s32 s0, s3  }
0x48b: {  	[tilespmem:s21], [sflag:$0x2] =	stream.linear.gather [hbm4b:s3+s5], $0x1000, $0x38;
	[tilespmem:$0xD480] =	vst v63  }
0x48c: {  	s3 =	sadd.s32 s22, s1  }
.Ltmp7:
0x48d: {  	s1 =	sadd.s32 s8, s1;
	s3 =	sshrl.u32 s3, $0x3;
	(pc) =	sbr.rel .LBB2_2-.Ltmp7, $4  }
0x48e: {  	s23 =	simm.s32 $0x6000;
	s1 =	sshrl.u32 s1, $0x3;
	s3 =	sadd.s32 s0, s3  }
0x48f: {  	[tilespmem:s23], [sflag:$0x2] =	stream.linear.gather [hbm4b:s3+s5], $0x1000, $0x38;
	[tilespmem:$0xD480] =	vst v63  }
0x490: {  	s24 =	simm.s32 $0x7000;
	s20 =	sadd.s32 $0x1, s20;
	s1 =	sadd.s32 s0, s1  }
0x491: {  	[tilespmem:s24], [sflag:$0x2] =	stream.linear.gather [hbm4b:s1+s5], $0x1000, $0x38;
	[tilespmem:$0xD480] =	vst v63  }
.LBB2_16:
0x492: {  	s4 =	simm.s32 $0x8C00  }
0x493: {  	s1 =	rddreg [dreg:$0xe];
	s3 =	simm.s32 $0x80;
	s6 =	simm.s32 $0x400  }
0x494: {  	[spmem:s1] =	stream.strided.scatter [tilespmem:s4], [sflag:$0x3], $0x400, s6, s3, $0x38;
	[tilespmem:$0xD480] =	vst v63  }
0x495: {  	s6 =	simm.s32 $0x3  }
0x496: {  	_ =	swait.ge [sflag:s6], $0x400  }
0x497: {  	[sflag:s6] =	ssyncset.done $0x0  }
0x498: {  	[sflag:s6] =	ssyncadd.s32 $0xFFFFFC00  }
0x499: {  	[bflag:$0x0] =	sbarrier.arrive $0xFFFF  }
0x49a: {  	s22 =	simm.s32 $0x9000;
	s21 =	rddreg [dreg:$0x3]  }
0x49b: {  	[tilespmem:s22], [sflag:$0x3] =	stream.linear.gather [spmem:s21], $0x4000, $0x38;
	[tilespmem:$0xD480] =	vst v63  }
0x49c: {  	s9 =	simm.s32 $0x0;
	_ =	swait.ge [sflag:s6], $0x4000  }
0x49d: {  	s23 =	sand.u32 $0x70, s9;
	s24 =	sand.u32 $0x1C00, s9;
	[sflag:s6] =	ssyncset.done $0x0  }
0x49e: {  	s1 =	sor.u32 s23, s24;
	[sflag:s6] =	ssyncadd.s32 $0xFFFFC000  }
0x49f: {  	v4 =	vld [tilespmem:s1+$0x9000];
	_ =	sdelay $0x1  }
0x4a0: {  	v5 =	vld [tilespmem:s1+$0x9080];
	_ =	sdelay $0x1  }
0x4a1: {  	v6 =	vld [tilespmem:s1+$0x9100]  }
0x4a2: {  	v4 =	vadd.f32 $0.0e+00, v4  }
0x4a3: {  	v7 =	vld [tilespmem:s1+$0x9180]  }
0x4a4: {  	v4 =	vadd.f32 v5, v4  }
0x4a5: {  	v5 =	vld [tilespmem:s1+$0x9200]  }
0x4a6: {  	v4 =	vadd.f32 v6, v4  }
0x4a7: {  	v6 =	vld [tilespmem:s1+$0x9280]  }
0x4a8: {  	v4 =	vadd.f32 v7, v4  }
0x4a9: {  	v7 =	vld [tilespmem:s1+$0x9300]  }
0x4aa: {  	v4 =	vadd.f32 v5, v4  }
0x4ab: {  	v5 =	vld [tilespmem:s1+$0x9380]  }
0x4ac: {  	v4 =	vadd.f32 v6, v4  }
0x4ad: {  	v6 =	vld [tilespmem:s1+$0xB000]  }
0x4ae: {  	v4 =	vadd.f32 v7, v4  }
0x4af: {  	v7 =	vld [tilespmem:s1+$0xB080]  }
0x4b0: {  	v4 =	vadd.f32 v5, v4  }
0x4b1: {  	v5 =	vld [tilespmem:s1+$0xB100]  }
0x4b2: {  	v4 =	vadd.f32 v6, v4  }
0x4b3: {  	v6 =	vld [tilespmem:s1+$0xB180]  }
0x4b4: {  	v4 =	vadd.f32 v7, v4  }
0x4b5: {  	v7 =	vld [tilespmem:s1+$0xB200]  }
0x4b6: {  	v4 =	vadd.f32 v5, v4  }
0x4b7: {  	v5 =	vld [tilespmem:s1+$0xB280]  }
0x4b8: {  	v4 =	vadd.f32 v6, v4  }
0x4b9: {  	v6 =	vld [tilespmem:s1+$0xB300]  }
0x4ba: {  	v4 =	vadd.f32 v7, v4  }
0x4bb: {  	v7 =	vld [tilespmem:s1+$0xB380]  }
0x4bc: {  	v4 =	vadd.f32 v5, v4;
	_ =	sdelay $0x1  }
0x4bd: {  	v4 =	vadd.f32 v6, v4;
	_ =	sdelay $0x1  }
0x4be: {  	s10 =	simm.s32 $0x10;
	s12 =	simm.s32 $0x80;
	s13 =	simm.s32 $0x20;
	v4 =	vadd.f32 v7, v4  }
0x4bf: {  	s11 =	simm.s32 $0x8C00;
	s14 =	sand.u32 $0x70, s10;
	s15 =	sand.u32 $0x1C00, s12  }
.LBB2_17:
0x4c0: {  	p0 =	sne.s32 s13, $0x3F0;
	s1 =	sor.u32 s14, s15;
	[tilespmem:s11+$0x0] =	vst v4  }
0x4c1: {  	v4 =	vld [tilespmem:s1+$0x9000];
	_ =	sdelay $0x1  }
0x4c2: {  	v5 =	vld [tilespmem:s1+$0x9080];
	_ =	sdelay $0x1  }
0x4c3: {  	v6 =	vld [tilespmem:s1+$0x9100]  }
0x4c4: {  	v4 =	vadd.f32 $0.0e+00, v4  }
0x4c5: {  	v7 =	vld [tilespmem:s1+$0x9180]  }
0x4c6: {  	v4 =	vadd.f32 v5, v4  }
0x4c7: {  	v5 =	vld [tilespmem:s1+$0x9200]  }
0x4c8: {  	v4 =	vadd.f32 v6, v4  }
0x4c9: {  	v6 =	vld [tilespmem:s1+$0x9280]  }
0x4ca: {  	v4 =	vadd.f32 v7, v4  }
0x4cb: {  	v7 =	vld [tilespmem:s1+$0x9300]  }
0x4cc: {  	v4 =	vadd.f32 v5, v4  }
0x4cd: {  	v5 =	vld [tilespmem:s1+$0x9380]  }
0x4ce: {  	v4 =	vadd.f32 v6, v4  }
0x4cf: {  	v6 =	vld [tilespmem:s1+$0xB000]  }
0x4d0: {  	v4 =	vadd.f32 v7, v4  }
0x4d1: {  	v7 =	vld [tilespmem:s1+$0xB080]  }
0x4d2: {  	v4 =	vadd.f32 v5, v4  }
0x4d3: {  	v5 =	vld [tilespmem:s1+$0xB100]  }
0x4d4: {  	v4 =	vadd.f32 v6, v4  }
0x4d5: {  	v6 =	vld [tilespmem:s1+$0xB180]  }
0x4d6: {  	v4 =	vadd.f32 v7, v4  }
0x4d7: {  	v7 =	vld [tilespmem:s1+$0xB200]  }
0x4d8: {  	v4 =	vadd.f32 v5, v4  }
0x4d9: {  	v5 =	vld [tilespmem:s1+$0xB280]  }
0x4da: {  	v4 =	vadd.f32 v6, v4  }
0x4db: {  	v6 =	vld [tilespmem:s1+$0xB300]  }
0x4dc: {  	v4 =	vadd.f32 v7, v4  }
0x4dd: {  	v7 =	vld [tilespmem:s1+$0xB380]  }
0x4de: {  	v4 =	vadd.f32 v5, v4  }
.Ltmp8:
0x4df: {  	(pc) =	sbr.rel @p0 .LBB2_17-.Ltmp8, $3  }
0x4e0: {  	v4 =	vadd.f32 v6, v4;
	_ =	sdelay $0x1  }
0x4e1: {  	s12 =	sadd.s32 $0x80, s12;
	s11 =	sadd.s32 $0x10, s11;
	v4 =	vadd.f32 v7, v4  }
0x4e2: {  	s14 =	sand.u32 $0x70, s13;
	s13 =	sadd.s32 $0x10, s13;
	s15 =	sand.u32 $0x1C00, s12  }
0x4e3: {  	s1 =	sor.u32 s14, s15;
	[tilespmem:s11+$0x0] =	vst v4  }
0x4e4: {  	v4 =	vld [tilespmem:s1+$0x9000];
	_ =	sdelay $0x1  }
0x4e5: {  	v5 =	vld [tilespmem:s1+$0x9080];
	_ =	sdelay $0x1  }
0x4e6: {  	v6 =	vld [tilespmem:s1+$0x9100]  }
0x4e7: {  	v4 =	vadd.f32 $0.0e+00, v4  }
0x4e8: {  	v7 =	vld [tilespmem:s1+$0x9180]  }
0x4e9: {  	v4 =	vadd.f32 v5, v4  }
0x4ea: {  	v5 =	vld [tilespmem:s1+$0x9200]  }
0x4eb: {  	v4 =	vadd.f32 v6, v4  }
0x4ec: {  	v6 =	vld [tilespmem:s1+$0x9280]  }
0x4ed: {  	v4 =	vadd.f32 v7, v4  }
0x4ee: {  	v7 =	vld [tilespmem:s1+$0x9300]  }
0x4ef: {  	v4 =	vadd.f32 v5, v4  }
0x4f0: {  	v5 =	vld [tilespmem:s1+$0x9380]  }
0x4f1: {  	v4 =	vadd.f32 v6, v4  }
0x4f2: {  	v6 =	vld [tilespmem:s1+$0xB000]  }
0x4f3: {  	v4 =	vadd.f32 v7, v4  }
0x4f4: {  	v7 =	vld [tilespmem:s1+$0xB080]  }
0x4f5: {  	v4 =	vadd.f32 v5, v4  }
0x4f6: {  	v5 =	vld [tilespmem:s1+$0xB100]  }
0x4f7: {  	v4 =	vadd.f32 v6, v4  }
0x4f8: {  	v6 =	vld [tilespmem:s1+$0xB180]  }
0x4f9: {  	v4 =	vadd.f32 v7, v4  }
0x4fa: {  	v7 =	vld [tilespmem:s1+$0xB200]  }
0x4fb: {  	v4 =	vadd.f32 v5, v4  }
0x4fc: {  	v5 =	vld [tilespmem:s1+$0xB280]  }
0x4fd: {  	v4 =	vadd.f32 v6, v4  }
0x4fe: {  	v6 =	vld [tilespmem:s1+$0xB300]  }
0x4ff: {  	v4 =	vadd.f32 v7, v4  }
0x500: {  	v7 =	vld [tilespmem:s1+$0xB380]  }
0x501: {  	v4 =	vadd.f32 v5, v4;
	_ =	sdelay $0x1  }
0x502: {  	v4 =	vadd.f32 v6, v4;
	_ =	sdelay $0x1  }
0x503: {  	v4 =	vadd.f32 v7, v4  }
0x504: {  	s20 =	sadd.s32 $0x10, s11  }
0x505: {  	[tilespmem:s20+$0x0] =	vst v4  }
0x506: {  	v4 =	vld [tilespmem:s4+$0x0];
	_ =	sdelay $0x4  }
0x507: {  	v4 =	vmax.f32 v4, $1.000000000e+00  }
0x508: {  	(erf) = vrcp.f32 v4;
	_ =	sdelay $0x1  }
0x509: {  	s21 =	simm.s32 $0x8C10  }
0x50a: {  	s3 =	simm.s32 $0x8000;
	v4 =	vld [tilespmem:s21+$0x0]  }
0x50b: {  	v5 =	vld [tilespmem:s3+$0x0];
	_ =	sdelay $0x1  }
0x50c: {  	s22 =	sand.u32 $0x3F0, s9  }
0x50d: {  	v10 =	vld [tilespmem:s22+$0x8800]  }
0x50e: {  	s23 =	simm.s32 $0x8C20;
	v7 =	vld [tilespmem:s22+$0x8400];
	v4 =	vmax.f32 v4, $1.000000000e+00  }
0x50f: {  	v12 =	vld [tilespmem:s23+$0x0];
	v9 =	vmul.f32 v5, v5;
	v5 =	vpop (erf);
	(erf) = vrcp.f32 v4;
	_ =	sdelay $0x1  }
0x510: {  	s4 =	simm.s32 $0x8010  }
0x511: {  	s24 =	sand.u32 $0x3F0, s10;
	v6 =	vld [tilespmem:s4+$0x0]  }
0x512: {  	v11 =	vmul.f32 v7, v7;
	v4 =	vld [tilespmem:s24+$0x8800];
	v9 =	vmul.f32 v5, v9  }
0x513: {  	v8 =	vimm.f32 $0.0e+00;
	s9 =	simm.s32 $0x20;
	s10 =	simm.s32 $0x30;
	s11 =	simm.s32 $0x8C30;
	v12 =	vmax.f32 v12, $1.000000000e+00;
	v7 =	vld [tilespmem:s24+$0x8400];
	v10 =	vmul.f32 v10, v10  }
.LBB2_19:
0x514: {  	v13 =	vld [tilespmem:s11+$0x0];
	p0 =	sne.s32 s10, $0x3F0;
	(erf) = vrcp.f32 v12;
	v8 =	vadd.f32 v9, v8;
	v9 =	vmul.f32 v11, v5;
	s1 =	smov.u32 s10;
	s10 =	sadd.s32 $0x10, s10  }
.Ltmp9:
0x515: {  	(pc) =	sbr.rel @p0 .LBB2_19-.Ltmp9, $4  }
0x516: {  	s4 =	sadd.s32 $0x10, s4;
	v10 =	vmul.f32 v10, v5;
	v11 =	vmul.f32 v6, v6;
	v8 =	vadd.f32 v9, v8  }
0x517: {  	s3 =	sand.u32 $0x3F0, s9;
	s9 =	smov.u32 s1;
	v6 =	vld [tilespmem:s4+$0x0];
	v5 =	vpop (erf);
	v14 =	vmov v4  }
0x518: {  	v4 =	vld [tilespmem:s3+$0x8800];
	v9 =	vmul.f32 v5, v11;
	v11 =	vmul.f32 v7, v7;
	v8 =	vadd.f32 v10, v8  }
0x519: {  	s11 =	sadd.s32 $0x10, s11;
	v10 =	vmul.f32 v14, v14;
	v12 =	vmax.f32 v13, $1.000000000e+00;
	v7 =	vld [tilespmem:s3+$0x8400]  }
0x51a: {  	(erf) = vrcp.f32 v12;
	v8 =	vadd.f32 v9, v8;
	v54 =	vmul.f32 v11, v5;
	_ =	sdelay $0x1  }
0x51b: {  	s1 =	sadd.s32 $0x10, s4;
	v55 =	vmul.f32 v10, v5;
	v6 =	vmul.f32 v6, v6;
	v8 =	vadd.f32 v54, v8  }
0x51c: {  	v56 =	vld [tilespmem:s1+$0x0];
	v57 =	vpop (erf)  }
0x51d: {  	s21 =	sand.u32 $0x3F0, s9;
	v6 =	vmul.f32 v57, v6;
	v7 =	vmul.f32 v7, v7;
	v5 =	vadd.f32 v55, v8  }
0x51e: {  	v58 =	vld [tilespmem:s21+$0x8400]  }
0x51f: {  	v4 =	vmul.f32 v4, v4;
	v5 =	vadd.f32 v6, v5;
	v59 =	vmul.f32 v7, v57  }
0x520: {  	v60 =	vld [tilespmem:s21+$0x8800]  }
0x521: {  	v4 =	vmul.f32 v4, v57;
	v9 =	vmul.f32 v56, v56;
	v5 =	vadd.f32 v59, v5  }
0x522: {  	v61 =	vpop (erf)  }
0x523: {  	v8 =	vmul.f32 v58, v58;
	v9 =	vmul.f32 v61, v9;
	v4 =	vadd.f32 v4, v5;
	_ =	sdelay $0x1  }
0x524: {  	v62 =	vmul.f32 v60, v60;
	v63 =	vmul.f32 v8, v61;
	v4 =	vadd.f32 v9, v4;
	_ =	sdelay $0x1  }
0x525: {  	v2 =	vadd.f32 v2, v3;
	v5 =	vmul.f32 v62, v61;
	v4 =	vadd.f32 v63, v4;
	_ =	sdelay $0x1  }
0x526: {  	v1 =	vadd.f32 v1, v2;
	v3 =	vadd.f32 v5, v4;
	_ =	sdelay $0x1  }
0x527: {  	v1 =	vsub.f32 v1, v3;
	_ =	sdelay $0x1  }
0x528: {  	s22 =	rddreg [dreg:$0xf];
	s3 =	simm.s32 $0xD000;
	[tilespmem:$0xD000] =	vst v1  }
0x529: {  	[hbm4b:s22+s5] =	stream.linear.scatter [tilespmem:s3], [sflag:$0x3], $0x80, $0x38;
	[tilespmem:$0xD480] =	vst v63  }
0x52a: {  	_ =	swait.ge [sflag:s6], $0x80  }
0x52b: {  	s23 =	rddreg [dreg:$0x11]  }
0x52c: {  	s24 =	rddreg [dreg:$0x10];
	s3 =	sadd.s32 $0x1, s23  }
0x52d: {  	p0 =	sne.s32 s3, s24  }
.Ltmp10:
0x52e: {  	_ = 	snop;
	(pc) =	sbr.rel @p0 .LBB2_1-.Ltmp10, $3  }
0x52f: {  	_ =	sdelay $0x1  }
0x530: {  	[sflag:s6] =	ssyncset.done $0x0  }
0x531: {  	[sflag:s6] =	ssyncadd.s32 $0xFFFFFF80  }
0x532: {  	_ =	sfence.sel $0x180000  }
0x533: {  	[bflag:$0x0] =	sbarrier.arrive $0xFFFF  }
0x534: {  	_ =	strace $0x90000047  }
0x535: {  	[bflag:$0x2] =	sbarrier.arrive $0xFFFF  }
0x536: {  	p0 =	sne.s32 s7, $0x0;
	s0 =	rddreg [dreg:$0x4]  }
0x537: {  	s0 =	sadd.s32 @!p0 $0x100000, s0  }
0x538: {  	[sflag:s0] =	ssyncadd.tile.s32 @!p0 $0x1;
	_ =	shalt  }
.Lfunc_end2:
_tile_overlayer_lowered:
.L_overlay_start_2:
0x539: {  	(tag) =	ssettag $0x2  }
0x53a: {  	s0 =	rddreg [dreg:$0x0];
	s2 =	stileid.u32  }
0x53b: {  	s1 =	rddreg [dreg:$0x1];
	p0 =	sne.s32 s2, $0x0  }
0x53c: {  	s3 =	rddreg [dreg:$0x2];
	[bflag:$0x3] =	sbarrier.arrive $0xFFFF;
	s2 =	simm.s32 @!p0 $0x1C03  }
0x53d: {  	[timem:s3], [sflag:s2] =	dma.local @!p0 [hbm:s0], s1  }
0x53e: {  	s0 =	simm.s32 @!p0 $0x3  }
0x53f: {  	_ =	swait.ge @!p0 [sflag:s0], s1  }
0x540: {  	s1 =	ssub.s32 @!p0 $0x0, s1;
	[sflag:s0] =	ssyncset.done @!p0 $0x0  }
0x541: {  	[sflag:s0] =	ssyncadd.s32 @!p0 s1  }
0x542: {  	[bflag:$0x3] =	sbarrier.arrive $0xFFFF  }
0x543: {  	_ =	shalt  }

</sc_bundles>
